<compile_context>
chip_gen: v7x
topology: tpu7x:2x2x1
jax: 0.10.2.dev20260603
libtpu: 0.0.44.dev20260713+nightly
codegen_flags: <defaults>
</compile_context>

<pallas_src>
import functools

import jax
import jax.numpy as jnp
from jax import lax
from jax.experimental import pallas as pl
from jax.experimental.pallas import tpu as pltpu
from jax.experimental.pallas import tpu_sc as plsc

_VROW = 104
_LANE = 128
_INV = 1.0 / (1.0 + 1e-5) ** 0.5
_NC, _NS, _L = 2, 16, 16


def _sc_first_order(ids_hbm, vals_hbm, fo_hbm, out_hbm,
                    ids_v, vals_v, acc_v, fo_v, *, f, bpw):
    wid = lax.axis_index("s") * _NC + lax.axis_index("c")
    base = wid * bpw
    pltpu.sync_copy(fo_hbm, fo_v)
    pltpu.sync_copy(ids_hbm.at[:, pl.ds(base, bpw)], ids_v)
    pltpu.sync_copy(vals_hbm.at[:, pl.ds(base, bpw)], vals_v)
    nj = bpw // _L
    for j in range(nj):
        acc_v[pl.ds(j * _L, _L)] = jnp.zeros((_L,), jnp.float32)

    def body(fi, carry):
        for j in range(nj):
            sl = pl.ds(j * _L, _L)
            idx = ids_v[fi, sl]
            fo16 = plsc.load_gather(fo_v, [idx])
            acc_v[sl] = acc_v[sl] + fo16 * vals_v[fi, sl]
        return carry

    lax.fori_loop(0, f, body, 0)
    pltpu.sync_copy(acc_v, out_hbm.at[pl.ds(base, bpw)])


def _tc_body(idsb_ref, tab32_ref, sob_ref, w1_ref, w2_ref,
             w3t_ref, b1_ref, s1_ref, t1_ref, b2_ref, s2_ref, t2b_ref,
             b3_ref, out_ref, oht_ref, t2_ref, *, tb, f, d):
    @pl.when(pl.program_id(0) == 0)
    def _build_t2():
        for fi in range(f):
            t2_ref[fi * _VROW:(fi + 1) * _VROW, :] = jnp.dot(
                sob_ref[...], w1_ref[fi * d:(fi + 1) * d, :],
                preferred_element_type=jnp.float32).astype(jnp.bfloat16)

    viota = lax.broadcasted_iota(jnp.int32, (_VROW, tb), 0).astype(jnp.bfloat16)
    ids_bf = idsb_ref[...].astype(jnp.bfloat16)
    counts = jnp.zeros((_VROW, tb), jnp.bfloat16)
    for fi in range(f):
        idr = jnp.broadcast_to(ids_bf[fi:fi + 1, :], (_VROW, tb))
        ohf = jnp.where(idr == viota, jnp.bfloat16(1), jnp.bfloat16(0))
        oht_ref[fi * _VROW:(fi + 1) * _VROW, :] = ohf
        counts = counts + ohf

    h = lax.dot_general(oht_ref[...], t2_ref[...], (((0,), (0,)), ((), ())),
                        preferred_element_type=jnp.float32)
    h = jnp.maximum(h + b1_ref[...], 0.0) * s1_ref[...] + t1_ref[...]
    h = jnp.dot(h.astype(jnp.bfloat16), w2_ref[...],
                preferred_element_type=jnp.float32)
    h = jnp.maximum(h + b2_ref[...], 0.0) * s2_ref[...] + t2b_ref[...]
    deep = jnp.sum(h * w3t_ref[...], axis=1, keepdims=True) + b3_ref[...]

    esum = lax.dot_general(counts.astype(jnp.float32), tab32_ref[...],
                           (((0,), (0,)), ((), ())),
                           preferred_element_type=jnp.float32)
    lane = lax.broadcasted_iota(jnp.int32, (tb, _LANE), 1)
    sq = jnp.where(lane < d, esum * esum, 0.0)
    square_sum = jnp.sum(sq, axis=1, keepdims=True)
    sum_square = esum[:, d + 1:d + 2]
    second = 0.5 * (square_sum - sum_square)

    out_ref[...] = (second + deep).reshape(1, tb // _LANE, _LANE)


def _comb_body(a_ref, b_ref, o_ref):
    logit = a_ref[...] + b_ref[...]
    o_ref[...] = 1.0 / (1.0 + jnp.exp(-logit))


def kernel(feature_ids, feature_values, fo_table, so_table,
           W1, b1, g1, be1, W2, b2, g2, be2, W3, b3):
    b, f = feature_ids.shape
    v, d = so_table.shape
    h1 = W1.shape[1]
    h2 = W2.shape[1]
    tb = 512 if b % 512 == 0 else b
    grid = b // tb
    ids32 = feature_ids.astype(jnp.int32)
    ids_t = ids32.T

    nw = _NC * _NS
    bpw = b // nw
    fo_pad = jnp.zeros((_LANE,), jnp.float32).at[:v].set(fo_table[:, 0])
    sc_fn = functools.partial(_sc_first_order, f=f, bpw=bpw)
    first = pl.kernel(
        sc_fn,
        out_type=jax.ShapeDtypeStruct((b,), jnp.float32),
        mesh=plsc.VectorSubcoreMesh(core_axis_name="c", subcore_axis_name="s",
                                    num_cores=_NC, num_subcores=_NS),
        compiler_params=pltpu.CompilerParams(needs_layout_passes=False),
        scratch_types=[
            pltpu.VMEM((f, bpw), jnp.int32),
            pltpu.VMEM((f, bpw), jnp.float32),
            pltpu.VMEM((bpw,), jnp.float32),
            pltpu.VMEM((_LANE,), jnp.float32),
        ],
    )(ids_t, feature_values.T, fo_pad)

    so_pad = jnp.zeros((_VROW, d), jnp.float32).at[:v, :].set(so_table)

    rn2 = jnp.sum(so_table * so_table, axis=1)
    tab32 = jnp.zeros((_VROW, _LANE), jnp.float32)
    tab32 = tab32.at[:v, :d].set(so_table)
    tab32 = tab32.at[:v, d].set(fo_table[:, 0])
    tab32 = tab32.at[:v, d + 1].set(rn2)

    s1 = (g1 * _INV).reshape(1, h1)
    s2 = (g2 * _INV).reshape(1, h2)

    body = functools.partial(_tc_body, tb=tb, f=f, d=d)
    full = lambda i: (0, 0)
    dense = pl.pallas_call(
        body,
        grid=(grid,),
        in_specs=[
            pl.BlockSpec((f, tb), lambda i: (0, i)),
            pl.BlockSpec((_VROW, _LANE), full),
            pl.BlockSpec((_VROW, d), full),
            pl.BlockSpec((f * d, h1), full),
            pl.BlockSpec((h1, h2), full),
            pl.BlockSpec((1, h2), full),
            pl.BlockSpec((1, h1), full),
            pl.BlockSpec((1, h1), full),
            pl.BlockSpec((1, h1), full),
            pl.BlockSpec((1, h2), full),
            pl.BlockSpec((1, h2), full),
            pl.BlockSpec((1, h2), full),
            pl.BlockSpec((1, 1), full),
        ],
        out_specs=pl.BlockSpec((1, tb // _LANE, _LANE), lambda i: (i, 0, 0)),
        out_shape=jax.ShapeDtypeStruct((grid, tb // _LANE, _LANE),
                                       jnp.float32),
        scratch_shapes=[
            pltpu.VMEM((f * _VROW, tb), jnp.bfloat16),
            pltpu.VMEM((f * _VROW, h1), jnp.bfloat16),
        ],
    )(ids_t, tab32,
      so_pad.astype(jnp.bfloat16), W1.astype(jnp.bfloat16),
      W2.astype(jnp.bfloat16), W3.reshape(1, h2),
      b1.reshape(1, h1), s1, be1.reshape(1, h1),
      b2.reshape(1, h2), s2, be2.reshape(1, h2), b3.reshape(1, 1))

    rows = b // _LANE
    out = pl.pallas_call(
        _comb_body,
        out_shape=jax.ShapeDtypeStruct((rows, _LANE), jnp.float32),
    )(dense.reshape(rows, _LANE), first.reshape(rows, _LANE))
    return out.reshape(b)

# --- scband reference (transcript-rebuilt; emitter-appended) ---
"""Pipeline reference for scband-deep-fmlayer-22093311771123 (READ-ONLY COPY).

The authoritative reference and input builder live on the scoring server;
editing this copy changes nothing except your own understanding.
"""

import jax, jax.numpy as jnp
import numpy as np

B = 16384
F = 100
D = 64
H1 = 512
H2 = 256
EPS = 1e-5


def setup_inputs(seed: int = 0) -> dict:
    key = jax.random.key(seed)
    ks = jax.random.split(key, 16)
    return {
        "feature_ids": jax.random.randint(ks[0], (B, F), 0, F, dtype=jnp.int64 if jax.config.jax_enable_x64 else jnp.int32),
        "feature_values": jax.random.uniform(ks[1], (B, F), dtype=jnp.float32),
        "fo_table": jax.random.normal(ks[2], (F, 1), dtype=jnp.float32) * 0.01,
        "so_table": jax.random.normal(ks[3], (F, D), dtype=jnp.float32) * 0.01,
        "W1": jax.random.normal(ks[4], (F * D, H1), dtype=jnp.float32) * (1.0 / np.sqrt(F * D)),
        "b1": jnp.zeros((H1,), dtype=jnp.float32),
        "g1": jnp.ones((H1,), dtype=jnp.float32),
        "be1": jnp.zeros((H1,), dtype=jnp.float32),
        "W2": jax.random.normal(ks[5], (H1, H2), dtype=jnp.float32) * (1.0 / np.sqrt(H1)),
        "b2": jnp.zeros((H2,), dtype=jnp.float32),
        "g2": jnp.ones((H2,), dtype=jnp.float32),
        "be2": jnp.zeros((H2,), dtype=jnp.float32),
        "W3": jax.random.normal(ks[6], (H2, 1), dtype=jnp.float32) * (1.0 / np.sqrt(H2)),
        "b3": jnp.zeros((1,), dtype=jnp.float32),
    }


def reference(feature_ids, feature_values, fo_table, so_table, W1, b1, g1, be1, W2, b2, g2, be2, W3, b3):
    # first order: gather [B, F, 1] -> squeeze -> weighted sum
    fo = jnp.take(fo_table, feature_ids, axis=0)[..., 0]
    first_order = jnp.sum(fo * feature_values, axis=1)
    # second order FM term
    emb = jnp.take(so_table, feature_ids, axis=0)  # [B, F, D]
    square_sum = jnp.sum(emb, axis=1) ** 2
    sum_square = jnp.sum(emb ** 2, axis=1)
    second_order = 0.5 * jnp.sum(square_sum - sum_square, axis=1)
    # deep component (eval mode: BatchNorm uses init running stats mean=0 var=1; dropout identity)
    x = emb.reshape(-1, F * D)
    inv = 1.0 / jnp.sqrt(1.0 + EPS)
    h = jax.nn.relu(x @ W1 + b1)
    h = h * inv * g1 + be1
    h = jax.nn.relu(h @ W2 + b2)
    h = h * inv * g2 + be2
    deep = (h @ W3 + b3)[:, 0]
    return jax.nn.sigmoid(first_order + second_order + deep)

if __name__ == "__main__":
    import jax
    _d = setup_inputs()
    print(jax.jit(kernel)(*tuple(_d.values())))

</pallas_src>

<mosaic_0001>
#map = affine_map<(d0, d1) -> (0, 0)>
#map1 = affine_map<(d0, d1) -> (0)>
module attributes {stable_mosaic.version = 14 : i64} {
  func.func @_sc_first_order(%arg0: i32, %arg1: i32, %arg2: memref<100x16384xi32, #tpu.memory_space<hbm>>, %arg3: memref<100x16384xf32, #tpu.memory_space<hbm>>, %arg4: memref<128xf32, #tpu.memory_space<hbm>>, %arg5: memref<16384xf32, #tpu.memory_space<hbm>>, %arg6: memref<100x512xi32, #tpu.memory_space<vmem>>, %arg7: memref<100x512xf32, #tpu.memory_space<vmem>>, %arg8: memref<512xf32, #tpu.memory_space<vmem>>, %arg9: memref<128xf32, #tpu.memory_space<vmem>>) attributes {dimension_semantics = [#tpu.dimension_semantics<core_parallel>, #tpu.dimension_semantics<subcore_parallel>], iteration_bounds = array<i64: 2, 16>, scalar_prefetch = 0 : i64, scratch_operands = 4 : i64, tpu.core_type = #tpu.core_type<sc_vector_subcore>, window_params = [{transform_indices = #map}, {transform_indices = #map}, {transform_indices = #map1}, {transform_indices = #map1}]} {
    %mul3A = arith.constant 2 : i32
    %mul3A_0 = arith.muli %arg1, %mul3A : i32
    %add3A = arith.addi %mul3A_0, %arg0 : i32
    %mul3A_1 = arith.constant 512 : i32
    %mul3A_2 = arith.muli %add3A, %mul3A_1 : i32
    "tpu.region"() ({
      %run_scoped3A = tpu.sem_alloc : memref<!tpu.dma_semaphore, #tpu.memory_space<semaphore_mem>>
      tpu.enqueue_dma source(%arg4 : memref<128xf32, #tpu.memory_space<hbm>>) target(%arg9 : memref<128xf32, #tpu.memory_space<vmem>>) target_semaphore(%run_scoped3A : memref<!tpu.dma_semaphore, #tpu.memory_space<semaphore_mem>>)
      tpu.wait_dma2 semaphore(%run_scoped3A : memref<!tpu.dma_semaphore, #tpu.memory_space<semaphore_mem>>) src(%arg4 : memref<128xf32, #tpu.memory_space<hbm>>) dst(%arg9 : memref<128xf32, #tpu.memory_space<vmem>>)
      tpu.yield
    }) : () -> ()
    "tpu.region"() ({
      %run_scoped3A = tpu.sem_alloc : memref<!tpu.dma_semaphore, #tpu.memory_space<semaphore_mem>>
      %dma_start3A = arith.constant 0 : i32
      %dma_start3A_134 = tpu.memref_slice %arg2[%dma_start3A, %mul3A_2] : memref<100x16384xi32, #tpu.memory_space<hbm>> -> memref<100x512xi32, #tpu.memory_space<hbm>>
      %dma_start3A_135 = arith.constant 0 : i32
      %dma_start3A_136 = tpu.memref_slice %arg2[%dma_start3A_135, %mul3A_2] : memref<100x16384xi32, #tpu.memory_space<hbm>> -> memref<100x512xi32, #tpu.memory_space<hbm>>
      tpu.enqueue_dma source(%dma_start3A_136 : memref<100x512xi32, #tpu.memory_space<hbm>>) target(%arg6 : memref<100x512xi32, #tpu.memory_space<vmem>>) target_semaphore(%run_scoped3A : memref<!tpu.dma_semaphore, #tpu.memory_space<semaphore_mem>>)
      %dma_wait3A = arith.constant 0 : i32
      %dma_wait3A_137 = tpu.memref_slice %arg2[%dma_wait3A, %mul3A_2] : memref<100x16384xi32, #tpu.memory_space<hbm>> -> memref<100x512xi32, #tpu.memory_space<hbm>>
      %dma_wait3A_138 = arith.constant 0 : i32
      %dma_wait3A_139 = tpu.memref_slice %arg2[%dma_wait3A_138, %mul3A_2] : memref<100x16384xi32, #tpu.memory_space<hbm>> -> memref<100x512xi32, #tpu.memory_space<hbm>>
      tpu.wait_dma2 semaphore(%run_scoped3A : memref<!tpu.dma_semaphore, #tpu.memory_space<semaphore_mem>>) src(%dma_wait3A_139 : memref<100x512xi32, #tpu.memory_space<hbm>>) dst(%arg6 : memref<100x512xi32, #tpu.memory_space<vmem>>)
      tpu.yield
    }) : () -> ()
    "tpu.region"() ({
      %run_scoped3A = tpu.sem_alloc : memref<!tpu.dma_semaphore, #tpu.memory_space<semaphore_mem>>
      %dma_start3A = arith.constant 0 : i32
      %dma_start3A_134 = tpu.memref_slice %arg3[%dma_start3A, %mul3A_2] : memref<100x16384xf32, #tpu.memory_space<hbm>> -> memref<100x512xf32, #tpu.memory_space<hbm>>
      %dma_start3A_135 = arith.constant 0 : i32
      %dma_start3A_136 = tpu.memref_slice %arg3[%dma_start3A_135, %mul3A_2] : memref<100x16384xf32, #tpu.memory_space<hbm>> -> memref<100x512xf32, #tpu.memory_space<hbm>>
      tpu.enqueue_dma source(%dma_start3A_136 : memref<100x512xf32, #tpu.memory_space<hbm>>) target(%arg7 : memref<100x512xf32, #tpu.memory_space<vmem>>) target_semaphore(%run_scoped3A : memref<!tpu.dma_semaphore, #tpu.memory_space<semaphore_mem>>)
      %dma_wait3A = arith.constant 0 : i32
      %dma_wait3A_137 = tpu.memref_slice %arg3[%dma_wait3A, %mul3A_2] : memref<100x16384xf32, #tpu.memory_space<hbm>> -> memref<100x512xf32, #tpu.memory_space<hbm>>
      %dma_wait3A_138 = arith.constant 0 : i32
      %dma_wait3A_139 = tpu.memref_slice %arg3[%dma_wait3A_138, %mul3A_2] : memref<100x16384xf32, #tpu.memory_space<hbm>> -> memref<100x512xf32, #tpu.memory_space<hbm>>
      tpu.wait_dma2 semaphore(%run_scoped3A : memref<!tpu.dma_semaphore, #tpu.memory_space<semaphore_mem>>) src(%dma_wait3A_139 : memref<100x512xf32, #tpu.memory_space<hbm>>) dst(%arg7 : memref<100x512xf32, #tpu.memory_space<vmem>>)
      tpu.yield
    }) : () -> ()
    %broadcast_in_dim3A = arith.constant 0.000000e+00 : f32
    %broadcast_in_dim3A_3 = vector.broadcast %broadcast_in_dim3A : f32 to vector<16xf32>
    %swap3A = arith.constant 0 : index
    %swap3A_4 = tpu.vector_load %arg8[%swap3A] {strides = array<i32>} : memref<512xf32, #tpu.memory_space<vmem>>, vector<16xf32>,
    tpu.vector_store %arg8[%swap3A], %broadcast_in_dim3A_3 {strides = array<i32>} : memref<512xf32, #tpu.memory_space<vmem>>, vector<16xf32>,
    %broadcast_in_dim3A_5 = arith.constant 0.000000e+00 : f32
    %broadcast_in_dim3A_6 = vector.broadcast %broadcast_in_dim3A_5 : f32 to vector<16xf32>
    %swap3A_7 = arith.constant 16 : index
    %swap3A_8 = tpu.vector_load %arg8[%swap3A_7] {strides = array<i32>} : memref<512xf32, #tpu.memory_space<vmem>>, vector<16xf32>,
    tpu.vector_store %arg8[%swap3A_7], %broadcast_in_dim3A_6 {strides = array<i32>} : memref<512xf32, #tpu.memory_space<vmem>>, vector<16xf32>,
    %broadcast_in_dim3A_9 = arith.constant 0.000000e+00 : f32
    %broadcast_in_dim3A_10 = vector.broadcast %broadcast_in_dim3A_9 : f32 to vector<16xf32>
    %swap3A_11 = arith.constant 32 : index
    %swap3A_12 = tpu.vector_load %arg8[%swap3A_11] {strides = array<i32>} : memref<512xf32, #tpu.memory_space<vmem>>, vector<16xf32>,
    tpu.vector_store %arg8[%swap3A_11], %broadcast_in_dim3A_10 {strides = array<i32>} : memref<512xf32, #tpu.memory_space<vmem>>, vector<16xf32>,
    %broadcast_in_dim3A_13 = arith.constant 0.000000e+00 : f32
    %broadcast_in_dim3A_14 = vector.broadcast %broadcast_in_dim3A_13 : f32 to vector<16xf32>
    %swap3A_15 = arith.constant 48 : index
    %swap3A_16 = tpu.vector_load %arg8[%swap3A_15] {strides = array<i32>} : memref<512xf32, #tpu.memory_space<vmem>>, vector<16xf32>,
    tpu.vector_store %arg8[%swap3A_15], %broadcast_in_dim3A_14 {strides = array<i32>} : memref<512xf32, #tpu.memory_space<vmem>>, vector<16xf32>,
    %broadcast_in_dim3A_17 = arith.constant 0.000000e+00 : f32
    %broadcast_in_dim3A_18 = vector.broadcast %broadcast_in_dim3A_17 : f32 to vector<16xf32>
    %swap3A_19 = arith.constant 64 : index
    %swap3A_20 = tpu.vector_load %arg8[%swap3A_19] {strides = array<i32>} : memref<512xf32, #tpu.memory_space<vmem>>, vector<16xf32>,
    tpu.vector_store %arg8[%swap3A_19], %broadcast_in_dim3A_18 {strides = array<i32>} : memref<512xf32, #tpu.memory_space<vmem>>, vector<16xf32>,
    %broadcast_in_dim3A_21 = arith.constant 0.000000e+00 : f32
    %broadcast_in_dim3A_22 = vector.broadcast %broadcast_in_dim3A_21 : f32 to vector<16xf32>
    %swap3A_23 = arith.constant 80 : index
    %swap3A_24 = tpu.vector_load %arg8[%swap3A_23] {strides = array<i32>} : memref<512xf32, #tpu.memory_space<vmem>>, vector<16xf32>,
    tpu.vector_store %arg8[%swap3A_23], %broadcast_in_dim3A_22 {strides = array<i32>} : memref<512xf32, #tpu.memory_space<vmem>>, vector<16xf32>,
    %broadcast_in_dim3A_25 = arith.constant 0.000000e+00 : f32
    %broadcast_in_dim3A_26 = vector.broadcast %broadcast_in_dim3A_25 : f32 to vector<16xf32>
    %swap3A_27 = arith.constant 96 : index
    %swap3A_28 = tpu.vector_load %arg8[%swap3A_27] {strides = array<i32>} : memref<512xf32, #tpu.memory_space<vmem>>, vector<16xf32>,
    tpu.vector_store %arg8[%swap3A_27], %broadcast_in_dim3A_26 {strides = array<i32>} : memref<512xf32, #tpu.memory_space<vmem>>, vector<16xf32>,
    %broadcast_in_dim3A_29 = arith.constant 0.000000e+00 : f32
    %broadcast_in_dim3A_30 = vector.broadcast %broadcast_in_dim3A_29 : f32 to vector<16xf32>
    %swap3A_31 = arith.constant 112 : index
    %swap3A_32 = tpu.vector_load %arg8[%swap3A_31] {strides = array<i32>} : memref<512xf32, #tpu.memory_space<vmem>>, vector<16xf32>,
    tpu.vector_store %arg8[%swap3A_31], %broadcast_in_dim3A_30 {strides = array<i32>} : memref<512xf32, #tpu.memory_space<vmem>>, vector<16xf32>,
    %broadcast_in_dim3A_33 = arith.constant 0.000000e+00 : f32
    %broadcast_in_dim3A_34 = vector.broadcast %broadcast_in_dim3A_33 : f32 to vector<16xf32>
    %swap3A_35 = arith.constant 128 : index
    %swap3A_36 = tpu.vector_load %arg8[%swap3A_35] {strides = array<i32>} : memref<512xf32, #tpu.memory_space<vmem>>, vector<16xf32>,
    tpu.vector_store %arg8[%swap3A_35], %broadcast_in_dim3A_34 {strides = array<i32>} : memref<512xf32, #tpu.memory_space<vmem>>, vector<16xf32>,
    %broadcast_in_dim3A_37 = arith.constant 0.000000e+00 : f32
    %broadcast_in_dim3A_38 = vector.broadcast %broadcast_in_dim3A_37 : f32 to vector<16xf32>
    %swap3A_39 = arith.constant 144 : index
    %swap3A_40 = tpu.vector_load %arg8[%swap3A_39] {strides = array<i32>} : memref<512xf32, #tpu.memory_space<vmem>>, vector<16xf32>,
    tpu.vector_store %arg8[%swap3A_39], %broadcast_in_dim3A_38 {strides = array<i32>} : memref<512xf32, #tpu.memory_space<vmem>>, vector<16xf32>,
    %broadcast_in_dim3A_41 = arith.constant 0.000000e+00 : f32
    %broadcast_in_dim3A_42 = vector.broadcast %broadcast_in_dim3A_41 : f32 to vector<16xf32>
    %swap3A_43 = arith.constant 160 : index
    %swap3A_44 = tpu.vector_load %arg8[%swap3A_43] {strides = array<i32>} : memref<512xf32, #tpu.memory_space<vmem>>, vector<16xf32>,
    tpu.vector_store %arg8[%swap3A_43], %broadcast_in_dim3A_42 {strides = array<i32>} : memref<512xf32, #tpu.memory_space<vmem>>, vector<16xf32>,
    %broadcast_in_dim3A_45 = arith.constant 0.000000e+00 : f32
    %broadcast_in_dim3A_46 = vector.broadcast %broadcast_in_dim3A_45 : f32 to vector<16xf32>
    %swap3A_47 = arith.constant 176 : index
    %swap3A_48 = tpu.vector_load %arg8[%swap3A_47] {strides = array<i32>} : memref<512xf32, #tpu.memory_space<vmem>>, vector<16xf32>,
    tpu.vector_store %arg8[%swap3A_47], %broadcast_in_dim3A_46 {strides = array<i32>} : memref<512xf32, #tpu.memory_space<vmem>>, vector<16xf32>,
    %broadcast_in_dim3A_49 = arith.constant 0.000000e+00 : f32
    %broadcast_in_dim3A_50 = vector.broadcast %broadcast_in_dim3A_49 : f32 to vector<16xf32>
    %swap3A_51 = arith.constant 192 : index
    %swap3A_52 = tpu.vector_load %arg8[%swap3A_51] {strides = array<i32>} : memref<512xf32, #tpu.memory_space<vmem>>, vector<16xf32>,
    tpu.vector_store %arg8[%swap3A_51], %broadcast_in_dim3A_50 {strides = array<i32>} : memref<512xf32, #tpu.memory_space<vmem>>, vector<16xf32>,
    %broadcast_in_dim3A_53 = arith.constant 0.000000e+00 : f32
    %broadcast_in_dim3A_54 = vector.broadcast %broadcast_in_dim3A_53 : f32 to vector<16xf32>
    %swap3A_55 = arith.constant 208 : index
    %swap3A_56 = tpu.vector_load %arg8[%swap3A_55] {strides = array<i32>} : memref<512xf32, #tpu.memory_space<vmem>>, vector<16xf32>,
    tpu.vector_store %arg8[%swap3A_55], %broadcast_in_dim3A_54 {strides = array<i32>} : memref<512xf32, #tpu.memory_space<vmem>>, vector<16xf32>,
    %broadcast_in_dim3A_57 = arith.constant 0.000000e+00 : f32
    %broadcast_in_dim3A_58 = vector.broadcast %broadcast_in_dim3A_57 : f32 to vector<16xf32>
    %swap3A_59 = arith.constant 224 : index
    %swap3A_60 = tpu.vector_load %arg8[%swap3A_59] {strides = array<i32>} : memref<512xf32, #tpu.memory_space<vmem>>, vector<16xf32>,
    tpu.vector_store %arg8[%swap3A_59], %broadcast_in_dim3A_58 {strides = array<i32>} : memref<512xf32, #tpu.memory_space<vmem>>, vector<16xf32>,
    %broadcast_in_dim3A_61 = arith.constant 0.000000e+00 : f32
    %broadcast_in_dim3A_62 = vector.broadcast %broadcast_in_dim3A_61 : f32 to vector<16xf32>
    %swap3A_63 = arith.constant 240 : index
    %swap3A_64 = tpu.vector_load %arg8[%swap3A_63] {strides = array<i32>} : memref<512xf32, #tpu.memory_space<vmem>>, vector<16xf32>,
    tpu.vector_store %arg8[%swap3A_63], %broadcast_in_dim3A_62 {strides = array<i32>} : memref<512xf32, #tpu.memory_space<vmem>>, vector<16xf32>,
    %broadcast_in_dim3A_65 = arith.constant 0.000000e+00 : f32
    %broadcast_in_dim3A_66 = vector.broadcast %broadcast_in_dim3A_65 : f32 to vector<16xf32>
    %swap3A_67 = arith.constant 256 : index
    %swap3A_68 = tpu.vector_load %arg8[%swap3A_67] {strides = array<i32>} : memref<512xf32, #tpu.memory_space<vmem>>, vector<16xf32>,
    tpu.vector_store %arg8[%swap3A_67], %broadcast_in_dim3A_66 {strides = array<i32>} : memref<512xf32, #tpu.memory_space<vmem>>, vector<16xf32>,
    %broadcast_in_dim3A_69 = arith.constant 0.000000e+00 : f32
    %broadcast_in_dim3A_70 = vector.broadcast %broadcast_in_dim3A_69 : f32 to vector<16xf32>
    %swap3A_71 = arith.constant 272 : index
    %swap3A_72 = tpu.vector_load %arg8[%swap3A_71] {strides = array<i32>} : memref<512xf32, #tpu.memory_space<vmem>>, vector<16xf32>,
    tpu.vector_store %arg8[%swap3A_71], %broadcast_in_dim3A_70 {strides = array<i32>} : memref<512xf32, #tpu.memory_space<vmem>>, vector<16xf32>,
    %broadcast_in_dim3A_73 = arith.constant 0.000000e+00 : f32
    %broadcast_in_dim3A_74 = vector.broadcast %broadcast_in_dim3A_73 : f32 to vector<16xf32>
    %swap3A_75 = arith.constant 288 : index
    %swap3A_76 = tpu.vector_load %arg8[%swap3A_75] {strides = array<i32>} : memref<512xf32, #tpu.memory_space<vmem>>, vector<16xf32>,
    tpu.vector_store %arg8[%swap3A_75], %broadcast_in_dim3A_74 {strides = array<i32>} : memref<512xf32, #tpu.memory_space<vmem>>, vector<16xf32>,
    %broadcast_in_dim3A_77 = arith.constant 0.000000e+00 : f32
    %broadcast_in_dim3A_78 = vector.broadcast %broadcast_in_dim3A_77 : f32 to vector<16xf32>
    %swap3A_79 = arith.constant 304 : index
    %swap3A_80 = tpu.vector_load %arg8[%swap3A_79] {strides = array<i32>} : memref<512xf32, #tpu.memory_space<vmem>>, vector<16xf32>,
    tpu.vector_store %arg8[%swap3A_79], %broadcast_in_dim3A_78 {strides = array<i32>} : memref<512xf32, #tpu.memory_space<vmem>>, vector<16xf32>,
    %broadcast_in_dim3A_81 = arith.constant 0.000000e+00 : f32
    %broadcast_in_dim3A_82 = vector.broadcast %broadcast_in_dim3A_81 : f32 to vector<16xf32>
    %swap3A_83 = arith.constant 320 : index
    %swap3A_84 = tpu.vector_load %arg8[%swap3A_83] {strides = array<i32>} : memref<512xf32, #tpu.memory_space<vmem>>, vector<16xf32>,
    tpu.vector_store %arg8[%swap3A_83], %broadcast_in_dim3A_82 {strides = array<i32>} : memref<512xf32, #tpu.memory_space<vmem>>, vector<16xf32>,
    %broadcast_in_dim3A_85 = arith.constant 0.000000e+00 : f32
    %broadcast_in_dim3A_86 = vector.broadcast %broadcast_in_dim3A_85 : f32 to vector<16xf32>
    %swap3A_87 = arith.constant 336 : index
    %swap3A_88 = tpu.vector_load %arg8[%swap3A_87] {strides = array<i32>} : memref<512xf32, #tpu.memory_space<vmem>>, vector<16xf32>,
    tpu.vector_store %arg8[%swap3A_87], %broadcast_in_dim3A_86 {strides = array<i32>} : memref<512xf32, #tpu.memory_space<vmem>>, vector<16xf32>,
    %broadcast_in_dim3A_89 = arith.constant 0.000000e+00 : f32
    %broadcast_in_dim3A_90 = vector.broadcast %broadcast_in_dim3A_89 : f32 to vector<16xf32>
    %swap3A_91 = arith.constant 352 : index
    %swap3A_92 = tpu.vector_load %arg8[%swap3A_91] {strides = array<i32>} : memref<512xf32, #tpu.memory_space<vmem>>, vector<16xf32>,
    tpu.vector_store %arg8[%swap3A_91], %broadcast_in_dim3A_90 {strides = array<i32>} : memref<512xf32, #tpu.memory_space<vmem>>, vector<16xf32>,
    %broadcast_in_dim3A_93 = arith.constant 0.000000e+00 : f32
    %broadcast_in_dim3A_94 = vector.broadcast %broadcast_in_dim3A_93 : f32 to vector<16xf32>
    %swap3A_95 = arith.constant 368 : index
    %swap3A_96 = tpu.vector_load %arg8[%swap3A_95] {strides = array<i32>} : memref<512xf32, #tpu.memory_space<vmem>>, vector<16xf32>,
    tpu.vector_store %arg8[%swap3A_95], %broadcast_in_dim3A_94 {strides = array<i32>} : memref<512xf32, #tpu.memory_space<vmem>>, vector<16xf32>,
    %broadcast_in_dim3A_97 = arith.constant 0.000000e+00 : f32
    %broadcast_in_dim3A_98 = vector.broadcast %broadcast_in_dim3A_97 : f32 to vector<16xf32>
    %swap3A_99 = arith.constant 384 : index
    %swap3A_100 = tpu.vector_load %arg8[%swap3A_99] {strides = array<i32>} : memref<512xf32, #tpu.memory_space<vmem>>, vector<16xf32>,
    tpu.vector_store %arg8[%swap3A_99], %broadcast_in_dim3A_98 {strides = array<i32>} : memref<512xf32, #tpu.memory_space<vmem>>, vector<16xf32>,
    %broadcast_in_dim3A_101 = arith.constant 0.000000e+00 : f32
    %broadcast_in_dim3A_102 = vector.broadcast %broadcast_in_dim3A_101 : f32 to vector<16xf32>
    %swap3A_103 = arith.constant 400 : index
    %swap3A_104 = tpu.vector_load %arg8[%swap3A_103] {strides = array<i32>} : memref<512xf32, #tpu.memory_space<vmem>>, vector<16xf32>,
    tpu.vector_store %arg8[%swap3A_103], %broadcast_in_dim3A_102 {strides = array<i32>} : memref<512xf32, #tpu.memory_space<vmem>>, vector<16xf32>,
    %broadcast_in_dim3A_105 = arith.constant 0.000000e+00 : f32
    %broadcast_in_dim3A_106 = vector.broadcast %broadcast_in_dim3A_105 : f32 to vector<16xf32>
    %swap3A_107 = arith.constant 416 : index
    %swap3A_108 = tpu.vector_load %arg8[%swap3A_107] {strides = array<i32>} : memref<512xf32, #tpu.memory_space<vmem>>, vector<16xf32>,
    tpu.vector_store %arg8[%swap3A_107], %broadcast_in_dim3A_106 {strides = array<i32>} : memref<512xf32, #tpu.memory_space<vmem>>, vector<16xf32>,
    %broadcast_in_dim3A_109 = arith.constant 0.000000e+00 : f32
    %broadcast_in_dim3A_110 = vector.broadcast %broadcast_in_dim3A_109 : f32 to vector<16xf32>
    %swap3A_111 = arith.constant 432 : index
    %swap3A_112 = tpu.vector_load %arg8[%swap3A_111] {strides = array<i32>} : memref<512xf32, #tpu.memory_space<vmem>>, vector<16xf32>,
    tpu.vector_store %arg8[%swap3A_111], %broadcast_in_dim3A_110 {strides = array<i32>} : memref<512xf32, #tpu.memory_space<vmem>>, vector<16xf32>,
    %broadcast_in_dim3A_113 = arith.constant 0.000000e+00 : f32
    %broadcast_in_dim3A_114 = vector.broadcast %broadcast_in_dim3A_113 : f32 to vector<16xf32>
    %swap3A_115 = arith.constant 448 : index
    %swap3A_116 = tpu.vector_load %arg8[%swap3A_115] {strides = array<i32>} : memref<512xf32, #tpu.memory_space<vmem>>, vector<16xf32>,
    tpu.vector_store %arg8[%swap3A_115], %broadcast_in_dim3A_114 {strides = array<i32>} : memref<512xf32, #tpu.memory_space<vmem>>, vector<16xf32>,
    %broadcast_in_dim3A_117 = arith.constant 0.000000e+00 : f32
    %broadcast_in_dim3A_118 = vector.broadcast %broadcast_in_dim3A_117 : f32 to vector<16xf32>
    %swap3A_119 = arith.constant 464 : index
    %swap3A_120 = tpu.vector_load %arg8[%swap3A_119] {strides = array<i32>} : memref<512xf32, #tpu.memory_space<vmem>>, vector<16xf32>,
    tpu.vector_store %arg8[%swap3A_119], %broadcast_in_dim3A_118 {strides = array<i32>} : memref<512xf32, #tpu.memory_space<vmem>>, vector<16xf32>,
    %broadcast_in_dim3A_121 = arith.constant 0.000000e+00 : f32
    %broadcast_in_dim3A_122 = vector.broadcast %broadcast_in_dim3A_121 : f32 to vector<16xf32>
    %swap3A_123 = arith.constant 480 : index
    %swap3A_124 = tpu.vector_load %arg8[%swap3A_123] {strides = array<i32>} : memref<512xf32, #tpu.memory_space<vmem>>, vector<16xf32>,
    tpu.vector_store %arg8[%swap3A_123], %broadcast_in_dim3A_122 {strides = array<i32>} : memref<512xf32, #tpu.memory_space<vmem>>, vector<16xf32>,
    %broadcast_in_dim3A_125 = arith.constant 0.000000e+00 : f32
    %broadcast_in_dim3A_126 = vector.broadcast %broadcast_in_dim3A_125 : f32 to vector<16xf32>
    %swap3A_127 = arith.constant 496 : index
    %swap3A_128 = tpu.vector_load %arg8[%swap3A_127] {strides = array<i32>} : memref<512xf32, #tpu.memory_space<vmem>>, vector<16xf32>,
    tpu.vector_store %arg8[%swap3A_127], %broadcast_in_dim3A_126 {strides = array<i32>} : memref<512xf32, #tpu.memory_space<vmem>>, vector<16xf32>,
    %scan3A = arith.constant 0 : i32
    %scan3A_129 = arith.constant 0 : i32
    %scan3A_130 = arith.constant 100 : i32
    %scan3A_131 = arith.addi %scan3A_129, %scan3A_130 : i32
    %scan3A_132 = arith.constant 1 : i32
    scf.for %scan3A_134 = %scan3A_129 to %scan3A_131 step %scan3A_132  : i32 {
      %get3A = arith.index_cast %scan3A_134 : i32 to index
      %get3A_135 = arith.constant 0 : index
      %get3A_136 = tpu.vector_load %arg6[%get3A, %get3A_135] {strides = array<i32>} : memref<100x512xi32, #tpu.memory_space<vmem>>, vector<16xi32>,
      %gather3A = tpu.vector_load_idx %arg9[%get3A_136] : memref<128xf32, #tpu.memory_space<vmem>>[vector<16xi32>], vector<16xf32>,
      %get3A_137 = arith.constant 0 : index
      %get3A_138 = tpu.vector_load %arg8[%get3A_137] {strides = array<i32>} : memref<512xf32, #tpu.memory_space<vmem>>, vector<16xf32>,
      %get3A_139 = arith.index_cast %scan3A_134 : i32 to index
      %get3A_140 = arith.constant 0 : index
      %get3A_141 = tpu.vector_load %arg7[%get3A_139, %get3A_140] {strides = array<i32>} : memref<100x512xf32, #tpu.memory_space<vmem>>, vector<16xf32>,
      %mul3A_142 = arith.mulf %gather3A, %get3A_141 : vector<16xf32>
      %add3A_143 = arith.addf %get3A_138, %mul3A_142 : vector<16xf32>
      %swap3A_144 = arith.constant 0 : index
      %swap3A_145 = tpu.vector_load %arg8[%swap3A_144] {strides = array<i32>} : memref<512xf32, #tpu.memory_space<vmem>>, vector<16xf32>,
      tpu.vector_store %arg8[%swap3A_144], %add3A_143 {strides = array<i32>} : memref<512xf32, #tpu.memory_space<vmem>>, vector<16xf32>,
      %get3A_146 = arith.index_cast %scan3A_134 : i32 to index
      %get3A_147 = arith.constant 16 : index
      %get3A_148 = tpu.vector_load %arg6[%get3A_146, %get3A_147] {strides = array<i32>} : memref<100x512xi32, #tpu.memory_space<vmem>>, vector<16xi32>,
      %gather3A_149 = tpu.vector_load_idx %arg9[%get3A_148] : memref<128xf32, #tpu.memory_space<vmem>>[vector<16xi32>], vector<16xf32>,
      %get3A_150 = arith.constant 16 : index
      %get3A_151 = tpu.vector_load %arg8[%get3A_150] {strides = array<i32>} : memref<512xf32, #tpu.memory_space<vmem>>, vector<16xf32>,
      %get3A_152 = arith.index_cast %scan3A_134 : i32 to index
      %get3A_153 = arith.constant 16 : index
      %get3A_154 = tpu.vector_load %arg7[%get3A_152, %get3A_153] {strides = array<i32>} : memref<100x512xf32, #tpu.memory_space<vmem>>, vector<16xf32>,
      %mul3A_155 = arith.mulf %gather3A_149, %get3A_154 : vector<16xf32>
      %add3A_156 = arith.addf %get3A_151, %mul3A_155 : vector<16xf32>
      %swap3A_157 = arith.constant 16 : index
      %swap3A_158 = tpu.vector_load %arg8[%swap3A_157] {strides = array<i32>} : memref<512xf32, #tpu.memory_space<vmem>>, vector<16xf32>,
      tpu.vector_store %arg8[%swap3A_157], %add3A_156 {strides = array<i32>} : memref<512xf32, #tpu.memory_space<vmem>>, vector<16xf32>,
      %get3A_159 = arith.index_cast %scan3A_134 : i32 to index
      %get3A_160 = arith.constant 32 : index
      %get3A_161 = tpu.vector_load %arg6[%get3A_159, %get3A_160] {strides = array<i32>} : memref<100x512xi32, #tpu.memory_space<vmem>>, vector<16xi32>,
      %gather3A_162 = tpu.vector_load_idx %arg9[%get3A_161] : memref<128xf32, #tpu.memory_space<vmem>>[vector<16xi32>], vector<16xf32>,
      %get3A_163 = arith.constant 32 : index
      %get3A_164 = tpu.vector_load %arg8[%get3A_163] {strides = array<i32>} : memref<512xf32, #tpu.memory_space<vmem>>, vector<16xf32>,
      %get3A_165 = arith.index_cast %scan3A_134 : i32 to index
      %get3A_166 = arith.constant 32 : index
      %get3A_167 = tpu.vector_load %arg7[%get3A_165, %get3A_166] {strides = array<i32>} : memref<100x512xf32, #tpu.memory_space<vmem>>, vector<16xf32>,
      %mul3A_168 = arith.mulf %gather3A_162, %get3A_167 : vector<16xf32>
      %add3A_169 = arith.addf %get3A_164, %mul3A_168 : vector<16xf32>
      %swap3A_170 = arith.constant 32 : index
      %swap3A_171 = tpu.vector_load %arg8[%swap3A_170] {strides = array<i32>} : memref<512xf32, #tpu.memory_space<vmem>>, vector<16xf32>,
      tpu.vector_store %arg8[%swap3A_170], %add3A_169 {strides = array<i32>} : memref<512xf32, #tpu.memory_space<vmem>>, vector<16xf32>,
      %get3A_172 = arith.index_cast %scan3A_134 : i32 to index
      %get3A_173 = arith.constant 48 : index
      %get3A_174 = tpu.vector_load %arg6[%get3A_172, %get3A_173] {strides = array<i32>} : memref<100x512xi32, #tpu.memory_space<vmem>>, vector<16xi32>,
      %gather3A_175 = tpu.vector_load_idx %arg9[%get3A_174] : memref<128xf32, #tpu.memory_space<vmem>>[vector<16xi32>], vector<16xf32>,
      %get3A_176 = arith.constant 48 : index
      %get3A_177 = tpu.vector_load %arg8[%get3A_176] {strides = array<i32>} : memref<512xf32, #tpu.memory_space<vmem>>, vector<16xf32>,
      %get3A_178 = arith.index_cast %scan3A_134 : i32 to index
      %get3A_179 = arith.constant 48 : index
      %get3A_180 = tpu.vector_load %arg7[%get3A_178, %get3A_179] {strides = array<i32>} : memref<100x512xf32, #tpu.memory_space<vmem>>, vector<16xf32>,
      %mul3A_181 = arith.mulf %gather3A_175, %get3A_180 : vector<16xf32>
      %add3A_182 = arith.addf %get3A_177, %mul3A_181 : vector<16xf32>
      %swap3A_183 = arith.constant 48 : index
      %swap3A_184 = tpu.vector_load %arg8[%swap3A_183] {strides = array<i32>} : memref<512xf32, #tpu.memory_space<vmem>>, vector<16xf32>,
      tpu.vector_store %arg8[%swap3A_183], %add3A_182 {strides = array<i32>} : memref<512xf32, #tpu.memory_space<vmem>>, vector<16xf32>,
      %get3A_185 = arith.index_cast %scan3A_134 : i32 to index
      %get3A_186 = arith.constant 64 : index
      %get3A_187 = tpu.vector_load %arg6[%get3A_185, %get3A_186] {strides = array<i32>} : memref<100x512xi32, #tpu.memory_space<vmem>>, vector<16xi32>,
      %gather3A_188 = tpu.vector_load_idx %arg9[%get3A_187] : memref<128xf32, #tpu.memory_space<vmem>>[vector<16xi32>], vector<16xf32>,
      %get3A_189 = arith.constant 64 : index
      %get3A_190 = tpu.vector_load %arg8[%get3A_189] {strides = array<i32>} : memref<512xf32, #tpu.memory_space<vmem>>, vector<16xf32>,
      %get3A_191 = arith.index_cast %scan3A_134 : i32 to index
      %get3A_192 = arith.constant 64 : index
      %get3A_193 = tpu.vector_load %arg7[%get3A_191, %get3A_192] {strides = array<i32>} : memref<100x512xf32, #tpu.memory_space<vmem>>, vector<16xf32>,
      %mul3A_194 = arith.mulf %gather3A_188, %get3A_193 : vector<16xf32>
      %add3A_195 = arith.addf %get3A_190, %mul3A_194 : vector<16xf32>
      %swap3A_196 = arith.constant 64 : index
      %swap3A_197 = tpu.vector_load %arg8[%swap3A_196] {strides = array<i32>} : memref<512xf32, #tpu.memory_space<vmem>>, vector<16xf32>,
      tpu.vector_store %arg8[%swap3A_196], %add3A_195 {strides = array<i32>} : memref<512xf32, #tpu.memory_space<vmem>>, vector<16xf32>,
      %get3A_198 = arith.index_cast %scan3A_134 : i32 to index
      %get3A_199 = arith.constant 80 : index
      %get3A_200 = tpu.vector_load %arg6[%get3A_198, %get3A_199] {strides = array<i32>} : memref<100x512xi32, #tpu.memory_space<vmem>>, vector<16xi32>,
      %gather3A_201 = tpu.vector_load_idx %arg9[%get3A_200] : memref<128xf32, #tpu.memory_space<vmem>>[vector<16xi32>], vector<16xf32>,
      %get3A_202 = arith.constant 80 : index
      %get3A_203 = tpu.vector_load %arg8[%get3A_202] {strides = array<i32>} : memref<512xf32, #tpu.memory_space<vmem>>, vector<16xf32>,
      %get3A_204 = arith.index_cast %scan3A_134 : i32 to index
      %get3A_205 = arith.constant 80 : index
      %get3A_206 = tpu.vector_load %arg7[%get3A_204, %get3A_205] {strides = array<i32>} : memref<100x512xf32, #tpu.memory_space<vmem>>, vector<16xf32>,
      %mul3A_207 = arith.mulf %gather3A_201, %get3A_206 : vector<16xf32>
      %add3A_208 = arith.addf %get3A_203, %mul3A_207 : vector<16xf32>
      %swap3A_209 = arith.constant 80 : index
      %swap3A_210 = tpu.vector_load %arg8[%swap3A_209] {strides = array<i32>} : memref<512xf32, #tpu.memory_space<vmem>>, vector<16xf32>,
      tpu.vector_store %arg8[%swap3A_209], %add3A_208 {strides = array<i32>} : memref<512xf32, #tpu.memory_space<vmem>>, vector<16xf32>,
      %get3A_211 = arith.index_cast %scan3A_134 : i32 to index
      %get3A_212 = arith.constant 96 : index
      %get3A_213 = tpu.vector_load %arg6[%get3A_211, %get3A_212] {strides = array<i32>} : memref<100x512xi32, #tpu.memory_space<vmem>>, vector<16xi32>,
      %gather3A_214 = tpu.vector_load_idx %arg9[%get3A_213] : memref<128xf32, #tpu.memory_space<vmem>>[vector<16xi32>], vector<16xf32>,
      %get3A_215 = arith.constant 96 : index
      %get3A_216 = tpu.vector_load %arg8[%get3A_215] {strides = array<i32>} : memref<512xf32, #tpu.memory_space<vmem>>, vector<16xf32>,
      %get3A_217 = arith.index_cast %scan3A_134 : i32 to index
      %get3A_218 = arith.constant 96 : index
      %get3A_219 = tpu.vector_load %arg7[%get3A_217, %get3A_218] {strides = array<i32>} : memref<100x512xf32, #tpu.memory_space<vmem>>, vector<16xf32>,
      %mul3A_220 = arith.mulf %gather3A_214, %get3A_219 : vector<16xf32>
      %add3A_221 = arith.addf %get3A_216, %mul3A_220 : vector<16xf32>
      %swap3A_222 = arith.constant 96 : index
      %swap3A_223 = tpu.vector_load %arg8[%swap3A_222] {strides = array<i32>} : memref<512xf32, #tpu.memory_space<vmem>>, vector<16xf32>,
      tpu.vector_store %arg8[%swap3A_222], %add3A_221 {strides = array<i32>} : memref<512xf32, #tpu.memory_space<vmem>>, vector<16xf32>,
      %get3A_224 = arith.index_cast %scan3A_134 : i32 to index
      %get3A_225 = arith.constant 112 : index
      %get3A_226 = tpu.vector_load %arg6[%get3A_224, %get3A_225] {strides = array<i32>} : memref<100x512xi32, #tpu.memory_space<vmem>>, vector<16xi32>,
      %gather3A_227 = tpu.vector_load_idx %arg9[%get3A_226] : memref<128xf32, #tpu.memory_space<vmem>>[vector<16xi32>], vector<16xf32>,
      %get3A_228 = arith.constant 112 : index
      %get3A_229 = tpu.vector_load %arg8[%get3A_228] {strides = array<i32>} : memref<512xf32, #tpu.memory_space<vmem>>, vector<16xf32>,
      %get3A_230 = arith.index_cast %scan3A_134 : i32 to index
      %get3A_231 = arith.constant 112 : index
      %get3A_232 = tpu.vector_load %arg7[%get3A_230, %get3A_231] {strides = array<i32>} : memref<100x512xf32, #tpu.memory_space<vmem>>, vector<16xf32>,
      %mul3A_233 = arith.mulf %gather3A_227, %get3A_232 : vector<16xf32>
      %add3A_234 = arith.addf %get3A_229, %mul3A_233 : vector<16xf32>
      %swap3A_235 = arith.constant 112 : index
      %swap3A_236 = tpu.vector_load %arg8[%swap3A_235] {strides = array<i32>} : memref<512xf32, #tpu.memory_space<vmem>>, vector<16xf32>,
      tpu.vector_store %arg8[%swap3A_235], %add3A_234 {strides = array<i32>} : memref<512xf32, #tpu.memory_space<vmem>>, vector<16xf32>,
      %get3A_237 = arith.index_cast %scan3A_134 : i32 to index
      %get3A_238 = arith.constant 128 : index
      %get3A_239 = tpu.vector_load %arg6[%get3A_237, %get3A_238] {strides = array<i32>} : memref<100x512xi32, #tpu.memory_space<vmem>>, vector<16xi32>,
      %gather3A_240 = tpu.vector_load_idx %arg9[%get3A_239] : memref<128xf32, #tpu.memory_space<vmem>>[vector<16xi32>], vector<16xf32>,
      %get3A_241 = arith.constant 128 : index
      %get3A_242 = tpu.vector_load %arg8[%get3A_241] {strides = array<i32>} : memref<512xf32, #tpu.memory_space<vmem>>, vector<16xf32>,
      %get3A_243 = arith.index_cast %scan3A_134 : i32 to index
      %get3A_244 = arith.constant 128 : index
      %get3A_245 = tpu.vector_load %arg7[%get3A_243, %get3A_244] {strides = array<i32>} : memref<100x512xf32, #tpu.memory_space<vmem>>, vector<16xf32>,
      %mul3A_246 = arith.mulf %gather3A_240, %get3A_245 : vector<16xf32>
      %add3A_247 = arith.addf %get3A_242, %mul3A_246 : vector<16xf32>
      %swap3A_248 = arith.constant 128 : index
      %swap3A_249 = tpu.vector_load %arg8[%swap3A_248] {strides = array<i32>} : memref<512xf32, #tpu.memory_space<vmem>>, vector<16xf32>,
      tpu.vector_store %arg8[%swap3A_248], %add3A_247 {strides = array<i32>} : memref<512xf32, #tpu.memory_space<vmem>>, vector<16xf32>,
      %get3A_250 = arith.index_cast %scan3A_134 : i32 to index
      %get3A_251 = arith.constant 144 : index
      %get3A_252 = tpu.vector_load %arg6[%get3A_250, %get3A_251] {strides = array<i32>} : memref<100x512xi32, #tpu.memory_space<vmem>>, vector<16xi32>,
      %gather3A_253 = tpu.vector_load_idx %arg9[%get3A_252] : memref<128xf32, #tpu.memory_space<vmem>>[vector<16xi32>], vector<16xf32>,
      %get3A_254 = arith.constant 144 : index
      %get3A_255 = tpu.vector_load %arg8[%get3A_254] {strides = array<i32>} : memref<512xf32, #tpu.memory_space<vmem>>, vector<16xf32>,
      %get3A_256 = arith.index_cast %scan3A_134 : i32 to index
      %get3A_257 = arith.constant 144 : index
      %get3A_258 = tpu.vector_load %arg7[%get3A_256, %get3A_257] {strides = array<i32>} : memref<100x512xf32, #tpu.memory_space<vmem>>, vector<16xf32>,
      %mul3A_259 = arith.mulf %gather3A_253, %get3A_258 : vector<16xf32>
      %add3A_260 = arith.addf %get3A_255, %mul3A_259 : vector<16xf32>
      %swap3A_261 = arith.constant 144 : index
      %swap3A_262 = tpu.vector_load %arg8[%swap3A_261] {strides = array<i32>} : memref<512xf32, #tpu.memory_space<vmem>>, vector<16xf32>,
      tpu.vector_store %arg8[%swap3A_261], %add3A_260 {strides = array<i32>} : memref<512xf32, #tpu.memory_space<vmem>>, vector<16xf32>,
      %get3A_263 = arith.index_cast %scan3A_134 : i32 to index
      %get3A_264 = arith.constant 160 : index
      %get3A_265 = tpu.vector_load %arg6[%get3A_263, %get3A_264] {strides = array<i32>} : memref<100x512xi32, #tpu.memory_space<vmem>>, vector<16xi32>,
      %gather3A_266 = tpu.vector_load_idx %arg9[%get3A_265] : memref<128xf32, #tpu.memory_space<vmem>>[vector<16xi32>], vector<16xf32>,
      %get3A_267 = arith.constant 160 : index
      %get3A_268 = tpu.vector_load %arg8[%get3A_267] {strides = array<i32>} : memref<512xf32, #tpu.memory_space<vmem>>, vector<16xf32>,
      %get3A_269 = arith.index_cast %scan3A_134 : i32 to index
      %get3A_270 = arith.constant 160 : index
      %get3A_271 = tpu.vector_load %arg7[%get3A_269, %get3A_270] {strides = array<i32>} : memref<100x512xf32, #tpu.memory_space<vmem>>, vector<16xf32>,
      %mul3A_272 = arith.mulf %gather3A_266, %get3A_271 : vector<16xf32>
      %add3A_273 = arith.addf %get3A_268, %mul3A_272 : vector<16xf32>
      %swap3A_274 = arith.constant 160 : index
      %swap3A_275 = tpu.vector_load %arg8[%swap3A_274] {strides = array<i32>} : memref<512xf32, #tpu.memory_space<vmem>>, vector<16xf32>,
      tpu.vector_store %arg8[%swap3A_274], %add3A_273 {strides = array<i32>} : memref<512xf32, #tpu.memory_space<vmem>>, vector<16xf32>,
      %get3A_276 = arith.index_cast %scan3A_134 : i32 to index
      %get3A_277 = arith.constant 176 : index
      %get3A_278 = tpu.vector_load %arg6[%get3A_276, %get3A_277] {strides = array<i32>} : memref<100x512xi32, #tpu.memory_space<vmem>>, vector<16xi32>,
      %gather3A_279 = tpu.vector_load_idx %arg9[%get3A_278] : memref<128xf32, #tpu.memory_space<vmem>>[vector<16xi32>], vector<16xf32>,
      %get3A_280 = arith.constant 176 : index
      %get3A_281 = tpu.vector_load %arg8[%get3A_280] {strides = array<i32>} : memref<512xf32, #tpu.memory_space<vmem>>, vector<16xf32>,
      %get3A_282 = arith.index_cast %scan3A_134 : i32 to index
      %get3A_283 = arith.constant 176 : index
      %get3A_284 = tpu.vector_load %arg7[%get3A_282, %get3A_283] {strides = array<i32>} : memref<100x512xf32, #tpu.memory_space<vmem>>, vector<16xf32>,
      %mul3A_285 = arith.mulf %gather3A_279, %get3A_284 : vector<16xf32>
      %add3A_286 = arith.addf %get3A_281, %mul3A_285 : vector<16xf32>
      %swap3A_287 = arith.constant 176 : index
      %swap3A_288 = tpu.vector_load %arg8[%swap3A_287] {strides = array<i32>} : memref<512xf32, #tpu.memory_space<vmem>>, vector<16xf32>,
      tpu.vector_store %arg8[%swap3A_287], %add3A_286 {strides = array<i32>} : memref<512xf32, #tpu.memory_space<vmem>>, vector<16xf32>,
      %get3A_289 = arith.index_cast %scan3A_134 : i32 to index
      %get3A_290 = arith.constant 192 : index
      %get3A_291 = tpu.vector_load %arg6[%get3A_289, %get3A_290] {strides = array<i32>} : memref<100x512xi32, #tpu.memory_space<vmem>>, vector<16xi32>,
      %gather3A_292 = tpu.vector_load_idx %arg9[%get3A_291] : memref<128xf32, #tpu.memory_space<vmem>>[vector<16xi32>], vector<16xf32>,
      %get3A_293 = arith.constant 192 : index
      %get3A_294 = tpu.vector_load %arg8[%get3A_293] {strides = array<i32>} : memref<512xf32, #tpu.memory_space<vmem>>, vector<16xf32>,
      %get3A_295 = arith.index_cast %scan3A_134 : i32 to index
      %get3A_296 = arith.constant 192 : index
      %get3A_297 = tpu.vector_load %arg7[%get3A_295, %get3A_296] {strides = array<i32>} : memref<100x512xf32, #tpu.memory_space<vmem>>, vector<16xf32>,
      %mul3A_298 = arith.mulf %gather3A_292, %get3A_297 : vector<16xf32>
      %add3A_299 = arith.addf %get3A_294, %mul3A_298 : vector<16xf32>
      %swap3A_300 = arith.constant 192 : index
      %swap3A_301 = tpu.vector_load %arg8[%swap3A_300] {strides = array<i32>} : memref<512xf32, #tpu.memory_space<vmem>>, vector<16xf32>,
      tpu.vector_store %arg8[%swap3A_300], %add3A_299 {strides = array<i32>} : memref<512xf32, #tpu.memory_space<vmem>>, vector<16xf32>,
      %get3A_302 = arith.index_cast %scan3A_134 : i32 to index
      %get3A_303 = arith.constant 208 : index
      %get3A_304 = tpu.vector_load %arg6[%get3A_302, %get3A_303] {strides = array<i32>} : memref<100x512xi32, #tpu.memory_space<vmem>>, vector<16xi32>,
      %gather3A_305 = tpu.vector_load_idx %arg9[%get3A_304] : memref<128xf32, #tpu.memory_space<vmem>>[vector<16xi32>], vector<16xf32>,
      %get3A_306 = arith.constant 208 : index
      %get3A_307 = tpu.vector_load %arg8[%get3A_306] {strides = array<i32>} : memref<512xf32, #tpu.memory_space<vmem>>, vector<16xf32>,
      %get3A_308 = arith.index_cast %scan3A_134 : i32 to index
      %get3A_309 = arith.constant 208 : index
      %get3A_310 = tpu.vector_load %arg7[%get3A_308, %get3A_309] {strides = array<i32>} : memref<100x512xf32, #tpu.memory_space<vmem>>, vector<16xf32>,
      %mul3A_311 = arith.mulf %gather3A_305, %get3A_310 : vector<16xf32>
      %add3A_312 = arith.addf %get3A_307, %mul3A_311 : vector<16xf32>
      %swap3A_313 = arith.constant 208 : index
      %swap3A_314 = tpu.vector_load %arg8[%swap3A_313] {strides = array<i32>} : memref<512xf32, #tpu.memory_space<vmem>>, vector<16xf32>,
      tpu.vector_store %arg8[%swap3A_313], %add3A_312 {strides = array<i32>} : memref<512xf32, #tpu.memory_space<vmem>>, vector<16xf32>,
      %get3A_315 = arith.index_cast %scan3A_134 : i32 to index
      %get3A_316 = arith.constant 224 : index
      %get3A_317 = tpu.vector_load %arg6[%get3A_315, %get3A_316] {strides = array<i32>} : memref<100x512xi32, #tpu.memory_space<vmem>>, vector<16xi32>,
      %gather3A_318 = tpu.vector_load_idx %arg9[%get3A_317] : memref<128xf32, #tpu.memory_space<vmem>>[vector<16xi32>], vector<16xf32>,
      %get3A_319 = arith.constant 224 : index
      %get3A_320 = tpu.vector_load %arg8[%get3A_319] {strides = array<i32>} : memref<512xf32, #tpu.memory_space<vmem>>, vector<16xf32>,
      %get3A_321 = arith.index_cast %scan3A_134 : i32 to index
      %get3A_322 = arith.constant 224 : index
      %get3A_323 = tpu.vector_load %arg7[%get3A_321, %get3A_322] {strides = array<i32>} : memref<100x512xf32, #tpu.memory_space<vmem>>, vector<16xf32>,
      %mul3A_324 = arith.mulf %gather3A_318, %get3A_323 : vector<16xf32>
      %add3A_325 = arith.addf %get3A_320, %mul3A_324 : vector<16xf32>
      %swap3A_326 = arith.constant 224 : index
      %swap3A_327 = tpu.vector_load %arg8[%swap3A_326] {strides = array<i32>} : memref<512xf32, #tpu.memory_space<vmem>>, vector<16xf32>,
      tpu.vector_store %arg8[%swap3A_326], %add3A_325 {strides = array<i32>} : memref<512xf32, #tpu.memory_space<vmem>>, vector<16xf32>,
      %get3A_328 = arith.index_cast %scan3A_134 : i32 to index
      %get3A_329 = arith.constant 240 : index
      %get3A_330 = tpu.vector_load %arg6[%get3A_328, %get3A_329] {strides = array<i32>} : memref<100x512xi32, #tpu.memory_space<vmem>>, vector<16xi32>,
      %gather3A_331 = tpu.vector_load_idx %arg9[%get3A_330] : memref<128xf32, #tpu.memory_space<vmem>>[vector<16xi32>], vector<16xf32>,
      %get3A_332 = arith.constant 240 : index
      %get3A_333 = tpu.vector_load %arg8[%get3A_332] {strides = array<i32>} : memref<512xf32, #tpu.memory_space<vmem>>, vector<16xf32>,
      %get3A_334 = arith.index_cast %scan3A_134 : i32 to index
      %get3A_335 = arith.constant 240 : index
      %get3A_336 = tpu.vector_load %arg7[%get3A_334, %get3A_335] {strides = array<i32>} : memref<100x512xf32, #tpu.memory_space<vmem>>, vector<16xf32>,
      %mul3A_337 = arith.mulf %gather3A_331, %get3A_336 : vector<16xf32>
      %add3A_338 = arith.addf %get3A_333, %mul3A_337 : vector<16xf32>
      %swap3A_339 = arith.constant 240 : index
      %swap3A_340 = tpu.vector_load %arg8[%swap3A_339] {strides = array<i32>} : memref<512xf32, #tpu.memory_space<vmem>>, vector<16xf32>,
      tpu.vector_store %arg8[%swap3A_339], %add3A_338 {strides = array<i32>} : memref<512xf32, #tpu.memory_space<vmem>>, vector<16xf32>,
      %get3A_341 = arith.index_cast %scan3A_134 : i32 to index
      %get3A_342 = arith.constant 256 : index
      %get3A_343 = tpu.vector_load %arg6[%get3A_341, %get3A_342] {strides = array<i32>} : memref<100x512xi32, #tpu.memory_space<vmem>>, vector<16xi32>,
      %gather3A_344 = tpu.vector_load_idx %arg9[%get3A_343] : memref<128xf32, #tpu.memory_space<vmem>>[vector<16xi32>], vector<16xf32>,
      %get3A_345 = arith.constant 256 : index
      %get3A_346 = tpu.vector_load %arg8[%get3A_345] {strides = array<i32>} : memref<512xf32, #tpu.memory_space<vmem>>, vector<16xf32>,
      %get3A_347 = arith.index_cast %scan3A_134 : i32 to index
      %get3A_348 = arith.constant 256 : index
      %get3A_349 = tpu.vector_load %arg7[%get3A_347, %get3A_348] {strides = array<i32>} : memref<100x512xf32, #tpu.memory_space<vmem>>, vector<16xf32>,
      %mul3A_350 = arith.mulf %gather3A_344, %get3A_349 : vector<16xf32>
      %add3A_351 = arith.addf %get3A_346, %mul3A_350 : vector<16xf32>
      %swap3A_352 = arith.constant 256 : index
      %swap3A_353 = tpu.vector_load %arg8[%swap3A_352] {strides = array<i32>} : memref<512xf32, #tpu.memory_space<vmem>>, vector<16xf32>,
      tpu.vector_store %arg8[%swap3A_352], %add3A_351 {strides = array<i32>} : memref<512xf32, #tpu.memory_space<vmem>>, vector<16xf32>,
      %get3A_354 = arith.index_cast %scan3A_134 : i32 to index
      %get3A_355 = arith.constant 272 : index
      %get3A_356 = tpu.vector_load %arg6[%get3A_354, %get3A_355] {strides = array<i32>} : memref<100x512xi32, #tpu.memory_space<vmem>>, vector<16xi32>,
      %gather3A_357 = tpu.vector_load_idx %arg9[%get3A_356] : memref<128xf32, #tpu.memory_space<vmem>>[vector<16xi32>], vector<16xf32>,
      %get3A_358 = arith.constant 272 : index
      %get3A_359 = tpu.vector_load %arg8[%get3A_358] {strides = array<i32>} : memref<512xf32, #tpu.memory_space<vmem>>, vector<16xf32>,
      %get3A_360 = arith.index_cast %scan3A_134 : i32 to index
      %get3A_361 = arith.constant 272 : index
      %get3A_362 = tpu.vector_load %arg7[%get3A_360, %get3A_361] {strides = array<i32>} : memref<100x512xf32, #tpu.memory_space<vmem>>, vector<16xf32>,
      %mul3A_363 = arith.mulf %gather3A_357, %get3A_362 : vector<16xf32>
      %add3A_364 = arith.addf %get3A_359, %mul3A_363 : vector<16xf32>
      %swap3A_365 = arith.constant 272 : index
      %swap3A_366 = tpu.vector_load %arg8[%swap3A_365] {strides = array<i32>} : memref<512xf32, #tpu.memory_space<vmem>>, vector<16xf32>,
      tpu.vector_store %arg8[%swap3A_365], %add3A_364 {strides = array<i32>} : memref<512xf32, #tpu.memory_space<vmem>>, vector<16xf32>,
      %get3A_367 = arith.index_cast %scan3A_134 : i32 to index
      %get3A_368 = arith.constant 288 : index
      %get3A_369 = tpu.vector_load %arg6[%get3A_367, %get3A_368] {strides = array<i32>} : memref<100x512xi32, #tpu.memory_space<vmem>>, vector<16xi32>,
      %gather3A_370 = tpu.vector_load_idx %arg9[%get3A_369] : memref<128xf32, #tpu.memory_space<vmem>>[vector<16xi32>], vector<16xf32>,
      %get3A_371 = arith.constant 288 : index
      %get3A_372 = tpu.vector_load %arg8[%get3A_371] {strides = array<i32>} : memref<512xf32, #tpu.memory_space<vmem>>, vector<16xf32>,
      %get3A_373 = arith.index_cast %scan3A_134 : i32 to index
      %get3A_374 = arith.constant 288 : index
      %get3A_375 = tpu.vector_load %arg7[%get3A_373, %get3A_374] {strides = array<i32>} : memref<100x512xf32, #tpu.memory_space<vmem>>, vector<16xf32>,
      %mul3A_376 = arith.mulf %gather3A_370, %get3A_375 : vector<16xf32>
      %add3A_377 = arith.addf %get3A_372, %mul3A_376 : vector<16xf32>
      %swap3A_378 = arith.constant 288 : index
      %swap3A_379 = tpu.vector_load %arg8[%swap3A_378] {strides = array<i32>} : memref<512xf32, #tpu.memory_space<vmem>>, vector<16xf32>,
      tpu.vector_store %arg8[%swap3A_378], %add3A_377 {strides = array<i32>} : memref<512xf32, #tpu.memory_space<vmem>>, vector<16xf32>,
      %get3A_380 = arith.index_cast %scan3A_134 : i32 to index
      %get3A_381 = arith.constant 304 : index
      %get3A_382 = tpu.vector_load %arg6[%get3A_380, %get3A_381] {strides = array<i32>} : memref<100x512xi32, #tpu.memory_space<vmem>>, vector<16xi32>,
      %gather3A_383 = tpu.vector_load_idx %arg9[%get3A_382] : memref<128xf32, #tpu.memory_space<vmem>>[vector<16xi32>], vector<16xf32>,
      %get3A_384 = arith.constant 304 : index
      %get3A_385 = tpu.vector_load %arg8[%get3A_384] {strides = array<i32>} : memref<512xf32, #tpu.memory_space<vmem>>, vector<16xf32>,
      %get3A_386 = arith.index_cast %scan3A_134 : i32 to index
      %get3A_387 = arith.constant 304 : index
      %get3A_388 = tpu.vector_load %arg7[%get3A_386, %get3A_387] {strides = array<i32>} : memref<100x512xf32, #tpu.memory_space<vmem>>, vector<16xf32>,
      %mul3A_389 = arith.mulf %gather3A_383, %get3A_388 : vector<16xf32>
      %add3A_390 = arith.addf %get3A_385, %mul3A_389 : vector<16xf32>
      %swap3A_391 = arith.constant 304 : index
      %swap3A_392 = tpu.vector_load %arg8[%swap3A_391] {strides = array<i32>} : memref<512xf32, #tpu.memory_space<vmem>>, vector<16xf32>,
      tpu.vector_store %arg8[%swap3A_391], %add3A_390 {strides = array<i32>} : memref<512xf32, #tpu.memory_space<vmem>>, vector<16xf32>,
      %get3A_393 = arith.index_cast %scan3A_134 : i32 to index
      %get3A_394 = arith.constant 320 : index
      %get3A_395 = tpu.vector_load %arg6[%get3A_393, %get3A_394] {strides = array<i32>} : memref<100x512xi32, #tpu.memory_space<vmem>>, vector<16xi32>,
      %gather3A_396 = tpu.vector_load_idx %arg9[%get3A_395] : memref<128xf32, #tpu.memory_space<vmem>>[vector<16xi32>], vector<16xf32>,
      %get3A_397 = arith.constant 320 : index
      %get3A_398 = tpu.vector_load %arg8[%get3A_397] {strides = array<i32>} : memref<512xf32, #tpu.memory_space<vmem>>, vector<16xf32>,
      %get3A_399 = arith.index_cast %scan3A_134 : i32 to index
      %get3A_400 = arith.constant 320 : index
      %get3A_401 = tpu.vector_load %arg7[%get3A_399, %get3A_400] {strides = array<i32>} : memref<100x512xf32, #tpu.memory_space<vmem>>, vector<16xf32>,
      %mul3A_402 = arith.mulf %gather3A_396, %get3A_401 : vector<16xf32>
      %add3A_403 = arith.addf %get3A_398, %mul3A_402 : vector<16xf32>
      %swap3A_404 = arith.constant 320 : index
      %swap3A_405 = tpu.vector_load %arg8[%swap3A_404] {strides = array<i32>} : memref<512xf32, #tpu.memory_space<vmem>>, vector<16xf32>,
      tpu.vector_store %arg8[%swap3A_404], %add3A_403 {strides = array<i32>} : memref<512xf32, #tpu.memory_space<vmem>>, vector<16xf32>,
      %get3A_406 = arith.index_cast %scan3A_134 : i32 to index
      %get3A_407 = arith.constant 336 : index
      %get3A_408 = tpu.vector_load %arg6[%get3A_406, %get3A_407] {strides = array<i32>} : memref<100x512xi32, #tpu.memory_space<vmem>>, vector<16xi32>,
      %gather3A_409 = tpu.vector_load_idx %arg9[%get3A_408] : memref<128xf32, #tpu.memory_space<vmem>>[vector<16xi32>], vector<16xf32>,
      %get3A_410 = arith.constant 336 : index
      %get3A_411 = tpu.vector_load %arg8[%get3A_410] {strides = array<i32>} : memref<512xf32, #tpu.memory_space<vmem>>, vector<16xf32>,
      %get3A_412 = arith.index_cast %scan3A_134 : i32 to index
      %get3A_413 = arith.constant 336 : index
      %get3A_414 = tpu.vector_load %arg7[%get3A_412, %get3A_413] {strides = array<i32>} : memref<100x512xf32, #tpu.memory_space<vmem>>, vector<16xf32>,
      %mul3A_415 = arith.mulf %gather3A_409, %get3A_414 : vector<16xf32>
      %add3A_416 = arith.addf %get3A_411, %mul3A_415 : vector<16xf32>
      %swap3A_417 = arith.constant 336 : index
      %swap3A_418 = tpu.vector_load %arg8[%swap3A_417] {strides = array<i32>} : memref<512xf32, #tpu.memory_space<vmem>>, vector<16xf32>,
      tpu.vector_store %arg8[%swap3A_417], %add3A_416 {strides = array<i32>} : memref<512xf32, #tpu.memory_space<vmem>>, vector<16xf32>,
      %get3A_419 = arith.index_cast %scan3A_134 : i32 to index
      %get3A_420 = arith.constant 352 : index
      %get3A_421 = tpu.vector_load %arg6[%get3A_419, %get3A_420] {strides = array<i32>} : memref<100x512xi32, #tpu.memory_space<vmem>>, vector<16xi32>,
      %gather3A_422 = tpu.vector_load_idx %arg9[%get3A_421] : memref<128xf32, #tpu.memory_space<vmem>>[vector<16xi32>], vector<16xf32>,
      %get3A_423 = arith.constant 352 : index
      %get3A_424 = tpu.vector_load %arg8[%get3A_423] {strides = array<i32>} : memref<512xf32, #tpu.memory_space<vmem>>, vector<16xf32>,
      %get3A_425 = arith.index_cast %scan3A_134 : i32 to index
      %get3A_426 = arith.constant 352 : index
      %get3A_427 = tpu.vector_load %arg7[%get3A_425, %get3A_426] {strides = array<i32>} : memref<100x512xf32, #tpu.memory_space<vmem>>, vector<16xf32>,
      %mul3A_428 = arith.mulf %gather3A_422, %get3A_427 : vector<16xf32>
      %add3A_429 = arith.addf %get3A_424, %mul3A_428 : vector<16xf32>
      %swap3A_430 = arith.constant 352 : index
      %swap3A_431 = tpu.vector_load %arg8[%swap3A_430] {strides = array<i32>} : memref<512xf32, #tpu.memory_space<vmem>>, vector<16xf32>,
      tpu.vector_store %arg8[%swap3A_430], %add3A_429 {strides = array<i32>} : memref<512xf32, #tpu.memory_space<vmem>>, vector<16xf32>,
      %get3A_432 = arith.index_cast %scan3A_134 : i32 to index
      %get3A_433 = arith.constant 368 : index
      %get3A_434 = tpu.vector_load %arg6[%get3A_432, %get3A_433] {strides = array<i32>} : memref<100x512xi32, #tpu.memory_space<vmem>>, vector<16xi32>,
      %gather3A_435 = tpu.vector_load_idx %arg9[%get3A_434] : memref<128xf32, #tpu.memory_space<vmem>>[vector<16xi32>], vector<16xf32>,
      %get3A_436 = arith.constant 368 : index
      %get3A_437 = tpu.vector_load %arg8[%get3A_436] {strides = array<i32>} : memref<512xf32, #tpu.memory_space<vmem>>, vector<16xf32>,
      %get3A_438 = arith.index_cast %scan3A_134 : i32 to index
      %get3A_439 = arith.constant 368 : index
      %get3A_440 = tpu.vector_load %arg7[%get3A_438, %get3A_439] {strides = array<i32>} : memref<100x512xf32, #tpu.memory_space<vmem>>, vector<16xf32>,
      %mul3A_441 = arith.mulf %gather3A_435, %get3A_440 : vector<16xf32>
      %add3A_442 = arith.addf %get3A_437, %mul3A_441 : vector<16xf32>
      %swap3A_443 = arith.constant 368 : index
      %swap3A_444 = tpu.vector_load %arg8[%swap3A_443] {strides = array<i32>} : memref<512xf32, #tpu.memory_space<vmem>>, vector<16xf32>,
      tpu.vector_store %arg8[%swap3A_443], %add3A_442 {strides = array<i32>} : memref<512xf32, #tpu.memory_space<vmem>>, vector<16xf32>,
      %get3A_445 = arith.index_cast %scan3A_134 : i32 to index
      %get3A_446 = arith.constant 384 : index
      %get3A_447 = tpu.vector_load %arg6[%get3A_445, %get3A_446] {strides = array<i32>} : memref<100x512xi32, #tpu.memory_space<vmem>>, vector<16xi32>,
      %gather3A_448 = tpu.vector_load_idx %arg9[%get3A_447] : memref<128xf32, #tpu.memory_space<vmem>>[vector<16xi32>], vector<16xf32>,
      %get3A_449 = arith.constant 384 : index
      %get3A_450 = tpu.vector_load %arg8[%get3A_449] {strides = array<i32>} : memref<512xf32, #tpu.memory_space<vmem>>, vector<16xf32>,
      %get3A_451 = arith.index_cast %scan3A_134 : i32 to index
      %get3A_452 = arith.constant 384 : index
      %get3A_453 = tpu.vector_load %arg7[%get3A_451, %get3A_452] {strides = array<i32>} : memref<100x512xf32, #tpu.memory_space<vmem>>, vector<16xf32>,
      %mul3A_454 = arith.mulf %gather3A_448, %get3A_453 : vector<16xf32>
      %add3A_455 = arith.addf %get3A_450, %mul3A_454 : vector<16xf32>
      %swap3A_456 = arith.constant 384 : index
      %swap3A_457 = tpu.vector_load %arg8[%swap3A_456] {strides = array<i32>} : memref<512xf32, #tpu.memory_space<vmem>>, vector<16xf32>,
      tpu.vector_store %arg8[%swap3A_456], %add3A_455 {strides = array<i32>} : memref<512xf32, #tpu.memory_space<vmem>>, vector<16xf32>,
      %get3A_458 = arith.index_cast %scan3A_134 : i32 to index
      %get3A_459 = arith.constant 400 : index
      %get3A_460 = tpu.vector_load %arg6[%get3A_458, %get3A_459] {strides = array<i32>} : memref<100x512xi32, #tpu.memory_space<vmem>>, vector<16xi32>,
      %gather3A_461 = tpu.vector_load_idx %arg9[%get3A_460] : memref<128xf32, #tpu.memory_space<vmem>>[vector<16xi32>], vector<16xf32>,
      %get3A_462 = arith.constant 400 : index
      %get3A_463 = tpu.vector_load %arg8[%get3A_462] {strides = array<i32>} : memref<512xf32, #tpu.memory_space<vmem>>, vector<16xf32>,
      %get3A_464 = arith.index_cast %scan3A_134 : i32 to index
      %get3A_465 = arith.constant 400 : index
      %get3A_466 = tpu.vector_load %arg7[%get3A_464, %get3A_465] {strides = array<i32>} : memref<100x512xf32, #tpu.memory_space<vmem>>, vector<16xf32>,
      %mul3A_467 = arith.mulf %gather3A_461, %get3A_466 : vector<16xf32>
      %add3A_468 = arith.addf %get3A_463, %mul3A_467 : vector<16xf32>
      %swap3A_469 = arith.constant 400 : index
      %swap3A_470 = tpu.vector_load %arg8[%swap3A_469] {strides = array<i32>} : memref<512xf32, #tpu.memory_space<vmem>>, vector<16xf32>,
      tpu.vector_store %arg8[%swap3A_469], %add3A_468 {strides = array<i32>} : memref<512xf32, #tpu.memory_space<vmem>>, vector<16xf32>,
      %get3A_471 = arith.index_cast %scan3A_134 : i32 to index
      %get3A_472 = arith.constant 416 : index
      %get3A_473 = tpu.vector_load %arg6[%get3A_471, %get3A_472] {strides = array<i32>} : memref<100x512xi32, #tpu.memory_space<vmem>>, vector<16xi32>,
      %gather3A_474 = tpu.vector_load_idx %arg9[%get3A_473] : memref<128xf32, #tpu.memory_space<vmem>>[vector<16xi32>], vector<16xf32>,
      %get3A_475 = arith.constant 416 : index
      %get3A_476 = tpu.vector_load %arg8[%get3A_475] {strides = array<i32>} : memref<512xf32, #tpu.memory_space<vmem>>, vector<16xf32>,
      %get3A_477 = arith.index_cast %scan3A_134 : i32 to index
      %get3A_478 = arith.constant 416 : index
      %get3A_479 = tpu.vector_load %arg7[%get3A_477, %get3A_478] {strides = array<i32>} : memref<100x512xf32, #tpu.memory_space<vmem>>, vector<16xf32>,
      %mul3A_480 = arith.mulf %gather3A_474, %get3A_479 : vector<16xf32>
      %add3A_481 = arith.addf %get3A_476, %mul3A_480 : vector<16xf32>
      %swap3A_482 = arith.constant 416 : index
      %swap3A_483 = tpu.vector_load %arg8[%swap3A_482] {strides = array<i32>} : memref<512xf32, #tpu.memory_space<vmem>>, vector<16xf32>,
      tpu.vector_store %arg8[%swap3A_482], %add3A_481 {strides = array<i32>} : memref<512xf32, #tpu.memory_space<vmem>>, vector<16xf32>,
      %get3A_484 = arith.index_cast %scan3A_134 : i32 to index
      %get3A_485 = arith.constant 432 : index
      %get3A_486 = tpu.vector_load %arg6[%get3A_484, %get3A_485] {strides = array<i32>} : memref<100x512xi32, #tpu.memory_space<vmem>>, vector<16xi32>,
      %gather3A_487 = tpu.vector_load_idx %arg9[%get3A_486] : memref<128xf32, #tpu.memory_space<vmem>>[vector<16xi32>], vector<16xf32>,
      %get3A_488 = arith.constant 432 : index
      %get3A_489 = tpu.vector_load %arg8[%get3A_488] {strides = array<i32>} : memref<512xf32, #tpu.memory_space<vmem>>, vector<16xf32>,
      %get3A_490 = arith.index_cast %scan3A_134 : i32 to index
      %get3A_491 = arith.constant 432 : index
      %get3A_492 = tpu.vector_load %arg7[%get3A_490, %get3A_491] {strides = array<i32>} : memref<100x512xf32, #tpu.memory_space<vmem>>, vector<16xf32>,
      %mul3A_493 = arith.mulf %gather3A_487, %get3A_492 : vector<16xf32>
      %add3A_494 = arith.addf %get3A_489, %mul3A_493 : vector<16xf32>
      %swap3A_495 = arith.constant 432 : index
      %swap3A_496 = tpu.vector_load %arg8[%swap3A_495] {strides = array<i32>} : memref<512xf32, #tpu.memory_space<vmem>>, vector<16xf32>,
      tpu.vector_store %arg8[%swap3A_495], %add3A_494 {strides = array<i32>} : memref<512xf32, #tpu.memory_space<vmem>>, vector<16xf32>,
      %get3A_497 = arith.index_cast %scan3A_134 : i32 to index
      %get3A_498 = arith.constant 448 : index
      %get3A_499 = tpu.vector_load %arg6[%get3A_497, %get3A_498] {strides = array<i32>} : memref<100x512xi32, #tpu.memory_space<vmem>>, vector<16xi32>,
      %gather3A_500 = tpu.vector_load_idx %arg9[%get3A_499] : memref<128xf32, #tpu.memory_space<vmem>>[vector<16xi32>], vector<16xf32>,
      %get3A_501 = arith.constant 448 : index
      %get3A_502 = tpu.vector_load %arg8[%get3A_501] {strides = array<i32>} : memref<512xf32, #tpu.memory_space<vmem>>, vector<16xf32>,
      %get3A_503 = arith.index_cast %scan3A_134 : i32 to index
      %get3A_504 = arith.constant 448 : index
      %get3A_505 = tpu.vector_load %arg7[%get3A_503, %get3A_504] {strides = array<i32>} : memref<100x512xf32, #tpu.memory_space<vmem>>, vector<16xf32>,
      %mul3A_506 = arith.mulf %gather3A_500, %get3A_505 : vector<16xf32>
      %add3A_507 = arith.addf %get3A_502, %mul3A_506 : vector<16xf32>
      %swap3A_508 = arith.constant 448 : index
      %swap3A_509 = tpu.vector_load %arg8[%swap3A_508] {strides = array<i32>} : memref<512xf32, #tpu.memory_space<vmem>>, vector<16xf32>,
      tpu.vector_store %arg8[%swap3A_508], %add3A_507 {strides = array<i32>} : memref<512xf32, #tpu.memory_space<vmem>>, vector<16xf32>,
      %get3A_510 = arith.index_cast %scan3A_134 : i32 to index
      %get3A_511 = arith.constant 464 : index
      %get3A_512 = tpu.vector_load %arg6[%get3A_510, %get3A_511] {strides = array<i32>} : memref<100x512xi32, #tpu.memory_space<vmem>>, vector<16xi32>,
      %gather3A_513 = tpu.vector_load_idx %arg9[%get3A_512] : memref<128xf32, #tpu.memory_space<vmem>>[vector<16xi32>], vector<16xf32>,
      %get3A_514 = arith.constant 464 : index
      %get3A_515 = tpu.vector_load %arg8[%get3A_514] {strides = array<i32>} : memref<512xf32, #tpu.memory_space<vmem>>, vector<16xf32>,
      %get3A_516 = arith.index_cast %scan3A_134 : i32 to index
      %get3A_517 = arith.constant 464 : index
      %get3A_518 = tpu.vector_load %arg7[%get3A_516, %get3A_517] {strides = array<i32>} : memref<100x512xf32, #tpu.memory_space<vmem>>, vector<16xf32>,
      %mul3A_519 = arith.mulf %gather3A_513, %get3A_518 : vector<16xf32>
      %add3A_520 = arith.addf %get3A_515, %mul3A_519 : vector<16xf32>
      %swap3A_521 = arith.constant 464 : index
      %swap3A_522 = tpu.vector_load %arg8[%swap3A_521] {strides = array<i32>} : memref<512xf32, #tpu.memory_space<vmem>>, vector<16xf32>,
      tpu.vector_store %arg8[%swap3A_521], %add3A_520 {strides = array<i32>} : memref<512xf32, #tpu.memory_space<vmem>>, vector<16xf32>,
      %get3A_523 = arith.index_cast %scan3A_134 : i32 to index
      %get3A_524 = arith.constant 480 : index
      %get3A_525 = tpu.vector_load %arg6[%get3A_523, %get3A_524] {strides = array<i32>} : memref<100x512xi32, #tpu.memory_space<vmem>>, vector<16xi32>,
      %gather3A_526 = tpu.vector_load_idx %arg9[%get3A_525] : memref<128xf32, #tpu.memory_space<vmem>>[vector<16xi32>], vector<16xf32>,
      %get3A_527 = arith.constant 480 : index
      %get3A_528 = tpu.vector_load %arg8[%get3A_527] {strides = array<i32>} : memref<512xf32, #tpu.memory_space<vmem>>, vector<16xf32>,
      %get3A_529 = arith.index_cast %scan3A_134 : i32 to index
      %get3A_530 = arith.constant 480 : index
      %get3A_531 = tpu.vector_load %arg7[%get3A_529, %get3A_530] {strides = array<i32>} : memref<100x512xf32, #tpu.memory_space<vmem>>, vector<16xf32>,
      %mul3A_532 = arith.mulf %gather3A_526, %get3A_531 : vector<16xf32>
      %add3A_533 = arith.addf %get3A_528, %mul3A_532 : vector<16xf32>
      %swap3A_534 = arith.constant 480 : index
      %swap3A_535 = tpu.vector_load %arg8[%swap3A_534] {strides = array<i32>} : memref<512xf32, #tpu.memory_space<vmem>>, vector<16xf32>,
      tpu.vector_store %arg8[%swap3A_534], %add3A_533 {strides = array<i32>} : memref<512xf32, #tpu.memory_space<vmem>>, vector<16xf32>,
      %get3A_536 = arith.index_cast %scan3A_134 : i32 to index
      %get3A_537 = arith.constant 496 : index
      %get3A_538 = tpu.vector_load %arg6[%get3A_536, %get3A_537] {strides = array<i32>} : memref<100x512xi32, #tpu.memory_space<vmem>>, vector<16xi32>,
      %gather3A_539 = tpu.vector_load_idx %arg9[%get3A_538] : memref<128xf32, #tpu.memory_space<vmem>>[vector<16xi32>], vector<16xf32>,
      %get3A_540 = arith.constant 496 : index
      %get3A_541 = tpu.vector_load %arg8[%get3A_540] {strides = array<i32>} : memref<512xf32, #tpu.memory_space<vmem>>, vector<16xf32>,
      %get3A_542 = arith.index_cast %scan3A_134 : i32 to index
      %get3A_543 = arith.constant 496 : index
      %get3A_544 = tpu.vector_load %arg7[%get3A_542, %get3A_543] {strides = array<i32>} : memref<100x512xf32, #tpu.memory_space<vmem>>, vector<16xf32>,
      %mul3A_545 = arith.mulf %gather3A_539, %get3A_544 : vector<16xf32>
      %add3A_546 = arith.addf %get3A_541, %mul3A_545 : vector<16xf32>
      %swap3A_547 = arith.constant 496 : index
      %swap3A_548 = tpu.vector_load %arg8[%swap3A_547] {strides = array<i32>} : memref<512xf32, #tpu.memory_space<vmem>>, vector<16xf32>,
      tpu.vector_store %arg8[%swap3A_547], %add3A_546 {strides = array<i32>} : memref<512xf32, #tpu.memory_space<vmem>>, vector<16xf32>,
    }
    %scan3A_133 = arith.constant 100 : i32
    "tpu.region"() ({
      %run_scoped3A = tpu.sem_alloc : memref<!tpu.dma_semaphore, #tpu.memory_space<semaphore_mem>>
      %dma_start3A = tpu.memref_slice %arg5[%mul3A_2] : memref<16384xf32, #tpu.memory_space<hbm>> -> memref<512xf32, #tpu.memory_space<hbm>>
      %dma_start3A_134 = tpu.memref_slice %arg5[%mul3A_2] : memref<16384xf32, #tpu.memory_space<hbm>> -> memref<512xf32, #tpu.memory_space<hbm>>
      tpu.enqueue_dma source(%arg8 : memref<512xf32, #tpu.memory_space<vmem>>) target(%dma_start3A_134 : memref<512xf32, #tpu.memory_space<hbm>>) target_semaphore(%run_scoped3A : memref<!tpu.dma_semaphore, #tpu.memory_space<semaphore_mem>>)
      %dma_wait3A = tpu.memref_slice %arg5[%mul3A_2] : memref<16384xf32, #tpu.memory_space<hbm>> -> memref<512xf32, #tpu.memory_space<hbm>>
      %dma_wait3A_135 = tpu.memref_slice %arg5[%mul3A_2] : memref<16384xf32, #tpu.memory_space<hbm>> -> memref<512xf32, #tpu.memory_space<hbm>>
      tpu.wait_dma2 semaphore(%run_scoped3A : memref<!tpu.dma_semaphore, #tpu.memory_space<semaphore_mem>>) src(%arg8 : memref<512xf32, #tpu.memory_space<vmem>>) dst(%dma_wait3A_135 : memref<512xf32, #tpu.memory_space<hbm>>)
      tpu.yield
    }) : () -> ()
    return
  }
}

module attributes {stable_mosaic.version = 14 : i64} {
  func.func @_comb_body(%arg0: memref<128x128xf32, #tpu.memory_space<vmem>>, %arg1: memref<128x128xf32, #tpu.memory_space<vmem>>, %arg2: memref<128x128xf32, #tpu.memory_space<vmem>>) attributes {dimension_semantics = [], scalar_prefetch = 0 : i64, scratch_operands = 0 : i64, tpu.core_type = #tpu.core_type<tc>} {
    %get3A = arith.constant 0 : index
    %get3A_0 = arith.constant 0 : index
    %get3A_1 = vector.load %arg0[%get3A, %get3A_0] : memref<128x128xf32, #tpu.memory_space<vmem>>, vector<128x128xf32>
    %get3A_2 = arith.constant 0 : index
    %get3A_3 = arith.constant 0 : index
    %get3A_4 = vector.load %arg1[%get3A_2, %get3A_3] : memref<128x128xf32, #tpu.memory_space<vmem>>, vector<128x128xf32>
    %add3A = arith.addf %get3A_1, %get3A_4 : vector<128x128xf32>
    %neg3A = arith.constant 0.000000e+00 : f32
    %neg3A_5 = vector.broadcast %neg3A : f32 to vector<128x128xf32>
    %neg3A_6 = arith.subf %neg3A_5, %add3A : vector<128x128xf32>
    %exp3A = math.exp %neg3A_6 : vector<128x128xf32>
    %add3A_7 = arith.constant 1.000000e+00 : f32
    %add3A_8 = vector.broadcast %add3A_7 : f32 to vector<128x128xf32>
    %add3A_9 = arith.addf %add3A_8, %exp3A : vector<128x128xf32>
    %div3A = arith.constant 1.000000e+00 : f32
    %div3A_10 = vector.broadcast %div3A : f32 to vector<128x128xf32>
    %div3A_11 = arith.divf %div3A_10, %add3A_9 : vector<128x128xf32>
    %swap3A = arith.constant 0 : index
    %swap3A_12 = arith.constant 0 : index
    %swap3A_13 = vector.load %arg2[%swap3A, %swap3A_12] : memref<128x128xf32, #tpu.memory_space<vmem>>, vector<128x128xf32>
    tpu.vector_store %arg2[%swap3A, %swap3A_12], %div3A_11 {strides = array<i32>} : memref<128x128xf32, #tpu.memory_space<vmem>>, vector<128x128xf32>,
    return
  }
}

module attributes {stable_mosaic.version = 14 : i64} {
  func.func @_tc_body(%arg0: i32, %arg1: memref<100x512xi32, #tpu.memory_space<vmem>>, %arg2: memref<104x128xf32, #tpu.memory_space<vmem>>, %arg3: memref<104x64xbf16, #tpu.memory_space<vmem>>, %arg4: memref<6400x512xbf16, #tpu.memory_space<vmem>>, %arg5: memref<512x256xbf16, #tpu.memory_space<vmem>>, %arg6: memref<1x256xf32, #tpu.memory_space<vmem>>, %arg7: memref<1x512xf32, #tpu.memory_space<vmem>>, %arg8: memref<1x512xf32, #tpu.memory_space<vmem>>, %arg9: memref<1x512xf32, #tpu.memory_space<vmem>>, %arg10: memref<1x256xf32, #tpu.memory_space<vmem>>, %arg11: memref<1x256xf32, #tpu.memory_space<vmem>>, %arg12: memref<1x256xf32, #tpu.memory_space<vmem>>, %arg13: memref<1x1xf32, #tpu.memory_space<vmem>>, %arg14: memref<1x4x128xf32, #tpu.memory_space<vmem>>, %arg15: memref<10400x512xbf16, #tpu.memory_space<vmem>>, %arg16: memref<10400x512xbf16, #tpu.memory_space<vmem>>) attributes {dimension_semantics = [#tpu.dimension_semantics<arbitrary>], iteration_bounds = array<i64: 32>, scalar_prefetch = 0 : i64, scratch_operands = 2 : i64, tpu.core_type = #tpu.core_type<tc>, window_params = [{transform_indices = @transform_0, window_bounds = array<i64: 100, 512>}, {pipeline_mode = #tpu.pipeline_mode<synchronous>, transform_indices = @transform_1, window_bounds = array<i64: 104, 128>}, {pipeline_mode = #tpu.pipeline_mode<synchronous>, transform_indices = @transform_2, window_bounds = array<i64: 104, 64>}, {pipeline_mode = #tpu.pipeline_mode<synchronous>, transform_indices = @transform_3, window_bounds = array<i64: 6400, 512>}, {pipeline_mode = #tpu.pipeline_mode<synchronous>, transform_indices = @transform_4, window_bounds = array<i64: 512, 256>}, {pipeline_mode = #tpu.pipeline_mode<synchronous>, transform_indices = @transform_5, window_bounds = array<i64: 1, 256>}, {pipeline_mode = #tpu.pipeline_mode<synchronous>, transform_indices = @transform_6, window_bounds = array<i64: 1, 512>}, {pipeline_mode = #tpu.pipeline_mode<synchronous>, transform_indices = @transform_7, window_bounds = array<i64: 1, 512>}, {pipeline_mode = #tpu.pipeline_mode<synchronous>, transform_indices = @transform_8, window_bounds = array<i64: 1, 512>}, {pipeline_mode = #tpu.pipeline_mode<synchronous>, transform_indices = @transform_9, window_bounds = array<i64: 1, 256>}, {pipeline_mode = #tpu.pipeline_mode<synchronous>, transform_indices = @transform_10, window_bounds = array<i64: 1, 256>}, {pipeline_mode = #tpu.pipeline_mode<synchronous>, transform_indices = @transform_11, window_bounds = array<i64: 1, 256>}, {pipeline_mode = #tpu.pipeline_mode<synchronous>, transform_indices = @transform_12, window_bounds = array<i64: 1, 1>}, {transform_indices = @transform_13, window_bounds = array<i64: 1, 4, 128>}]} {
    %eq3A = arith.constant 0 : i32
    %eq3A_0 = arith.cmpi eq, %arg0, %eq3A : i32
    %convert_element_type3A = arith.extui %eq3A_0 : i1 to i32
    %cond3A = arith.constant 0 : i32
    %cond3A_1 = arith.cmpi ne, %convert_element_type3A, %cond3A : i32
    scf.if %cond3A_1 {
      %get3A_1386 = arith.constant 0 : index
      %get3A_1387 = arith.constant 0 : index
      %get3A_1388 = vector.load %arg3[%get3A_1386, %get3A_1387] : memref<104x64xbf16, #tpu.memory_space<vmem>>, vector<104x64xbf16>
      %get3A_1389 = arith.constant 0 : index
      %get3A_1390 = arith.constant 0 : index
      %get3A_1391 = vector.load %arg4[%get3A_1389, %get3A_1390] : memref<6400x512xbf16, #tpu.memory_space<vmem>>, vector<64x512xbf16>
      %dot_general3A_1392 = arith.constant dense<0.000000e+00> : vector<104x512xf32>
      %dot_general3A_1393 = tpu.matmul %get3A_1388, %get3A_1391, %dot_general3A_1392 {dimension_numbers = #tpu.dot_dimension_numbers<[1], [0], [0], [1], [0, 0, 1, 1], [], []>, transpose_lhs_hint = false} : vector<104x64xbf16>, vector<64x512xbf16>, vector<104x512xf32> -> vector<104x512xf32>
      %convert_element_type3A_1394 = arith.truncf %dot_general3A_1393 : vector<104x512xf32> to vector<104x512xbf16>
      %swap3A_1395 = arith.constant 0 : index
      %swap3A_1396 = arith.constant 0 : index
      %swap3A_1397 = vector.load %arg16[%swap3A_1395, %swap3A_1396] : memref<10400x512xbf16, #tpu.memory_space<vmem>>, vector<104x512xbf16>
      tpu.vector_store %arg16[%swap3A_1395, %swap3A_1396], %convert_element_type3A_1394 {strides = array<i32>} : memref<10400x512xbf16, #tpu.memory_space<vmem>>, vector<104x512xbf16>,
      %get3A_1398 = arith.constant 0 : index
      %get3A_1399 = arith.constant 0 : index
      %get3A_1400 = vector.load %arg3[%get3A_1398, %get3A_1399] : memref<104x64xbf16, #tpu.memory_space<vmem>>, vector<104x64xbf16>
      %get3A_1401 = arith.constant 64 : index
      %get3A_1402 = arith.constant 0 : index
      %get3A_1403 = vector.load %arg4[%get3A_1401, %get3A_1402] : memref<6400x512xbf16, #tpu.memory_space<vmem>>, vector<64x512xbf16>
      %dot_general3A_1404 = arith.constant dense<0.000000e+00> : vector<104x512xf32>
      %dot_general3A_1405 = tpu.matmul %get3A_1400, %get3A_1403, %dot_general3A_1404 {dimension_numbers = #tpu.dot_dimension_numbers<[1], [0], [0], [1], [0, 0, 1, 1], [], []>, transpose_lhs_hint = false} : vector<104x64xbf16>, vector<64x512xbf16>, vector<104x512xf32> -> vector<104x512xf32>
      %convert_element_type3A_1406 = arith.truncf %dot_general3A_1405 : vector<104x512xf32> to vector<104x512xbf16>
      %swap3A_1407 = arith.constant 104 : index
      %swap3A_1408 = arith.constant 0 : index
      %swap3A_1409 = vector.load %arg16[%swap3A_1407, %swap3A_1408] : memref<10400x512xbf16, #tpu.memory_space<vmem>>, vector<104x512xbf16>
      tpu.vector_store %arg16[%swap3A_1407, %swap3A_1408], %convert_element_type3A_1406 {strides = array<i32>} : memref<10400x512xbf16, #tpu.memory_space<vmem>>, vector<104x512xbf16>,
      %get3A_1410 = arith.constant 0 : index
      %get3A_1411 = arith.constant 0 : index
      %get3A_1412 = vector.load %arg3[%get3A_1410, %get3A_1411] : memref<104x64xbf16, #tpu.memory_space<vmem>>, vector<104x64xbf16>
      %get3A_1413 = arith.constant 128 : index
      %get3A_1414 = arith.constant 0 : index
      %get3A_1415 = vector.load %arg4[%get3A_1413, %get3A_1414] : memref<6400x512xbf16, #tpu.memory_space<vmem>>, vector<64x512xbf16>
      %dot_general3A_1416 = arith.constant dense<0.000000e+00> : vector<104x512xf32>
      %dot_general3A_1417 = tpu.matmul %get3A_1412, %get3A_1415, %dot_general3A_1416 {dimension_numbers = #tpu.dot_dimension_numbers<[1], [0], [0], [1], [0, 0, 1, 1], [], []>, transpose_lhs_hint = false} : vector<104x64xbf16>, vector<64x512xbf16>, vector<104x512xf32> -> vector<104x512xf32>
      %convert_element_type3A_1418 = arith.truncf %dot_general3A_1417 : vector<104x512xf32> to vector<104x512xbf16>
      %swap3A_1419 = arith.constant 208 : index
      %swap3A_1420 = arith.constant 0 : index
      %swap3A_1421 = vector.load %arg16[%swap3A_1419, %swap3A_1420] : memref<10400x512xbf16, #tpu.memory_space<vmem>>, vector<104x512xbf16>
      tpu.vector_store %arg16[%swap3A_1419, %swap3A_1420], %convert_element_type3A_1418 {strides = array<i32>} : memref<10400x512xbf16, #tpu.memory_space<vmem>>, vector<104x512xbf16>,
      %get3A_1422 = arith.constant 0 : index
      %get3A_1423 = arith.constant 0 : index
      %get3A_1424 = vector.load %arg3[%get3A_1422, %get3A_1423] : memref<104x64xbf16, #tpu.memory_space<vmem>>, vector<104x64xbf16>
      %get3A_1425 = arith.constant 192 : index
      %get3A_1426 = arith.constant 0 : index
      %get3A_1427 = vector.load %arg4[%get3A_1425, %get3A_1426] : memref<6400x512xbf16, #tpu.memory_space<vmem>>, vector<64x512xbf16>
      %dot_general3A_1428 = arith.constant dense<0.000000e+00> : vector<104x512xf32>
      %dot_general3A_1429 = tpu.matmul %get3A_1424, %get3A_1427, %dot_general3A_1428 {dimension_numbers = #tpu.dot_dimension_numbers<[1], [0], [0], [1], [0, 0, 1, 1], [], []>, transpose_lhs_hint = false} : vector<104x64xbf16>, vector<64x512xbf16>, vector<104x512xf32> -> vector<104x512xf32>
      %convert_element_type3A_1430 = arith.truncf %dot_general3A_1429 : vector<104x512xf32> to vector<104x512xbf16>
      %swap3A_1431 = arith.constant 312 : index
      %swap3A_1432 = arith.constant 0 : index
      %swap3A_1433 = vector.load %arg16[%swap3A_1431, %swap3A_1432] : memref<10400x512xbf16, #tpu.memory_space<vmem>>, vector<104x512xbf16>
      tpu.vector_store %arg16[%swap3A_1431, %swap3A_1432], %convert_element_type3A_1430 {strides = array<i32>} : memref<10400x512xbf16, #tpu.memory_space<vmem>>, vector<104x512xbf16>,
      %get3A_1434 = arith.constant 0 : index
      %get3A_1435 = arith.constant 0 : index
      %get3A_1436 = vector.load %arg3[%get3A_1434, %get3A_1435] : memref<104x64xbf16, #tpu.memory_space<vmem>>, vector<104x64xbf16>
      %get3A_1437 = arith.constant 256 : index
      %get3A_1438 = arith.constant 0 : index
      %get3A_1439 = vector.load %arg4[%get3A_1437, %get3A_1438] : memref<6400x512xbf16, #tpu.memory_space<vmem>>, vector<64x512xbf16>
      %dot_general3A_1440 = arith.constant dense<0.000000e+00> : vector<104x512xf32>
      %dot_general3A_1441 = tpu.matmul %get3A_1436, %get3A_1439, %dot_general3A_1440 {dimension_numbers = #tpu.dot_dimension_numbers<[1], [0], [0], [1], [0, 0, 1, 1], [], []>, transpose_lhs_hint = false} : vector<104x64xbf16>, vector<64x512xbf16>, vector<104x512xf32> -> vector<104x512xf32>
      %convert_element_type3A_1442 = arith.truncf %dot_general3A_1441 : vector<104x512xf32> to vector<104x512xbf16>
      %swap3A_1443 = arith.constant 416 : index
      %swap3A_1444 = arith.constant 0 : index
      %swap3A_1445 = vector.load %arg16[%swap3A_1443, %swap3A_1444] : memref<10400x512xbf16, #tpu.memory_space<vmem>>, vector<104x512xbf16>
      tpu.vector_store %arg16[%swap3A_1443, %swap3A_1444], %convert_element_type3A_1442 {strides = array<i32>} : memref<10400x512xbf16, #tpu.memory_space<vmem>>, vector<104x512xbf16>,
      %get3A_1446 = arith.constant 0 : index
      %get3A_1447 = arith.constant 0 : index
      %get3A_1448 = vector.load %arg3[%get3A_1446, %get3A_1447] : memref<104x64xbf16, #tpu.memory_space<vmem>>, vector<104x64xbf16>
      %get3A_1449 = arith.constant 320 : index
      %get3A_1450 = arith.constant 0 : index
      %get3A_1451 = vector.load %arg4[%get3A_1449, %get3A_1450] : memref<6400x512xbf16, #tpu.memory_space<vmem>>, vector<64x512xbf16>
      %dot_general3A_1452 = arith.constant dense<0.000000e+00> : vector<104x512xf32>
      %dot_general3A_1453 = tpu.matmul %get3A_1448, %get3A_1451, %dot_general3A_1452 {dimension_numbers = #tpu.dot_dimension_numbers<[1], [0], [0], [1], [0, 0, 1, 1], [], []>, transpose_lhs_hint = false} : vector<104x64xbf16>, vector<64x512xbf16>, vector<104x512xf32> -> vector<104x512xf32>
      %convert_element_type3A_1454 = arith.truncf %dot_general3A_1453 : vector<104x512xf32> to vector<104x512xbf16>
      %swap3A_1455 = arith.constant 520 : index
      %swap3A_1456 = arith.constant 0 : index
      %swap3A_1457 = vector.load %arg16[%swap3A_1455, %swap3A_1456] : memref<10400x512xbf16, #tpu.memory_space<vmem>>, vector<104x512xbf16>
      tpu.vector_store %arg16[%swap3A_1455, %swap3A_1456], %convert_element_type3A_1454 {strides = array<i32>} : memref<10400x512xbf16, #tpu.memory_space<vmem>>, vector<104x512xbf16>,
      %get3A_1458 = arith.constant 0 : index
      %get3A_1459 = arith.constant 0 : index
      %get3A_1460 = vector.load %arg3[%get3A_1458, %get3A_1459] : memref<104x64xbf16, #tpu.memory_space<vmem>>, vector<104x64xbf16>
      %get3A_1461 = arith.constant 384 : index
      %get3A_1462 = arith.constant 0 : index
      %get3A_1463 = vector.load %arg4[%get3A_1461, %get3A_1462] : memref<6400x512xbf16, #tpu.memory_space<vmem>>, vector<64x512xbf16>
      %dot_general3A_1464 = arith.constant dense<0.000000e+00> : vector<104x512xf32>
      %dot_general3A_1465 = tpu.matmul %get3A_1460, %get3A_1463, %dot_general3A_1464 {dimension_numbers = #tpu.dot_dimension_numbers<[1], [0], [0], [1], [0, 0, 1, 1], [], []>, transpose_lhs_hint = false} : vector<104x64xbf16>, vector<64x512xbf16>, vector<104x512xf32> -> vector<104x512xf32>
      %convert_element_type3A_1466 = arith.truncf %dot_general3A_1465 : vector<104x512xf32> to vector<104x512xbf16>
      %swap3A_1467 = arith.constant 624 : index
      %swap3A_1468 = arith.constant 0 : index
      %swap3A_1469 = vector.load %arg16[%swap3A_1467, %swap3A_1468] : memref<10400x512xbf16, #tpu.memory_space<vmem>>, vector<104x512xbf16>
      tpu.vector_store %arg16[%swap3A_1467, %swap3A_1468], %convert_element_type3A_1466 {strides = array<i32>} : memref<10400x512xbf16, #tpu.memory_space<vmem>>, vector<104x512xbf16>,
      %get3A_1470 = arith.constant 0 : index
      %get3A_1471 = arith.constant 0 : index
      %get3A_1472 = vector.load %arg3[%get3A_1470, %get3A_1471] : memref<104x64xbf16, #tpu.memory_space<vmem>>, vector<104x64xbf16>
      %get3A_1473 = arith.constant 448 : index
      %get3A_1474 = arith.constant 0 : index
      %get3A_1475 = vector.load %arg4[%get3A_1473, %get3A_1474] : memref<6400x512xbf16, #tpu.memory_space<vmem>>, vector<64x512xbf16>
      %dot_general3A_1476 = arith.constant dense<0.000000e+00> : vector<104x512xf32>
      %dot_general3A_1477 = tpu.matmul %get3A_1472, %get3A_1475, %dot_general3A_1476 {dimension_numbers = #tpu.dot_dimension_numbers<[1], [0], [0], [1], [0, 0, 1, 1], [], []>, transpose_lhs_hint = false} : vector<104x64xbf16>, vector<64x512xbf16>, vector<104x512xf32> -> vector<104x512xf32>
      %convert_element_type3A_1478 = arith.truncf %dot_general3A_1477 : vector<104x512xf32> to vector<104x512xbf16>
      %swap3A_1479 = arith.constant 728 : index
      %swap3A_1480 = arith.constant 0 : index
      %swap3A_1481 = vector.load %arg16[%swap3A_1479, %swap3A_1480] : memref<10400x512xbf16, #tpu.memory_space<vmem>>, vector<104x512xbf16>
      tpu.vector_store %arg16[%swap3A_1479, %swap3A_1480], %convert_element_type3A_1478 {strides = array<i32>} : memref<10400x512xbf16, #tpu.memory_space<vmem>>, vector<104x512xbf16>,
      %get3A_1482 = arith.constant 0 : index
      %get3A_1483 = arith.constant 0 : index
      %get3A_1484 = vector.load %arg3[%get3A_1482, %get3A_1483] : memref<104x64xbf16, #tpu.memory_space<vmem>>, vector<104x64xbf16>
      %get3A_1485 = arith.constant 512 : index
      %get3A_1486 = arith.constant 0 : index
      %get3A_1487 = vector.load %arg4[%get3A_1485, %get3A_1486] : memref<6400x512xbf16, #tpu.memory_space<vmem>>, vector<64x512xbf16>
      %dot_general3A_1488 = arith.constant dense<0.000000e+00> : vector<104x512xf32>
      %dot_general3A_1489 = tpu.matmul %get3A_1484, %get3A_1487, %dot_general3A_1488 {dimension_numbers = #tpu.dot_dimension_numbers<[1], [0], [0], [1], [0, 0, 1, 1], [], []>, transpose_lhs_hint = false} : vector<104x64xbf16>, vector<64x512xbf16>, vector<104x512xf32> -> vector<104x512xf32>
      %convert_element_type3A_1490 = arith.truncf %dot_general3A_1489 : vector<104x512xf32> to vector<104x512xbf16>
      %swap3A_1491 = arith.constant 832 : index
      %swap3A_1492 = arith.constant 0 : index
      %swap3A_1493 = vector.load %arg16[%swap3A_1491, %swap3A_1492] : memref<10400x512xbf16, #tpu.memory_space<vmem>>, vector<104x512xbf16>
      tpu.vector_store %arg16[%swap3A_1491, %swap3A_1492], %convert_element_type3A_1490 {strides = array<i32>} : memref<10400x512xbf16, #tpu.memory_space<vmem>>, vector<104x512xbf16>,
      %get3A_1494 = arith.constant 0 : index
      %get3A_1495 = arith.constant 0 : index
      %get3A_1496 = vector.load %arg3[%get3A_1494, %get3A_1495] : memref<104x64xbf16, #tpu.memory_space<vmem>>, vector<104x64xbf16>
      %get3A_1497 = arith.constant 576 : index
      %get3A_1498 = arith.constant 0 : index
      %get3A_1499 = vector.load %arg4[%get3A_1497, %get3A_1498] : memref<6400x512xbf16, #tpu.memory_space<vmem>>, vector<64x512xbf16>
      %dot_general3A_1500 = arith.constant dense<0.000000e+00> : vector<104x512xf32>
      %dot_general3A_1501 = tpu.matmul %get3A_1496, %get3A_1499, %dot_general3A_1500 {dimension_numbers = #tpu.dot_dimension_numbers<[1], [0], [0], [1], [0, 0, 1, 1], [], []>, transpose_lhs_hint = false} : vector<104x64xbf16>, vector<64x512xbf16>, vector<104x512xf32> -> vector<104x512xf32>
      %convert_element_type3A_1502 = arith.truncf %dot_general3A_1501 : vector<104x512xf32> to vector<104x512xbf16>
      %swap3A_1503 = arith.constant 936 : index
      %swap3A_1504 = arith.constant 0 : index
      %swap3A_1505 = vector.load %arg16[%swap3A_1503, %swap3A_1504] : memref<10400x512xbf16, #tpu.memory_space<vmem>>, vector<104x512xbf16>
      tpu.vector_store %arg16[%swap3A_1503, %swap3A_1504], %convert_element_type3A_1502 {strides = array<i32>} : memref<10400x512xbf16, #tpu.memory_space<vmem>>, vector<104x512xbf16>,
      %get3A_1506 = arith.constant 0 : index
      %get3A_1507 = arith.constant 0 : index
      %get3A_1508 = vector.load %arg3[%get3A_1506, %get3A_1507] : memref<104x64xbf16, #tpu.memory_space<vmem>>, vector<104x64xbf16>
      %get3A_1509 = arith.constant 640 : index
      %get3A_1510 = arith.constant 0 : index
      %get3A_1511 = vector.load %arg4[%get3A_1509, %get3A_1510] : memref<6400x512xbf16, #tpu.memory_space<vmem>>, vector<64x512xbf16>
      %dot_general3A_1512 = arith.constant dense<0.000000e+00> : vector<104x512xf32>
      %dot_general3A_1513 = tpu.matmul %get3A_1508, %get3A_1511, %dot_general3A_1512 {dimension_numbers = #tpu.dot_dimension_numbers<[1], [0], [0], [1], [0, 0, 1, 1], [], []>, transpose_lhs_hint = false} : vector<104x64xbf16>, vector<64x512xbf16>, vector<104x512xf32> -> vector<104x512xf32>
      %convert_element_type3A_1514 = arith.truncf %dot_general3A_1513 : vector<104x512xf32> to vector<104x512xbf16>
      %swap3A_1515 = arith.constant 1040 : index
      %swap3A_1516 = arith.constant 0 : index
      %swap3A_1517 = vector.load %arg16[%swap3A_1515, %swap3A_1516] : memref<10400x512xbf16, #tpu.memory_space<vmem>>, vector<104x512xbf16>
      tpu.vector_store %arg16[%swap3A_1515, %swap3A_1516], %convert_element_type3A_1514 {strides = array<i32>} : memref<10400x512xbf16, #tpu.memory_space<vmem>>, vector<104x512xbf16>,
      %get3A_1518 = arith.constant 0 : index
      %get3A_1519 = arith.constant 0 : index
      %get3A_1520 = vector.load %arg3[%get3A_1518, %get3A_1519] : memref<104x64xbf16, #tpu.memory_space<vmem>>, vector<104x64xbf16>
      %get3A_1521 = arith.constant 704 : index
      %get3A_1522 = arith.constant 0 : index
      %get3A_1523 = vector.load %arg4[%get3A_1521, %get3A_1522] : memref<6400x512xbf16, #tpu.memory_space<vmem>>, vector<64x512xbf16>
      %dot_general3A_1524 = arith.constant dense<0.000000e+00> : vector<104x512xf32>
      %dot_general3A_1525 = tpu.matmul %get3A_1520, %get3A_1523, %dot_general3A_1524 {dimension_numbers = #tpu.dot_dimension_numbers<[1], [0], [0], [1], [0, 0, 1, 1], [], []>, transpose_lhs_hint = false} : vector<104x64xbf16>, vector<64x512xbf16>, vector<104x512xf32> -> vector<104x512xf32>
      %convert_element_type3A_1526 = arith.truncf %dot_general3A_1525 : vector<104x512xf32> to vector<104x512xbf16>
      %swap3A_1527 = arith.constant 1144 : index
      %swap3A_1528 = arith.constant 0 : index
      %swap3A_1529 = vector.load %arg16[%swap3A_1527, %swap3A_1528] : memref<10400x512xbf16, #tpu.memory_space<vmem>>, vector<104x512xbf16>
      tpu.vector_store %arg16[%swap3A_1527, %swap3A_1528], %convert_element_type3A_1526 {strides = array<i32>} : memref<10400x512xbf16, #tpu.memory_space<vmem>>, vector<104x512xbf16>,
      %get3A_1530 = arith.constant 0 : index
      %get3A_1531 = arith.constant 0 : index
      %get3A_1532 = vector.load %arg3[%get3A_1530, %get3A_1531] : memref<104x64xbf16, #tpu.memory_space<vmem>>, vector<104x64xbf16>
      %get3A_1533 = arith.constant 768 : index
      %get3A_1534 = arith.constant 0 : index
      %get3A_1535 = vector.load %arg4[%get3A_1533, %get3A_1534] : memref<6400x512xbf16, #tpu.memory_space<vmem>>, vector<64x512xbf16>
      %dot_general3A_1536 = arith.constant dense<0.000000e+00> : vector<104x512xf32>
      %dot_general3A_1537 = tpu.matmul %get3A_1532, %get3A_1535, %dot_general3A_1536 {dimension_numbers = #tpu.dot_dimension_numbers<[1], [0], [0], [1], [0, 0, 1, 1], [], []>, transpose_lhs_hint = false} : vector<104x64xbf16>, vector<64x512xbf16>, vector<104x512xf32> -> vector<104x512xf32>
      %convert_element_type3A_1538 = arith.truncf %dot_general3A_1537 : vector<104x512xf32> to vector<104x512xbf16>
      %swap3A_1539 = arith.constant 1248 : index
      %swap3A_1540 = arith.constant 0 : index
      %swap3A_1541 = vector.load %arg16[%swap3A_1539, %swap3A_1540] : memref<10400x512xbf16, #tpu.memory_space<vmem>>, vector<104x512xbf16>
      tpu.vector_store %arg16[%swap3A_1539, %swap3A_1540], %convert_element_type3A_1538 {strides = array<i32>} : memref<10400x512xbf16, #tpu.memory_space<vmem>>, vector<104x512xbf16>,
      %get3A_1542 = arith.constant 0 : index
      %get3A_1543 = arith.constant 0 : index
      %get3A_1544 = vector.load %arg3[%get3A_1542, %get3A_1543] : memref<104x64xbf16, #tpu.memory_space<vmem>>, vector<104x64xbf16>
      %get3A_1545 = arith.constant 832 : index
      %get3A_1546 = arith.constant 0 : index
      %get3A_1547 = vector.load %arg4[%get3A_1545, %get3A_1546] : memref<6400x512xbf16, #tpu.memory_space<vmem>>, vector<64x512xbf16>
      %dot_general3A_1548 = arith.constant dense<0.000000e+00> : vector<104x512xf32>
      %dot_general3A_1549 = tpu.matmul %get3A_1544, %get3A_1547, %dot_general3A_1548 {dimension_numbers = #tpu.dot_dimension_numbers<[1], [0], [0], [1], [0, 0, 1, 1], [], []>, transpose_lhs_hint = false} : vector<104x64xbf16>, vector<64x512xbf16>, vector<104x512xf32> -> vector<104x512xf32>
      %convert_element_type3A_1550 = arith.truncf %dot_general3A_1549 : vector<104x512xf32> to vector<104x512xbf16>
      %swap3A_1551 = arith.constant 1352 : index
      %swap3A_1552 = arith.constant 0 : index
      %swap3A_1553 = vector.load %arg16[%swap3A_1551, %swap3A_1552] : memref<10400x512xbf16, #tpu.memory_space<vmem>>, vector<104x512xbf16>
      tpu.vector_store %arg16[%swap3A_1551, %swap3A_1552], %convert_element_type3A_1550 {strides = array<i32>} : memref<10400x512xbf16, #tpu.memory_space<vmem>>, vector<104x512xbf16>,
      %get3A_1554 = arith.constant 0 : index
      %get3A_1555 = arith.constant 0 : index
      %get3A_1556 = vector.load %arg3[%get3A_1554, %get3A_1555] : memref<104x64xbf16, #tpu.memory_space<vmem>>, vector<104x64xbf16>
      %get3A_1557 = arith.constant 896 : index
      %get3A_1558 = arith.constant 0 : index
      %get3A_1559 = vector.load %arg4[%get3A_1557, %get3A_1558] : memref<6400x512xbf16, #tpu.memory_space<vmem>>, vector<64x512xbf16>
      %dot_general3A_1560 = arith.constant dense<0.000000e+00> : vector<104x512xf32>
      %dot_general3A_1561 = tpu.matmul %get3A_1556, %get3A_1559, %dot_general3A_1560 {dimension_numbers = #tpu.dot_dimension_numbers<[1], [0], [0], [1], [0, 0, 1, 1], [], []>, transpose_lhs_hint = false} : vector<104x64xbf16>, vector<64x512xbf16>, vector<104x512xf32> -> vector<104x512xf32>
      %convert_element_type3A_1562 = arith.truncf %dot_general3A_1561 : vector<104x512xf32> to vector<104x512xbf16>
      %swap3A_1563 = arith.constant 1456 : index
      %swap3A_1564 = arith.constant 0 : index
      %swap3A_1565 = vector.load %arg16[%swap3A_1563, %swap3A_1564] : memref<10400x512xbf16, #tpu.memory_space<vmem>>, vector<104x512xbf16>
      tpu.vector_store %arg16[%swap3A_1563, %swap3A_1564], %convert_element_type3A_1562 {strides = array<i32>} : memref<10400x512xbf16, #tpu.memory_space<vmem>>, vector<104x512xbf16>,
      %get3A_1566 = arith.constant 0 : index
      %get3A_1567 = arith.constant 0 : index
      %get3A_1568 = vector.load %arg3[%get3A_1566, %get3A_1567] : memref<104x64xbf16, #tpu.memory_space<vmem>>, vector<104x64xbf16>
      %get3A_1569 = arith.constant 960 : index
      %get3A_1570 = arith.constant 0 : index
      %get3A_1571 = vector.load %arg4[%get3A_1569, %get3A_1570] : memref<6400x512xbf16, #tpu.memory_space<vmem>>, vector<64x512xbf16>
      %dot_general3A_1572 = arith.constant dense<0.000000e+00> : vector<104x512xf32>
      %dot_general3A_1573 = tpu.matmul %get3A_1568, %get3A_1571, %dot_general3A_1572 {dimension_numbers = #tpu.dot_dimension_numbers<[1], [0], [0], [1], [0, 0, 1, 1], [], []>, transpose_lhs_hint = false} : vector<104x64xbf16>, vector<64x512xbf16>, vector<104x512xf32> -> vector<104x512xf32>
      %convert_element_type3A_1574 = arith.truncf %dot_general3A_1573 : vector<104x512xf32> to vector<104x512xbf16>
      %swap3A_1575 = arith.constant 1560 : index
      %swap3A_1576 = arith.constant 0 : index
      %swap3A_1577 = vector.load %arg16[%swap3A_1575, %swap3A_1576] : memref<10400x512xbf16, #tpu.memory_space<vmem>>, vector<104x512xbf16>
      tpu.vector_store %arg16[%swap3A_1575, %swap3A_1576], %convert_element_type3A_1574 {strides = array<i32>} : memref<10400x512xbf16, #tpu.memory_space<vmem>>, vector<104x512xbf16>,
      %get3A_1578 = arith.constant 0 : index
      %get3A_1579 = arith.constant 0 : index
      %get3A_1580 = vector.load %arg3[%get3A_1578, %get3A_1579] : memref<104x64xbf16, #tpu.memory_space<vmem>>, vector<104x64xbf16>
      %get3A_1581 = arith.constant 1024 : index
      %get3A_1582 = arith.constant 0 : index
      %get3A_1583 = vector.load %arg4[%get3A_1581, %get3A_1582] : memref<6400x512xbf16, #tpu.memory_space<vmem>>, vector<64x512xbf16>
      %dot_general3A_1584 = arith.constant dense<0.000000e+00> : vector<104x512xf32>
      %dot_general3A_1585 = tpu.matmul %get3A_1580, %get3A_1583, %dot_general3A_1584 {dimension_numbers = #tpu.dot_dimension_numbers<[1], [0], [0], [1], [0, 0, 1, 1], [], []>, transpose_lhs_hint = false} : vector<104x64xbf16>, vector<64x512xbf16>, vector<104x512xf32> -> vector<104x512xf32>
      %convert_element_type3A_1586 = arith.truncf %dot_general3A_1585 : vector<104x512xf32> to vector<104x512xbf16>
      %swap3A_1587 = arith.constant 1664 : index
      %swap3A_1588 = arith.constant 0 : index
      %swap3A_1589 = vector.load %arg16[%swap3A_1587, %swap3A_1588] : memref<10400x512xbf16, #tpu.memory_space<vmem>>, vector<104x512xbf16>
      tpu.vector_store %arg16[%swap3A_1587, %swap3A_1588], %convert_element_type3A_1586 {strides = array<i32>} : memref<10400x512xbf16, #tpu.memory_space<vmem>>, vector<104x512xbf16>,
      %get3A_1590 = arith.constant 0 : index
      %get3A_1591 = arith.constant 0 : index
      %get3A_1592 = vector.load %arg3[%get3A_1590, %get3A_1591] : memref<104x64xbf16, #tpu.memory_space<vmem>>, vector<104x64xbf16>
      %get3A_1593 = arith.constant 1088 : index
      %get3A_1594 = arith.constant 0 : index
      %get3A_1595 = vector.load %arg4[%get3A_1593, %get3A_1594] : memref<6400x512xbf16, #tpu.memory_space<vmem>>, vector<64x512xbf16>
      %dot_general3A_1596 = arith.constant dense<0.000000e+00> : vector<104x512xf32>
      %dot_general3A_1597 = tpu.matmul %get3A_1592, %get3A_1595, %dot_general3A_1596 {dimension_numbers = #tpu.dot_dimension_numbers<[1], [0], [0], [1], [0, 0, 1, 1], [], []>, transpose_lhs_hint = false} : vector<104x64xbf16>, vector<64x512xbf16>, vector<104x512xf32> -> vector<104x512xf32>
      %convert_element_type3A_1598 = arith.truncf %dot_general3A_1597 : vector<104x512xf32> to vector<104x512xbf16>
      %swap3A_1599 = arith.constant 1768 : index
      %swap3A_1600 = arith.constant 0 : index
      %swap3A_1601 = vector.load %arg16[%swap3A_1599, %swap3A_1600] : memref<10400x512xbf16, #tpu.memory_space<vmem>>, vector<104x512xbf16>
      tpu.vector_store %arg16[%swap3A_1599, %swap3A_1600], %convert_element_type3A_1598 {strides = array<i32>} : memref<10400x512xbf16, #tpu.memory_space<vmem>>, vector<104x512xbf16>,
      %get3A_1602 = arith.constant 0 : index
      %get3A_1603 = arith.constant 0 : index
      %get3A_1604 = vector.load %arg3[%get3A_1602, %get3A_1603] : memref<104x64xbf16, #tpu.memory_space<vmem>>, vector<104x64xbf16>
      %get3A_1605 = arith.constant 1152 : index
      %get3A_1606 = arith.constant 0 : index
      %get3A_1607 = vector.load %arg4[%get3A_1605, %get3A_1606] : memref<6400x512xbf16, #tpu.memory_space<vmem>>, vector<64x512xbf16>
      %dot_general3A_1608 = arith.constant dense<0.000000e+00> : vector<104x512xf32>
      %dot_general3A_1609 = tpu.matmul %get3A_1604, %get3A_1607, %dot_general3A_1608 {dimension_numbers = #tpu.dot_dimension_numbers<[1], [0], [0], [1], [0, 0, 1, 1], [], []>, transpose_lhs_hint = false} : vector<104x64xbf16>, vector<64x512xbf16>, vector<104x512xf32> -> vector<104x512xf32>
      %convert_element_type3A_1610 = arith.truncf %dot_general3A_1609 : vector<104x512xf32> to vector<104x512xbf16>
      %swap3A_1611 = arith.constant 1872 : index
      %swap3A_1612 = arith.constant 0 : index
      %swap3A_1613 = vector.load %arg16[%swap3A_1611, %swap3A_1612] : memref<10400x512xbf16, #tpu.memory_space<vmem>>, vector<104x512xbf16>
      tpu.vector_store %arg16[%swap3A_1611, %swap3A_1612], %convert_element_type3A_1610 {strides = array<i32>} : memref<10400x512xbf16, #tpu.memory_space<vmem>>, vector<104x512xbf16>,
      %get3A_1614 = arith.constant 0 : index
      %get3A_1615 = arith.constant 0 : index
      %get3A_1616 = vector.load %arg3[%get3A_1614, %get3A_1615] : memref<104x64xbf16, #tpu.memory_space<vmem>>, vector<104x64xbf16>
      %get3A_1617 = arith.constant 1216 : index
      %get3A_1618 = arith.constant 0 : index
      %get3A_1619 = vector.load %arg4[%get3A_1617, %get3A_1618] : memref<6400x512xbf16, #tpu.memory_space<vmem>>, vector<64x512xbf16>
      %dot_general3A_1620 = arith.constant dense<0.000000e+00> : vector<104x512xf32>
      %dot_general3A_1621 = tpu.matmul %get3A_1616, %get3A_1619, %dot_general3A_1620 {dimension_numbers = #tpu.dot_dimension_numbers<[1], [0], [0], [1], [0, 0, 1, 1], [], []>, transpose_lhs_hint = false} : vector<104x64xbf16>, vector<64x512xbf16>, vector<104x512xf32> -> vector<104x512xf32>
      %convert_element_type3A_1622 = arith.truncf %dot_general3A_1621 : vector<104x512xf32> to vector<104x512xbf16>
      %swap3A_1623 = arith.constant 1976 : index
      %swap3A_1624 = arith.constant 0 : index
      %swap3A_1625 = vector.load %arg16[%swap3A_1623, %swap3A_1624] : memref<10400x512xbf16, #tpu.memory_space<vmem>>, vector<104x512xbf16>
      tpu.vector_store %arg16[%swap3A_1623, %swap3A_1624], %convert_element_type3A_1622 {strides = array<i32>} : memref<10400x512xbf16, #tpu.memory_space<vmem>>, vector<104x512xbf16>,
      %get3A_1626 = arith.constant 0 : index
      %get3A_1627 = arith.constant 0 : index
      %get3A_1628 = vector.load %arg3[%get3A_1626, %get3A_1627] : memref<104x64xbf16, #tpu.memory_space<vmem>>, vector<104x64xbf16>
      %get3A_1629 = arith.constant 1280 : index
      %get3A_1630 = arith.constant 0 : index
      %get3A_1631 = vector.load %arg4[%get3A_1629, %get3A_1630] : memref<6400x512xbf16, #tpu.memory_space<vmem>>, vector<64x512xbf16>
      %dot_general3A_1632 = arith.constant dense<0.000000e+00> : vector<104x512xf32>
      %dot_general3A_1633 = tpu.matmul %get3A_1628, %get3A_1631, %dot_general3A_1632 {dimension_numbers = #tpu.dot_dimension_numbers<[1], [0], [0], [1], [0, 0, 1, 1], [], []>, transpose_lhs_hint = false} : vector<104x64xbf16>, vector<64x512xbf16>, vector<104x512xf32> -> vector<104x512xf32>
      %convert_element_type3A_1634 = arith.truncf %dot_general3A_1633 : vector<104x512xf32> to vector<104x512xbf16>
      %swap3A_1635 = arith.constant 2080 : index
      %swap3A_1636 = arith.constant 0 : index
      %swap3A_1637 = vector.load %arg16[%swap3A_1635, %swap3A_1636] : memref<10400x512xbf16, #tpu.memory_space<vmem>>, vector<104x512xbf16>
      tpu.vector_store %arg16[%swap3A_1635, %swap3A_1636], %convert_element_type3A_1634 {strides = array<i32>} : memref<10400x512xbf16, #tpu.memory_space<vmem>>, vector<104x512xbf16>,
      %get3A_1638 = arith.constant 0 : index
      %get3A_1639 = arith.constant 0 : index
      %get3A_1640 = vector.load %arg3[%get3A_1638, %get3A_1639] : memref<104x64xbf16, #tpu.memory_space<vmem>>, vector<104x64xbf16>
      %get3A_1641 = arith.constant 1344 : index
      %get3A_1642 = arith.constant 0 : index
      %get3A_1643 = vector.load %arg4[%get3A_1641, %get3A_1642] : memref<6400x512xbf16, #tpu.memory_space<vmem>>, vector<64x512xbf16>
      %dot_general3A_1644 = arith.constant dense<0.000000e+00> : vector<104x512xf32>
      %dot_general3A_1645 = tpu.matmul %get3A_1640, %get3A_1643, %dot_general3A_1644 {dimension_numbers = #tpu.dot_dimension_numbers<[1], [0], [0], [1], [0, 0, 1, 1], [], []>, transpose_lhs_hint = false} : vector<104x64xbf16>, vector<64x512xbf16>, vector<104x512xf32> -> vector<104x512xf32>
      %convert_element_type3A_1646 = arith.truncf %dot_general3A_1645 : vector<104x512xf32> to vector<104x512xbf16>
      %swap3A_1647 = arith.constant 2184 : index
      %swap3A_1648 = arith.constant 0 : index
      %swap3A_1649 = vector.load %arg16[%swap3A_1647, %swap3A_1648] : memref<10400x512xbf16, #tpu.memory_space<vmem>>, vector<104x512xbf16>
      tpu.vector_store %arg16[%swap3A_1647, %swap3A_1648], %convert_element_type3A_1646 {strides = array<i32>} : memref<10400x512xbf16, #tpu.memory_space<vmem>>, vector<104x512xbf16>,
      %get3A_1650 = arith.constant 0 : index
      %get3A_1651 = arith.constant 0 : index
      %get3A_1652 = vector.load %arg3[%get3A_1650, %get3A_1651] : memref<104x64xbf16, #tpu.memory_space<vmem>>, vector<104x64xbf16>
      %get3A_1653 = arith.constant 1408 : index
      %get3A_1654 = arith.constant 0 : index
      %get3A_1655 = vector.load %arg4[%get3A_1653, %get3A_1654] : memref<6400x512xbf16, #tpu.memory_space<vmem>>, vector<64x512xbf16>
      %dot_general3A_1656 = arith.constant dense<0.000000e+00> : vector<104x512xf32>
      %dot_general3A_1657 = tpu.matmul %get3A_1652, %get3A_1655, %dot_general3A_1656 {dimension_numbers = #tpu.dot_dimension_numbers<[1], [0], [0], [1], [0, 0, 1, 1], [], []>, transpose_lhs_hint = false} : vector<104x64xbf16>, vector<64x512xbf16>, vector<104x512xf32> -> vector<104x512xf32>
      %convert_element_type3A_1658 = arith.truncf %dot_general3A_1657 : vector<104x512xf32> to vector<104x512xbf16>
      %swap3A_1659 = arith.constant 2288 : index
      %swap3A_1660 = arith.constant 0 : index
      %swap3A_1661 = vector.load %arg16[%swap3A_1659, %swap3A_1660] : memref<10400x512xbf16, #tpu.memory_space<vmem>>, vector<104x512xbf16>
      tpu.vector_store %arg16[%swap3A_1659, %swap3A_1660], %convert_element_type3A_1658 {strides = array<i32>} : memref<10400x512xbf16, #tpu.memory_space<vmem>>, vector<104x512xbf16>,
      %get3A_1662 = arith.constant 0 : index
      %get3A_1663 = arith.constant 0 : index
      %get3A_1664 = vector.load %arg3[%get3A_1662, %get3A_1663] : memref<104x64xbf16, #tpu.memory_space<vmem>>, vector<104x64xbf16>
      %get3A_1665 = arith.constant 1472 : index
      %get3A_1666 = arith.constant 0 : index
      %get3A_1667 = vector.load %arg4[%get3A_1665, %get3A_1666] : memref<6400x512xbf16, #tpu.memory_space<vmem>>, vector<64x512xbf16>
      %dot_general3A_1668 = arith.constant dense<0.000000e+00> : vector<104x512xf32>
      %dot_general3A_1669 = tpu.matmul %get3A_1664, %get3A_1667, %dot_general3A_1668 {dimension_numbers = #tpu.dot_dimension_numbers<[1], [0], [0], [1], [0, 0, 1, 1], [], []>, transpose_lhs_hint = false} : vector<104x64xbf16>, vector<64x512xbf16>, vector<104x512xf32> -> vector<104x512xf32>
      %convert_element_type3A_1670 = arith.truncf %dot_general3A_1669 : vector<104x512xf32> to vector<104x512xbf16>
      %swap3A_1671 = arith.constant 2392 : index
      %swap3A_1672 = arith.constant 0 : index
      %swap3A_1673 = vector.load %arg16[%swap3A_1671, %swap3A_1672] : memref<10400x512xbf16, #tpu.memory_space<vmem>>, vector<104x512xbf16>
      tpu.vector_store %arg16[%swap3A_1671, %swap3A_1672], %convert_element_type3A_1670 {strides = array<i32>} : memref<10400x512xbf16, #tpu.memory_space<vmem>>, vector<104x512xbf16>,
      %get3A_1674 = arith.constant 0 : index
      %get3A_1675 = arith.constant 0 : index
      %get3A_1676 = vector.load %arg3[%get3A_1674, %get3A_1675] : memref<104x64xbf16, #tpu.memory_space<vmem>>, vector<104x64xbf16>
      %get3A_1677 = arith.constant 1536 : index
      %get3A_1678 = arith.constant 0 : index
      %get3A_1679 = vector.load %arg4[%get3A_1677, %get3A_1678] : memref<6400x512xbf16, #tpu.memory_space<vmem>>, vector<64x512xbf16>
      %dot_general3A_1680 = arith.constant dense<0.000000e+00> : vector<104x512xf32>
      %dot_general3A_1681 = tpu.matmul %get3A_1676, %get3A_1679, %dot_general3A_1680 {dimension_numbers = #tpu.dot_dimension_numbers<[1], [0], [0], [1], [0, 0, 1, 1], [], []>, transpose_lhs_hint = false} : vector<104x64xbf16>, vector<64x512xbf16>, vector<104x512xf32> -> vector<104x512xf32>
      %convert_element_type3A_1682 = arith.truncf %dot_general3A_1681 : vector<104x512xf32> to vector<104x512xbf16>
      %swap3A_1683 = arith.constant 2496 : index
      %swap3A_1684 = arith.constant 0 : index
      %swap3A_1685 = vector.load %arg16[%swap3A_1683, %swap3A_1684] : memref<10400x512xbf16, #tpu.memory_space<vmem>>, vector<104x512xbf16>
      tpu.vector_store %arg16[%swap3A_1683, %swap3A_1684], %convert_element_type3A_1682 {strides = array<i32>} : memref<10400x512xbf16, #tpu.memory_space<vmem>>, vector<104x512xbf16>,
      %get3A_1686 = arith.constant 0 : index
      %get3A_1687 = arith.constant 0 : index
      %get3A_1688 = vector.load %arg3[%get3A_1686, %get3A_1687] : memref<104x64xbf16, #tpu.memory_space<vmem>>, vector<104x64xbf16>
      %get3A_1689 = arith.constant 1600 : index
      %get3A_1690 = arith.constant 0 : index
      %get3A_1691 = vector.load %arg4[%get3A_1689, %get3A_1690] : memref<6400x512xbf16, #tpu.memory_space<vmem>>, vector<64x512xbf16>
      %dot_general3A_1692 = arith.constant dense<0.000000e+00> : vector<104x512xf32>
      %dot_general3A_1693 = tpu.matmul %get3A_1688, %get3A_1691, %dot_general3A_1692 {dimension_numbers = #tpu.dot_dimension_numbers<[1], [0], [0], [1], [0, 0, 1, 1], [], []>, transpose_lhs_hint = false} : vector<104x64xbf16>, vector<64x512xbf16>, vector<104x512xf32> -> vector<104x512xf32>
      %convert_element_type3A_1694 = arith.truncf %dot_general3A_1693 : vector<104x512xf32> to vector<104x512xbf16>
      %swap3A_1695 = arith.constant 2600 : index
      %swap3A_1696 = arith.constant 0 : index
      %swap3A_1697 = vector.load %arg16[%swap3A_1695, %swap3A_1696] : memref<10400x512xbf16, #tpu.memory_space<vmem>>, vector<104x512xbf16>
      tpu.vector_store %arg16[%swap3A_1695, %swap3A_1696], %convert_element_type3A_1694 {strides = array<i32>} : memref<10400x512xbf16, #tpu.memory_space<vmem>>, vector<104x512xbf16>,
      %get3A_1698 = arith.constant 0 : index
      %get3A_1699 = arith.constant 0 : index
      %get3A_1700 = vector.load %arg3[%get3A_1698, %get3A_1699] : memref<104x64xbf16, #tpu.memory_space<vmem>>, vector<104x64xbf16>
      %get3A_1701 = arith.constant 1664 : index
      %get3A_1702 = arith.constant 0 : index
      %get3A_1703 = vector.load %arg4[%get3A_1701, %get3A_1702] : memref<6400x512xbf16, #tpu.memory_space<vmem>>, vector<64x512xbf16>
      %dot_general3A_1704 = arith.constant dense<0.000000e+00> : vector<104x512xf32>
      %dot_general3A_1705 = tpu.matmul %get3A_1700, %get3A_1703, %dot_general3A_1704 {dimension_numbers = #tpu.dot_dimension_numbers<[1], [0], [0], [1], [0, 0, 1, 1], [], []>, transpose_lhs_hint = false} : vector<104x64xbf16>, vector<64x512xbf16>, vector<104x512xf32> -> vector<104x512xf32>
      %convert_element_type3A_1706 = arith.truncf %dot_general3A_1705 : vector<104x512xf32> to vector<104x512xbf16>
      %swap3A_1707 = arith.constant 2704 : index
      %swap3A_1708 = arith.constant 0 : index
      %swap3A_1709 = vector.load %arg16[%swap3A_1707, %swap3A_1708] : memref<10400x512xbf16, #tpu.memory_space<vmem>>, vector<104x512xbf16>
      tpu.vector_store %arg16[%swap3A_1707, %swap3A_1708], %convert_element_type3A_1706 {strides = array<i32>} : memref<10400x512xbf16, #tpu.memory_space<vmem>>, vector<104x512xbf16>,
      %get3A_1710 = arith.constant 0 : index
      %get3A_1711 = arith.constant 0 : index
      %get3A_1712 = vector.load %arg3[%get3A_1710, %get3A_1711] : memref<104x64xbf16, #tpu.memory_space<vmem>>, vector<104x64xbf16>
      %get3A_1713 = arith.constant 1728 : index
      %get3A_1714 = arith.constant 0 : index
      %get3A_1715 = vector.load %arg4[%get3A_1713, %get3A_1714] : memref<6400x512xbf16, #tpu.memory_space<vmem>>, vector<64x512xbf16>
      %dot_general3A_1716 = arith.constant dense<0.000000e+00> : vector<104x512xf32>
      %dot_general3A_1717 = tpu.matmul %get3A_1712, %get3A_1715, %dot_general3A_1716 {dimension_numbers = #tpu.dot_dimension_numbers<[1], [0], [0], [1], [0, 0, 1, 1], [], []>, transpose_lhs_hint = false} : vector<104x64xbf16>, vector<64x512xbf16>, vector<104x512xf32> -> vector<104x512xf32>
      %convert_element_type3A_1718 = arith.truncf %dot_general3A_1717 : vector<104x512xf32> to vector<104x512xbf16>
      %swap3A_1719 = arith.constant 2808 : index
      %swap3A_1720 = arith.constant 0 : index
      %swap3A_1721 = vector.load %arg16[%swap3A_1719, %swap3A_1720] : memref<10400x512xbf16, #tpu.memory_space<vmem>>, vector<104x512xbf16>
      tpu.vector_store %arg16[%swap3A_1719, %swap3A_1720], %convert_element_type3A_1718 {strides = array<i32>} : memref<10400x512xbf16, #tpu.memory_space<vmem>>, vector<104x512xbf16>,
      %get3A_1722 = arith.constant 0 : index
      %get3A_1723 = arith.constant 0 : index
      %get3A_1724 = vector.load %arg3[%get3A_1722, %get3A_1723] : memref<104x64xbf16, #tpu.memory_space<vmem>>, vector<104x64xbf16>
      %get3A_1725 = arith.constant 1792 : index
      %get3A_1726 = arith.constant 0 : index
      %get3A_1727 = vector.load %arg4[%get3A_1725, %get3A_1726] : memref<6400x512xbf16, #tpu.memory_space<vmem>>, vector<64x512xbf16>
      %dot_general3A_1728 = arith.constant dense<0.000000e+00> : vector<104x512xf32>
      %dot_general3A_1729 = tpu.matmul %get3A_1724, %get3A_1727, %dot_general3A_1728 {dimension_numbers = #tpu.dot_dimension_numbers<[1], [0], [0], [1], [0, 0, 1, 1], [], []>, transpose_lhs_hint = false} : vector<104x64xbf16>, vector<64x512xbf16>, vector<104x512xf32> -> vector<104x512xf32>
      %convert_element_type3A_1730 = arith.truncf %dot_general3A_1729 : vector<104x512xf32> to vector<104x512xbf16>
      %swap3A_1731 = arith.constant 2912 : index
      %swap3A_1732 = arith.constant 0 : index
      %swap3A_1733 = vector.load %arg16[%swap3A_1731, %swap3A_1732] : memref<10400x512xbf16, #tpu.memory_space<vmem>>, vector<104x512xbf16>
      tpu.vector_store %arg16[%swap3A_1731, %swap3A_1732], %convert_element_type3A_1730 {strides = array<i32>} : memref<10400x512xbf16, #tpu.memory_space<vmem>>, vector<104x512xbf16>,
      %get3A_1734 = arith.constant 0 : index
      %get3A_1735 = arith.constant 0 : index
      %get3A_1736 = vector.load %arg3[%get3A_1734, %get3A_1735] : memref<104x64xbf16, #tpu.memory_space<vmem>>, vector<104x64xbf16>
      %get3A_1737 = arith.constant 1856 : index
      %get3A_1738 = arith.constant 0 : index
      %get3A_1739 = vector.load %arg4[%get3A_1737, %get3A_1738] : memref<6400x512xbf16, #tpu.memory_space<vmem>>, vector<64x512xbf16>
      %dot_general3A_1740 = arith.constant dense<0.000000e+00> : vector<104x512xf32>
      %dot_general3A_1741 = tpu.matmul %get3A_1736, %get3A_1739, %dot_general3A_1740 {dimension_numbers = #tpu.dot_dimension_numbers<[1], [0], [0], [1], [0, 0, 1, 1], [], []>, transpose_lhs_hint = false} : vector<104x64xbf16>, vector<64x512xbf16>, vector<104x512xf32> -> vector<104x512xf32>
      %convert_element_type3A_1742 = arith.truncf %dot_general3A_1741 : vector<104x512xf32> to vector<104x512xbf16>
      %swap3A_1743 = arith.constant 3016 : index
      %swap3A_1744 = arith.constant 0 : index
      %swap3A_1745 = vector.load %arg16[%swap3A_1743, %swap3A_1744] : memref<10400x512xbf16, #tpu.memory_space<vmem>>, vector<104x512xbf16>
      tpu.vector_store %arg16[%swap3A_1743, %swap3A_1744], %convert_element_type3A_1742 {strides = array<i32>} : memref<10400x512xbf16, #tpu.memory_space<vmem>>, vector<104x512xbf16>,
      %get3A_1746 = arith.constant 0 : index
      %get3A_1747 = arith.constant 0 : index
      %get3A_1748 = vector.load %arg3[%get3A_1746, %get3A_1747] : memref<104x64xbf16, #tpu.memory_space<vmem>>, vector<104x64xbf16>
      %get3A_1749 = arith.constant 1920 : index
      %get3A_1750 = arith.constant 0 : index
      %get3A_1751 = vector.load %arg4[%get3A_1749, %get3A_1750] : memref<6400x512xbf16, #tpu.memory_space<vmem>>, vector<64x512xbf16>
      %dot_general3A_1752 = arith.constant dense<0.000000e+00> : vector<104x512xf32>
      %dot_general3A_1753 = tpu.matmul %get3A_1748, %get3A_1751, %dot_general3A_1752 {dimension_numbers = #tpu.dot_dimension_numbers<[1], [0], [0], [1], [0, 0, 1, 1], [], []>, transpose_lhs_hint = false} : vector<104x64xbf16>, vector<64x512xbf16>, vector<104x512xf32> -> vector<104x512xf32>
      %convert_element_type3A_1754 = arith.truncf %dot_general3A_1753 : vector<104x512xf32> to vector<104x512xbf16>
      %swap3A_1755 = arith.constant 3120 : index
      %swap3A_1756 = arith.constant 0 : index
      %swap3A_1757 = vector.load %arg16[%swap3A_1755, %swap3A_1756] : memref<10400x512xbf16, #tpu.memory_space<vmem>>, vector<104x512xbf16>
      tpu.vector_store %arg16[%swap3A_1755, %swap3A_1756], %convert_element_type3A_1754 {strides = array<i32>} : memref<10400x512xbf16, #tpu.memory_space<vmem>>, vector<104x512xbf16>,
      %get3A_1758 = arith.constant 0 : index
      %get3A_1759 = arith.constant 0 : index
      %get3A_1760 = vector.load %arg3[%get3A_1758, %get3A_1759] : memref<104x64xbf16, #tpu.memory_space<vmem>>, vector<104x64xbf16>
      %get3A_1761 = arith.constant 1984 : index
      %get3A_1762 = arith.constant 0 : index
      %get3A_1763 = vector.load %arg4[%get3A_1761, %get3A_1762] : memref<6400x512xbf16, #tpu.memory_space<vmem>>, vector<64x512xbf16>
      %dot_general3A_1764 = arith.constant dense<0.000000e+00> : vector<104x512xf32>
      %dot_general3A_1765 = tpu.matmul %get3A_1760, %get3A_1763, %dot_general3A_1764 {dimension_numbers = #tpu.dot_dimension_numbers<[1], [0], [0], [1], [0, 0, 1, 1], [], []>, transpose_lhs_hint = false} : vector<104x64xbf16>, vector<64x512xbf16>, vector<104x512xf32> -> vector<104x512xf32>
      %convert_element_type3A_1766 = arith.truncf %dot_general3A_1765 : vector<104x512xf32> to vector<104x512xbf16>
      %swap3A_1767 = arith.constant 3224 : index
      %swap3A_1768 = arith.constant 0 : index
      %swap3A_1769 = vector.load %arg16[%swap3A_1767, %swap3A_1768] : memref<10400x512xbf16, #tpu.memory_space<vmem>>, vector<104x512xbf16>
      tpu.vector_store %arg16[%swap3A_1767, %swap3A_1768], %convert_element_type3A_1766 {strides = array<i32>} : memref<10400x512xbf16, #tpu.memory_space<vmem>>, vector<104x512xbf16>,
      %get3A_1770 = arith.constant 0 : index
      %get3A_1771 = arith.constant 0 : index
      %get3A_1772 = vector.load %arg3[%get3A_1770, %get3A_1771] : memref<104x64xbf16, #tpu.memory_space<vmem>>, vector<104x64xbf16>
      %get3A_1773 = arith.constant 2048 : index
      %get3A_1774 = arith.constant 0 : index
      %get3A_1775 = vector.load %arg4[%get3A_1773, %get3A_1774] : memref<6400x512xbf16, #tpu.memory_space<vmem>>, vector<64x512xbf16>
      %dot_general3A_1776 = arith.constant dense<0.000000e+00> : vector<104x512xf32>
      %dot_general3A_1777 = tpu.matmul %get3A_1772, %get3A_1775, %dot_general3A_1776 {dimension_numbers = #tpu.dot_dimension_numbers<[1], [0], [0], [1], [0, 0, 1, 1], [], []>, transpose_lhs_hint = false} : vector<104x64xbf16>, vector<64x512xbf16>, vector<104x512xf32> -> vector<104x512xf32>
      %convert_element_type3A_1778 = arith.truncf %dot_general3A_1777 : vector<104x512xf32> to vector<104x512xbf16>
      %swap3A_1779 = arith.constant 3328 : index
      %swap3A_1780 = arith.constant 0 : index
      %swap3A_1781 = vector.load %arg16[%swap3A_1779, %swap3A_1780] : memref<10400x512xbf16, #tpu.memory_space<vmem>>, vector<104x512xbf16>
      tpu.vector_store %arg16[%swap3A_1779, %swap3A_1780], %convert_element_type3A_1778 {strides = array<i32>} : memref<10400x512xbf16, #tpu.memory_space<vmem>>, vector<104x512xbf16>,
      %get3A_1782 = arith.constant 0 : index
      %get3A_1783 = arith.constant 0 : index
      %get3A_1784 = vector.load %arg3[%get3A_1782, %get3A_1783] : memref<104x64xbf16, #tpu.memory_space<vmem>>, vector<104x64xbf16>
      %get3A_1785 = arith.constant 2112 : index
      %get3A_1786 = arith.constant 0 : index
      %get3A_1787 = vector.load %arg4[%get3A_1785, %get3A_1786] : memref<6400x512xbf16, #tpu.memory_space<vmem>>, vector<64x512xbf16>
      %dot_general3A_1788 = arith.constant dense<0.000000e+00> : vector<104x512xf32>
      %dot_general3A_1789 = tpu.matmul %get3A_1784, %get3A_1787, %dot_general3A_1788 {dimension_numbers = #tpu.dot_dimension_numbers<[1], [0], [0], [1], [0, 0, 1, 1], [], []>, transpose_lhs_hint = false} : vector<104x64xbf16>, vector<64x512xbf16>, vector<104x512xf32> -> vector<104x512xf32>
      %convert_element_type3A_1790 = arith.truncf %dot_general3A_1789 : vector<104x512xf32> to vector<104x512xbf16>
      %swap3A_1791 = arith.constant 3432 : index
      %swap3A_1792 = arith.constant 0 : index
      %swap3A_1793 = vector.load %arg16[%swap3A_1791, %swap3A_1792] : memref<10400x512xbf16, #tpu.memory_space<vmem>>, vector<104x512xbf16>
      tpu.vector_store %arg16[%swap3A_1791, %swap3A_1792], %convert_element_type3A_1790 {strides = array<i32>} : memref<10400x512xbf16, #tpu.memory_space<vmem>>, vector<104x512xbf16>,
      %get3A_1794 = arith.constant 0 : index
      %get3A_1795 = arith.constant 0 : index
      %get3A_1796 = vector.load %arg3[%get3A_1794, %get3A_1795] : memref<104x64xbf16, #tpu.memory_space<vmem>>, vector<104x64xbf16>
      %get3A_1797 = arith.constant 2176 : index
      %get3A_1798 = arith.constant 0 : index
      %get3A_1799 = vector.load %arg4[%get3A_1797, %get3A_1798] : memref<6400x512xbf16, #tpu.memory_space<vmem>>, vector<64x512xbf16>
      %dot_general3A_1800 = arith.constant dense<0.000000e+00> : vector<104x512xf32>
      %dot_general3A_1801 = tpu.matmul %get3A_1796, %get3A_1799, %dot_general3A_1800 {dimension_numbers = #tpu.dot_dimension_numbers<[1], [0], [0], [1], [0, 0, 1, 1], [], []>, transpose_lhs_hint = false} : vector<104x64xbf16>, vector<64x512xbf16>, vector<104x512xf32> -> vector<104x512xf32>
      %convert_element_type3A_1802 = arith.truncf %dot_general3A_1801 : vector<104x512xf32> to vector<104x512xbf16>
      %swap3A_1803 = arith.constant 3536 : index
      %swap3A_1804 = arith.constant 0 : index
      %swap3A_1805 = vector.load %arg16[%swap3A_1803, %swap3A_1804] : memref<10400x512xbf16, #tpu.memory_space<vmem>>, vector<104x512xbf16>
      tpu.vector_store %arg16[%swap3A_1803, %swap3A_1804], %convert_element_type3A_1802 {strides = array<i32>} : memref<10400x512xbf16, #tpu.memory_space<vmem>>, vector<104x512xbf16>,
      %get3A_1806 = arith.constant 0 : index
      %get3A_1807 = arith.constant 0 : index
      %get3A_1808 = vector.load %arg3[%get3A_1806, %get3A_1807] : memref<104x64xbf16, #tpu.memory_space<vmem>>, vector<104x64xbf16>
      %get3A_1809 = arith.constant 2240 : index
      %get3A_1810 = arith.constant 0 : index
      %get3A_1811 = vector.load %arg4[%get3A_1809, %get3A_1810] : memref<6400x512xbf16, #tpu.memory_space<vmem>>, vector<64x512xbf16>
      %dot_general3A_1812 = arith.constant dense<0.000000e+00> : vector<104x512xf32>
      %dot_general3A_1813 = tpu.matmul %get3A_1808, %get3A_1811, %dot_general3A_1812 {dimension_numbers = #tpu.dot_dimension_numbers<[1], [0], [0], [1], [0, 0, 1, 1], [], []>, transpose_lhs_hint = false} : vector<104x64xbf16>, vector<64x512xbf16>, vector<104x512xf32> -> vector<104x512xf32>
      %convert_element_type3A_1814 = arith.truncf %dot_general3A_1813 : vector<104x512xf32> to vector<104x512xbf16>
      %swap3A_1815 = arith.constant 3640 : index
      %swap3A_1816 = arith.constant 0 : index
      %swap3A_1817 = vector.load %arg16[%swap3A_1815, %swap3A_1816] : memref<10400x512xbf16, #tpu.memory_space<vmem>>, vector<104x512xbf16>
      tpu.vector_store %arg16[%swap3A_1815, %swap3A_1816], %convert_element_type3A_1814 {strides = array<i32>} : memref<10400x512xbf16, #tpu.memory_space<vmem>>, vector<104x512xbf16>,
      %get3A_1818 = arith.constant 0 : index
      %get3A_1819 = arith.constant 0 : index
      %get3A_1820 = vector.load %arg3[%get3A_1818, %get3A_1819] : memref<104x64xbf16, #tpu.memory_space<vmem>>, vector<104x64xbf16>
      %get3A_1821 = arith.constant 2304 : index
      %get3A_1822 = arith.constant 0 : index
      %get3A_1823 = vector.load %arg4[%get3A_1821, %get3A_1822] : memref<6400x512xbf16, #tpu.memory_space<vmem>>, vector<64x512xbf16>
      %dot_general3A_1824 = arith.constant dense<0.000000e+00> : vector<104x512xf32>
      %dot_general3A_1825 = tpu.matmul %get3A_1820, %get3A_1823, %dot_general3A_1824 {dimension_numbers = #tpu.dot_dimension_numbers<[1], [0], [0], [1], [0, 0, 1, 1], [], []>, transpose_lhs_hint = false} : vector<104x64xbf16>, vector<64x512xbf16>, vector<104x512xf32> -> vector<104x512xf32>
      %convert_element_type3A_1826 = arith.truncf %dot_general3A_1825 : vector<104x512xf32> to vector<104x512xbf16>
      %swap3A_1827 = arith.constant 3744 : index
      %swap3A_1828 = arith.constant 0 : index
      %swap3A_1829 = vector.load %arg16[%swap3A_1827, %swap3A_1828] : memref<10400x512xbf16, #tpu.memory_space<vmem>>, vector<104x512xbf16>
      tpu.vector_store %arg16[%swap3A_1827, %swap3A_1828], %convert_element_type3A_1826 {strides = array<i32>} : memref<10400x512xbf16, #tpu.memory_space<vmem>>, vector<104x512xbf16>,
      %get3A_1830 = arith.constant 0 : index
      %get3A_1831 = arith.constant 0 : index
      %get3A_1832 = vector.load %arg3[%get3A_1830, %get3A_1831] : memref<104x64xbf16, #tpu.memory_space<vmem>>, vector<104x64xbf16>
      %get3A_1833 = arith.constant 2368 : index
      %get3A_1834 = arith.constant 0 : index
      %get3A_1835 = vector.load %arg4[%get3A_1833, %get3A_1834] : memref<6400x512xbf16, #tpu.memory_space<vmem>>, vector<64x512xbf16>
      %dot_general3A_1836 = arith.constant dense<0.000000e+00> : vector<104x512xf32>
      %dot_general3A_1837 = tpu.matmul %get3A_1832, %get3A_1835, %dot_general3A_1836 {dimension_numbers = #tpu.dot_dimension_numbers<[1], [0], [0], [1], [0, 0, 1, 1], [], []>, transpose_lhs_hint = false} : vector<104x64xbf16>, vector<64x512xbf16>, vector<104x512xf32> -> vector<104x512xf32>
      %convert_element_type3A_1838 = arith.truncf %dot_general3A_1837 : vector<104x512xf32> to vector<104x512xbf16>
      %swap3A_1839 = arith.constant 3848 : index
      %swap3A_1840 = arith.constant 0 : index
      %swap3A_1841 = vector.load %arg16[%swap3A_1839, %swap3A_1840] : memref<10400x512xbf16, #tpu.memory_space<vmem>>, vector<104x512xbf16>
      tpu.vector_store %arg16[%swap3A_1839, %swap3A_1840], %convert_element_type3A_1838 {strides = array<i32>} : memref<10400x512xbf16, #tpu.memory_space<vmem>>, vector<104x512xbf16>,
      %get3A_1842 = arith.constant 0 : index
      %get3A_1843 = arith.constant 0 : index
      %get3A_1844 = vector.load %arg3[%get3A_1842, %get3A_1843] : memref<104x64xbf16, #tpu.memory_space<vmem>>, vector<104x64xbf16>
      %get3A_1845 = arith.constant 2432 : index
      %get3A_1846 = arith.constant 0 : index
      %get3A_1847 = vector.load %arg4[%get3A_1845, %get3A_1846] : memref<6400x512xbf16, #tpu.memory_space<vmem>>, vector<64x512xbf16>
      %dot_general3A_1848 = arith.constant dense<0.000000e+00> : vector<104x512xf32>
      %dot_general3A_1849 = tpu.matmul %get3A_1844, %get3A_1847, %dot_general3A_1848 {dimension_numbers = #tpu.dot_dimension_numbers<[1], [0], [0], [1], [0, 0, 1, 1], [], []>, transpose_lhs_hint = false} : vector<104x64xbf16>, vector<64x512xbf16>, vector<104x512xf32> -> vector<104x512xf32>
      %convert_element_type3A_1850 = arith.truncf %dot_general3A_1849 : vector<104x512xf32> to vector<104x512xbf16>
      %swap3A_1851 = arith.constant 3952 : index
      %swap3A_1852 = arith.constant 0 : index
      %swap3A_1853 = vector.load %arg16[%swap3A_1851, %swap3A_1852] : memref<10400x512xbf16, #tpu.memory_space<vmem>>, vector<104x512xbf16>
      tpu.vector_store %arg16[%swap3A_1851, %swap3A_1852], %convert_element_type3A_1850 {strides = array<i32>} : memref<10400x512xbf16, #tpu.memory_space<vmem>>, vector<104x512xbf16>,
      %get3A_1854 = arith.constant 0 : index
      %get3A_1855 = arith.constant 0 : index
      %get3A_1856 = vector.load %arg3[%get3A_1854, %get3A_1855] : memref<104x64xbf16, #tpu.memory_space<vmem>>, vector<104x64xbf16>
      %get3A_1857 = arith.constant 2496 : index
      %get3A_1858 = arith.constant 0 : index
      %get3A_1859 = vector.load %arg4[%get3A_1857, %get3A_1858] : memref<6400x512xbf16, #tpu.memory_space<vmem>>, vector<64x512xbf16>
      %dot_general3A_1860 = arith.constant dense<0.000000e+00> : vector<104x512xf32>
      %dot_general3A_1861 = tpu.matmul %get3A_1856, %get3A_1859, %dot_general3A_1860 {dimension_numbers = #tpu.dot_dimension_numbers<[1], [0], [0], [1], [0, 0, 1, 1], [], []>, transpose_lhs_hint = false} : vector<104x64xbf16>, vector<64x512xbf16>, vector<104x512xf32> -> vector<104x512xf32>
      %convert_element_type3A_1862 = arith.truncf %dot_general3A_1861 : vector<104x512xf32> to vector<104x512xbf16>
      %swap3A_1863 = arith.constant 4056 : index
      %swap3A_1864 = arith.constant 0 : index
      %swap3A_1865 = vector.load %arg16[%swap3A_1863, %swap3A_1864] : memref<10400x512xbf16, #tpu.memory_space<vmem>>, vector<104x512xbf16>
      tpu.vector_store %arg16[%swap3A_1863, %swap3A_1864], %convert_element_type3A_1862 {strides = array<i32>} : memref<10400x512xbf16, #tpu.memory_space<vmem>>, vector<104x512xbf16>,
      %get3A_1866 = arith.constant 0 : index
      %get3A_1867 = arith.constant 0 : index
      %get3A_1868 = vector.load %arg3[%get3A_1866, %get3A_1867] : memref<104x64xbf16, #tpu.memory_space<vmem>>, vector<104x64xbf16>
      %get3A_1869 = arith.constant 2560 : index
      %get3A_1870 = arith.constant 0 : index
      %get3A_1871 = vector.load %arg4[%get3A_1869, %get3A_1870] : memref<6400x512xbf16, #tpu.memory_space<vmem>>, vector<64x512xbf16>
      %dot_general3A_1872 = arith.constant dense<0.000000e+00> : vector<104x512xf32>
      %dot_general3A_1873 = tpu.matmul %get3A_1868, %get3A_1871, %dot_general3A_1872 {dimension_numbers = #tpu.dot_dimension_numbers<[1], [0], [0], [1], [0, 0, 1, 1], [], []>, transpose_lhs_hint = false} : vector<104x64xbf16>, vector<64x512xbf16>, vector<104x512xf32> -> vector<104x512xf32>
      %convert_element_type3A_1874 = arith.truncf %dot_general3A_1873 : vector<104x512xf32> to vector<104x512xbf16>
      %swap3A_1875 = arith.constant 4160 : index
      %swap3A_1876 = arith.constant 0 : index
      %swap3A_1877 = vector.load %arg16[%swap3A_1875, %swap3A_1876] : memref<10400x512xbf16, #tpu.memory_space<vmem>>, vector<104x512xbf16>
      tpu.vector_store %arg16[%swap3A_1875, %swap3A_1876], %convert_element_type3A_1874 {strides = array<i32>} : memref<10400x512xbf16, #tpu.memory_space<vmem>>, vector<104x512xbf16>,
      %get3A_1878 = arith.constant 0 : index
      %get3A_1879 = arith.constant 0 : index
      %get3A_1880 = vector.load %arg3[%get3A_1878, %get3A_1879] : memref<104x64xbf16, #tpu.memory_space<vmem>>, vector<104x64xbf16>
      %get3A_1881 = arith.constant 2624 : index
      %get3A_1882 = arith.constant 0 : index
      %get3A_1883 = vector.load %arg4[%get3A_1881, %get3A_1882] : memref<6400x512xbf16, #tpu.memory_space<vmem>>, vector<64x512xbf16>
      %dot_general3A_1884 = arith.constant dense<0.000000e+00> : vector<104x512xf32>
      %dot_general3A_1885 = tpu.matmul %get3A_1880, %get3A_1883, %dot_general3A_1884 {dimension_numbers = #tpu.dot_dimension_numbers<[1], [0], [0], [1], [0, 0, 1, 1], [], []>, transpose_lhs_hint = false} : vector<104x64xbf16>, vector<64x512xbf16>, vector<104x512xf32> -> vector<104x512xf32>
      %convert_element_type3A_1886 = arith.truncf %dot_general3A_1885 : vector<104x512xf32> to vector<104x512xbf16>
      %swap3A_1887 = arith.constant 4264 : index
      %swap3A_1888 = arith.constant 0 : index
      %swap3A_1889 = vector.load %arg16[%swap3A_1887, %swap3A_1888] : memref<10400x512xbf16, #tpu.memory_space<vmem>>, vector<104x512xbf16>
      tpu.vector_store %arg16[%swap3A_1887, %swap3A_1888], %convert_element_type3A_1886 {strides = array<i32>} : memref<10400x512xbf16, #tpu.memory_space<vmem>>, vector<104x512xbf16>,
      %get3A_1890 = arith.constant 0 : index
      %get3A_1891 = arith.constant 0 : index
      %get3A_1892 = vector.load %arg3[%get3A_1890, %get3A_1891] : memref<104x64xbf16, #tpu.memory_space<vmem>>, vector<104x64xbf16>
      %get3A_1893 = arith.constant 2688 : index
      %get3A_1894 = arith.constant 0 : index
      %get3A_1895 = vector.load %arg4[%get3A_1893, %get3A_1894] : memref<6400x512xbf16, #tpu.memory_space<vmem>>, vector<64x512xbf16>
      %dot_general3A_1896 = arith.constant dense<0.000000e+00> : vector<104x512xf32>
      %dot_general3A_1897 = tpu.matmul %get3A_1892, %get3A_1895, %dot_general3A_1896 {dimension_numbers = #tpu.dot_dimension_numbers<[1], [0], [0], [1], [0, 0, 1, 1], [], []>, transpose_lhs_hint = false} : vector<104x64xbf16>, vector<64x512xbf16>, vector<104x512xf32> -> vector<104x512xf32>
      %convert_element_type3A_1898 = arith.truncf %dot_general3A_1897 : vector<104x512xf32> to vector<104x512xbf16>
      %swap3A_1899 = arith.constant 4368 : index
      %swap3A_1900 = arith.constant 0 : index
      %swap3A_1901 = vector.load %arg16[%swap3A_1899, %swap3A_1900] : memref<10400x512xbf16, #tpu.memory_space<vmem>>, vector<104x512xbf16>
      tpu.vector_store %arg16[%swap3A_1899, %swap3A_1900], %convert_element_type3A_1898 {strides = array<i32>} : memref<10400x512xbf16, #tpu.memory_space<vmem>>, vector<104x512xbf16>,
      %get3A_1902 = arith.constant 0 : index
      %get3A_1903 = arith.constant 0 : index
      %get3A_1904 = vector.load %arg3[%get3A_1902, %get3A_1903] : memref<104x64xbf16, #tpu.memory_space<vmem>>, vector<104x64xbf16>
      %get3A_1905 = arith.constant 2752 : index
      %get3A_1906 = arith.constant 0 : index
      %get3A_1907 = vector.load %arg4[%get3A_1905, %get3A_1906] : memref<6400x512xbf16, #tpu.memory_space<vmem>>, vector<64x512xbf16>
      %dot_general3A_1908 = arith.constant dense<0.000000e+00> : vector<104x512xf32>
      %dot_general3A_1909 = tpu.matmul %get3A_1904, %get3A_1907, %dot_general3A_1908 {dimension_numbers = #tpu.dot_dimension_numbers<[1], [0], [0], [1], [0, 0, 1, 1], [], []>, transpose_lhs_hint = false} : vector<104x64xbf16>, vector<64x512xbf16>, vector<104x512xf32> -> vector<104x512xf32>
      %convert_element_type3A_1910 = arith.truncf %dot_general3A_1909 : vector<104x512xf32> to vector<104x512xbf16>
      %swap3A_1911 = arith.constant 4472 : index
      %swap3A_1912 = arith.constant 0 : index
      %swap3A_1913 = vector.load %arg16[%swap3A_1911, %swap3A_1912] : memref<10400x512xbf16, #tpu.memory_space<vmem>>, vector<104x512xbf16>
      tpu.vector_store %arg16[%swap3A_1911, %swap3A_1912], %convert_element_type3A_1910 {strides = array<i32>} : memref<10400x512xbf16, #tpu.memory_space<vmem>>, vector<104x512xbf16>,
      %get3A_1914 = arith.constant 0 : index
      %get3A_1915 = arith.constant 0 : index
      %get3A_1916 = vector.load %arg3[%get3A_1914, %get3A_1915] : memref<104x64xbf16, #tpu.memory_space<vmem>>, vector<104x64xbf16>
      %get3A_1917 = arith.constant 2816 : index
      %get3A_1918 = arith.constant 0 : index
      %get3A_1919 = vector.load %arg4[%get3A_1917, %get3A_1918] : memref<6400x512xbf16, #tpu.memory_space<vmem>>, vector<64x512xbf16>
      %dot_general3A_1920 = arith.constant dense<0.000000e+00> : vector<104x512xf32>
      %dot_general3A_1921 = tpu.matmul %get3A_1916, %get3A_1919, %dot_general3A_1920 {dimension_numbers = #tpu.dot_dimension_numbers<[1], [0], [0], [1], [0, 0, 1, 1], [], []>, transpose_lhs_hint = false} : vector<104x64xbf16>, vector<64x512xbf16>, vector<104x512xf32> -> vector<104x512xf32>
      %convert_element_type3A_1922 = arith.truncf %dot_general3A_1921 : vector<104x512xf32> to vector<104x512xbf16>
      %swap3A_1923 = arith.constant 4576 : index
      %swap3A_1924 = arith.constant 0 : index
      %swap3A_1925 = vector.load %arg16[%swap3A_1923, %swap3A_1924] : memref<10400x512xbf16, #tpu.memory_space<vmem>>, vector<104x512xbf16>
      tpu.vector_store %arg16[%swap3A_1923, %swap3A_1924], %convert_element_type3A_1922 {strides = array<i32>} : memref<10400x512xbf16, #tpu.memory_space<vmem>>, vector<104x512xbf16>,
      %get3A_1926 = arith.constant 0 : index
      %get3A_1927 = arith.constant 0 : index
      %get3A_1928 = vector.load %arg3[%get3A_1926, %get3A_1927] : memref<104x64xbf16, #tpu.memory_space<vmem>>, vector<104x64xbf16>
      %get3A_1929 = arith.constant 2880 : index
      %get3A_1930 = arith.constant 0 : index
      %get3A_1931 = vector.load %arg4[%get3A_1929, %get3A_1930] : memref<6400x512xbf16, #tpu.memory_space<vmem>>, vector<64x512xbf16>
      %dot_general3A_1932 = arith.constant dense<0.000000e+00> : vector<104x512xf32>
      %dot_general3A_1933 = tpu.matmul %get3A_1928, %get3A_1931, %dot_general3A_1932 {dimension_numbers = #tpu.dot_dimension_numbers<[1], [0], [0], [1], [0, 0, 1, 1], [], []>, transpose_lhs_hint = false} : vector<104x64xbf16>, vector<64x512xbf16>, vector<104x512xf32> -> vector<104x512xf32>
      %convert_element_type3A_1934 = arith.truncf %dot_general3A_1933 : vector<104x512xf32> to vector<104x512xbf16>
      %swap3A_1935 = arith.constant 4680 : index
      %swap3A_1936 = arith.constant 0 : index
      %swap3A_1937 = vector.load %arg16[%swap3A_1935, %swap3A_1936] : memref<10400x512xbf16, #tpu.memory_space<vmem>>, vector<104x512xbf16>
      tpu.vector_store %arg16[%swap3A_1935, %swap3A_1936], %convert_element_type3A_1934 {strides = array<i32>} : memref<10400x512xbf16, #tpu.memory_space<vmem>>, vector<104x512xbf16>,
      %get3A_1938 = arith.constant 0 : index
      %get3A_1939 = arith.constant 0 : index
      %get3A_1940 = vector.load %arg3[%get3A_1938, %get3A_1939] : memref<104x64xbf16, #tpu.memory_space<vmem>>, vector<104x64xbf16>
      %get3A_1941 = arith.constant 2944 : index
      %get3A_1942 = arith.constant 0 : index
      %get3A_1943 = vector.load %arg4[%get3A_1941, %get3A_1942] : memref<6400x512xbf16, #tpu.memory_space<vmem>>, vector<64x512xbf16>
      %dot_general3A_1944 = arith.constant dense<0.000000e+00> : vector<104x512xf32>
      %dot_general3A_1945 = tpu.matmul %get3A_1940, %get3A_1943, %dot_general3A_1944 {dimension_numbers = #tpu.dot_dimension_numbers<[1], [0], [0], [1], [0, 0, 1, 1], [], []>, transpose_lhs_hint = false} : vector<104x64xbf16>, vector<64x512xbf16>, vector<104x512xf32> -> vector<104x512xf32>
      %convert_element_type3A_1946 = arith.truncf %dot_general3A_1945 : vector<104x512xf32> to vector<104x512xbf16>
      %swap3A_1947 = arith.constant 4784 : index
      %swap3A_1948 = arith.constant 0 : index
      %swap3A_1949 = vector.load %arg16[%swap3A_1947, %swap3A_1948] : memref<10400x512xbf16, #tpu.memory_space<vmem>>, vector<104x512xbf16>
      tpu.vector_store %arg16[%swap3A_1947, %swap3A_1948], %convert_element_type3A_1946 {strides = array<i32>} : memref<10400x512xbf16, #tpu.memory_space<vmem>>, vector<104x512xbf16>,
      %get3A_1950 = arith.constant 0 : index
      %get3A_1951 = arith.constant 0 : index
      %get3A_1952 = vector.load %arg3[%get3A_1950, %get3A_1951] : memref<104x64xbf16, #tpu.memory_space<vmem>>, vector<104x64xbf16>
      %get3A_1953 = arith.constant 3008 : index
      %get3A_1954 = arith.constant 0 : index
      %get3A_1955 = vector.load %arg4[%get3A_1953, %get3A_1954] : memref<6400x512xbf16, #tpu.memory_space<vmem>>, vector<64x512xbf16>
      %dot_general3A_1956 = arith.constant dense<0.000000e+00> : vector<104x512xf32>
      %dot_general3A_1957 = tpu.matmul %get3A_1952, %get3A_1955, %dot_general3A_1956 {dimension_numbers = #tpu.dot_dimension_numbers<[1], [0], [0], [1], [0, 0, 1, 1], [], []>, transpose_lhs_hint = false} : vector<104x64xbf16>, vector<64x512xbf16>, vector<104x512xf32> -> vector<104x512xf32>
      %convert_element_type3A_1958 = arith.truncf %dot_general3A_1957 : vector<104x512xf32> to vector<104x512xbf16>
      %swap3A_1959 = arith.constant 4888 : index
      %swap3A_1960 = arith.constant 0 : index
      %swap3A_1961 = vector.load %arg16[%swap3A_1959, %swap3A_1960] : memref<10400x512xbf16, #tpu.memory_space<vmem>>, vector<104x512xbf16>
      tpu.vector_store %arg16[%swap3A_1959, %swap3A_1960], %convert_element_type3A_1958 {strides = array<i32>} : memref<10400x512xbf16, #tpu.memory_space<vmem>>, vector<104x512xbf16>,
      %get3A_1962 = arith.constant 0 : index
      %get3A_1963 = arith.constant 0 : index
      %get3A_1964 = vector.load %arg3[%get3A_1962, %get3A_1963] : memref<104x64xbf16, #tpu.memory_space<vmem>>, vector<104x64xbf16>
      %get3A_1965 = arith.constant 3072 : index
      %get3A_1966 = arith.constant 0 : index
      %get3A_1967 = vector.load %arg4[%get3A_1965, %get3A_1966] : memref<6400x512xbf16, #tpu.memory_space<vmem>>, vector<64x512xbf16>
      %dot_general3A_1968 = arith.constant dense<0.000000e+00> : vector<104x512xf32>
      %dot_general3A_1969 = tpu.matmul %get3A_1964, %get3A_1967, %dot_general3A_1968 {dimension_numbers = #tpu.dot_dimension_numbers<[1], [0], [0], [1], [0, 0, 1, 1], [], []>, transpose_lhs_hint = false} : vector<104x64xbf16>, vector<64x512xbf16>, vector<104x512xf32> -> vector<104x512xf32>
      %convert_element_type3A_1970 = arith.truncf %dot_general3A_1969 : vector<104x512xf32> to vector<104x512xbf16>
      %swap3A_1971 = arith.constant 4992 : index
      %swap3A_1972 = arith.constant 0 : index
      %swap3A_1973 = vector.load %arg16[%swap3A_1971, %swap3A_1972] : memref<10400x512xbf16, #tpu.memory_space<vmem>>, vector<104x512xbf16>
      tpu.vector_store %arg16[%swap3A_1971, %swap3A_1972], %convert_element_type3A_1970 {strides = array<i32>} : memref<10400x512xbf16, #tpu.memory_space<vmem>>, vector<104x512xbf16>,
      %get3A_1974 = arith.constant 0 : index
      %get3A_1975 = arith.constant 0 : index
      %get3A_1976 = vector.load %arg3[%get3A_1974, %get3A_1975] : memref<104x64xbf16, #tpu.memory_space<vmem>>, vector<104x64xbf16>
      %get3A_1977 = arith.constant 3136 : index
      %get3A_1978 = arith.constant 0 : index
      %get3A_1979 = vector.load %arg4[%get3A_1977, %get3A_1978] : memref<6400x512xbf16, #tpu.memory_space<vmem>>, vector<64x512xbf16>
      %dot_general3A_1980 = arith.constant dense<0.000000e+00> : vector<104x512xf32>
      %dot_general3A_1981 = tpu.matmul %get3A_1976, %get3A_1979, %dot_general3A_1980 {dimension_numbers = #tpu.dot_dimension_numbers<[1], [0], [0], [1], [0, 0, 1, 1], [], []>, transpose_lhs_hint = false} : vector<104x64xbf16>, vector<64x512xbf16>, vector<104x512xf32> -> vector<104x512xf32>
      %convert_element_type3A_1982 = arith.truncf %dot_general3A_1981 : vector<104x512xf32> to vector<104x512xbf16>
      %swap3A_1983 = arith.constant 5096 : index
      %swap3A_1984 = arith.constant 0 : index
      %swap3A_1985 = vector.load %arg16[%swap3A_1983, %swap3A_1984] : memref<10400x512xbf16, #tpu.memory_space<vmem>>, vector<104x512xbf16>
      tpu.vector_store %arg16[%swap3A_1983, %swap3A_1984], %convert_element_type3A_1982 {strides = array<i32>} : memref<10400x512xbf16, #tpu.memory_space<vmem>>, vector<104x512xbf16>,
      %get3A_1986 = arith.constant 0 : index
      %get3A_1987 = arith.constant 0 : index
      %get3A_1988 = vector.load %arg3[%get3A_1986, %get3A_1987] : memref<104x64xbf16, #tpu.memory_space<vmem>>, vector<104x64xbf16>
      %get3A_1989 = arith.constant 3200 : index
      %get3A_1990 = arith.constant 0 : index
      %get3A_1991 = vector.load %arg4[%get3A_1989, %get3A_1990] : memref<6400x512xbf16, #tpu.memory_space<vmem>>, vector<64x512xbf16>
      %dot_general3A_1992 = arith.constant dense<0.000000e+00> : vector<104x512xf32>
      %dot_general3A_1993 = tpu.matmul %get3A_1988, %get3A_1991, %dot_general3A_1992 {dimension_numbers = #tpu.dot_dimension_numbers<[1], [0], [0], [1], [0, 0, 1, 1], [], []>, transpose_lhs_hint = false} : vector<104x64xbf16>, vector<64x512xbf16>, vector<104x512xf32> -> vector<104x512xf32>
      %convert_element_type3A_1994 = arith.truncf %dot_general3A_1993 : vector<104x512xf32> to vector<104x512xbf16>
      %swap3A_1995 = arith.constant 5200 : index
      %swap3A_1996 = arith.constant 0 : index
      %swap3A_1997 = vector.load %arg16[%swap3A_1995, %swap3A_1996] : memref<10400x512xbf16, #tpu.memory_space<vmem>>, vector<104x512xbf16>
      tpu.vector_store %arg16[%swap3A_1995, %swap3A_1996], %convert_element_type3A_1994 {strides = array<i32>} : memref<10400x512xbf16, #tpu.memory_space<vmem>>, vector<104x512xbf16>,
      %get3A_1998 = arith.constant 0 : index
      %get3A_1999 = arith.constant 0 : index
      %get3A_2000 = vector.load %arg3[%get3A_1998, %get3A_1999] : memref<104x64xbf16, #tpu.memory_space<vmem>>, vector<104x64xbf16>
      %get3A_2001 = arith.constant 3264 : index
      %get3A_2002 = arith.constant 0 : index
      %get3A_2003 = vector.load %arg4[%get3A_2001, %get3A_2002] : memref<6400x512xbf16, #tpu.memory_space<vmem>>, vector<64x512xbf16>
      %dot_general3A_2004 = arith.constant dense<0.000000e+00> : vector<104x512xf32>
      %dot_general3A_2005 = tpu.matmul %get3A_2000, %get3A_2003, %dot_general3A_2004 {dimension_numbers = #tpu.dot_dimension_numbers<[1], [0], [0], [1], [0, 0, 1, 1], [], []>, transpose_lhs_hint = false} : vector<104x64xbf16>, vector<64x512xbf16>, vector<104x512xf32> -> vector<104x512xf32>
      %convert_element_type3A_2006 = arith.truncf %dot_general3A_2005 : vector<104x512xf32> to vector<104x512xbf16>
      %swap3A_2007 = arith.constant 5304 : index
      %swap3A_2008 = arith.constant 0 : index
      %swap3A_2009 = vector.load %arg16[%swap3A_2007, %swap3A_2008] : memref<10400x512xbf16, #tpu.memory_space<vmem>>, vector<104x512xbf16>
      tpu.vector_store %arg16[%swap3A_2007, %swap3A_2008], %convert_element_type3A_2006 {strides = array<i32>} : memref<10400x512xbf16, #tpu.memory_space<vmem>>, vector<104x512xbf16>,
      %get3A_2010 = arith.constant 0 : index
      %get3A_2011 = arith.constant 0 : index
      %get3A_2012 = vector.load %arg3[%get3A_2010, %get3A_2011] : memref<104x64xbf16, #tpu.memory_space<vmem>>, vector<104x64xbf16>
      %get3A_2013 = arith.constant 3328 : index
      %get3A_2014 = arith.constant 0 : index
      %get3A_2015 = vector.load %arg4[%get3A_2013, %get3A_2014] : memref<6400x512xbf16, #tpu.memory_space<vmem>>, vector<64x512xbf16>
      %dot_general3A_2016 = arith.constant dense<0.000000e+00> : vector<104x512xf32>
      %dot_general3A_2017 = tpu.matmul %get3A_2012, %get3A_2015, %dot_general3A_2016 {dimension_numbers = #tpu.dot_dimension_numbers<[1], [0], [0], [1], [0, 0, 1, 1], [], []>, transpose_lhs_hint = false} : vector<104x64xbf16>, vector<64x512xbf16>, vector<104x512xf32> -> vector<104x512xf32>
      %convert_element_type3A_2018 = arith.truncf %dot_general3A_2017 : vector<104x512xf32> to vector<104x512xbf16>
      %swap3A_2019 = arith.constant 5408 : index
      %swap3A_2020 = arith.constant 0 : index
      %swap3A_2021 = vector.load %arg16[%swap3A_2019, %swap3A_2020] : memref<10400x512xbf16, #tpu.memory_space<vmem>>, vector<104x512xbf16>
      tpu.vector_store %arg16[%swap3A_2019, %swap3A_2020], %convert_element_type3A_2018 {strides = array<i32>} : memref<10400x512xbf16, #tpu.memory_space<vmem>>, vector<104x512xbf16>,
      %get3A_2022 = arith.constant 0 : index
      %get3A_2023 = arith.constant 0 : index
      %get3A_2024 = vector.load %arg3[%get3A_2022, %get3A_2023] : memref<104x64xbf16, #tpu.memory_space<vmem>>, vector<104x64xbf16>
      %get3A_2025 = arith.constant 3392 : index
      %get3A_2026 = arith.constant 0 : index
      %get3A_2027 = vector.load %arg4[%get3A_2025, %get3A_2026] : memref<6400x512xbf16, #tpu.memory_space<vmem>>, vector<64x512xbf16>
      %dot_general3A_2028 = arith.constant dense<0.000000e+00> : vector<104x512xf32>
      %dot_general3A_2029 = tpu.matmul %get3A_2024, %get3A_2027, %dot_general3A_2028 {dimension_numbers = #tpu.dot_dimension_numbers<[1], [0], [0], [1], [0, 0, 1, 1], [], []>, transpose_lhs_hint = false} : vector<104x64xbf16>, vector<64x512xbf16>, vector<104x512xf32> -> vector<104x512xf32>
      %convert_element_type3A_2030 = arith.truncf %dot_general3A_2029 : vector<104x512xf32> to vector<104x512xbf16>
      %swap3A_2031 = arith.constant 5512 : index
      %swap3A_2032 = arith.constant 0 : index
      %swap3A_2033 = vector.load %arg16[%swap3A_2031, %swap3A_2032] : memref<10400x512xbf16, #tpu.memory_space<vmem>>, vector<104x512xbf16>
      tpu.vector_store %arg16[%swap3A_2031, %swap3A_2032], %convert_element_type3A_2030 {strides = array<i32>} : memref<10400x512xbf16, #tpu.memory_space<vmem>>, vector<104x512xbf16>,
      %get3A_2034 = arith.constant 0 : index
      %get3A_2035 = arith.constant 0 : index
      %get3A_2036 = vector.load %arg3[%get3A_2034, %get3A_2035] : memref<104x64xbf16, #tpu.memory_space<vmem>>, vector<104x64xbf16>
      %get3A_2037 = arith.constant 3456 : index
      %get3A_2038 = arith.constant 0 : index
      %get3A_2039 = vector.load %arg4[%get3A_2037, %get3A_2038] : memref<6400x512xbf16, #tpu.memory_space<vmem>>, vector<64x512xbf16>
      %dot_general3A_2040 = arith.constant dense<0.000000e+00> : vector<104x512xf32>
      %dot_general3A_2041 = tpu.matmul %get3A_2036, %get3A_2039, %dot_general3A_2040 {dimension_numbers = #tpu.dot_dimension_numbers<[1], [0], [0], [1], [0, 0, 1, 1], [], []>, transpose_lhs_hint = false} : vector<104x64xbf16>, vector<64x512xbf16>, vector<104x512xf32> -> vector<104x512xf32>
      %convert_element_type3A_2042 = arith.truncf %dot_general3A_2041 : vector<104x512xf32> to vector<104x512xbf16>
      %swap3A_2043 = arith.constant 5616 : index
      %swap3A_2044 = arith.constant 0 : index
      %swap3A_2045 = vector.load %arg16[%swap3A_2043, %swap3A_2044] : memref<10400x512xbf16, #tpu.memory_space<vmem>>, vector<104x512xbf16>
      tpu.vector_store %arg16[%swap3A_2043, %swap3A_2044], %convert_element_type3A_2042 {strides = array<i32>} : memref<10400x512xbf16, #tpu.memory_space<vmem>>, vector<104x512xbf16>,
      %get3A_2046 = arith.constant 0 : index
      %get3A_2047 = arith.constant 0 : index
      %get3A_2048 = vector.load %arg3[%get3A_2046, %get3A_2047] : memref<104x64xbf16, #tpu.memory_space<vmem>>, vector<104x64xbf16>
      %get3A_2049 = arith.constant 3520 : index
      %get3A_2050 = arith.constant 0 : index
      %get3A_2051 = vector.load %arg4[%get3A_2049, %get3A_2050] : memref<6400x512xbf16, #tpu.memory_space<vmem>>, vector<64x512xbf16>
      %dot_general3A_2052 = arith.constant dense<0.000000e+00> : vector<104x512xf32>
      %dot_general3A_2053 = tpu.matmul %get3A_2048, %get3A_2051, %dot_general3A_2052 {dimension_numbers = #tpu.dot_dimension_numbers<[1], [0], [0], [1], [0, 0, 1, 1], [], []>, transpose_lhs_hint = false} : vector<104x64xbf16>, vector<64x512xbf16>, vector<104x512xf32> -> vector<104x512xf32>
      %convert_element_type3A_2054 = arith.truncf %dot_general3A_2053 : vector<104x512xf32> to vector<104x512xbf16>
      %swap3A_2055 = arith.constant 5720 : index
      %swap3A_2056 = arith.constant 0 : index
      %swap3A_2057 = vector.load %arg16[%swap3A_2055, %swap3A_2056] : memref<10400x512xbf16, #tpu.memory_space<vmem>>, vector<104x512xbf16>
      tpu.vector_store %arg16[%swap3A_2055, %swap3A_2056], %convert_element_type3A_2054 {strides = array<i32>} : memref<10400x512xbf16, #tpu.memory_space<vmem>>, vector<104x512xbf16>,
      %get3A_2058 = arith.constant 0 : index
      %get3A_2059 = arith.constant 0 : index
      %get3A_2060 = vector.load %arg3[%get3A_2058, %get3A_2059] : memref<104x64xbf16, #tpu.memory_space<vmem>>, vector<104x64xbf16>
      %get3A_2061 = arith.constant 3584 : index
      %get3A_2062 = arith.constant 0 : index
      %get3A_2063 = vector.load %arg4[%get3A_2061, %get3A_2062] : memref<6400x512xbf16, #tpu.memory_space<vmem>>, vector<64x512xbf16>
      %dot_general3A_2064 = arith.constant dense<0.000000e+00> : vector<104x512xf32>
      %dot_general3A_2065 = tpu.matmul %get3A_2060, %get3A_2063, %dot_general3A_2064 {dimension_numbers = #tpu.dot_dimension_numbers<[1], [0], [0], [1], [0, 0, 1, 1], [], []>, transpose_lhs_hint = false} : vector<104x64xbf16>, vector<64x512xbf16>, vector<104x512xf32> -> vector<104x512xf32>
      %convert_element_type3A_2066 = arith.truncf %dot_general3A_2065 : vector<104x512xf32> to vector<104x512xbf16>
      %swap3A_2067 = arith.constant 5824 : index
      %swap3A_2068 = arith.constant 0 : index
      %swap3A_2069 = vector.load %arg16[%swap3A_2067, %swap3A_2068] : memref<10400x512xbf16, #tpu.memory_space<vmem>>, vector<104x512xbf16>
      tpu.vector_store %arg16[%swap3A_2067, %swap3A_2068], %convert_element_type3A_2066 {strides = array<i32>} : memref<10400x512xbf16, #tpu.memory_space<vmem>>, vector<104x512xbf16>,
      %get3A_2070 = arith.constant 0 : index
      %get3A_2071 = arith.constant 0 : index
      %get3A_2072 = vector.load %arg3[%get3A_2070, %get3A_2071] : memref<104x64xbf16, #tpu.memory_space<vmem>>, vector<104x64xbf16>
      %get3A_2073 = arith.constant 3648 : index
      %get3A_2074 = arith.constant 0 : index
      %get3A_2075 = vector.load %arg4[%get3A_2073, %get3A_2074] : memref<6400x512xbf16, #tpu.memory_space<vmem>>, vector<64x512xbf16>
      %dot_general3A_2076 = arith.constant dense<0.000000e+00> : vector<104x512xf32>
      %dot_general3A_2077 = tpu.matmul %get3A_2072, %get3A_2075, %dot_general3A_2076 {dimension_numbers = #tpu.dot_dimension_numbers<[1], [0], [0], [1], [0, 0, 1, 1], [], []>, transpose_lhs_hint = false} : vector<104x64xbf16>, vector<64x512xbf16>, vector<104x512xf32> -> vector<104x512xf32>
      %convert_element_type3A_2078 = arith.truncf %dot_general3A_2077 : vector<104x512xf32> to vector<104x512xbf16>
      %swap3A_2079 = arith.constant 5928 : index
      %swap3A_2080 = arith.constant 0 : index
      %swap3A_2081 = vector.load %arg16[%swap3A_2079, %swap3A_2080] : memref<10400x512xbf16, #tpu.memory_space<vmem>>, vector<104x512xbf16>
      tpu.vector_store %arg16[%swap3A_2079, %swap3A_2080], %convert_element_type3A_2078 {strides = array<i32>} : memref<10400x512xbf16, #tpu.memory_space<vmem>>, vector<104x512xbf16>,
      %get3A_2082 = arith.constant 0 : index
      %get3A_2083 = arith.constant 0 : index
      %get3A_2084 = vector.load %arg3[%get3A_2082, %get3A_2083] : memref<104x64xbf16, #tpu.memory_space<vmem>>, vector<104x64xbf16>
      %get3A_2085 = arith.constant 3712 : index
      %get3A_2086 = arith.constant 0 : index
      %get3A_2087 = vector.load %arg4[%get3A_2085, %get3A_2086] : memref<6400x512xbf16, #tpu.memory_space<vmem>>, vector<64x512xbf16>
      %dot_general3A_2088 = arith.constant dense<0.000000e+00> : vector<104x512xf32>
      %dot_general3A_2089 = tpu.matmul %get3A_2084, %get3A_2087, %dot_general3A_2088 {dimension_numbers = #tpu.dot_dimension_numbers<[1], [0], [0], [1], [0, 0, 1, 1], [], []>, transpose_lhs_hint = false} : vector<104x64xbf16>, vector<64x512xbf16>, vector<104x512xf32> -> vector<104x512xf32>
      %convert_element_type3A_2090 = arith.truncf %dot_general3A_2089 : vector<104x512xf32> to vector<104x512xbf16>
      %swap3A_2091 = arith.constant 6032 : index
      %swap3A_2092 = arith.constant 0 : index
      %swap3A_2093 = vector.load %arg16[%swap3A_2091, %swap3A_2092] : memref<10400x512xbf16, #tpu.memory_space<vmem>>, vector<104x512xbf16>
      tpu.vector_store %arg16[%swap3A_2091, %swap3A_2092], %convert_element_type3A_2090 {strides = array<i32>} : memref<10400x512xbf16, #tpu.memory_space<vmem>>, vector<104x512xbf16>,
      %get3A_2094 = arith.constant 0 : index
      %get3A_2095 = arith.constant 0 : index
      %get3A_2096 = vector.load %arg3[%get3A_2094, %get3A_2095] : memref<104x64xbf16, #tpu.memory_space<vmem>>, vector<104x64xbf16>
      %get3A_2097 = arith.constant 3776 : index
      %get3A_2098 = arith.constant 0 : index
      %get3A_2099 = vector.load %arg4[%get3A_2097, %get3A_2098] : memref<6400x512xbf16, #tpu.memory_space<vmem>>, vector<64x512xbf16>
      %dot_general3A_2100 = arith.constant dense<0.000000e+00> : vector<104x512xf32>
      %dot_general3A_2101 = tpu.matmul %get3A_2096, %get3A_2099, %dot_general3A_2100 {dimension_numbers = #tpu.dot_dimension_numbers<[1], [0], [0], [1], [0, 0, 1, 1], [], []>, transpose_lhs_hint = false} : vector<104x64xbf16>, vector<64x512xbf16>, vector<104x512xf32> -> vector<104x512xf32>
      %convert_element_type3A_2102 = arith.truncf %dot_general3A_2101 : vector<104x512xf32> to vector<104x512xbf16>
      %swap3A_2103 = arith.constant 6136 : index
      %swap3A_2104 = arith.constant 0 : index
      %swap3A_2105 = vector.load %arg16[%swap3A_2103, %swap3A_2104] : memref<10400x512xbf16, #tpu.memory_space<vmem>>, vector<104x512xbf16>
      tpu.vector_store %arg16[%swap3A_2103, %swap3A_2104], %convert_element_type3A_2102 {strides = array<i32>} : memref<10400x512xbf16, #tpu.memory_space<vmem>>, vector<104x512xbf16>,
      %get3A_2106 = arith.constant 0 : index
      %get3A_2107 = arith.constant 0 : index
      %get3A_2108 = vector.load %arg3[%get3A_2106, %get3A_2107] : memref<104x64xbf16, #tpu.memory_space<vmem>>, vector<104x64xbf16>
      %get3A_2109 = arith.constant 3840 : index
      %get3A_2110 = arith.constant 0 : index
      %get3A_2111 = vector.load %arg4[%get3A_2109, %get3A_2110] : memref<6400x512xbf16, #tpu.memory_space<vmem>>, vector<64x512xbf16>
      %dot_general3A_2112 = arith.constant dense<0.000000e+00> : vector<104x512xf32>
      %dot_general3A_2113 = tpu.matmul %get3A_2108, %get3A_2111, %dot_general3A_2112 {dimension_numbers = #tpu.dot_dimension_numbers<[1], [0], [0], [1], [0, 0, 1, 1], [], []>, transpose_lhs_hint = false} : vector<104x64xbf16>, vector<64x512xbf16>, vector<104x512xf32> -> vector<104x512xf32>
      %convert_element_type3A_2114 = arith.truncf %dot_general3A_2113 : vector<104x512xf32> to vector<104x512xbf16>
      %swap3A_2115 = arith.constant 6240 : index
      %swap3A_2116 = arith.constant 0 : index
      %swap3A_2117 = vector.load %arg16[%swap3A_2115, %swap3A_2116] : memref<10400x512xbf16, #tpu.memory_space<vmem>>, vector<104x512xbf16>
      tpu.vector_store %arg16[%swap3A_2115, %swap3A_2116], %convert_element_type3A_2114 {strides = array<i32>} : memref<10400x512xbf16, #tpu.memory_space<vmem>>, vector<104x512xbf16>,
      %get3A_2118 = arith.constant 0 : index
      %get3A_2119 = arith.constant 0 : index
      %get3A_2120 = vector.load %arg3[%get3A_2118, %get3A_2119] : memref<104x64xbf16, #tpu.memory_space<vmem>>, vector<104x64xbf16>
      %get3A_2121 = arith.constant 3904 : index
      %get3A_2122 = arith.constant 0 : index
      %get3A_2123 = vector.load %arg4[%get3A_2121, %get3A_2122] : memref<6400x512xbf16, #tpu.memory_space<vmem>>, vector<64x512xbf16>
      %dot_general3A_2124 = arith.constant dense<0.000000e+00> : vector<104x512xf32>
      %dot_general3A_2125 = tpu.matmul %get3A_2120, %get3A_2123, %dot_general3A_2124 {dimension_numbers = #tpu.dot_dimension_numbers<[1], [0], [0], [1], [0, 0, 1, 1], [], []>, transpose_lhs_hint = false} : vector<104x64xbf16>, vector<64x512xbf16>, vector<104x512xf32> -> vector<104x512xf32>
      %convert_element_type3A_2126 = arith.truncf %dot_general3A_2125 : vector<104x512xf32> to vector<104x512xbf16>
      %swap3A_2127 = arith.constant 6344 : index
      %swap3A_2128 = arith.constant 0 : index
      %swap3A_2129 = vector.load %arg16[%swap3A_2127, %swap3A_2128] : memref<10400x512xbf16, #tpu.memory_space<vmem>>, vector<104x512xbf16>
      tpu.vector_store %arg16[%swap3A_2127, %swap3A_2128], %convert_element_type3A_2126 {strides = array<i32>} : memref<10400x512xbf16, #tpu.memory_space<vmem>>, vector<104x512xbf16>,
      %get3A_2130 = arith.constant 0 : index
      %get3A_2131 = arith.constant 0 : index
      %get3A_2132 = vector.load %arg3[%get3A_2130, %get3A_2131] : memref<104x64xbf16, #tpu.memory_space<vmem>>, vector<104x64xbf16>
      %get3A_2133 = arith.constant 3968 : index
      %get3A_2134 = arith.constant 0 : index
      %get3A_2135 = vector.load %arg4[%get3A_2133, %get3A_2134] : memref<6400x512xbf16, #tpu.memory_space<vmem>>, vector<64x512xbf16>
      %dot_general3A_2136 = arith.constant dense<0.000000e+00> : vector<104x512xf32>
      %dot_general3A_2137 = tpu.matmul %get3A_2132, %get3A_2135, %dot_general3A_2136 {dimension_numbers = #tpu.dot_dimension_numbers<[1], [0], [0], [1], [0, 0, 1, 1], [], []>, transpose_lhs_hint = false} : vector<104x64xbf16>, vector<64x512xbf16>, vector<104x512xf32> -> vector<104x512xf32>
      %convert_element_type3A_2138 = arith.truncf %dot_general3A_2137 : vector<104x512xf32> to vector<104x512xbf16>
      %swap3A_2139 = arith.constant 6448 : index
      %swap3A_2140 = arith.constant 0 : index
      %swap3A_2141 = vector.load %arg16[%swap3A_2139, %swap3A_2140] : memref<10400x512xbf16, #tpu.memory_space<vmem>>, vector<104x512xbf16>
      tpu.vector_store %arg16[%swap3A_2139, %swap3A_2140], %convert_element_type3A_2138 {strides = array<i32>} : memref<10400x512xbf16, #tpu.memory_space<vmem>>, vector<104x512xbf16>,
      %get3A_2142 = arith.constant 0 : index
      %get3A_2143 = arith.constant 0 : index
      %get3A_2144 = vector.load %arg3[%get3A_2142, %get3A_2143] : memref<104x64xbf16, #tpu.memory_space<vmem>>, vector<104x64xbf16>
      %get3A_2145 = arith.constant 4032 : index
      %get3A_2146 = arith.constant 0 : index
      %get3A_2147 = vector.load %arg4[%get3A_2145, %get3A_2146] : memref<6400x512xbf16, #tpu.memory_space<vmem>>, vector<64x512xbf16>
      %dot_general3A_2148 = arith.constant dense<0.000000e+00> : vector<104x512xf32>
      %dot_general3A_2149 = tpu.matmul %get3A_2144, %get3A_2147, %dot_general3A_2148 {dimension_numbers = #tpu.dot_dimension_numbers<[1], [0], [0], [1], [0, 0, 1, 1], [], []>, transpose_lhs_hint = false} : vector<104x64xbf16>, vector<64x512xbf16>, vector<104x512xf32> -> vector<104x512xf32>
      %convert_element_type3A_2150 = arith.truncf %dot_general3A_2149 : vector<104x512xf32> to vector<104x512xbf16>
      %swap3A_2151 = arith.constant 6552 : index
      %swap3A_2152 = arith.constant 0 : index
      %swap3A_2153 = vector.load %arg16[%swap3A_2151, %swap3A_2152] : memref<10400x512xbf16, #tpu.memory_space<vmem>>, vector<104x512xbf16>
      tpu.vector_store %arg16[%swap3A_2151, %swap3A_2152], %convert_element_type3A_2150 {strides = array<i32>} : memref<10400x512xbf16, #tpu.memory_space<vmem>>, vector<104x512xbf16>,
      %get3A_2154 = arith.constant 0 : index
      %get3A_2155 = arith.constant 0 : index
      %get3A_2156 = vector.load %arg3[%get3A_2154, %get3A_2155] : memref<104x64xbf16, #tpu.memory_space<vmem>>, vector<104x64xbf16>
      %get3A_2157 = arith.constant 4096 : index
      %get3A_2158 = arith.constant 0 : index
      %get3A_2159 = vector.load %arg4[%get3A_2157, %get3A_2158] : memref<6400x512xbf16, #tpu.memory_space<vmem>>, vector<64x512xbf16>
      %dot_general3A_2160 = arith.constant dense<0.000000e+00> : vector<104x512xf32>
      %dot_general3A_2161 = tpu.matmul %get3A_2156, %get3A_2159, %dot_general3A_2160 {dimension_numbers = #tpu.dot_dimension_numbers<[1], [0], [0], [1], [0, 0, 1, 1], [], []>, transpose_lhs_hint = false} : vector<104x64xbf16>, vector<64x512xbf16>, vector<104x512xf32> -> vector<104x512xf32>
      %convert_element_type3A_2162 = arith.truncf %dot_general3A_2161 : vector<104x512xf32> to vector<104x512xbf16>
      %swap3A_2163 = arith.constant 6656 : index
      %swap3A_2164 = arith.constant 0 : index
      %swap3A_2165 = vector.load %arg16[%swap3A_2163, %swap3A_2164] : memref<10400x512xbf16, #tpu.memory_space<vmem>>, vector<104x512xbf16>
      tpu.vector_store %arg16[%swap3A_2163, %swap3A_2164], %convert_element_type3A_2162 {strides = array<i32>} : memref<10400x512xbf16, #tpu.memory_space<vmem>>, vector<104x512xbf16>,
      %get3A_2166 = arith.constant 0 : index
      %get3A_2167 = arith.constant 0 : index
      %get3A_2168 = vector.load %arg3[%get3A_2166, %get3A_2167] : memref<104x64xbf16, #tpu.memory_space<vmem>>, vector<104x64xbf16>
      %get3A_2169 = arith.constant 4160 : index
      %get3A_2170 = arith.constant 0 : index
      %get3A_2171 = vector.load %arg4[%get3A_2169, %get3A_2170] : memref<6400x512xbf16, #tpu.memory_space<vmem>>, vector<64x512xbf16>
      %dot_general3A_2172 = arith.constant dense<0.000000e+00> : vector<104x512xf32>
      %dot_general3A_2173 = tpu.matmul %get3A_2168, %get3A_2171, %dot_general3A_2172 {dimension_numbers = #tpu.dot_dimension_numbers<[1], [0], [0], [1], [0, 0, 1, 1], [], []>, transpose_lhs_hint = false} : vector<104x64xbf16>, vector<64x512xbf16>, vector<104x512xf32> -> vector<104x512xf32>
      %convert_element_type3A_2174 = arith.truncf %dot_general3A_2173 : vector<104x512xf32> to vector<104x512xbf16>
      %swap3A_2175 = arith.constant 6760 : index
      %swap3A_2176 = arith.constant 0 : index
      %swap3A_2177 = vector.load %arg16[%swap3A_2175, %swap3A_2176] : memref<10400x512xbf16, #tpu.memory_space<vmem>>, vector<104x512xbf16>
      tpu.vector_store %arg16[%swap3A_2175, %swap3A_2176], %convert_element_type3A_2174 {strides = array<i32>} : memref<10400x512xbf16, #tpu.memory_space<vmem>>, vector<104x512xbf16>,
      %get3A_2178 = arith.constant 0 : index
      %get3A_2179 = arith.constant 0 : index
      %get3A_2180 = vector.load %arg3[%get3A_2178, %get3A_2179] : memref<104x64xbf16, #tpu.memory_space<vmem>>, vector<104x64xbf16>
      %get3A_2181 = arith.constant 4224 : index
      %get3A_2182 = arith.constant 0 : index
      %get3A_2183 = vector.load %arg4[%get3A_2181, %get3A_2182] : memref<6400x512xbf16, #tpu.memory_space<vmem>>, vector<64x512xbf16>
      %dot_general3A_2184 = arith.constant dense<0.000000e+00> : vector<104x512xf32>
      %dot_general3A_2185 = tpu.matmul %get3A_2180, %get3A_2183, %dot_general3A_2184 {dimension_numbers = #tpu.dot_dimension_numbers<[1], [0], [0], [1], [0, 0, 1, 1], [], []>, transpose_lhs_hint = false} : vector<104x64xbf16>, vector<64x512xbf16>, vector<104x512xf32> -> vector<104x512xf32>
      %convert_element_type3A_2186 = arith.truncf %dot_general3A_2185 : vector<104x512xf32> to vector<104x512xbf16>
      %swap3A_2187 = arith.constant 6864 : index
      %swap3A_2188 = arith.constant 0 : index
      %swap3A_2189 = vector.load %arg16[%swap3A_2187, %swap3A_2188] : memref<10400x512xbf16, #tpu.memory_space<vmem>>, vector<104x512xbf16>
      tpu.vector_store %arg16[%swap3A_2187, %swap3A_2188], %convert_element_type3A_2186 {strides = array<i32>} : memref<10400x512xbf16, #tpu.memory_space<vmem>>, vector<104x512xbf16>,
      %get3A_2190 = arith.constant 0 : index
      %get3A_2191 = arith.constant 0 : index
      %get3A_2192 = vector.load %arg3[%get3A_2190, %get3A_2191] : memref<104x64xbf16, #tpu.memory_space<vmem>>, vector<104x64xbf16>
      %get3A_2193 = arith.constant 4288 : index
      %get3A_2194 = arith.constant 0 : index
      %get3A_2195 = vector.load %arg4[%get3A_2193, %get3A_2194] : memref<6400x512xbf16, #tpu.memory_space<vmem>>, vector<64x512xbf16>
      %dot_general3A_2196 = arith.constant dense<0.000000e+00> : vector<104x512xf32>
      %dot_general3A_2197 = tpu.matmul %get3A_2192, %get3A_2195, %dot_general3A_2196 {dimension_numbers = #tpu.dot_dimension_numbers<[1], [0], [0], [1], [0, 0, 1, 1], [], []>, transpose_lhs_hint = false} : vector<104x64xbf16>, vector<64x512xbf16>, vector<104x512xf32> -> vector<104x512xf32>
      %convert_element_type3A_2198 = arith.truncf %dot_general3A_2197 : vector<104x512xf32> to vector<104x512xbf16>
      %swap3A_2199 = arith.constant 6968 : index
      %swap3A_2200 = arith.constant 0 : index
      %swap3A_2201 = vector.load %arg16[%swap3A_2199, %swap3A_2200] : memref<10400x512xbf16, #tpu.memory_space<vmem>>, vector<104x512xbf16>
      tpu.vector_store %arg16[%swap3A_2199, %swap3A_2200], %convert_element_type3A_2198 {strides = array<i32>} : memref<10400x512xbf16, #tpu.memory_space<vmem>>, vector<104x512xbf16>,
      %get3A_2202 = arith.constant 0 : index
      %get3A_2203 = arith.constant 0 : index
      %get3A_2204 = vector.load %arg3[%get3A_2202, %get3A_2203] : memref<104x64xbf16, #tpu.memory_space<vmem>>, vector<104x64xbf16>
      %get3A_2205 = arith.constant 4352 : index
      %get3A_2206 = arith.constant 0 : index
      %get3A_2207 = vector.load %arg4[%get3A_2205, %get3A_2206] : memref<6400x512xbf16, #tpu.memory_space<vmem>>, vector<64x512xbf16>
      %dot_general3A_2208 = arith.constant dense<0.000000e+00> : vector<104x512xf32>
      %dot_general3A_2209 = tpu.matmul %get3A_2204, %get3A_2207, %dot_general3A_2208 {dimension_numbers = #tpu.dot_dimension_numbers<[1], [0], [0], [1], [0, 0, 1, 1], [], []>, transpose_lhs_hint = false} : vector<104x64xbf16>, vector<64x512xbf16>, vector<104x512xf32> -> vector<104x512xf32>
      %convert_element_type3A_2210 = arith.truncf %dot_general3A_2209 : vector<104x512xf32> to vector<104x512xbf16>
      %swap3A_2211 = arith.constant 7072 : index
      %swap3A_2212 = arith.constant 0 : index
      %swap3A_2213 = vector.load %arg16[%swap3A_2211, %swap3A_2212] : memref<10400x512xbf16, #tpu.memory_space<vmem>>, vector<104x512xbf16>
      tpu.vector_store %arg16[%swap3A_2211, %swap3A_2212], %convert_element_type3A_2210 {strides = array<i32>} : memref<10400x512xbf16, #tpu.memory_space<vmem>>, vector<104x512xbf16>,
      %get3A_2214 = arith.constant 0 : index
      %get3A_2215 = arith.constant 0 : index
      %get3A_2216 = vector.load %arg3[%get3A_2214, %get3A_2215] : memref<104x64xbf16, #tpu.memory_space<vmem>>, vector<104x64xbf16>
      %get3A_2217 = arith.constant 4416 : index
      %get3A_2218 = arith.constant 0 : index
      %get3A_2219 = vector.load %arg4[%get3A_2217, %get3A_2218] : memref<6400x512xbf16, #tpu.memory_space<vmem>>, vector<64x512xbf16>
      %dot_general3A_2220 = arith.constant dense<0.000000e+00> : vector<104x512xf32>
      %dot_general3A_2221 = tpu.matmul %get3A_2216, %get3A_2219, %dot_general3A_2220 {dimension_numbers = #tpu.dot_dimension_numbers<[1], [0], [0], [1], [0, 0, 1, 1], [], []>, transpose_lhs_hint = false} : vector<104x64xbf16>, vector<64x512xbf16>, vector<104x512xf32> -> vector<104x512xf32>
      %convert_element_type3A_2222 = arith.truncf %dot_general3A_2221 : vector<104x512xf32> to vector<104x512xbf16>
      %swap3A_2223 = arith.constant 7176 : index
      %swap3A_2224 = arith.constant 0 : index
      %swap3A_2225 = vector.load %arg16[%swap3A_2223, %swap3A_2224] : memref<10400x512xbf16, #tpu.memory_space<vmem>>, vector<104x512xbf16>
      tpu.vector_store %arg16[%swap3A_2223, %swap3A_2224], %convert_element_type3A_2222 {strides = array<i32>} : memref<10400x512xbf16, #tpu.memory_space<vmem>>, vector<104x512xbf16>,
      %get3A_2226 = arith.constant 0 : index
      %get3A_2227 = arith.constant 0 : index
      %get3A_2228 = vector.load %arg3[%get3A_2226, %get3A_2227] : memref<104x64xbf16, #tpu.memory_space<vmem>>, vector<104x64xbf16>
      %get3A_2229 = arith.constant 4480 : index
      %get3A_2230 = arith.constant 0 : index
      %get3A_2231 = vector.load %arg4[%get3A_2229, %get3A_2230] : memref<6400x512xbf16, #tpu.memory_space<vmem>>, vector<64x512xbf16>
      %dot_general3A_2232 = arith.constant dense<0.000000e+00> : vector<104x512xf32>
      %dot_general3A_2233 = tpu.matmul %get3A_2228, %get3A_2231, %dot_general3A_2232 {dimension_numbers = #tpu.dot_dimension_numbers<[1], [0], [0], [1], [0, 0, 1, 1], [], []>, transpose_lhs_hint = false} : vector<104x64xbf16>, vector<64x512xbf16>, vector<104x512xf32> -> vector<104x512xf32>
      %convert_element_type3A_2234 = arith.truncf %dot_general3A_2233 : vector<104x512xf32> to vector<104x512xbf16>
      %swap3A_2235 = arith.constant 7280 : index
      %swap3A_2236 = arith.constant 0 : index
      %swap3A_2237 = vector.load %arg16[%swap3A_2235, %swap3A_2236] : memref<10400x512xbf16, #tpu.memory_space<vmem>>, vector<104x512xbf16>
      tpu.vector_store %arg16[%swap3A_2235, %swap3A_2236], %convert_element_type3A_2234 {strides = array<i32>} : memref<10400x512xbf16, #tpu.memory_space<vmem>>, vector<104x512xbf16>,
      %get3A_2238 = arith.constant 0 : index
      %get3A_2239 = arith.constant 0 : index
      %get3A_2240 = vector.load %arg3[%get3A_2238, %get3A_2239] : memref<104x64xbf16, #tpu.memory_space<vmem>>, vector<104x64xbf16>
      %get3A_2241 = arith.constant 4544 : index
      %get3A_2242 = arith.constant 0 : index
      %get3A_2243 = vector.load %arg4[%get3A_2241, %get3A_2242] : memref<6400x512xbf16, #tpu.memory_space<vmem>>, vector<64x512xbf16>
      %dot_general3A_2244 = arith.constant dense<0.000000e+00> : vector<104x512xf32>
      %dot_general3A_2245 = tpu.matmul %get3A_2240, %get3A_2243, %dot_general3A_2244 {dimension_numbers = #tpu.dot_dimension_numbers<[1], [0], [0], [1], [0, 0, 1, 1], [], []>, transpose_lhs_hint = false} : vector<104x64xbf16>, vector<64x512xbf16>, vector<104x512xf32> -> vector<104x512xf32>
      %convert_element_type3A_2246 = arith.truncf %dot_general3A_2245 : vector<104x512xf32> to vector<104x512xbf16>
      %swap3A_2247 = arith.constant 7384 : index
      %swap3A_2248 = arith.constant 0 : index
      %swap3A_2249 = vector.load %arg16[%swap3A_2247, %swap3A_2248] : memref<10400x512xbf16, #tpu.memory_space<vmem>>, vector<104x512xbf16>
      tpu.vector_store %arg16[%swap3A_2247, %swap3A_2248], %convert_element_type3A_2246 {strides = array<i32>} : memref<10400x512xbf16, #tpu.memory_space<vmem>>, vector<104x512xbf16>,
      %get3A_2250 = arith.constant 0 : index
      %get3A_2251 = arith.constant 0 : index
      %get3A_2252 = vector.load %arg3[%get3A_2250, %get3A_2251] : memref<104x64xbf16, #tpu.memory_space<vmem>>, vector<104x64xbf16>
      %get3A_2253 = arith.constant 4608 : index
      %get3A_2254 = arith.constant 0 : index
      %get3A_2255 = vector.load %arg4[%get3A_2253, %get3A_2254] : memref<6400x512xbf16, #tpu.memory_space<vmem>>, vector<64x512xbf16>
      %dot_general3A_2256 = arith.constant dense<0.000000e+00> : vector<104x512xf32>
      %dot_general3A_2257 = tpu.matmul %get3A_2252, %get3A_2255, %dot_general3A_2256 {dimension_numbers = #tpu.dot_dimension_numbers<[1], [0], [0], [1], [0, 0, 1, 1], [], []>, transpose_lhs_hint = false} : vector<104x64xbf16>, vector<64x512xbf16>, vector<104x512xf32> -> vector<104x512xf32>
      %convert_element_type3A_2258 = arith.truncf %dot_general3A_2257 : vector<104x512xf32> to vector<104x512xbf16>
      %swap3A_2259 = arith.constant 7488 : index
      %swap3A_2260 = arith.constant 0 : index
      %swap3A_2261 = vector.load %arg16[%swap3A_2259, %swap3A_2260] : memref<10400x512xbf16, #tpu.memory_space<vmem>>, vector<104x512xbf16>
      tpu.vector_store %arg16[%swap3A_2259, %swap3A_2260], %convert_element_type3A_2258 {strides = array<i32>} : memref<10400x512xbf16, #tpu.memory_space<vmem>>, vector<104x512xbf16>,
      %get3A_2262 = arith.constant 0 : index
      %get3A_2263 = arith.constant 0 : index
      %get3A_2264 = vector.load %arg3[%get3A_2262, %get3A_2263] : memref<104x64xbf16, #tpu.memory_space<vmem>>, vector<104x64xbf16>
      %get3A_2265 = arith.constant 4672 : index
      %get3A_2266 = arith.constant 0 : index
      %get3A_2267 = vector.load %arg4[%get3A_2265, %get3A_2266] : memref<6400x512xbf16, #tpu.memory_space<vmem>>, vector<64x512xbf16>
      %dot_general3A_2268 = arith.constant dense<0.000000e+00> : vector<104x512xf32>
      %dot_general3A_2269 = tpu.matmul %get3A_2264, %get3A_2267, %dot_general3A_2268 {dimension_numbers = #tpu.dot_dimension_numbers<[1], [0], [0], [1], [0, 0, 1, 1], [], []>, transpose_lhs_hint = false} : vector<104x64xbf16>, vector<64x512xbf16>, vector<104x512xf32> -> vector<104x512xf32>
      %convert_element_type3A_2270 = arith.truncf %dot_general3A_2269 : vector<104x512xf32> to vector<104x512xbf16>
      %swap3A_2271 = arith.constant 7592 : index
      %swap3A_2272 = arith.constant 0 : index
      %swap3A_2273 = vector.load %arg16[%swap3A_2271, %swap3A_2272] : memref<10400x512xbf16, #tpu.memory_space<vmem>>, vector<104x512xbf16>
      tpu.vector_store %arg16[%swap3A_2271, %swap3A_2272], %convert_element_type3A_2270 {strides = array<i32>} : memref<10400x512xbf16, #tpu.memory_space<vmem>>, vector<104x512xbf16>,
      %get3A_2274 = arith.constant 0 : index
      %get3A_2275 = arith.constant 0 : index
      %get3A_2276 = vector.load %arg3[%get3A_2274, %get3A_2275] : memref<104x64xbf16, #tpu.memory_space<vmem>>, vector<104x64xbf16>
      %get3A_2277 = arith.constant 4736 : index
      %get3A_2278 = arith.constant 0 : index
      %get3A_2279 = vector.load %arg4[%get3A_2277, %get3A_2278] : memref<6400x512xbf16, #tpu.memory_space<vmem>>, vector<64x512xbf16>
      %dot_general3A_2280 = arith.constant dense<0.000000e+00> : vector<104x512xf32>
      %dot_general3A_2281 = tpu.matmul %get3A_2276, %get3A_2279, %dot_general3A_2280 {dimension_numbers = #tpu.dot_dimension_numbers<[1], [0], [0], [1], [0, 0, 1, 1], [], []>, transpose_lhs_hint = false} : vector<104x64xbf16>, vector<64x512xbf16>, vector<104x512xf32> -> vector<104x512xf32>
      %convert_element_type3A_2282 = arith.truncf %dot_general3A_2281 : vector<104x512xf32> to vector<104x512xbf16>
      %swap3A_2283 = arith.constant 7696 : index
      %swap3A_2284 = arith.constant 0 : index
      %swap3A_2285 = vector.load %arg16[%swap3A_2283, %swap3A_2284] : memref<10400x512xbf16, #tpu.memory_space<vmem>>, vector<104x512xbf16>
      tpu.vector_store %arg16[%swap3A_2283, %swap3A_2284], %convert_element_type3A_2282 {strides = array<i32>} : memref<10400x512xbf16, #tpu.memory_space<vmem>>, vector<104x512xbf16>,
      %get3A_2286 = arith.constant 0 : index
      %get3A_2287 = arith.constant 0 : index
      %get3A_2288 = vector.load %arg3[%get3A_2286, %get3A_2287] : memref<104x64xbf16, #tpu.memory_space<vmem>>, vector<104x64xbf16>
      %get3A_2289 = arith.constant 4800 : index
      %get3A_2290 = arith.constant 0 : index
      %get3A_2291 = vector.load %arg4[%get3A_2289, %get3A_2290] : memref<6400x512xbf16, #tpu.memory_space<vmem>>, vector<64x512xbf16>
      %dot_general3A_2292 = arith.constant dense<0.000000e+00> : vector<104x512xf32>
      %dot_general3A_2293 = tpu.matmul %get3A_2288, %get3A_2291, %dot_general3A_2292 {dimension_numbers = #tpu.dot_dimension_numbers<[1], [0], [0], [1], [0, 0, 1, 1], [], []>, transpose_lhs_hint = false} : vector<104x64xbf16>, vector<64x512xbf16>, vector<104x512xf32> -> vector<104x512xf32>
      %convert_element_type3A_2294 = arith.truncf %dot_general3A_2293 : vector<104x512xf32> to vector<104x512xbf16>
      %swap3A_2295 = arith.constant 7800 : index
      %swap3A_2296 = arith.constant 0 : index
      %swap3A_2297 = vector.load %arg16[%swap3A_2295, %swap3A_2296] : memref<10400x512xbf16, #tpu.memory_space<vmem>>, vector<104x512xbf16>
      tpu.vector_store %arg16[%swap3A_2295, %swap3A_2296], %convert_element_type3A_2294 {strides = array<i32>} : memref<10400x512xbf16, #tpu.memory_space<vmem>>, vector<104x512xbf16>,
      %get3A_2298 = arith.constant 0 : index
      %get3A_2299 = arith.constant 0 : index
      %get3A_2300 = vector.load %arg3[%get3A_2298, %get3A_2299] : memref<104x64xbf16, #tpu.memory_space<vmem>>, vector<104x64xbf16>
      %get3A_2301 = arith.constant 4864 : index
      %get3A_2302 = arith.constant 0 : index
      %get3A_2303 = vector.load %arg4[%get3A_2301, %get3A_2302] : memref<6400x512xbf16, #tpu.memory_space<vmem>>, vector<64x512xbf16>
      %dot_general3A_2304 = arith.constant dense<0.000000e+00> : vector<104x512xf32>
      %dot_general3A_2305 = tpu.matmul %get3A_2300, %get3A_2303, %dot_general3A_2304 {dimension_numbers = #tpu.dot_dimension_numbers<[1], [0], [0], [1], [0, 0, 1, 1], [], []>, transpose_lhs_hint = false} : vector<104x64xbf16>, vector<64x512xbf16>, vector<104x512xf32> -> vector<104x512xf32>
      %convert_element_type3A_2306 = arith.truncf %dot_general3A_2305 : vector<104x512xf32> to vector<104x512xbf16>
      %swap3A_2307 = arith.constant 7904 : index
      %swap3A_2308 = arith.constant 0 : index
      %swap3A_2309 = vector.load %arg16[%swap3A_2307, %swap3A_2308] : memref<10400x512xbf16, #tpu.memory_space<vmem>>, vector<104x512xbf16>
      tpu.vector_store %arg16[%swap3A_2307, %swap3A_2308], %convert_element_type3A_2306 {strides = array<i32>} : memref<10400x512xbf16, #tpu.memory_space<vmem>>, vector<104x512xbf16>,
      %get3A_2310 = arith.constant 0 : index
      %get3A_2311 = arith.constant 0 : index
      %get3A_2312 = vector.load %arg3[%get3A_2310, %get3A_2311] : memref<104x64xbf16, #tpu.memory_space<vmem>>, vector<104x64xbf16>
      %get3A_2313 = arith.constant 4928 : index
      %get3A_2314 = arith.constant 0 : index
      %get3A_2315 = vector.load %arg4[%get3A_2313, %get3A_2314] : memref<6400x512xbf16, #tpu.memory_space<vmem>>, vector<64x512xbf16>
      %dot_general3A_2316 = arith.constant dense<0.000000e+00> : vector<104x512xf32>
      %dot_general3A_2317 = tpu.matmul %get3A_2312, %get3A_2315, %dot_general3A_2316 {dimension_numbers = #tpu.dot_dimension_numbers<[1], [0], [0], [1], [0, 0, 1, 1], [], []>, transpose_lhs_hint = false} : vector<104x64xbf16>, vector<64x512xbf16>, vector<104x512xf32> -> vector<104x512xf32>
      %convert_element_type3A_2318 = arith.truncf %dot_general3A_2317 : vector<104x512xf32> to vector<104x512xbf16>
      %swap3A_2319 = arith.constant 8008 : index
      %swap3A_2320 = arith.constant 0 : index
      %swap3A_2321 = vector.load %arg16[%swap3A_2319, %swap3A_2320] : memref<10400x512xbf16, #tpu.memory_space<vmem>>, vector<104x512xbf16>
      tpu.vector_store %arg16[%swap3A_2319, %swap3A_2320], %convert_element_type3A_2318 {strides = array<i32>} : memref<10400x512xbf16, #tpu.memory_space<vmem>>, vector<104x512xbf16>,
      %get3A_2322 = arith.constant 0 : index
      %get3A_2323 = arith.constant 0 : index
      %get3A_2324 = vector.load %arg3[%get3A_2322, %get3A_2323] : memref<104x64xbf16, #tpu.memory_space<vmem>>, vector<104x64xbf16>
      %get3A_2325 = arith.constant 4992 : index
      %get3A_2326 = arith.constant 0 : index
      %get3A_2327 = vector.load %arg4[%get3A_2325, %get3A_2326] : memref<6400x512xbf16, #tpu.memory_space<vmem>>, vector<64x512xbf16>
      %dot_general3A_2328 = arith.constant dense<0.000000e+00> : vector<104x512xf32>
      %dot_general3A_2329 = tpu.matmul %get3A_2324, %get3A_2327, %dot_general3A_2328 {dimension_numbers = #tpu.dot_dimension_numbers<[1], [0], [0], [1], [0, 0, 1, 1], [], []>, transpose_lhs_hint = false} : vector<104x64xbf16>, vector<64x512xbf16>, vector<104x512xf32> -> vector<104x512xf32>
      %convert_element_type3A_2330 = arith.truncf %dot_general3A_2329 : vector<104x512xf32> to vector<104x512xbf16>
      %swap3A_2331 = arith.constant 8112 : index
      %swap3A_2332 = arith.constant 0 : index
      %swap3A_2333 = vector.load %arg16[%swap3A_2331, %swap3A_2332] : memref<10400x512xbf16, #tpu.memory_space<vmem>>, vector<104x512xbf16>
      tpu.vector_store %arg16[%swap3A_2331, %swap3A_2332], %convert_element_type3A_2330 {strides = array<i32>} : memref<10400x512xbf16, #tpu.memory_space<vmem>>, vector<104x512xbf16>,
      %get3A_2334 = arith.constant 0 : index
      %get3A_2335 = arith.constant 0 : index
      %get3A_2336 = vector.load %arg3[%get3A_2334, %get3A_2335] : memref<104x64xbf16, #tpu.memory_space<vmem>>, vector<104x64xbf16>
      %get3A_2337 = arith.constant 5056 : index
      %get3A_2338 = arith.constant 0 : index
      %get3A_2339 = vector.load %arg4[%get3A_2337, %get3A_2338] : memref<6400x512xbf16, #tpu.memory_space<vmem>>, vector<64x512xbf16>
      %dot_general3A_2340 = arith.constant dense<0.000000e+00> : vector<104x512xf32>
      %dot_general3A_2341 = tpu.matmul %get3A_2336, %get3A_2339, %dot_general3A_2340 {dimension_numbers = #tpu.dot_dimension_numbers<[1], [0], [0], [1], [0, 0, 1, 1], [], []>, transpose_lhs_hint = false} : vector<104x64xbf16>, vector<64x512xbf16>, vector<104x512xf32> -> vector<104x512xf32>
      %convert_element_type3A_2342 = arith.truncf %dot_general3A_2341 : vector<104x512xf32> to vector<104x512xbf16>
      %swap3A_2343 = arith.constant 8216 : index
      %swap3A_2344 = arith.constant 0 : index
      %swap3A_2345 = vector.load %arg16[%swap3A_2343, %swap3A_2344] : memref<10400x512xbf16, #tpu.memory_space<vmem>>, vector<104x512xbf16>
      tpu.vector_store %arg16[%swap3A_2343, %swap3A_2344], %convert_element_type3A_2342 {strides = array<i32>} : memref<10400x512xbf16, #tpu.memory_space<vmem>>, vector<104x512xbf16>,
      %get3A_2346 = arith.constant 0 : index
      %get3A_2347 = arith.constant 0 : index
      %get3A_2348 = vector.load %arg3[%get3A_2346, %get3A_2347] : memref<104x64xbf16, #tpu.memory_space<vmem>>, vector<104x64xbf16>
      %get3A_2349 = arith.constant 5120 : index
      %get3A_2350 = arith.constant 0 : index
      %get3A_2351 = vector.load %arg4[%get3A_2349, %get3A_2350] : memref<6400x512xbf16, #tpu.memory_space<vmem>>, vector<64x512xbf16>
      %dot_general3A_2352 = arith.constant dense<0.000000e+00> : vector<104x512xf32>
      %dot_general3A_2353 = tpu.matmul %get3A_2348, %get3A_2351, %dot_general3A_2352 {dimension_numbers = #tpu.dot_dimension_numbers<[1], [0], [0], [1], [0, 0, 1, 1], [], []>, transpose_lhs_hint = false} : vector<104x64xbf16>, vector<64x512xbf16>, vector<104x512xf32> -> vector<104x512xf32>
      %convert_element_type3A_2354 = arith.truncf %dot_general3A_2353 : vector<104x512xf32> to vector<104x512xbf16>
      %swap3A_2355 = arith.constant 8320 : index
      %swap3A_2356 = arith.constant 0 : index
      %swap3A_2357 = vector.load %arg16[%swap3A_2355, %swap3A_2356] : memref<10400x512xbf16, #tpu.memory_space<vmem>>, vector<104x512xbf16>
      tpu.vector_store %arg16[%swap3A_2355, %swap3A_2356], %convert_element_type3A_2354 {strides = array<i32>} : memref<10400x512xbf16, #tpu.memory_space<vmem>>, vector<104x512xbf16>,
      %get3A_2358 = arith.constant 0 : index
      %get3A_2359 = arith.constant 0 : index
      %get3A_2360 = vector.load %arg3[%get3A_2358, %get3A_2359] : memref<104x64xbf16, #tpu.memory_space<vmem>>, vector<104x64xbf16>
      %get3A_2361 = arith.constant 5184 : index
      %get3A_2362 = arith.constant 0 : index
      %get3A_2363 = vector.load %arg4[%get3A_2361, %get3A_2362] : memref<6400x512xbf16, #tpu.memory_space<vmem>>, vector<64x512xbf16>
      %dot_general3A_2364 = arith.constant dense<0.000000e+00> : vector<104x512xf32>
      %dot_general3A_2365 = tpu.matmul %get3A_2360, %get3A_2363, %dot_general3A_2364 {dimension_numbers = #tpu.dot_dimension_numbers<[1], [0], [0], [1], [0, 0, 1, 1], [], []>, transpose_lhs_hint = false} : vector<104x64xbf16>, vector<64x512xbf16>, vector<104x512xf32> -> vector<104x512xf32>
      %convert_element_type3A_2366 = arith.truncf %dot_general3A_2365 : vector<104x512xf32> to vector<104x512xbf16>
      %swap3A_2367 = arith.constant 8424 : index
      %swap3A_2368 = arith.constant 0 : index
      %swap3A_2369 = vector.load %arg16[%swap3A_2367, %swap3A_2368] : memref<10400x512xbf16, #tpu.memory_space<vmem>>, vector<104x512xbf16>
      tpu.vector_store %arg16[%swap3A_2367, %swap3A_2368], %convert_element_type3A_2366 {strides = array<i32>} : memref<10400x512xbf16, #tpu.memory_space<vmem>>, vector<104x512xbf16>,
      %get3A_2370 = arith.constant 0 : index
      %get3A_2371 = arith.constant 0 : index
      %get3A_2372 = vector.load %arg3[%get3A_2370, %get3A_2371] : memref<104x64xbf16, #tpu.memory_space<vmem>>, vector<104x64xbf16>
      %get3A_2373 = arith.constant 5248 : index
      %get3A_2374 = arith.constant 0 : index
      %get3A_2375 = vector.load %arg4[%get3A_2373, %get3A_2374] : memref<6400x512xbf16, #tpu.memory_space<vmem>>, vector<64x512xbf16>
      %dot_general3A_2376 = arith.constant dense<0.000000e+00> : vector<104x512xf32>
      %dot_general3A_2377 = tpu.matmul %get3A_2372, %get3A_2375, %dot_general3A_2376 {dimension_numbers = #tpu.dot_dimension_numbers<[1], [0], [0], [1], [0, 0, 1, 1], [], []>, transpose_lhs_hint = false} : vector<104x64xbf16>, vector<64x512xbf16>, vector<104x512xf32> -> vector<104x512xf32>
      %convert_element_type3A_2378 = arith.truncf %dot_general3A_2377 : vector<104x512xf32> to vector<104x512xbf16>
      %swap3A_2379 = arith.constant 8528 : index
      %swap3A_2380 = arith.constant 0 : index
      %swap3A_2381 = vector.load %arg16[%swap3A_2379, %swap3A_2380] : memref<10400x512xbf16, #tpu.memory_space<vmem>>, vector<104x512xbf16>
      tpu.vector_store %arg16[%swap3A_2379, %swap3A_2380], %convert_element_type3A_2378 {strides = array<i32>} : memref<10400x512xbf16, #tpu.memory_space<vmem>>, vector<104x512xbf16>,
      %get3A_2382 = arith.constant 0 : index
      %get3A_2383 = arith.constant 0 : index
      %get3A_2384 = vector.load %arg3[%get3A_2382, %get3A_2383] : memref<104x64xbf16, #tpu.memory_space<vmem>>, vector<104x64xbf16>
      %get3A_2385 = arith.constant 5312 : index
      %get3A_2386 = arith.constant 0 : index
      %get3A_2387 = vector.load %arg4[%get3A_2385, %get3A_2386] : memref<6400x512xbf16, #tpu.memory_space<vmem>>, vector<64x512xbf16>
      %dot_general3A_2388 = arith.constant dense<0.000000e+00> : vector<104x512xf32>
      %dot_general3A_2389 = tpu.matmul %get3A_2384, %get3A_2387, %dot_general3A_2388 {dimension_numbers = #tpu.dot_dimension_numbers<[1], [0], [0], [1], [0, 0, 1, 1], [], []>, transpose_lhs_hint = false} : vector<104x64xbf16>, vector<64x512xbf16>, vector<104x512xf32> -> vector<104x512xf32>
      %convert_element_type3A_2390 = arith.truncf %dot_general3A_2389 : vector<104x512xf32> to vector<104x512xbf16>
      %swap3A_2391 = arith.constant 8632 : index
      %swap3A_2392 = arith.constant 0 : index
      %swap3A_2393 = vector.load %arg16[%swap3A_2391, %swap3A_2392] : memref<10400x512xbf16, #tpu.memory_space<vmem>>, vector<104x512xbf16>
      tpu.vector_store %arg16[%swap3A_2391, %swap3A_2392], %convert_element_type3A_2390 {strides = array<i32>} : memref<10400x512xbf16, #tpu.memory_space<vmem>>, vector<104x512xbf16>,
      %get3A_2394 = arith.constant 0 : index
      %get3A_2395 = arith.constant 0 : index
      %get3A_2396 = vector.load %arg3[%get3A_2394, %get3A_2395] : memref<104x64xbf16, #tpu.memory_space<vmem>>, vector<104x64xbf16>
      %get3A_2397 = arith.constant 5376 : index
      %get3A_2398 = arith.constant 0 : index
      %get3A_2399 = vector.load %arg4[%get3A_2397, %get3A_2398] : memref<6400x512xbf16, #tpu.memory_space<vmem>>, vector<64x512xbf16>
      %dot_general3A_2400 = arith.constant dense<0.000000e+00> : vector<104x512xf32>
      %dot_general3A_2401 = tpu.matmul %get3A_2396, %get3A_2399, %dot_general3A_2400 {dimension_numbers = #tpu.dot_dimension_numbers<[1], [0], [0], [1], [0, 0, 1, 1], [], []>, transpose_lhs_hint = false} : vector<104x64xbf16>, vector<64x512xbf16>, vector<104x512xf32> -> vector<104x512xf32>
      %convert_element_type3A_2402 = arith.truncf %dot_general3A_2401 : vector<104x512xf32> to vector<104x512xbf16>
      %swap3A_2403 = arith.constant 8736 : index
      %swap3A_2404 = arith.constant 0 : index
      %swap3A_2405 = vector.load %arg16[%swap3A_2403, %swap3A_2404] : memref<10400x512xbf16, #tpu.memory_space<vmem>>, vector<104x512xbf16>
      tpu.vector_store %arg16[%swap3A_2403, %swap3A_2404], %convert_element_type3A_2402 {strides = array<i32>} : memref<10400x512xbf16, #tpu.memory_space<vmem>>, vector<104x512xbf16>,
      %get3A_2406 = arith.constant 0 : index
      %get3A_2407 = arith.constant 0 : index
      %get3A_2408 = vector.load %arg3[%get3A_2406, %get3A_2407] : memref<104x64xbf16, #tpu.memory_space<vmem>>, vector<104x64xbf16>
      %get3A_2409 = arith.constant 5440 : index
      %get3A_2410 = arith.constant 0 : index
      %get3A_2411 = vector.load %arg4[%get3A_2409, %get3A_2410] : memref<6400x512xbf16, #tpu.memory_space<vmem>>, vector<64x512xbf16>
      %dot_general3A_2412 = arith.constant dense<0.000000e+00> : vector<104x512xf32>
      %dot_general3A_2413 = tpu.matmul %get3A_2408, %get3A_2411, %dot_general3A_2412 {dimension_numbers = #tpu.dot_dimension_numbers<[1], [0], [0], [1], [0, 0, 1, 1], [], []>, transpose_lhs_hint = false} : vector<104x64xbf16>, vector<64x512xbf16>, vector<104x512xf32> -> vector<104x512xf32>
      %convert_element_type3A_2414 = arith.truncf %dot_general3A_2413 : vector<104x512xf32> to vector<104x512xbf16>
      %swap3A_2415 = arith.constant 8840 : index
      %swap3A_2416 = arith.constant 0 : index
      %swap3A_2417 = vector.load %arg16[%swap3A_2415, %swap3A_2416] : memref<10400x512xbf16, #tpu.memory_space<vmem>>, vector<104x512xbf16>
      tpu.vector_store %arg16[%swap3A_2415, %swap3A_2416], %convert_element_type3A_2414 {strides = array<i32>} : memref<10400x512xbf16, #tpu.memory_space<vmem>>, vector<104x512xbf16>,
      %get3A_2418 = arith.constant 0 : index
      %get3A_2419 = arith.constant 0 : index
      %get3A_2420 = vector.load %arg3[%get3A_2418, %get3A_2419] : memref<104x64xbf16, #tpu.memory_space<vmem>>, vector<104x64xbf16>
      %get3A_2421 = arith.constant 5504 : index
      %get3A_2422 = arith.constant 0 : index
      %get3A_2423 = vector.load %arg4[%get3A_2421, %get3A_2422] : memref<6400x512xbf16, #tpu.memory_space<vmem>>, vector<64x512xbf16>
      %dot_general3A_2424 = arith.constant dense<0.000000e+00> : vector<104x512xf32>
      %dot_general3A_2425 = tpu.matmul %get3A_2420, %get3A_2423, %dot_general3A_2424 {dimension_numbers = #tpu.dot_dimension_numbers<[1], [0], [0], [1], [0, 0, 1, 1], [], []>, transpose_lhs_hint = false} : vector<104x64xbf16>, vector<64x512xbf16>, vector<104x512xf32> -> vector<104x512xf32>
      %convert_element_type3A_2426 = arith.truncf %dot_general3A_2425 : vector<104x512xf32> to vector<104x512xbf16>
      %swap3A_2427 = arith.constant 8944 : index
      %swap3A_2428 = arith.constant 0 : index
      %swap3A_2429 = vector.load %arg16[%swap3A_2427, %swap3A_2428] : memref<10400x512xbf16, #tpu.memory_space<vmem>>, vector<104x512xbf16>
      tpu.vector_store %arg16[%swap3A_2427, %swap3A_2428], %convert_element_type3A_2426 {strides = array<i32>} : memref<10400x512xbf16, #tpu.memory_space<vmem>>, vector<104x512xbf16>,
      %get3A_2430 = arith.constant 0 : index
      %get3A_2431 = arith.constant 0 : index
      %get3A_2432 = vector.load %arg3[%get3A_2430, %get3A_2431] : memref<104x64xbf16, #tpu.memory_space<vmem>>, vector<104x64xbf16>
      %get3A_2433 = arith.constant 5568 : index
      %get3A_2434 = arith.constant 0 : index
      %get3A_2435 = vector.load %arg4[%get3A_2433, %get3A_2434] : memref<6400x512xbf16, #tpu.memory_space<vmem>>, vector<64x512xbf16>
      %dot_general3A_2436 = arith.constant dense<0.000000e+00> : vector<104x512xf32>
      %dot_general3A_2437 = tpu.matmul %get3A_2432, %get3A_2435, %dot_general3A_2436 {dimension_numbers = #tpu.dot_dimension_numbers<[1], [0], [0], [1], [0, 0, 1, 1], [], []>, transpose_lhs_hint = false} : vector<104x64xbf16>, vector<64x512xbf16>, vector<104x512xf32> -> vector<104x512xf32>
      %convert_element_type3A_2438 = arith.truncf %dot_general3A_2437 : vector<104x512xf32> to vector<104x512xbf16>
      %swap3A_2439 = arith.constant 9048 : index
      %swap3A_2440 = arith.constant 0 : index
      %swap3A_2441 = vector.load %arg16[%swap3A_2439, %swap3A_2440] : memref<10400x512xbf16, #tpu.memory_space<vmem>>, vector<104x512xbf16>
      tpu.vector_store %arg16[%swap3A_2439, %swap3A_2440], %convert_element_type3A_2438 {strides = array<i32>} : memref<10400x512xbf16, #tpu.memory_space<vmem>>, vector<104x512xbf16>,
      %get3A_2442 = arith.constant 0 : index
      %get3A_2443 = arith.constant 0 : index
      %get3A_2444 = vector.load %arg3[%get3A_2442, %get3A_2443] : memref<104x64xbf16, #tpu.memory_space<vmem>>, vector<104x64xbf16>
      %get3A_2445 = arith.constant 5632 : index
      %get3A_2446 = arith.constant 0 : index
      %get3A_2447 = vector.load %arg4[%get3A_2445, %get3A_2446] : memref<6400x512xbf16, #tpu.memory_space<vmem>>, vector<64x512xbf16>
      %dot_general3A_2448 = arith.constant dense<0.000000e+00> : vector<104x512xf32>
      %dot_general3A_2449 = tpu.matmul %get3A_2444, %get3A_2447, %dot_general3A_2448 {dimension_numbers = #tpu.dot_dimension_numbers<[1], [0], [0], [1], [0, 0, 1, 1], [], []>, transpose_lhs_hint = false} : vector<104x64xbf16>, vector<64x512xbf16>, vector<104x512xf32> -> vector<104x512xf32>
      %convert_element_type3A_2450 = arith.truncf %dot_general3A_2449 : vector<104x512xf32> to vector<104x512xbf16>
      %swap3A_2451 = arith.constant 9152 : index
      %swap3A_2452 = arith.constant 0 : index
      %swap3A_2453 = vector.load %arg16[%swap3A_2451, %swap3A_2452] : memref<10400x512xbf16, #tpu.memory_space<vmem>>, vector<104x512xbf16>
      tpu.vector_store %arg16[%swap3A_2451, %swap3A_2452], %convert_element_type3A_2450 {strides = array<i32>} : memref<10400x512xbf16, #tpu.memory_space<vmem>>, vector<104x512xbf16>,
      %get3A_2454 = arith.constant 0 : index
      %get3A_2455 = arith.constant 0 : index
      %get3A_2456 = vector.load %arg3[%get3A_2454, %get3A_2455] : memref<104x64xbf16, #tpu.memory_space<vmem>>, vector<104x64xbf16>
      %get3A_2457 = arith.constant 5696 : index
      %get3A_2458 = arith.constant 0 : index
      %get3A_2459 = vector.load %arg4[%get3A_2457, %get3A_2458] : memref<6400x512xbf16, #tpu.memory_space<vmem>>, vector<64x512xbf16>
      %dot_general3A_2460 = arith.constant dense<0.000000e+00> : vector<104x512xf32>
      %dot_general3A_2461 = tpu.matmul %get3A_2456, %get3A_2459, %dot_general3A_2460 {dimension_numbers = #tpu.dot_dimension_numbers<[1], [0], [0], [1], [0, 0, 1, 1], [], []>, transpose_lhs_hint = false} : vector<104x64xbf16>, vector<64x512xbf16>, vector<104x512xf32> -> vector<104x512xf32>
      %convert_element_type3A_2462 = arith.truncf %dot_general3A_2461 : vector<104x512xf32> to vector<104x512xbf16>
      %swap3A_2463 = arith.constant 9256 : index
      %swap3A_2464 = arith.constant 0 : index
      %swap3A_2465 = vector.load %arg16[%swap3A_2463, %swap3A_2464] : memref<10400x512xbf16, #tpu.memory_space<vmem>>, vector<104x512xbf16>
      tpu.vector_store %arg16[%swap3A_2463, %swap3A_2464], %convert_element_type3A_2462 {strides = array<i32>} : memref<10400x512xbf16, #tpu.memory_space<vmem>>, vector<104x512xbf16>,
      %get3A_2466 = arith.constant 0 : index
      %get3A_2467 = arith.constant 0 : index
      %get3A_2468 = vector.load %arg3[%get3A_2466, %get3A_2467] : memref<104x64xbf16, #tpu.memory_space<vmem>>, vector<104x64xbf16>
      %get3A_2469 = arith.constant 5760 : index
      %get3A_2470 = arith.constant 0 : index
      %get3A_2471 = vector.load %arg4[%get3A_2469, %get3A_2470] : memref<6400x512xbf16, #tpu.memory_space<vmem>>, vector<64x512xbf16>
      %dot_general3A_2472 = arith.constant dense<0.000000e+00> : vector<104x512xf32>
      %dot_general3A_2473 = tpu.matmul %get3A_2468, %get3A_2471, %dot_general3A_2472 {dimension_numbers = #tpu.dot_dimension_numbers<[1], [0], [0], [1], [0, 0, 1, 1], [], []>, transpose_lhs_hint = false} : vector<104x64xbf16>, vector<64x512xbf16>, vector<104x512xf32> -> vector<104x512xf32>
      %convert_element_type3A_2474 = arith.truncf %dot_general3A_2473 : vector<104x512xf32> to vector<104x512xbf16>
      %swap3A_2475 = arith.constant 9360 : index
      %swap3A_2476 = arith.constant 0 : index
      %swap3A_2477 = vector.load %arg16[%swap3A_2475, %swap3A_2476] : memref<10400x512xbf16, #tpu.memory_space<vmem>>, vector<104x512xbf16>
      tpu.vector_store %arg16[%swap3A_2475, %swap3A_2476], %convert_element_type3A_2474 {strides = array<i32>} : memref<10400x512xbf16, #tpu.memory_space<vmem>>, vector<104x512xbf16>,
      %get3A_2478 = arith.constant 0 : index
      %get3A_2479 = arith.constant 0 : index
      %get3A_2480 = vector.load %arg3[%get3A_2478, %get3A_2479] : memref<104x64xbf16, #tpu.memory_space<vmem>>, vector<104x64xbf16>
      %get3A_2481 = arith.constant 5824 : index
      %get3A_2482 = arith.constant 0 : index
      %get3A_2483 = vector.load %arg4[%get3A_2481, %get3A_2482] : memref<6400x512xbf16, #tpu.memory_space<vmem>>, vector<64x512xbf16>
      %dot_general3A_2484 = arith.constant dense<0.000000e+00> : vector<104x512xf32>
      %dot_general3A_2485 = tpu.matmul %get3A_2480, %get3A_2483, %dot_general3A_2484 {dimension_numbers = #tpu.dot_dimension_numbers<[1], [0], [0], [1], [0, 0, 1, 1], [], []>, transpose_lhs_hint = false} : vector<104x64xbf16>, vector<64x512xbf16>, vector<104x512xf32> -> vector<104x512xf32>
      %convert_element_type3A_2486 = arith.truncf %dot_general3A_2485 : vector<104x512xf32> to vector<104x512xbf16>
      %swap3A_2487 = arith.constant 9464 : index
      %swap3A_2488 = arith.constant 0 : index
      %swap3A_2489 = vector.load %arg16[%swap3A_2487, %swap3A_2488] : memref<10400x512xbf16, #tpu.memory_space<vmem>>, vector<104x512xbf16>
      tpu.vector_store %arg16[%swap3A_2487, %swap3A_2488], %convert_element_type3A_2486 {strides = array<i32>} : memref<10400x512xbf16, #tpu.memory_space<vmem>>, vector<104x512xbf16>,
      %get3A_2490 = arith.constant 0 : index
      %get3A_2491 = arith.constant 0 : index
      %get3A_2492 = vector.load %arg3[%get3A_2490, %get3A_2491] : memref<104x64xbf16, #tpu.memory_space<vmem>>, vector<104x64xbf16>
      %get3A_2493 = arith.constant 5888 : index
      %get3A_2494 = arith.constant 0 : index
      %get3A_2495 = vector.load %arg4[%get3A_2493, %get3A_2494] : memref<6400x512xbf16, #tpu.memory_space<vmem>>, vector<64x512xbf16>
      %dot_general3A_2496 = arith.constant dense<0.000000e+00> : vector<104x512xf32>
      %dot_general3A_2497 = tpu.matmul %get3A_2492, %get3A_2495, %dot_general3A_2496 {dimension_numbers = #tpu.dot_dimension_numbers<[1], [0], [0], [1], [0, 0, 1, 1], [], []>, transpose_lhs_hint = false} : vector<104x64xbf16>, vector<64x512xbf16>, vector<104x512xf32> -> vector<104x512xf32>
      %convert_element_type3A_2498 = arith.truncf %dot_general3A_2497 : vector<104x512xf32> to vector<104x512xbf16>
      %swap3A_2499 = arith.constant 9568 : index
      %swap3A_2500 = arith.constant 0 : index
      %swap3A_2501 = vector.load %arg16[%swap3A_2499, %swap3A_2500] : memref<10400x512xbf16, #tpu.memory_space<vmem>>, vector<104x512xbf16>
      tpu.vector_store %arg16[%swap3A_2499, %swap3A_2500], %convert_element_type3A_2498 {strides = array<i32>} : memref<10400x512xbf16, #tpu.memory_space<vmem>>, vector<104x512xbf16>,
      %get3A_2502 = arith.constant 0 : index
      %get3A_2503 = arith.constant 0 : index
      %get3A_2504 = vector.load %arg3[%get3A_2502, %get3A_2503] : memref<104x64xbf16, #tpu.memory_space<vmem>>, vector<104x64xbf16>
      %get3A_2505 = arith.constant 5952 : index
      %get3A_2506 = arith.constant 0 : index
      %get3A_2507 = vector.load %arg4[%get3A_2505, %get3A_2506] : memref<6400x512xbf16, #tpu.memory_space<vmem>>, vector<64x512xbf16>
      %dot_general3A_2508 = arith.constant dense<0.000000e+00> : vector<104x512xf32>
      %dot_general3A_2509 = tpu.matmul %get3A_2504, %get3A_2507, %dot_general3A_2508 {dimension_numbers = #tpu.dot_dimension_numbers<[1], [0], [0], [1], [0, 0, 1, 1], [], []>, transpose_lhs_hint = false} : vector<104x64xbf16>, vector<64x512xbf16>, vector<104x512xf32> -> vector<104x512xf32>
      %convert_element_type3A_2510 = arith.truncf %dot_general3A_2509 : vector<104x512xf32> to vector<104x512xbf16>
      %swap3A_2511 = arith.constant 9672 : index
      %swap3A_2512 = arith.constant 0 : index
      %swap3A_2513 = vector.load %arg16[%swap3A_2511, %swap3A_2512] : memref<10400x512xbf16, #tpu.memory_space<vmem>>, vector<104x512xbf16>
      tpu.vector_store %arg16[%swap3A_2511, %swap3A_2512], %convert_element_type3A_2510 {strides = array<i32>} : memref<10400x512xbf16, #tpu.memory_space<vmem>>, vector<104x512xbf16>,
      %get3A_2514 = arith.constant 0 : index
      %get3A_2515 = arith.constant 0 : index
      %get3A_2516 = vector.load %arg3[%get3A_2514, %get3A_2515] : memref<104x64xbf16, #tpu.memory_space<vmem>>, vector<104x64xbf16>
      %get3A_2517 = arith.constant 6016 : index
      %get3A_2518 = arith.constant 0 : index
      %get3A_2519 = vector.load %arg4[%get3A_2517, %get3A_2518] : memref<6400x512xbf16, #tpu.memory_space<vmem>>, vector<64x512xbf16>
      %dot_general3A_2520 = arith.constant dense<0.000000e+00> : vector<104x512xf32>
      %dot_general3A_2521 = tpu.matmul %get3A_2516, %get3A_2519, %dot_general3A_2520 {dimension_numbers = #tpu.dot_dimension_numbers<[1], [0], [0], [1], [0, 0, 1, 1], [], []>, transpose_lhs_hint = false} : vector<104x64xbf16>, vector<64x512xbf16>, vector<104x512xf32> -> vector<104x512xf32>
      %convert_element_type3A_2522 = arith.truncf %dot_general3A_2521 : vector<104x512xf32> to vector<104x512xbf16>
      %swap3A_2523 = arith.constant 9776 : index
      %swap3A_2524 = arith.constant 0 : index
      %swap3A_2525 = vector.load %arg16[%swap3A_2523, %swap3A_2524] : memref<10400x512xbf16, #tpu.memory_space<vmem>>, vector<104x512xbf16>
      tpu.vector_store %arg16[%swap3A_2523, %swap3A_2524], %convert_element_type3A_2522 {strides = array<i32>} : memref<10400x512xbf16, #tpu.memory_space<vmem>>, vector<104x512xbf16>,
      %get3A_2526 = arith.constant 0 : index
      %get3A_2527 = arith.constant 0 : index
      %get3A_2528 = vector.load %arg3[%get3A_2526, %get3A_2527] : memref<104x64xbf16, #tpu.memory_space<vmem>>, vector<104x64xbf16>
      %get3A_2529 = arith.constant 6080 : index
      %get3A_2530 = arith.constant 0 : index
      %get3A_2531 = vector.load %arg4[%get3A_2529, %get3A_2530] : memref<6400x512xbf16, #tpu.memory_space<vmem>>, vector<64x512xbf16>
      %dot_general3A_2532 = arith.constant dense<0.000000e+00> : vector<104x512xf32>
      %dot_general3A_2533 = tpu.matmul %get3A_2528, %get3A_2531, %dot_general3A_2532 {dimension_numbers = #tpu.dot_dimension_numbers<[1], [0], [0], [1], [0, 0, 1, 1], [], []>, transpose_lhs_hint = false} : vector<104x64xbf16>, vector<64x512xbf16>, vector<104x512xf32> -> vector<104x512xf32>
      %convert_element_type3A_2534 = arith.truncf %dot_general3A_2533 : vector<104x512xf32> to vector<104x512xbf16>
      %swap3A_2535 = arith.constant 9880 : index
      %swap3A_2536 = arith.constant 0 : index
      %swap3A_2537 = vector.load %arg16[%swap3A_2535, %swap3A_2536] : memref<10400x512xbf16, #tpu.memory_space<vmem>>, vector<104x512xbf16>
      tpu.vector_store %arg16[%swap3A_2535, %swap3A_2536], %convert_element_type3A_2534 {strides = array<i32>} : memref<10400x512xbf16, #tpu.memory_space<vmem>>, vector<104x512xbf16>,
      %get3A_2538 = arith.constant 0 : index
      %get3A_2539 = arith.constant 0 : index
      %get3A_2540 = vector.load %arg3[%get3A_2538, %get3A_2539] : memref<104x64xbf16, #tpu.memory_space<vmem>>, vector<104x64xbf16>
      %get3A_2541 = arith.constant 6144 : index
      %get3A_2542 = arith.constant 0 : index
      %get3A_2543 = vector.load %arg4[%get3A_2541, %get3A_2542] : memref<6400x512xbf16, #tpu.memory_space<vmem>>, vector<64x512xbf16>
      %dot_general3A_2544 = arith.constant dense<0.000000e+00> : vector<104x512xf32>
      %dot_general3A_2545 = tpu.matmul %get3A_2540, %get3A_2543, %dot_general3A_2544 {dimension_numbers = #tpu.dot_dimension_numbers<[1], [0], [0], [1], [0, 0, 1, 1], [], []>, transpose_lhs_hint = false} : vector<104x64xbf16>, vector<64x512xbf16>, vector<104x512xf32> -> vector<104x512xf32>
      %convert_element_type3A_2546 = arith.truncf %dot_general3A_2545 : vector<104x512xf32> to vector<104x512xbf16>
      %swap3A_2547 = arith.constant 9984 : index
      %swap3A_2548 = arith.constant 0 : index
      %swap3A_2549 = vector.load %arg16[%swap3A_2547, %swap3A_2548] : memref<10400x512xbf16, #tpu.memory_space<vmem>>, vector<104x512xbf16>
      tpu.vector_store %arg16[%swap3A_2547, %swap3A_2548], %convert_element_type3A_2546 {strides = array<i32>} : memref<10400x512xbf16, #tpu.memory_space<vmem>>, vector<104x512xbf16>,
      %get3A_2550 = arith.constant 0 : index
      %get3A_2551 = arith.constant 0 : index
      %get3A_2552 = vector.load %arg3[%get3A_2550, %get3A_2551] : memref<104x64xbf16, #tpu.memory_space<vmem>>, vector<104x64xbf16>
      %get3A_2553 = arith.constant 6208 : index
      %get3A_2554 = arith.constant 0 : index
      %get3A_2555 = vector.load %arg4[%get3A_2553, %get3A_2554] : memref<6400x512xbf16, #tpu.memory_space<vmem>>, vector<64x512xbf16>
      %dot_general3A_2556 = arith.constant dense<0.000000e+00> : vector<104x512xf32>
      %dot_general3A_2557 = tpu.matmul %get3A_2552, %get3A_2555, %dot_general3A_2556 {dimension_numbers = #tpu.dot_dimension_numbers<[1], [0], [0], [1], [0, 0, 1, 1], [], []>, transpose_lhs_hint = false} : vector<104x64xbf16>, vector<64x512xbf16>, vector<104x512xf32> -> vector<104x512xf32>
      %convert_element_type3A_2558 = arith.truncf %dot_general3A_2557 : vector<104x512xf32> to vector<104x512xbf16>
      %swap3A_2559 = arith.constant 10088 : index
      %swap3A_2560 = arith.constant 0 : index
      %swap3A_2561 = vector.load %arg16[%swap3A_2559, %swap3A_2560] : memref<10400x512xbf16, #tpu.memory_space<vmem>>, vector<104x512xbf16>
      tpu.vector_store %arg16[%swap3A_2559, %swap3A_2560], %convert_element_type3A_2558 {strides = array<i32>} : memref<10400x512xbf16, #tpu.memory_space<vmem>>, vector<104x512xbf16>,
      %get3A_2562 = arith.constant 0 : index
      %get3A_2563 = arith.constant 0 : index
      %get3A_2564 = vector.load %arg3[%get3A_2562, %get3A_2563] : memref<104x64xbf16, #tpu.memory_space<vmem>>, vector<104x64xbf16>
      %get3A_2565 = arith.constant 6272 : index
      %get3A_2566 = arith.constant 0 : index
      %get3A_2567 = vector.load %arg4[%get3A_2565, %get3A_2566] : memref<6400x512xbf16, #tpu.memory_space<vmem>>, vector<64x512xbf16>
      %dot_general3A_2568 = arith.constant dense<0.000000e+00> : vector<104x512xf32>
      %dot_general3A_2569 = tpu.matmul %get3A_2564, %get3A_2567, %dot_general3A_2568 {dimension_numbers = #tpu.dot_dimension_numbers<[1], [0], [0], [1], [0, 0, 1, 1], [], []>, transpose_lhs_hint = false} : vector<104x64xbf16>, vector<64x512xbf16>, vector<104x512xf32> -> vector<104x512xf32>
      %convert_element_type3A_2570 = arith.truncf %dot_general3A_2569 : vector<104x512xf32> to vector<104x512xbf16>
      %swap3A_2571 = arith.constant 10192 : index
      %swap3A_2572 = arith.constant 0 : index
      %swap3A_2573 = vector.load %arg16[%swap3A_2571, %swap3A_2572] : memref<10400x512xbf16, #tpu.memory_space<vmem>>, vector<104x512xbf16>
      tpu.vector_store %arg16[%swap3A_2571, %swap3A_2572], %convert_element_type3A_2570 {strides = array<i32>} : memref<10400x512xbf16, #tpu.memory_space<vmem>>, vector<104x512xbf16>,
      %get3A_2574 = arith.constant 0 : index
      %get3A_2575 = arith.constant 0 : index
      %get3A_2576 = vector.load %arg3[%get3A_2574, %get3A_2575] : memref<104x64xbf16, #tpu.memory_space<vmem>>, vector<104x64xbf16>
      %get3A_2577 = arith.constant 6336 : index
      %get3A_2578 = arith.constant 0 : index
      %get3A_2579 = vector.load %arg4[%get3A_2577, %get3A_2578] : memref<6400x512xbf16, #tpu.memory_space<vmem>>, vector<64x512xbf16>
      %dot_general3A_2580 = arith.constant dense<0.000000e+00> : vector<104x512xf32>
      %dot_general3A_2581 = tpu.matmul %get3A_2576, %get3A_2579, %dot_general3A_2580 {dimension_numbers = #tpu.dot_dimension_numbers<[1], [0], [0], [1], [0, 0, 1, 1], [], []>, transpose_lhs_hint = false} : vector<104x64xbf16>, vector<64x512xbf16>, vector<104x512xf32> -> vector<104x512xf32>
      %convert_element_type3A_2582 = arith.truncf %dot_general3A_2581 : vector<104x512xf32> to vector<104x512xbf16>
      %swap3A_2583 = arith.constant 10296 : index
      %swap3A_2584 = arith.constant 0 : index
      %swap3A_2585 = vector.load %arg16[%swap3A_2583, %swap3A_2584] : memref<10400x512xbf16, #tpu.memory_space<vmem>>, vector<104x512xbf16>
      tpu.vector_store %arg16[%swap3A_2583, %swap3A_2584], %convert_element_type3A_2582 {strides = array<i32>} : memref<10400x512xbf16, #tpu.memory_space<vmem>>, vector<104x512xbf16>,
    } else {
    }
    %iota3A = tpu.iota {dimensions = array<i32: 0>} : vector<104x512xi32>
    %convert_element_type3A_2 = arith.sitofp %iota3A : vector<104x512xi32> to vector<104x512xbf16>
    %get3A = arith.constant 0 : index
    %get3A_3 = arith.constant 0 : index
    %get3A_4 = vector.load %arg1[%get3A, %get3A_3] : memref<100x512xi32, #tpu.memory_space<vmem>>, vector<100x512xi32>
    %convert_element_type3A_5 = arith.sitofp %get3A_4 : vector<100x512xi32> to vector<100x512xbf16>
    %broadcast_in_dim3A = arith.constant 0.000000e+00 : bf16
    %broadcast_in_dim3A_6 = vector.broadcast %broadcast_in_dim3A : bf16 to vector<104x512xbf16>
    %slice3A = vector.extract_strided_slice %convert_element_type3A_5 {offsets = [0, 0], sizes = [1, 512], strides = [1, 1]} : vector<100x512xbf16> to vector<1x512xbf16>
    %broadcast_in_dim3A_7 = vector.shape_cast %slice3A : vector<1x512xbf16> to vector<1x512xbf16>
    %broadcast_in_dim3A_8 = vector.broadcast %broadcast_in_dim3A_7 : vector<1x512xbf16> to vector<104x512xbf16>
    %eq3A_9 = arith.cmpf oeq, %broadcast_in_dim3A_8, %convert_element_type3A_2 : vector<104x512xbf16>
    %jit3A = arith.constant 1.000000e+00 : bf16
    %jit3A_10 = arith.constant 0.000000e+00 : bf16
    %broadcast_in_dim3A_11 = vector.broadcast %jit3A : bf16 to vector<104x512xbf16>
    %broadcast_in_dim3A_12 = vector.broadcast %jit3A_10 : bf16 to vector<104x512xbf16>
    %select_n3A = arith.select %eq3A_9, %broadcast_in_dim3A_11, %broadcast_in_dim3A_12 : vector<104x512xi1>, vector<104x512xbf16>
    %swap3A = arith.constant 0 : index
    %swap3A_13 = arith.constant 0 : index
    %swap3A_14 = vector.load %arg15[%swap3A, %swap3A_13] : memref<10400x512xbf16, #tpu.memory_space<vmem>>, vector<104x512xbf16>
    tpu.vector_store %arg15[%swap3A, %swap3A_13], %select_n3A {strides = array<i32>} : memref<10400x512xbf16, #tpu.memory_space<vmem>>, vector<104x512xbf16>,
    %add3A = arith.addf %broadcast_in_dim3A_6, %select_n3A : vector<104x512xbf16>
    %slice3A_15 = vector.extract_strided_slice %convert_element_type3A_5 {offsets = [1, 0], sizes = [1, 512], strides = [1, 1]} : vector<100x512xbf16> to vector<1x512xbf16>
    %broadcast_in_dim3A_16 = vector.shape_cast %slice3A_15 : vector<1x512xbf16> to vector<1x512xbf16>
    %broadcast_in_dim3A_17 = vector.broadcast %broadcast_in_dim3A_16 : vector<1x512xbf16> to vector<104x512xbf16>
    %eq3A_18 = arith.cmpf oeq, %broadcast_in_dim3A_17, %convert_element_type3A_2 : vector<104x512xbf16>
    %jit3A_19 = arith.constant 1.000000e+00 : bf16
    %jit3A_20 = arith.constant 0.000000e+00 : bf16
    %broadcast_in_dim3A_21 = vector.broadcast %jit3A_19 : bf16 to vector<104x512xbf16>
    %broadcast_in_dim3A_22 = vector.broadcast %jit3A_20 : bf16 to vector<104x512xbf16>
    %select_n3A_23 = arith.select %eq3A_18, %broadcast_in_dim3A_21, %broadcast_in_dim3A_22 : vector<104x512xi1>, vector<104x512xbf16>
    %swap3A_24 = arith.constant 104 : index
    %swap3A_25 = arith.constant 0 : index
    %swap3A_26 = vector.load %arg15[%swap3A_24, %swap3A_25] : memref<10400x512xbf16, #tpu.memory_space<vmem>>, vector<104x512xbf16>
    tpu.vector_store %arg15[%swap3A_24, %swap3A_25], %select_n3A_23 {strides = array<i32>} : memref<10400x512xbf16, #tpu.memory_space<vmem>>, vector<104x512xbf16>,
    %add3A_27 = arith.addf %add3A, %select_n3A_23 : vector<104x512xbf16>
    %slice3A_28 = vector.extract_strided_slice %convert_element_type3A_5 {offsets = [2, 0], sizes = [1, 512], strides = [1, 1]} : vector<100x512xbf16> to vector<1x512xbf16>
    %broadcast_in_dim3A_29 = vector.shape_cast %slice3A_28 : vector<1x512xbf16> to vector<1x512xbf16>
    %broadcast_in_dim3A_30 = vector.broadcast %broadcast_in_dim3A_29 : vector<1x512xbf16> to vector<104x512xbf16>
    %eq3A_31 = arith.cmpf oeq, %broadcast_in_dim3A_30, %convert_element_type3A_2 : vector<104x512xbf16>
    %jit3A_32 = arith.constant 1.000000e+00 : bf16
    %jit3A_33 = arith.constant 0.000000e+00 : bf16
    %broadcast_in_dim3A_34 = vector.broadcast %jit3A_32 : bf16 to vector<104x512xbf16>
    %broadcast_in_dim3A_35 = vector.broadcast %jit3A_33 : bf16 to vector<104x512xbf16>
    %select_n3A_36 = arith.select %eq3A_31, %broadcast_in_dim3A_34, %broadcast_in_dim3A_35 : vector<104x512xi1>, vector<104x512xbf16>
    %swap3A_37 = arith.constant 208 : index
    %swap3A_38 = arith.constant 0 : index
    %swap3A_39 = vector.load %arg15[%swap3A_37, %swap3A_38] : memref<10400x512xbf16, #tpu.memory_space<vmem>>, vector<104x512xbf16>
    tpu.vector_store %arg15[%swap3A_37, %swap3A_38], %select_n3A_36 {strides = array<i32>} : memref<10400x512xbf16, #tpu.memory_space<vmem>>, vector<104x512xbf16>,
    %add3A_40 = arith.addf %add3A_27, %select_n3A_36 : vector<104x512xbf16>
    %slice3A_41 = vector.extract_strided_slice %convert_element_type3A_5 {offsets = [3, 0], sizes = [1, 512], strides = [1, 1]} : vector<100x512xbf16> to vector<1x512xbf16>
    %broadcast_in_dim3A_42 = vector.shape_cast %slice3A_41 : vector<1x512xbf16> to vector<1x512xbf16>
    %broadcast_in_dim3A_43 = vector.broadcast %broadcast_in_dim3A_42 : vector<1x512xbf16> to vector<104x512xbf16>
    %eq3A_44 = arith.cmpf oeq, %broadcast_in_dim3A_43, %convert_element_type3A_2 : vector<104x512xbf16>
    %jit3A_45 = arith.constant 1.000000e+00 : bf16
    %jit3A_46 = arith.constant 0.000000e+00 : bf16
    %broadcast_in_dim3A_47 = vector.broadcast %jit3A_45 : bf16 to vector<104x512xbf16>
    %broadcast_in_dim3A_48 = vector.broadcast %jit3A_46 : bf16 to vector<104x512xbf16>
    %select_n3A_49 = arith.select %eq3A_44, %broadcast_in_dim3A_47, %broadcast_in_dim3A_48 : vector<104x512xi1>, vector<104x512xbf16>
    %swap3A_50 = arith.constant 312 : index
    %swap3A_51 = arith.constant 0 : index
    %swap3A_52 = vector.load %arg15[%swap3A_50, %swap3A_51] : memref<10400x512xbf16, #tpu.memory_space<vmem>>, vector<104x512xbf16>
    tpu.vector_store %arg15[%swap3A_50, %swap3A_51], %select_n3A_49 {strides = array<i32>} : memref<10400x512xbf16, #tpu.memory_space<vmem>>, vector<104x512xbf16>,
    %add3A_53 = arith.addf %add3A_40, %select_n3A_49 : vector<104x512xbf16>
    %slice3A_54 = vector.extract_strided_slice %convert_element_type3A_5 {offsets = [4, 0], sizes = [1, 512], strides = [1, 1]} : vector<100x512xbf16> to vector<1x512xbf16>
    %broadcast_in_dim3A_55 = vector.shape_cast %slice3A_54 : vector<1x512xbf16> to vector<1x512xbf16>
    %broadcast_in_dim3A_56 = vector.broadcast %broadcast_in_dim3A_55 : vector<1x512xbf16> to vector<104x512xbf16>
    %eq3A_57 = arith.cmpf oeq, %broadcast_in_dim3A_56, %convert_element_type3A_2 : vector<104x512xbf16>
    %jit3A_58 = arith.constant 1.000000e+00 : bf16
    %jit3A_59 = arith.constant 0.000000e+00 : bf16
    %broadcast_in_dim3A_60 = vector.broadcast %jit3A_58 : bf16 to vector<104x512xbf16>
    %broadcast_in_dim3A_61 = vector.broadcast %jit3A_59 : bf16 to vector<104x512xbf16>
    %select_n3A_62 = arith.select %eq3A_57, %broadcast_in_dim3A_60, %broadcast_in_dim3A_61 : vector<104x512xi1>, vector<104x512xbf16>
    %swap3A_63 = arith.constant 416 : index
    %swap3A_64 = arith.constant 0 : index
    %swap3A_65 = vector.load %arg15[%swap3A_63, %swap3A_64] : memref<10400x512xbf16, #tpu.memory_space<vmem>>, vector<104x512xbf16>
    tpu.vector_store %arg15[%swap3A_63, %swap3A_64], %select_n3A_62 {strides = array<i32>} : memref<10400x512xbf16, #tpu.memory_space<vmem>>, vector<104x512xbf16>,
    %add3A_66 = arith.addf %add3A_53, %select_n3A_62 : vector<104x512xbf16>
    %slice3A_67 = vector.extract_strided_slice %convert_element_type3A_5 {offsets = [5, 0], sizes = [1, 512], strides = [1, 1]} : vector<100x512xbf16> to vector<1x512xbf16>
    %broadcast_in_dim3A_68 = vector.shape_cast %slice3A_67 : vector<1x512xbf16> to vector<1x512xbf16>
    %broadcast_in_dim3A_69 = vector.broadcast %broadcast_in_dim3A_68 : vector<1x512xbf16> to vector<104x512xbf16>
    %eq3A_70 = arith.cmpf oeq, %broadcast_in_dim3A_69, %convert_element_type3A_2 : vector<104x512xbf16>
    %jit3A_71 = arith.constant 1.000000e+00 : bf16
    %jit3A_72 = arith.constant 0.000000e+00 : bf16
    %broadcast_in_dim3A_73 = vector.broadcast %jit3A_71 : bf16 to vector<104x512xbf16>
    %broadcast_in_dim3A_74 = vector.broadcast %jit3A_72 : bf16 to vector<104x512xbf16>
    %select_n3A_75 = arith.select %eq3A_70, %broadcast_in_dim3A_73, %broadcast_in_dim3A_74 : vector<104x512xi1>, vector<104x512xbf16>
    %swap3A_76 = arith.constant 520 : index
    %swap3A_77 = arith.constant 0 : index
    %swap3A_78 = vector.load %arg15[%swap3A_76, %swap3A_77] : memref<10400x512xbf16, #tpu.memory_space<vmem>>, vector<104x512xbf16>
    tpu.vector_store %arg15[%swap3A_76, %swap3A_77], %select_n3A_75 {strides = array<i32>} : memref<10400x512xbf16, #tpu.memory_space<vmem>>, vector<104x512xbf16>,
    %add3A_79 = arith.addf %add3A_66, %select_n3A_75 : vector<104x512xbf16>
    %slice3A_80 = vector.extract_strided_slice %convert_element_type3A_5 {offsets = [6, 0], sizes = [1, 512], strides = [1, 1]} : vector<100x512xbf16> to vector<1x512xbf16>
    %broadcast_in_dim3A_81 = vector.shape_cast %slice3A_80 : vector<1x512xbf16> to vector<1x512xbf16>
    %broadcast_in_dim3A_82 = vector.broadcast %broadcast_in_dim3A_81 : vector<1x512xbf16> to vector<104x512xbf16>
    %eq3A_83 = arith.cmpf oeq, %broadcast_in_dim3A_82, %convert_element_type3A_2 : vector<104x512xbf16>
    %jit3A_84 = arith.constant 1.000000e+00 : bf16
    %jit3A_85 = arith.constant 0.000000e+00 : bf16
    %broadcast_in_dim3A_86 = vector.broadcast %jit3A_84 : bf16 to vector<104x512xbf16>
    %broadcast_in_dim3A_87 = vector.broadcast %jit3A_85 : bf16 to vector<104x512xbf16>
    %select_n3A_88 = arith.select %eq3A_83, %broadcast_in_dim3A_86, %broadcast_in_dim3A_87 : vector<104x512xi1>, vector<104x512xbf16>
    %swap3A_89 = arith.constant 624 : index
    %swap3A_90 = arith.constant 0 : index
    %swap3A_91 = vector.load %arg15[%swap3A_89, %swap3A_90] : memref<10400x512xbf16, #tpu.memory_space<vmem>>, vector<104x512xbf16>
    tpu.vector_store %arg15[%swap3A_89, %swap3A_90], %select_n3A_88 {strides = array<i32>} : memref<10400x512xbf16, #tpu.memory_space<vmem>>, vector<104x512xbf16>,
    %add3A_92 = arith.addf %add3A_79, %select_n3A_88 : vector<104x512xbf16>
    %slice3A_93 = vector.extract_strided_slice %convert_element_type3A_5 {offsets = [7, 0], sizes = [1, 512], strides = [1, 1]} : vector<100x512xbf16> to vector<1x512xbf16>
    %broadcast_in_dim3A_94 = vector.shape_cast %slice3A_93 : vector<1x512xbf16> to vector<1x512xbf16>
    %broadcast_in_dim3A_95 = vector.broadcast %broadcast_in_dim3A_94 : vector<1x512xbf16> to vector<104x512xbf16>
    %eq3A_96 = arith.cmpf oeq, %broadcast_in_dim3A_95, %convert_element_type3A_2 : vector<104x512xbf16>
    %jit3A_97 = arith.constant 1.000000e+00 : bf16
    %jit3A_98 = arith.constant 0.000000e+00 : bf16
    %broadcast_in_dim3A_99 = vector.broadcast %jit3A_97 : bf16 to vector<104x512xbf16>
    %broadcast_in_dim3A_100 = vector.broadcast %jit3A_98 : bf16 to vector<104x512xbf16>
    %select_n3A_101 = arith.select %eq3A_96, %broadcast_in_dim3A_99, %broadcast_in_dim3A_100 : vector<104x512xi1>, vector<104x512xbf16>
    %swap3A_102 = arith.constant 728 : index
    %swap3A_103 = arith.constant 0 : index
    %swap3A_104 = vector.load %arg15[%swap3A_102, %swap3A_103] : memref<10400x512xbf16, #tpu.memory_space<vmem>>, vector<104x512xbf16>
    tpu.vector_store %arg15[%swap3A_102, %swap3A_103], %select_n3A_101 {strides = array<i32>} : memref<10400x512xbf16, #tpu.memory_space<vmem>>, vector<104x512xbf16>,
    %add3A_105 = arith.addf %add3A_92, %select_n3A_101 : vector<104x512xbf16>
    %slice3A_106 = vector.extract_strided_slice %convert_element_type3A_5 {offsets = [8, 0], sizes = [1, 512], strides = [1, 1]} : vector<100x512xbf16> to vector<1x512xbf16>
    %broadcast_in_dim3A_107 = vector.shape_cast %slice3A_106 : vector<1x512xbf16> to vector<1x512xbf16>
    %broadcast_in_dim3A_108 = vector.broadcast %broadcast_in_dim3A_107 : vector<1x512xbf16> to vector<104x512xbf16>
    %eq3A_109 = arith.cmpf oeq, %broadcast_in_dim3A_108, %convert_element_type3A_2 : vector<104x512xbf16>
    %jit3A_110 = arith.constant 1.000000e+00 : bf16
    %jit3A_111 = arith.constant 0.000000e+00 : bf16
    %broadcast_in_dim3A_112 = vector.broadcast %jit3A_110 : bf16 to vector<104x512xbf16>
    %broadcast_in_dim3A_113 = vector.broadcast %jit3A_111 : bf16 to vector<104x512xbf16>
    %select_n3A_114 = arith.select %eq3A_109, %broadcast_in_dim3A_112, %broadcast_in_dim3A_113 : vector<104x512xi1>, vector<104x512xbf16>
    %swap3A_115 = arith.constant 832 : index
    %swap3A_116 = arith.constant 0 : index
    %swap3A_117 = vector.load %arg15[%swap3A_115, %swap3A_116] : memref<10400x512xbf16, #tpu.memory_space<vmem>>, vector<104x512xbf16>
    tpu.vector_store %arg15[%swap3A_115, %swap3A_116], %select_n3A_114 {strides = array<i32>} : memref<10400x512xbf16, #tpu.memory_space<vmem>>, vector<104x512xbf16>,
    %add3A_118 = arith.addf %add3A_105, %select_n3A_114 : vector<104x512xbf16>
    %slice3A_119 = vector.extract_strided_slice %convert_element_type3A_5 {offsets = [9, 0], sizes = [1, 512], strides = [1, 1]} : vector<100x512xbf16> to vector<1x512xbf16>
    %broadcast_in_dim3A_120 = vector.shape_cast %slice3A_119 : vector<1x512xbf16> to vector<1x512xbf16>
    %broadcast_in_dim3A_121 = vector.broadcast %broadcast_in_dim3A_120 : vector<1x512xbf16> to vector<104x512xbf16>
    %eq3A_122 = arith.cmpf oeq, %broadcast_in_dim3A_121, %convert_element_type3A_2 : vector<104x512xbf16>
    %jit3A_123 = arith.constant 1.000000e+00 : bf16
    %jit3A_124 = arith.constant 0.000000e+00 : bf16
    %broadcast_in_dim3A_125 = vector.broadcast %jit3A_123 : bf16 to vector<104x512xbf16>
    %broadcast_in_dim3A_126 = vector.broadcast %jit3A_124 : bf16 to vector<104x512xbf16>
    %select_n3A_127 = arith.select %eq3A_122, %broadcast_in_dim3A_125, %broadcast_in_dim3A_126 : vector<104x512xi1>, vector<104x512xbf16>
    %swap3A_128 = arith.constant 936 : index
    %swap3A_129 = arith.constant 0 : index
    %swap3A_130 = vector.load %arg15[%swap3A_128, %swap3A_129] : memref<10400x512xbf16, #tpu.memory_space<vmem>>, vector<104x512xbf16>
    tpu.vector_store %arg15[%swap3A_128, %swap3A_129], %select_n3A_127 {strides = array<i32>} : memref<10400x512xbf16, #tpu.memory_space<vmem>>, vector<104x512xbf16>,
    %add3A_131 = arith.addf %add3A_118, %select_n3A_127 : vector<104x512xbf16>
    %slice3A_132 = vector.extract_strided_slice %convert_element_type3A_5 {offsets = [10, 0], sizes = [1, 512], strides = [1, 1]} : vector<100x512xbf16> to vector<1x512xbf16>
    %broadcast_in_dim3A_133 = vector.shape_cast %slice3A_132 : vector<1x512xbf16> to vector<1x512xbf16>
    %broadcast_in_dim3A_134 = vector.broadcast %broadcast_in_dim3A_133 : vector<1x512xbf16> to vector<104x512xbf16>
    %eq3A_135 = arith.cmpf oeq, %broadcast_in_dim3A_134, %convert_element_type3A_2 : vector<104x512xbf16>
    %jit3A_136 = arith.constant 1.000000e+00 : bf16
    %jit3A_137 = arith.constant 0.000000e+00 : bf16
    %broadcast_in_dim3A_138 = vector.broadcast %jit3A_136 : bf16 to vector<104x512xbf16>
    %broadcast_in_dim3A_139 = vector.broadcast %jit3A_137 : bf16 to vector<104x512xbf16>
    %select_n3A_140 = arith.select %eq3A_135, %broadcast_in_dim3A_138, %broadcast_in_dim3A_139 : vector<104x512xi1>, vector<104x512xbf16>
    %swap3A_141 = arith.constant 1040 : index
    %swap3A_142 = arith.constant 0 : index
    %swap3A_143 = vector.load %arg15[%swap3A_141, %swap3A_142] : memref<10400x512xbf16, #tpu.memory_space<vmem>>, vector<104x512xbf16>
    tpu.vector_store %arg15[%swap3A_141, %swap3A_142], %select_n3A_140 {strides = array<i32>} : memref<10400x512xbf16, #tpu.memory_space<vmem>>, vector<104x512xbf16>,
    %add3A_144 = arith.addf %add3A_131, %select_n3A_140 : vector<104x512xbf16>
    %slice3A_145 = vector.extract_strided_slice %convert_element_type3A_5 {offsets = [11, 0], sizes = [1, 512], strides = [1, 1]} : vector<100x512xbf16> to vector<1x512xbf16>
    %broadcast_in_dim3A_146 = vector.shape_cast %slice3A_145 : vector<1x512xbf16> to vector<1x512xbf16>
    %broadcast_in_dim3A_147 = vector.broadcast %broadcast_in_dim3A_146 : vector<1x512xbf16> to vector<104x512xbf16>
    %eq3A_148 = arith.cmpf oeq, %broadcast_in_dim3A_147, %convert_element_type3A_2 : vector<104x512xbf16>
    %jit3A_149 = arith.constant 1.000000e+00 : bf16
    %jit3A_150 = arith.constant 0.000000e+00 : bf16
    %broadcast_in_dim3A_151 = vector.broadcast %jit3A_149 : bf16 to vector<104x512xbf16>
    %broadcast_in_dim3A_152 = vector.broadcast %jit3A_150 : bf16 to vector<104x512xbf16>
    %select_n3A_153 = arith.select %eq3A_148, %broadcast_in_dim3A_151, %broadcast_in_dim3A_152 : vector<104x512xi1>, vector<104x512xbf16>
    %swap3A_154 = arith.constant 1144 : index
    %swap3A_155 = arith.constant 0 : index
    %swap3A_156 = vector.load %arg15[%swap3A_154, %swap3A_155] : memref<10400x512xbf16, #tpu.memory_space<vmem>>, vector<104x512xbf16>
    tpu.vector_store %arg15[%swap3A_154, %swap3A_155], %select_n3A_153 {strides = array<i32>} : memref<10400x512xbf16, #tpu.memory_space<vmem>>, vector<104x512xbf16>,
    %add3A_157 = arith.addf %add3A_144, %select_n3A_153 : vector<104x512xbf16>
    %slice3A_158 = vector.extract_strided_slice %convert_element_type3A_5 {offsets = [12, 0], sizes = [1, 512], strides = [1, 1]} : vector<100x512xbf16> to vector<1x512xbf16>
    %broadcast_in_dim3A_159 = vector.shape_cast %slice3A_158 : vector<1x512xbf16> to vector<1x512xbf16>
    %broadcast_in_dim3A_160 = vector.broadcast %broadcast_in_dim3A_159 : vector<1x512xbf16> to vector<104x512xbf16>
    %eq3A_161 = arith.cmpf oeq, %broadcast_in_dim3A_160, %convert_element_type3A_2 : vector<104x512xbf16>
    %jit3A_162 = arith.constant 1.000000e+00 : bf16
    %jit3A_163 = arith.constant 0.000000e+00 : bf16
    %broadcast_in_dim3A_164 = vector.broadcast %jit3A_162 : bf16 to vector<104x512xbf16>
    %broadcast_in_dim3A_165 = vector.broadcast %jit3A_163 : bf16 to vector<104x512xbf16>
    %select_n3A_166 = arith.select %eq3A_161, %broadcast_in_dim3A_164, %broadcast_in_dim3A_165 : vector<104x512xi1>, vector<104x512xbf16>
    %swap3A_167 = arith.constant 1248 : index
    %swap3A_168 = arith.constant 0 : index
    %swap3A_169 = vector.load %arg15[%swap3A_167, %swap3A_168] : memref<10400x512xbf16, #tpu.memory_space<vmem>>, vector<104x512xbf16>
    tpu.vector_store %arg15[%swap3A_167, %swap3A_168], %select_n3A_166 {strides = array<i32>} : memref<10400x512xbf16, #tpu.memory_space<vmem>>, vector<104x512xbf16>,
    %add3A_170 = arith.addf %add3A_157, %select_n3A_166 : vector<104x512xbf16>
    %slice3A_171 = vector.extract_strided_slice %convert_element_type3A_5 {offsets = [13, 0], sizes = [1, 512], strides = [1, 1]} : vector<100x512xbf16> to vector<1x512xbf16>
    %broadcast_in_dim3A_172 = vector.shape_cast %slice3A_171 : vector<1x512xbf16> to vector<1x512xbf16>
    %broadcast_in_dim3A_173 = vector.broadcast %broadcast_in_dim3A_172 : vector<1x512xbf16> to vector<104x512xbf16>
    %eq3A_174 = arith.cmpf oeq, %broadcast_in_dim3A_173, %convert_element_type3A_2 : vector<104x512xbf16>
    %jit3A_175 = arith.constant 1.000000e+00 : bf16
    %jit3A_176 = arith.constant 0.000000e+00 : bf16
    %broadcast_in_dim3A_177 = vector.broadcast %jit3A_175 : bf16 to vector<104x512xbf16>
    %broadcast_in_dim3A_178 = vector.broadcast %jit3A_176 : bf16 to vector<104x512xbf16>
    %select_n3A_179 = arith.select %eq3A_174, %broadcast_in_dim3A_177, %broadcast_in_dim3A_178 : vector<104x512xi1>, vector<104x512xbf16>
    %swap3A_180 = arith.constant 1352 : index
    %swap3A_181 = arith.constant 0 : index
    %swap3A_182 = vector.load %arg15[%swap3A_180, %swap3A_181] : memref<10400x512xbf16, #tpu.memory_space<vmem>>, vector<104x512xbf16>
    tpu.vector_store %arg15[%swap3A_180, %swap3A_181], %select_n3A_179 {strides = array<i32>} : memref<10400x512xbf16, #tpu.memory_space<vmem>>, vector<104x512xbf16>,
    %add3A_183 = arith.addf %add3A_170, %select_n3A_179 : vector<104x512xbf16>
    %slice3A_184 = vector.extract_strided_slice %convert_element_type3A_5 {offsets = [14, 0], sizes = [1, 512], strides = [1, 1]} : vector<100x512xbf16> to vector<1x512xbf16>
    %broadcast_in_dim3A_185 = vector.shape_cast %slice3A_184 : vector<1x512xbf16> to vector<1x512xbf16>
    %broadcast_in_dim3A_186 = vector.broadcast %broadcast_in_dim3A_185 : vector<1x512xbf16> to vector<104x512xbf16>
    %eq3A_187 = arith.cmpf oeq, %broadcast_in_dim3A_186, %convert_element_type3A_2 : vector<104x512xbf16>
    %jit3A_188 = arith.constant 1.000000e+00 : bf16
    %jit3A_189 = arith.constant 0.000000e+00 : bf16
    %broadcast_in_dim3A_190 = vector.broadcast %jit3A_188 : bf16 to vector<104x512xbf16>
    %broadcast_in_dim3A_191 = vector.broadcast %jit3A_189 : bf16 to vector<104x512xbf16>
    %select_n3A_192 = arith.select %eq3A_187, %broadcast_in_dim3A_190, %broadcast_in_dim3A_191 : vector<104x512xi1>, vector<104x512xbf16>
    %swap3A_193 = arith.constant 1456 : index
    %swap3A_194 = arith.constant 0 : index
    %swap3A_195 = vector.load %arg15[%swap3A_193, %swap3A_194] : memref<10400x512xbf16, #tpu.memory_space<vmem>>, vector<104x512xbf16>
    tpu.vector_store %arg15[%swap3A_193, %swap3A_194], %select_n3A_192 {strides = array<i32>} : memref<10400x512xbf16, #tpu.memory_space<vmem>>, vector<104x512xbf16>,
    %add3A_196 = arith.addf %add3A_183, %select_n3A_192 : vector<104x512xbf16>
    %slice3A_197 = vector.extract_strided_slice %convert_element_type3A_5 {offsets = [15, 0], sizes = [1, 512], strides = [1, 1]} : vector<100x512xbf16> to vector<1x512xbf16>
    %broadcast_in_dim3A_198 = vector.shape_cast %slice3A_197 : vector<1x512xbf16> to vector<1x512xbf16>
    %broadcast_in_dim3A_199 = vector.broadcast %broadcast_in_dim3A_198 : vector<1x512xbf16> to vector<104x512xbf16>
    %eq3A_200 = arith.cmpf oeq, %broadcast_in_dim3A_199, %convert_element_type3A_2 : vector<104x512xbf16>
    %jit3A_201 = arith.constant 1.000000e+00 : bf16
    %jit3A_202 = arith.constant 0.000000e+00 : bf16
    %broadcast_in_dim3A_203 = vector.broadcast %jit3A_201 : bf16 to vector<104x512xbf16>
    %broadcast_in_dim3A_204 = vector.broadcast %jit3A_202 : bf16 to vector<104x512xbf16>
    %select_n3A_205 = arith.select %eq3A_200, %broadcast_in_dim3A_203, %broadcast_in_dim3A_204 : vector<104x512xi1>, vector<104x512xbf16>
    %swap3A_206 = arith.constant 1560 : index
    %swap3A_207 = arith.constant 0 : index
    %swap3A_208 = vector.load %arg15[%swap3A_206, %swap3A_207] : memref<10400x512xbf16, #tpu.memory_space<vmem>>, vector<104x512xbf16>
    tpu.vector_store %arg15[%swap3A_206, %swap3A_207], %select_n3A_205 {strides = array<i32>} : memref<10400x512xbf16, #tpu.memory_space<vmem>>, vector<104x512xbf16>,
    %add3A_209 = arith.addf %add3A_196, %select_n3A_205 : vector<104x512xbf16>
    %slice3A_210 = vector.extract_strided_slice %convert_element_type3A_5 {offsets = [16, 0], sizes = [1, 512], strides = [1, 1]} : vector<100x512xbf16> to vector<1x512xbf16>
    %broadcast_in_dim3A_211 = vector.shape_cast %slice3A_210 : vector<1x512xbf16> to vector<1x512xbf16>
    %broadcast_in_dim3A_212 = vector.broadcast %broadcast_in_dim3A_211 : vector<1x512xbf16> to vector<104x512xbf16>
    %eq3A_213 = arith.cmpf oeq, %broadcast_in_dim3A_212, %convert_element_type3A_2 : vector<104x512xbf16>
    %jit3A_214 = arith.constant 1.000000e+00 : bf16
    %jit3A_215 = arith.constant 0.000000e+00 : bf16
    %broadcast_in_dim3A_216 = vector.broadcast %jit3A_214 : bf16 to vector<104x512xbf16>
    %broadcast_in_dim3A_217 = vector.broadcast %jit3A_215 : bf16 to vector<104x512xbf16>
    %select_n3A_218 = arith.select %eq3A_213, %broadcast_in_dim3A_216, %broadcast_in_dim3A_217 : vector<104x512xi1>, vector<104x512xbf16>
    %swap3A_219 = arith.constant 1664 : index
    %swap3A_220 = arith.constant 0 : index
    %swap3A_221 = vector.load %arg15[%swap3A_219, %swap3A_220] : memref<10400x512xbf16, #tpu.memory_space<vmem>>, vector<104x512xbf16>
    tpu.vector_store %arg15[%swap3A_219, %swap3A_220], %select_n3A_218 {strides = array<i32>} : memref<10400x512xbf16, #tpu.memory_space<vmem>>, vector<104x512xbf16>,
    %add3A_222 = arith.addf %add3A_209, %select_n3A_218 : vector<104x512xbf16>
    %slice3A_223 = vector.extract_strided_slice %convert_element_type3A_5 {offsets = [17, 0], sizes = [1, 512], strides = [1, 1]} : vector<100x512xbf16> to vector<1x512xbf16>
    %broadcast_in_dim3A_224 = vector.shape_cast %slice3A_223 : vector<1x512xbf16> to vector<1x512xbf16>
    %broadcast_in_dim3A_225 = vector.broadcast %broadcast_in_dim3A_224 : vector<1x512xbf16> to vector<104x512xbf16>
    %eq3A_226 = arith.cmpf oeq, %broadcast_in_dim3A_225, %convert_element_type3A_2 : vector<104x512xbf16>
    %jit3A_227 = arith.constant 1.000000e+00 : bf16
    %jit3A_228 = arith.constant 0.000000e+00 : bf16
    %broadcast_in_dim3A_229 = vector.broadcast %jit3A_227 : bf16 to vector<104x512xbf16>
    %broadcast_in_dim3A_230 = vector.broadcast %jit3A_228 : bf16 to vector<104x512xbf16>
    %select_n3A_231 = arith.select %eq3A_226, %broadcast_in_dim3A_229, %broadcast_in_dim3A_230 : vector<104x512xi1>, vector<104x512xbf16>
    %swap3A_232 = arith.constant 1768 : index
    %swap3A_233 = arith.constant 0 : index
    %swap3A_234 = vector.load %arg15[%swap3A_232, %swap3A_233] : memref<10400x512xbf16, #tpu.memory_space<vmem>>, vector<104x512xbf16>
    tpu.vector_store %arg15[%swap3A_232, %swap3A_233], %select_n3A_231 {strides = array<i32>} : memref<10400x512xbf16, #tpu.memory_space<vmem>>, vector<104x512xbf16>,
    %add3A_235 = arith.addf %add3A_222, %select_n3A_231 : vector<104x512xbf16>
    %slice3A_236 = vector.extract_strided_slice %convert_element_type3A_5 {offsets = [18, 0], sizes = [1, 512], strides = [1, 1]} : vector<100x512xbf16> to vector<1x512xbf16>
    %broadcast_in_dim3A_237 = vector.shape_cast %slice3A_236 : vector<1x512xbf16> to vector<1x512xbf16>
    %broadcast_in_dim3A_238 = vector.broadcast %broadcast_in_dim3A_237 : vector<1x512xbf16> to vector<104x512xbf16>
    %eq3A_239 = arith.cmpf oeq, %broadcast_in_dim3A_238, %convert_element_type3A_2 : vector<104x512xbf16>
    %jit3A_240 = arith.constant 1.000000e+00 : bf16
    %jit3A_241 = arith.constant 0.000000e+00 : bf16
    %broadcast_in_dim3A_242 = vector.broadcast %jit3A_240 : bf16 to vector<104x512xbf16>
    %broadcast_in_dim3A_243 = vector.broadcast %jit3A_241 : bf16 to vector<104x512xbf16>
    %select_n3A_244 = arith.select %eq3A_239, %broadcast_in_dim3A_242, %broadcast_in_dim3A_243 : vector<104x512xi1>, vector<104x512xbf16>
    %swap3A_245 = arith.constant 1872 : index
    %swap3A_246 = arith.constant 0 : index
    %swap3A_247 = vector.load %arg15[%swap3A_245, %swap3A_246] : memref<10400x512xbf16, #tpu.memory_space<vmem>>, vector<104x512xbf16>
    tpu.vector_store %arg15[%swap3A_245, %swap3A_246], %select_n3A_244 {strides = array<i32>} : memref<10400x512xbf16, #tpu.memory_space<vmem>>, vector<104x512xbf16>,
    %add3A_248 = arith.addf %add3A_235, %select_n3A_244 : vector<104x512xbf16>
    %slice3A_249 = vector.extract_strided_slice %convert_element_type3A_5 {offsets = [19, 0], sizes = [1, 512], strides = [1, 1]} : vector<100x512xbf16> to vector<1x512xbf16>
    %broadcast_in_dim3A_250 = vector.shape_cast %slice3A_249 : vector<1x512xbf16> to vector<1x512xbf16>
    %broadcast_in_dim3A_251 = vector.broadcast %broadcast_in_dim3A_250 : vector<1x512xbf16> to vector<104x512xbf16>
    %eq3A_252 = arith.cmpf oeq, %broadcast_in_dim3A_251, %convert_element_type3A_2 : vector<104x512xbf16>
    %jit3A_253 = arith.constant 1.000000e+00 : bf16
    %jit3A_254 = arith.constant 0.000000e+00 : bf16
    %broadcast_in_dim3A_255 = vector.broadcast %jit3A_253 : bf16 to vector<104x512xbf16>
    %broadcast_in_dim3A_256 = vector.broadcast %jit3A_254 : bf16 to vector<104x512xbf16>
    %select_n3A_257 = arith.select %eq3A_252, %broadcast_in_dim3A_255, %broadcast_in_dim3A_256 : vector<104x512xi1>, vector<104x512xbf16>
    %swap3A_258 = arith.constant 1976 : index
    %swap3A_259 = arith.constant 0 : index
    %swap3A_260 = vector.load %arg15[%swap3A_258, %swap3A_259] : memref<10400x512xbf16, #tpu.memory_space<vmem>>, vector<104x512xbf16>
    tpu.vector_store %arg15[%swap3A_258, %swap3A_259], %select_n3A_257 {strides = array<i32>} : memref<10400x512xbf16, #tpu.memory_space<vmem>>, vector<104x512xbf16>,
    %add3A_261 = arith.addf %add3A_248, %select_n3A_257 : vector<104x512xbf16>
    %slice3A_262 = vector.extract_strided_slice %convert_element_type3A_5 {offsets = [20, 0], sizes = [1, 512], strides = [1, 1]} : vector<100x512xbf16> to vector<1x512xbf16>
    %broadcast_in_dim3A_263 = vector.shape_cast %slice3A_262 : vector<1x512xbf16> to vector<1x512xbf16>
    %broadcast_in_dim3A_264 = vector.broadcast %broadcast_in_dim3A_263 : vector<1x512xbf16> to vector<104x512xbf16>
    %eq3A_265 = arith.cmpf oeq, %broadcast_in_dim3A_264, %convert_element_type3A_2 : vector<104x512xbf16>
    %jit3A_266 = arith.constant 1.000000e+00 : bf16
    %jit3A_267 = arith.constant 0.000000e+00 : bf16
    %broadcast_in_dim3A_268 = vector.broadcast %jit3A_266 : bf16 to vector<104x512xbf16>
    %broadcast_in_dim3A_269 = vector.broadcast %jit3A_267 : bf16 to vector<104x512xbf16>
    %select_n3A_270 = arith.select %eq3A_265, %broadcast_in_dim3A_268, %broadcast_in_dim3A_269 : vector<104x512xi1>, vector<104x512xbf16>
    %swap3A_271 = arith.constant 2080 : index
    %swap3A_272 = arith.constant 0 : index
    %swap3A_273 = vector.load %arg15[%swap3A_271, %swap3A_272] : memref<10400x512xbf16, #tpu.memory_space<vmem>>, vector<104x512xbf16>
    tpu.vector_store %arg15[%swap3A_271, %swap3A_272], %select_n3A_270 {strides = array<i32>} : memref<10400x512xbf16, #tpu.memory_space<vmem>>, vector<104x512xbf16>,
    %add3A_274 = arith.addf %add3A_261, %select_n3A_270 : vector<104x512xbf16>
    %slice3A_275 = vector.extract_strided_slice %convert_element_type3A_5 {offsets = [21, 0], sizes = [1, 512], strides = [1, 1]} : vector<100x512xbf16> to vector<1x512xbf16>
    %broadcast_in_dim3A_276 = vector.shape_cast %slice3A_275 : vector<1x512xbf16> to vector<1x512xbf16>
    %broadcast_in_dim3A_277 = vector.broadcast %broadcast_in_dim3A_276 : vector<1x512xbf16> to vector<104x512xbf16>
    %eq3A_278 = arith.cmpf oeq, %broadcast_in_dim3A_277, %convert_element_type3A_2 : vector<104x512xbf16>
    %jit3A_279 = arith.constant 1.000000e+00 : bf16
    %jit3A_280 = arith.constant 0.000000e+00 : bf16
    %broadcast_in_dim3A_281 = vector.broadcast %jit3A_279 : bf16 to vector<104x512xbf16>
    %broadcast_in_dim3A_282 = vector.broadcast %jit3A_280 : bf16 to vector<104x512xbf16>
    %select_n3A_283 = arith.select %eq3A_278, %broadcast_in_dim3A_281, %broadcast_in_dim3A_282 : vector<104x512xi1>, vector<104x512xbf16>
    %swap3A_284 = arith.constant 2184 : index
    %swap3A_285 = arith.constant 0 : index
    %swap3A_286 = vector.load %arg15[%swap3A_284, %swap3A_285] : memref<10400x512xbf16, #tpu.memory_space<vmem>>, vector<104x512xbf16>
    tpu.vector_store %arg15[%swap3A_284, %swap3A_285], %select_n3A_283 {strides = array<i32>} : memref<10400x512xbf16, #tpu.memory_space<vmem>>, vector<104x512xbf16>,
    %add3A_287 = arith.addf %add3A_274, %select_n3A_283 : vector<104x512xbf16>
    %slice3A_288 = vector.extract_strided_slice %convert_element_type3A_5 {offsets = [22, 0], sizes = [1, 512], strides = [1, 1]} : vector<100x512xbf16> to vector<1x512xbf16>
    %broadcast_in_dim3A_289 = vector.shape_cast %slice3A_288 : vector<1x512xbf16> to vector<1x512xbf16>
    %broadcast_in_dim3A_290 = vector.broadcast %broadcast_in_dim3A_289 : vector<1x512xbf16> to vector<104x512xbf16>
    %eq3A_291 = arith.cmpf oeq, %broadcast_in_dim3A_290, %convert_element_type3A_2 : vector<104x512xbf16>
    %jit3A_292 = arith.constant 1.000000e+00 : bf16
    %jit3A_293 = arith.constant 0.000000e+00 : bf16
    %broadcast_in_dim3A_294 = vector.broadcast %jit3A_292 : bf16 to vector<104x512xbf16>
    %broadcast_in_dim3A_295 = vector.broadcast %jit3A_293 : bf16 to vector<104x512xbf16>
    %select_n3A_296 = arith.select %eq3A_291, %broadcast_in_dim3A_294, %broadcast_in_dim3A_295 : vector<104x512xi1>, vector<104x512xbf16>
    %swap3A_297 = arith.constant 2288 : index
    %swap3A_298 = arith.constant 0 : index
    %swap3A_299 = vector.load %arg15[%swap3A_297, %swap3A_298] : memref<10400x512xbf16, #tpu.memory_space<vmem>>, vector<104x512xbf16>
    tpu.vector_store %arg15[%swap3A_297, %swap3A_298], %select_n3A_296 {strides = array<i32>} : memref<10400x512xbf16, #tpu.memory_space<vmem>>, vector<104x512xbf16>,
    %add3A_300 = arith.addf %add3A_287, %select_n3A_296 : vector<104x512xbf16>
    %slice3A_301 = vector.extract_strided_slice %convert_element_type3A_5 {offsets = [23, 0], sizes = [1, 512], strides = [1, 1]} : vector<100x512xbf16> to vector<1x512xbf16>
    %broadcast_in_dim3A_302 = vector.shape_cast %slice3A_301 : vector<1x512xbf16> to vector<1x512xbf16>
    %broadcast_in_dim3A_303 = vector.broadcast %broadcast_in_dim3A_302 : vector<1x512xbf16> to vector<104x512xbf16>
    %eq3A_304 = arith.cmpf oeq, %broadcast_in_dim3A_303, %convert_element_type3A_2 : vector<104x512xbf16>
    %jit3A_305 = arith.constant 1.000000e+00 : bf16
    %jit3A_306 = arith.constant 0.000000e+00 : bf16
    %broadcast_in_dim3A_307 = vector.broadcast %jit3A_305 : bf16 to vector<104x512xbf16>
    %broadcast_in_dim3A_308 = vector.broadcast %jit3A_306 : bf16 to vector<104x512xbf16>
    %select_n3A_309 = arith.select %eq3A_304, %broadcast_in_dim3A_307, %broadcast_in_dim3A_308 : vector<104x512xi1>, vector<104x512xbf16>
    %swap3A_310 = arith.constant 2392 : index
    %swap3A_311 = arith.constant 0 : index
    %swap3A_312 = vector.load %arg15[%swap3A_310, %swap3A_311] : memref<10400x512xbf16, #tpu.memory_space<vmem>>, vector<104x512xbf16>
    tpu.vector_store %arg15[%swap3A_310, %swap3A_311], %select_n3A_309 {strides = array<i32>} : memref<10400x512xbf16, #tpu.memory_space<vmem>>, vector<104x512xbf16>,
    %add3A_313 = arith.addf %add3A_300, %select_n3A_309 : vector<104x512xbf16>
    %slice3A_314 = vector.extract_strided_slice %convert_element_type3A_5 {offsets = [24, 0], sizes = [1, 512], strides = [1, 1]} : vector<100x512xbf16> to vector<1x512xbf16>
    %broadcast_in_dim3A_315 = vector.shape_cast %slice3A_314 : vector<1x512xbf16> to vector<1x512xbf16>
    %broadcast_in_dim3A_316 = vector.broadcast %broadcast_in_dim3A_315 : vector<1x512xbf16> to vector<104x512xbf16>
    %eq3A_317 = arith.cmpf oeq, %broadcast_in_dim3A_316, %convert_element_type3A_2 : vector<104x512xbf16>
    %jit3A_318 = arith.constant 1.000000e+00 : bf16
    %jit3A_319 = arith.constant 0.000000e+00 : bf16
    %broadcast_in_dim3A_320 = vector.broadcast %jit3A_318 : bf16 to vector<104x512xbf16>
    %broadcast_in_dim3A_321 = vector.broadcast %jit3A_319 : bf16 to vector<104x512xbf16>
    %select_n3A_322 = arith.select %eq3A_317, %broadcast_in_dim3A_320, %broadcast_in_dim3A_321 : vector<104x512xi1>, vector<104x512xbf16>
    %swap3A_323 = arith.constant 2496 : index
    %swap3A_324 = arith.constant 0 : index
    %swap3A_325 = vector.load %arg15[%swap3A_323, %swap3A_324] : memref<10400x512xbf16, #tpu.memory_space<vmem>>, vector<104x512xbf16>
    tpu.vector_store %arg15[%swap3A_323, %swap3A_324], %select_n3A_322 {strides = array<i32>} : memref<10400x512xbf16, #tpu.memory_space<vmem>>, vector<104x512xbf16>,
    %add3A_326 = arith.addf %add3A_313, %select_n3A_322 : vector<104x512xbf16>
    %slice3A_327 = vector.extract_strided_slice %convert_element_type3A_5 {offsets = [25, 0], sizes = [1, 512], strides = [1, 1]} : vector<100x512xbf16> to vector<1x512xbf16>
    %broadcast_in_dim3A_328 = vector.shape_cast %slice3A_327 : vector<1x512xbf16> to vector<1x512xbf16>
    %broadcast_in_dim3A_329 = vector.broadcast %broadcast_in_dim3A_328 : vector<1x512xbf16> to vector<104x512xbf16>
    %eq3A_330 = arith.cmpf oeq, %broadcast_in_dim3A_329, %convert_element_type3A_2 : vector<104x512xbf16>
    %jit3A_331 = arith.constant 1.000000e+00 : bf16
    %jit3A_332 = arith.constant 0.000000e+00 : bf16
    %broadcast_in_dim3A_333 = vector.broadcast %jit3A_331 : bf16 to vector<104x512xbf16>
    %broadcast_in_dim3A_334 = vector.broadcast %jit3A_332 : bf16 to vector<104x512xbf16>
    %select_n3A_335 = arith.select %eq3A_330, %broadcast_in_dim3A_333, %broadcast_in_dim3A_334 : vector<104x512xi1>, vector<104x512xbf16>
    %swap3A_336 = arith.constant 2600 : index
    %swap3A_337 = arith.constant 0 : index
    %swap3A_338 = vector.load %arg15[%swap3A_336, %swap3A_337] : memref<10400x512xbf16, #tpu.memory_space<vmem>>, vector<104x512xbf16>
    tpu.vector_store %arg15[%swap3A_336, %swap3A_337], %select_n3A_335 {strides = array<i32>} : memref<10400x512xbf16, #tpu.memory_space<vmem>>, vector<104x512xbf16>,
    %add3A_339 = arith.addf %add3A_326, %select_n3A_335 : vector<104x512xbf16>
    %slice3A_340 = vector.extract_strided_slice %convert_element_type3A_5 {offsets = [26, 0], sizes = [1, 512], strides = [1, 1]} : vector<100x512xbf16> to vector<1x512xbf16>
    %broadcast_in_dim3A_341 = vector.shape_cast %slice3A_340 : vector<1x512xbf16> to vector<1x512xbf16>
    %broadcast_in_dim3A_342 = vector.broadcast %broadcast_in_dim3A_341 : vector<1x512xbf16> to vector<104x512xbf16>
    %eq3A_343 = arith.cmpf oeq, %broadcast_in_dim3A_342, %convert_element_type3A_2 : vector<104x512xbf16>
    %jit3A_344 = arith.constant 1.000000e+00 : bf16
    %jit3A_345 = arith.constant 0.000000e+00 : bf16
    %broadcast_in_dim3A_346 = vector.broadcast %jit3A_344 : bf16 to vector<104x512xbf16>
    %broadcast_in_dim3A_347 = vector.broadcast %jit3A_345 : bf16 to vector<104x512xbf16>
    %select_n3A_348 = arith.select %eq3A_343, %broadcast_in_dim3A_346, %broadcast_in_dim3A_347 : vector<104x512xi1>, vector<104x512xbf16>
    %swap3A_349 = arith.constant 2704 : index
    %swap3A_350 = arith.constant 0 : index
    %swap3A_351 = vector.load %arg15[%swap3A_349, %swap3A_350] : memref<10400x512xbf16, #tpu.memory_space<vmem>>, vector<104x512xbf16>
    tpu.vector_store %arg15[%swap3A_349, %swap3A_350], %select_n3A_348 {strides = array<i32>} : memref<10400x512xbf16, #tpu.memory_space<vmem>>, vector<104x512xbf16>,
    %add3A_352 = arith.addf %add3A_339, %select_n3A_348 : vector<104x512xbf16>
    %slice3A_353 = vector.extract_strided_slice %convert_element_type3A_5 {offsets = [27, 0], sizes = [1, 512], strides = [1, 1]} : vector<100x512xbf16> to vector<1x512xbf16>
    %broadcast_in_dim3A_354 = vector.shape_cast %slice3A_353 : vector<1x512xbf16> to vector<1x512xbf16>
    %broadcast_in_dim3A_355 = vector.broadcast %broadcast_in_dim3A_354 : vector<1x512xbf16> to vector<104x512xbf16>
    %eq3A_356 = arith.cmpf oeq, %broadcast_in_dim3A_355, %convert_element_type3A_2 : vector<104x512xbf16>
    %jit3A_357 = arith.constant 1.000000e+00 : bf16
    %jit3A_358 = arith.constant 0.000000e+00 : bf16
    %broadcast_in_dim3A_359 = vector.broadcast %jit3A_357 : bf16 to vector<104x512xbf16>
    %broadcast_in_dim3A_360 = vector.broadcast %jit3A_358 : bf16 to vector<104x512xbf16>
    %select_n3A_361 = arith.select %eq3A_356, %broadcast_in_dim3A_359, %broadcast_in_dim3A_360 : vector<104x512xi1>, vector<104x512xbf16>
    %swap3A_362 = arith.constant 2808 : index
    %swap3A_363 = arith.constant 0 : index
    %swap3A_364 = vector.load %arg15[%swap3A_362, %swap3A_363] : memref<10400x512xbf16, #tpu.memory_space<vmem>>, vector<104x512xbf16>
    tpu.vector_store %arg15[%swap3A_362, %swap3A_363], %select_n3A_361 {strides = array<i32>} : memref<10400x512xbf16, #tpu.memory_space<vmem>>, vector<104x512xbf16>,
    %add3A_365 = arith.addf %add3A_352, %select_n3A_361 : vector<104x512xbf16>
    %slice3A_366 = vector.extract_strided_slice %convert_element_type3A_5 {offsets = [28, 0], sizes = [1, 512], strides = [1, 1]} : vector<100x512xbf16> to vector<1x512xbf16>
    %broadcast_in_dim3A_367 = vector.shape_cast %slice3A_366 : vector<1x512xbf16> to vector<1x512xbf16>
    %broadcast_in_dim3A_368 = vector.broadcast %broadcast_in_dim3A_367 : vector<1x512xbf16> to vector<104x512xbf16>
    %eq3A_369 = arith.cmpf oeq, %broadcast_in_dim3A_368, %convert_element_type3A_2 : vector<104x512xbf16>
    %jit3A_370 = arith.constant 1.000000e+00 : bf16
    %jit3A_371 = arith.constant 0.000000e+00 : bf16
    %broadcast_in_dim3A_372 = vector.broadcast %jit3A_370 : bf16 to vector<104x512xbf16>
    %broadcast_in_dim3A_373 = vector.broadcast %jit3A_371 : bf16 to vector<104x512xbf16>
    %select_n3A_374 = arith.select %eq3A_369, %broadcast_in_dim3A_372, %broadcast_in_dim3A_373 : vector<104x512xi1>, vector<104x512xbf16>
    %swap3A_375 = arith.constant 2912 : index
    %swap3A_376 = arith.constant 0 : index
    %swap3A_377 = vector.load %arg15[%swap3A_375, %swap3A_376] : memref<10400x512xbf16, #tpu.memory_space<vmem>>, vector<104x512xbf16>
    tpu.vector_store %arg15[%swap3A_375, %swap3A_376], %select_n3A_374 {strides = array<i32>} : memref<10400x512xbf16, #tpu.memory_space<vmem>>, vector<104x512xbf16>,
    %add3A_378 = arith.addf %add3A_365, %select_n3A_374 : vector<104x512xbf16>
    %slice3A_379 = vector.extract_strided_slice %convert_element_type3A_5 {offsets = [29, 0], sizes = [1, 512], strides = [1, 1]} : vector<100x512xbf16> to vector<1x512xbf16>
    %broadcast_in_dim3A_380 = vector.shape_cast %slice3A_379 : vector<1x512xbf16> to vector<1x512xbf16>
    %broadcast_in_dim3A_381 = vector.broadcast %broadcast_in_dim3A_380 : vector<1x512xbf16> to vector<104x512xbf16>
    %eq3A_382 = arith.cmpf oeq, %broadcast_in_dim3A_381, %convert_element_type3A_2 : vector<104x512xbf16>
    %jit3A_383 = arith.constant 1.000000e+00 : bf16
    %jit3A_384 = arith.constant 0.000000e+00 : bf16
    %broadcast_in_dim3A_385 = vector.broadcast %jit3A_383 : bf16 to vector<104x512xbf16>
    %broadcast_in_dim3A_386 = vector.broadcast %jit3A_384 : bf16 to vector<104x512xbf16>
    %select_n3A_387 = arith.select %eq3A_382, %broadcast_in_dim3A_385, %broadcast_in_dim3A_386 : vector<104x512xi1>, vector<104x512xbf16>
    %swap3A_388 = arith.constant 3016 : index
    %swap3A_389 = arith.constant 0 : index
    %swap3A_390 = vector.load %arg15[%swap3A_388, %swap3A_389] : memref<10400x512xbf16, #tpu.memory_space<vmem>>, vector<104x512xbf16>
    tpu.vector_store %arg15[%swap3A_388, %swap3A_389], %select_n3A_387 {strides = array<i32>} : memref<10400x512xbf16, #tpu.memory_space<vmem>>, vector<104x512xbf16>,
    %add3A_391 = arith.addf %add3A_378, %select_n3A_387 : vector<104x512xbf16>
    %slice3A_392 = vector.extract_strided_slice %convert_element_type3A_5 {offsets = [30, 0], sizes = [1, 512], strides = [1, 1]} : vector<100x512xbf16> to vector<1x512xbf16>
    %broadcast_in_dim3A_393 = vector.shape_cast %slice3A_392 : vector<1x512xbf16> to vector<1x512xbf16>
    %broadcast_in_dim3A_394 = vector.broadcast %broadcast_in_dim3A_393 : vector<1x512xbf16> to vector<104x512xbf16>
    %eq3A_395 = arith.cmpf oeq, %broadcast_in_dim3A_394, %convert_element_type3A_2 : vector<104x512xbf16>
    %jit3A_396 = arith.constant 1.000000e+00 : bf16
    %jit3A_397 = arith.constant 0.000000e+00 : bf16
    %broadcast_in_dim3A_398 = vector.broadcast %jit3A_396 : bf16 to vector<104x512xbf16>
    %broadcast_in_dim3A_399 = vector.broadcast %jit3A_397 : bf16 to vector<104x512xbf16>
    %select_n3A_400 = arith.select %eq3A_395, %broadcast_in_dim3A_398, %broadcast_in_dim3A_399 : vector<104x512xi1>, vector<104x512xbf16>
    %swap3A_401 = arith.constant 3120 : index
    %swap3A_402 = arith.constant 0 : index
    %swap3A_403 = vector.load %arg15[%swap3A_401, %swap3A_402] : memref<10400x512xbf16, #tpu.memory_space<vmem>>, vector<104x512xbf16>
    tpu.vector_store %arg15[%swap3A_401, %swap3A_402], %select_n3A_400 {strides = array<i32>} : memref<10400x512xbf16, #tpu.memory_space<vmem>>, vector<104x512xbf16>,
    %add3A_404 = arith.addf %add3A_391, %select_n3A_400 : vector<104x512xbf16>
    %slice3A_405 = vector.extract_strided_slice %convert_element_type3A_5 {offsets = [31, 0], sizes = [1, 512], strides = [1, 1]} : vector<100x512xbf16> to vector<1x512xbf16>
    %broadcast_in_dim3A_406 = vector.shape_cast %slice3A_405 : vector<1x512xbf16> to vector<1x512xbf16>
    %broadcast_in_dim3A_407 = vector.broadcast %broadcast_in_dim3A_406 : vector<1x512xbf16> to vector<104x512xbf16>
    %eq3A_408 = arith.cmpf oeq, %broadcast_in_dim3A_407, %convert_element_type3A_2 : vector<104x512xbf16>
    %jit3A_409 = arith.constant 1.000000e+00 : bf16
    %jit3A_410 = arith.constant 0.000000e+00 : bf16
    %broadcast_in_dim3A_411 = vector.broadcast %jit3A_409 : bf16 to vector<104x512xbf16>
    %broadcast_in_dim3A_412 = vector.broadcast %jit3A_410 : bf16 to vector<104x512xbf16>
    %select_n3A_413 = arith.select %eq3A_408, %broadcast_in_dim3A_411, %broadcast_in_dim3A_412 : vector<104x512xi1>, vector<104x512xbf16>
    %swap3A_414 = arith.constant 3224 : index
    %swap3A_415 = arith.constant 0 : index
    %swap3A_416 = vector.load %arg15[%swap3A_414, %swap3A_415] : memref<10400x512xbf16, #tpu.memory_space<vmem>>, vector<104x512xbf16>
    tpu.vector_store %arg15[%swap3A_414, %swap3A_415], %select_n3A_413 {strides = array<i32>} : memref<10400x512xbf16, #tpu.memory_space<vmem>>, vector<104x512xbf16>,
    %add3A_417 = arith.addf %add3A_404, %select_n3A_413 : vector<104x512xbf16>
    %slice3A_418 = vector.extract_strided_slice %convert_element_type3A_5 {offsets = [32, 0], sizes = [1, 512], strides = [1, 1]} : vector<100x512xbf16> to vector<1x512xbf16>
    %broadcast_in_dim3A_419 = vector.shape_cast %slice3A_418 : vector<1x512xbf16> to vector<1x512xbf16>
    %broadcast_in_dim3A_420 = vector.broadcast %broadcast_in_dim3A_419 : vector<1x512xbf16> to vector<104x512xbf16>
    %eq3A_421 = arith.cmpf oeq, %broadcast_in_dim3A_420, %convert_element_type3A_2 : vector<104x512xbf16>
    %jit3A_422 = arith.constant 1.000000e+00 : bf16
    %jit3A_423 = arith.constant 0.000000e+00 : bf16
    %broadcast_in_dim3A_424 = vector.broadcast %jit3A_422 : bf16 to vector<104x512xbf16>
    %broadcast_in_dim3A_425 = vector.broadcast %jit3A_423 : bf16 to vector<104x512xbf16>
    %select_n3A_426 = arith.select %eq3A_421, %broadcast_in_dim3A_424, %broadcast_in_dim3A_425 : vector<104x512xi1>, vector<104x512xbf16>
    %swap3A_427 = arith.constant 3328 : index
    %swap3A_428 = arith.constant 0 : index
    %swap3A_429 = vector.load %arg15[%swap3A_427, %swap3A_428] : memref<10400x512xbf16, #tpu.memory_space<vmem>>, vector<104x512xbf16>
    tpu.vector_store %arg15[%swap3A_427, %swap3A_428], %select_n3A_426 {strides = array<i32>} : memref<10400x512xbf16, #tpu.memory_space<vmem>>, vector<104x512xbf16>,
    %add3A_430 = arith.addf %add3A_417, %select_n3A_426 : vector<104x512xbf16>
    %slice3A_431 = vector.extract_strided_slice %convert_element_type3A_5 {offsets = [33, 0], sizes = [1, 512], strides = [1, 1]} : vector<100x512xbf16> to vector<1x512xbf16>
    %broadcast_in_dim3A_432 = vector.shape_cast %slice3A_431 : vector<1x512xbf16> to vector<1x512xbf16>
    %broadcast_in_dim3A_433 = vector.broadcast %broadcast_in_dim3A_432 : vector<1x512xbf16> to vector<104x512xbf16>
    %eq3A_434 = arith.cmpf oeq, %broadcast_in_dim3A_433, %convert_element_type3A_2 : vector<104x512xbf16>
    %jit3A_435 = arith.constant 1.000000e+00 : bf16
    %jit3A_436 = arith.constant 0.000000e+00 : bf16
    %broadcast_in_dim3A_437 = vector.broadcast %jit3A_435 : bf16 to vector<104x512xbf16>
    %broadcast_in_dim3A_438 = vector.broadcast %jit3A_436 : bf16 to vector<104x512xbf16>
    %select_n3A_439 = arith.select %eq3A_434, %broadcast_in_dim3A_437, %broadcast_in_dim3A_438 : vector<104x512xi1>, vector<104x512xbf16>
    %swap3A_440 = arith.constant 3432 : index
    %swap3A_441 = arith.constant 0 : index
    %swap3A_442 = vector.load %arg15[%swap3A_440, %swap3A_441] : memref<10400x512xbf16, #tpu.memory_space<vmem>>, vector<104x512xbf16>
    tpu.vector_store %arg15[%swap3A_440, %swap3A_441], %select_n3A_439 {strides = array<i32>} : memref<10400x512xbf16, #tpu.memory_space<vmem>>, vector<104x512xbf16>,
    %add3A_443 = arith.addf %add3A_430, %select_n3A_439 : vector<104x512xbf16>
    %slice3A_444 = vector.extract_strided_slice %convert_element_type3A_5 {offsets = [34, 0], sizes = [1, 512], strides = [1, 1]} : vector<100x512xbf16> to vector<1x512xbf16>
    %broadcast_in_dim3A_445 = vector.shape_cast %slice3A_444 : vector<1x512xbf16> to vector<1x512xbf16>
    %broadcast_in_dim3A_446 = vector.broadcast %broadcast_in_dim3A_445 : vector<1x512xbf16> to vector<104x512xbf16>
    %eq3A_447 = arith.cmpf oeq, %broadcast_in_dim3A_446, %convert_element_type3A_2 : vector<104x512xbf16>
    %jit3A_448 = arith.constant 1.000000e+00 : bf16
    %jit3A_449 = arith.constant 0.000000e+00 : bf16
    %broadcast_in_dim3A_450 = vector.broadcast %jit3A_448 : bf16 to vector<104x512xbf16>
    %broadcast_in_dim3A_451 = vector.broadcast %jit3A_449 : bf16 to vector<104x512xbf16>
    %select_n3A_452 = arith.select %eq3A_447, %broadcast_in_dim3A_450, %broadcast_in_dim3A_451 : vector<104x512xi1>, vector<104x512xbf16>
    %swap3A_453 = arith.constant 3536 : index
    %swap3A_454 = arith.constant 0 : index
    %swap3A_455 = vector.load %arg15[%swap3A_453, %swap3A_454] : memref<10400x512xbf16, #tpu.memory_space<vmem>>, vector<104x512xbf16>
    tpu.vector_store %arg15[%swap3A_453, %swap3A_454], %select_n3A_452 {strides = array<i32>} : memref<10400x512xbf16, #tpu.memory_space<vmem>>, vector<104x512xbf16>,
    %add3A_456 = arith.addf %add3A_443, %select_n3A_452 : vector<104x512xbf16>
    %slice3A_457 = vector.extract_strided_slice %convert_element_type3A_5 {offsets = [35, 0], sizes = [1, 512], strides = [1, 1]} : vector<100x512xbf16> to vector<1x512xbf16>
    %broadcast_in_dim3A_458 = vector.shape_cast %slice3A_457 : vector<1x512xbf16> to vector<1x512xbf16>
    %broadcast_in_dim3A_459 = vector.broadcast %broadcast_in_dim3A_458 : vector<1x512xbf16> to vector<104x512xbf16>
    %eq3A_460 = arith.cmpf oeq, %broadcast_in_dim3A_459, %convert_element_type3A_2 : vector<104x512xbf16>
    %jit3A_461 = arith.constant 1.000000e+00 : bf16
    %jit3A_462 = arith.constant 0.000000e+00 : bf16
    %broadcast_in_dim3A_463 = vector.broadcast %jit3A_461 : bf16 to vector<104x512xbf16>
    %broadcast_in_dim3A_464 = vector.broadcast %jit3A_462 : bf16 to vector<104x512xbf16>
    %select_n3A_465 = arith.select %eq3A_460, %broadcast_in_dim3A_463, %broadcast_in_dim3A_464 : vector<104x512xi1>, vector<104x512xbf16>
    %swap3A_466 = arith.constant 3640 : index
    %swap3A_467 = arith.constant 0 : index
    %swap3A_468 = vector.load %arg15[%swap3A_466, %swap3A_467] : memref<10400x512xbf16, #tpu.memory_space<vmem>>, vector<104x512xbf16>
    tpu.vector_store %arg15[%swap3A_466, %swap3A_467], %select_n3A_465 {strides = array<i32>} : memref<10400x512xbf16, #tpu.memory_space<vmem>>, vector<104x512xbf16>,
    %add3A_469 = arith.addf %add3A_456, %select_n3A_465 : vector<104x512xbf16>
    %slice3A_470 = vector.extract_strided_slice %convert_element_type3A_5 {offsets = [36, 0], sizes = [1, 512], strides = [1, 1]} : vector<100x512xbf16> to vector<1x512xbf16>
    %broadcast_in_dim3A_471 = vector.shape_cast %slice3A_470 : vector<1x512xbf16> to vector<1x512xbf16>
    %broadcast_in_dim3A_472 = vector.broadcast %broadcast_in_dim3A_471 : vector<1x512xbf16> to vector<104x512xbf16>
    %eq3A_473 = arith.cmpf oeq, %broadcast_in_dim3A_472, %convert_element_type3A_2 : vector<104x512xbf16>
    %jit3A_474 = arith.constant 1.000000e+00 : bf16
    %jit3A_475 = arith.constant 0.000000e+00 : bf16
    %broadcast_in_dim3A_476 = vector.broadcast %jit3A_474 : bf16 to vector<104x512xbf16>
    %broadcast_in_dim3A_477 = vector.broadcast %jit3A_475 : bf16 to vector<104x512xbf16>
    %select_n3A_478 = arith.select %eq3A_473, %broadcast_in_dim3A_476, %broadcast_in_dim3A_477 : vector<104x512xi1>, vector<104x512xbf16>
    %swap3A_479 = arith.constant 3744 : index
    %swap3A_480 = arith.constant 0 : index
    %swap3A_481 = vector.load %arg15[%swap3A_479, %swap3A_480] : memref<10400x512xbf16, #tpu.memory_space<vmem>>, vector<104x512xbf16>
    tpu.vector_store %arg15[%swap3A_479, %swap3A_480], %select_n3A_478 {strides = array<i32>} : memref<10400x512xbf16, #tpu.memory_space<vmem>>, vector<104x512xbf16>,
    %add3A_482 = arith.addf %add3A_469, %select_n3A_478 : vector<104x512xbf16>
    %slice3A_483 = vector.extract_strided_slice %convert_element_type3A_5 {offsets = [37, 0], sizes = [1, 512], strides = [1, 1]} : vector<100x512xbf16> to vector<1x512xbf16>
    %broadcast_in_dim3A_484 = vector.shape_cast %slice3A_483 : vector<1x512xbf16> to vector<1x512xbf16>
    %broadcast_in_dim3A_485 = vector.broadcast %broadcast_in_dim3A_484 : vector<1x512xbf16> to vector<104x512xbf16>
    %eq3A_486 = arith.cmpf oeq, %broadcast_in_dim3A_485, %convert_element_type3A_2 : vector<104x512xbf16>
    %jit3A_487 = arith.constant 1.000000e+00 : bf16
    %jit3A_488 = arith.constant 0.000000e+00 : bf16
    %broadcast_in_dim3A_489 = vector.broadcast %jit3A_487 : bf16 to vector<104x512xbf16>
    %broadcast_in_dim3A_490 = vector.broadcast %jit3A_488 : bf16 to vector<104x512xbf16>
    %select_n3A_491 = arith.select %eq3A_486, %broadcast_in_dim3A_489, %broadcast_in_dim3A_490 : vector<104x512xi1>, vector<104x512xbf16>
    %swap3A_492 = arith.constant 3848 : index
    %swap3A_493 = arith.constant 0 : index
    %swap3A_494 = vector.load %arg15[%swap3A_492, %swap3A_493] : memref<10400x512xbf16, #tpu.memory_space<vmem>>, vector<104x512xbf16>
    tpu.vector_store %arg15[%swap3A_492, %swap3A_493], %select_n3A_491 {strides = array<i32>} : memref<10400x512xbf16, #tpu.memory_space<vmem>>, vector<104x512xbf16>,
    %add3A_495 = arith.addf %add3A_482, %select_n3A_491 : vector<104x512xbf16>
    %slice3A_496 = vector.extract_strided_slice %convert_element_type3A_5 {offsets = [38, 0], sizes = [1, 512], strides = [1, 1]} : vector<100x512xbf16> to vector<1x512xbf16>
    %broadcast_in_dim3A_497 = vector.shape_cast %slice3A_496 : vector<1x512xbf16> to vector<1x512xbf16>
    %broadcast_in_dim3A_498 = vector.broadcast %broadcast_in_dim3A_497 : vector<1x512xbf16> to vector<104x512xbf16>
    %eq3A_499 = arith.cmpf oeq, %broadcast_in_dim3A_498, %convert_element_type3A_2 : vector<104x512xbf16>
    %jit3A_500 = arith.constant 1.000000e+00 : bf16
    %jit3A_501 = arith.constant 0.000000e+00 : bf16
    %broadcast_in_dim3A_502 = vector.broadcast %jit3A_500 : bf16 to vector<104x512xbf16>
    %broadcast_in_dim3A_503 = vector.broadcast %jit3A_501 : bf16 to vector<104x512xbf16>
    %select_n3A_504 = arith.select %eq3A_499, %broadcast_in_dim3A_502, %broadcast_in_dim3A_503 : vector<104x512xi1>, vector<104x512xbf16>
    %swap3A_505 = arith.constant 3952 : index
    %swap3A_506 = arith.constant 0 : index
    %swap3A_507 = vector.load %arg15[%swap3A_505, %swap3A_506] : memref<10400x512xbf16, #tpu.memory_space<vmem>>, vector<104x512xbf16>
    tpu.vector_store %arg15[%swap3A_505, %swap3A_506], %select_n3A_504 {strides = array<i32>} : memref<10400x512xbf16, #tpu.memory_space<vmem>>, vector<104x512xbf16>,
    %add3A_508 = arith.addf %add3A_495, %select_n3A_504 : vector<104x512xbf16>
    %slice3A_509 = vector.extract_strided_slice %convert_element_type3A_5 {offsets = [39, 0], sizes = [1, 512], strides = [1, 1]} : vector<100x512xbf16> to vector<1x512xbf16>
    %broadcast_in_dim3A_510 = vector.shape_cast %slice3A_509 : vector<1x512xbf16> to vector<1x512xbf16>
    %broadcast_in_dim3A_511 = vector.broadcast %broadcast_in_dim3A_510 : vector<1x512xbf16> to vector<104x512xbf16>
    %eq3A_512 = arith.cmpf oeq, %broadcast_in_dim3A_511, %convert_element_type3A_2 : vector<104x512xbf16>
    %jit3A_513 = arith.constant 1.000000e+00 : bf16
    %jit3A_514 = arith.constant 0.000000e+00 : bf16
    %broadcast_in_dim3A_515 = vector.broadcast %jit3A_513 : bf16 to vector<104x512xbf16>
    %broadcast_in_dim3A_516 = vector.broadcast %jit3A_514 : bf16 to vector<104x512xbf16>
    %select_n3A_517 = arith.select %eq3A_512, %broadcast_in_dim3A_515, %broadcast_in_dim3A_516 : vector<104x512xi1>, vector<104x512xbf16>
    %swap3A_518 = arith.constant 4056 : index
    %swap3A_519 = arith.constant 0 : index
    %swap3A_520 = vector.load %arg15[%swap3A_518, %swap3A_519] : memref<10400x512xbf16, #tpu.memory_space<vmem>>, vector<104x512xbf16>
    tpu.vector_store %arg15[%swap3A_518, %swap3A_519], %select_n3A_517 {strides = array<i32>} : memref<10400x512xbf16, #tpu.memory_space<vmem>>, vector<104x512xbf16>,
    %add3A_521 = arith.addf %add3A_508, %select_n3A_517 : vector<104x512xbf16>
    %slice3A_522 = vector.extract_strided_slice %convert_element_type3A_5 {offsets = [40, 0], sizes = [1, 512], strides = [1, 1]} : vector<100x512xbf16> to vector<1x512xbf16>
    %broadcast_in_dim3A_523 = vector.shape_cast %slice3A_522 : vector<1x512xbf16> to vector<1x512xbf16>
    %broadcast_in_dim3A_524 = vector.broadcast %broadcast_in_dim3A_523 : vector<1x512xbf16> to vector<104x512xbf16>
    %eq3A_525 = arith.cmpf oeq, %broadcast_in_dim3A_524, %convert_element_type3A_2 : vector<104x512xbf16>
    %jit3A_526 = arith.constant 1.000000e+00 : bf16
    %jit3A_527 = arith.constant 0.000000e+00 : bf16
    %broadcast_in_dim3A_528 = vector.broadcast %jit3A_526 : bf16 to vector<104x512xbf16>
    %broadcast_in_dim3A_529 = vector.broadcast %jit3A_527 : bf16 to vector<104x512xbf16>
    %select_n3A_530 = arith.select %eq3A_525, %broadcast_in_dim3A_528, %broadcast_in_dim3A_529 : vector<104x512xi1>, vector<104x512xbf16>
    %swap3A_531 = arith.constant 4160 : index
    %swap3A_532 = arith.constant 0 : index
    %swap3A_533 = vector.load %arg15[%swap3A_531, %swap3A_532] : memref<10400x512xbf16, #tpu.memory_space<vmem>>, vector<104x512xbf16>
    tpu.vector_store %arg15[%swap3A_531, %swap3A_532], %select_n3A_530 {strides = array<i32>} : memref<10400x512xbf16, #tpu.memory_space<vmem>>, vector<104x512xbf16>,
    %add3A_534 = arith.addf %add3A_521, %select_n3A_530 : vector<104x512xbf16>
    %slice3A_535 = vector.extract_strided_slice %convert_element_type3A_5 {offsets = [41, 0], sizes = [1, 512], strides = [1, 1]} : vector<100x512xbf16> to vector<1x512xbf16>
    %broadcast_in_dim3A_536 = vector.shape_cast %slice3A_535 : vector<1x512xbf16> to vector<1x512xbf16>
    %broadcast_in_dim3A_537 = vector.broadcast %broadcast_in_dim3A_536 : vector<1x512xbf16> to vector<104x512xbf16>
    %eq3A_538 = arith.cmpf oeq, %broadcast_in_dim3A_537, %convert_element_type3A_2 : vector<104x512xbf16>
    %jit3A_539 = arith.constant 1.000000e+00 : bf16
    %jit3A_540 = arith.constant 0.000000e+00 : bf16
    %broadcast_in_dim3A_541 = vector.broadcast %jit3A_539 : bf16 to vector<104x512xbf16>
    %broadcast_in_dim3A_542 = vector.broadcast %jit3A_540 : bf16 to vector<104x512xbf16>
    %select_n3A_543 = arith.select %eq3A_538, %broadcast_in_dim3A_541, %broadcast_in_dim3A_542 : vector<104x512xi1>, vector<104x512xbf16>
    %swap3A_544 = arith.constant 4264 : index
    %swap3A_545 = arith.constant 0 : index
    %swap3A_546 = vector.load %arg15[%swap3A_544, %swap3A_545] : memref<10400x512xbf16, #tpu.memory_space<vmem>>, vector<104x512xbf16>
    tpu.vector_store %arg15[%swap3A_544, %swap3A_545], %select_n3A_543 {strides = array<i32>} : memref<10400x512xbf16, #tpu.memory_space<vmem>>, vector<104x512xbf16>,
    %add3A_547 = arith.addf %add3A_534, %select_n3A_543 : vector<104x512xbf16>
    %slice3A_548 = vector.extract_strided_slice %convert_element_type3A_5 {offsets = [42, 0], sizes = [1, 512], strides = [1, 1]} : vector<100x512xbf16> to vector<1x512xbf16>
    %broadcast_in_dim3A_549 = vector.shape_cast %slice3A_548 : vector<1x512xbf16> to vector<1x512xbf16>
    %broadcast_in_dim3A_550 = vector.broadcast %broadcast_in_dim3A_549 : vector<1x512xbf16> to vector<104x512xbf16>
    %eq3A_551 = arith.cmpf oeq, %broadcast_in_dim3A_550, %convert_element_type3A_2 : vector<104x512xbf16>
    %jit3A_552 = arith.constant 1.000000e+00 : bf16
    %jit3A_553 = arith.constant 0.000000e+00 : bf16
    %broadcast_in_dim3A_554 = vector.broadcast %jit3A_552 : bf16 to vector<104x512xbf16>
    %broadcast_in_dim3A_555 = vector.broadcast %jit3A_553 : bf16 to vector<104x512xbf16>
    %select_n3A_556 = arith.select %eq3A_551, %broadcast_in_dim3A_554, %broadcast_in_dim3A_555 : vector<104x512xi1>, vector<104x512xbf16>
    %swap3A_557 = arith.constant 4368 : index
    %swap3A_558 = arith.constant 0 : index
    %swap3A_559 = vector.load %arg15[%swap3A_557, %swap3A_558] : memref<10400x512xbf16, #tpu.memory_space<vmem>>, vector<104x512xbf16>
    tpu.vector_store %arg15[%swap3A_557, %swap3A_558], %select_n3A_556 {strides = array<i32>} : memref<10400x512xbf16, #tpu.memory_space<vmem>>, vector<104x512xbf16>,
    %add3A_560 = arith.addf %add3A_547, %select_n3A_556 : vector<104x512xbf16>
    %slice3A_561 = vector.extract_strided_slice %convert_element_type3A_5 {offsets = [43, 0], sizes = [1, 512], strides = [1, 1]} : vector<100x512xbf16> to vector<1x512xbf16>
    %broadcast_in_dim3A_562 = vector.shape_cast %slice3A_561 : vector<1x512xbf16> to vector<1x512xbf16>
    %broadcast_in_dim3A_563 = vector.broadcast %broadcast_in_dim3A_562 : vector<1x512xbf16> to vector<104x512xbf16>
    %eq3A_564 = arith.cmpf oeq, %broadcast_in_dim3A_563, %convert_element_type3A_2 : vector<104x512xbf16>
    %jit3A_565 = arith.constant 1.000000e+00 : bf16
    %jit3A_566 = arith.constant 0.000000e+00 : bf16
    %broadcast_in_dim3A_567 = vector.broadcast %jit3A_565 : bf16 to vector<104x512xbf16>
    %broadcast_in_dim3A_568 = vector.broadcast %jit3A_566 : bf16 to vector<104x512xbf16>
    %select_n3A_569 = arith.select %eq3A_564, %broadcast_in_dim3A_567, %broadcast_in_dim3A_568 : vector<104x512xi1>, vector<104x512xbf16>
    %swap3A_570 = arith.constant 4472 : index
    %swap3A_571 = arith.constant 0 : index
    %swap3A_572 = vector.load %arg15[%swap3A_570, %swap3A_571] : memref<10400x512xbf16, #tpu.memory_space<vmem>>, vector<104x512xbf16>
    tpu.vector_store %arg15[%swap3A_570, %swap3A_571], %select_n3A_569 {strides = array<i32>} : memref<10400x512xbf16, #tpu.memory_space<vmem>>, vector<104x512xbf16>,
    %add3A_573 = arith.addf %add3A_560, %select_n3A_569 : vector<104x512xbf16>
    %slice3A_574 = vector.extract_strided_slice %convert_element_type3A_5 {offsets = [44, 0], sizes = [1, 512], strides = [1, 1]} : vector<100x512xbf16> to vector<1x512xbf16>
    %broadcast_in_dim3A_575 = vector.shape_cast %slice3A_574 : vector<1x512xbf16> to vector<1x512xbf16>
    %broadcast_in_dim3A_576 = vector.broadcast %broadcast_in_dim3A_575 : vector<1x512xbf16> to vector<104x512xbf16>
    %eq3A_577 = arith.cmpf oeq, %broadcast_in_dim3A_576, %convert_element_type3A_2 : vector<104x512xbf16>
    %jit3A_578 = arith.constant 1.000000e+00 : bf16
    %jit3A_579 = arith.constant 0.000000e+00 : bf16
    %broadcast_in_dim3A_580 = vector.broadcast %jit3A_578 : bf16 to vector<104x512xbf16>
    %broadcast_in_dim3A_581 = vector.broadcast %jit3A_579 : bf16 to vector<104x512xbf16>
    %select_n3A_582 = arith.select %eq3A_577, %broadcast_in_dim3A_580, %broadcast_in_dim3A_581 : vector<104x512xi1>, vector<104x512xbf16>
    %swap3A_583 = arith.constant 4576 : index
    %swap3A_584 = arith.constant 0 : index
    %swap3A_585 = vector.load %arg15[%swap3A_583, %swap3A_584] : memref<10400x512xbf16, #tpu.memory_space<vmem>>, vector<104x512xbf16>
    tpu.vector_store %arg15[%swap3A_583, %swap3A_584], %select_n3A_582 {strides = array<i32>} : memref<10400x512xbf16, #tpu.memory_space<vmem>>, vector<104x512xbf16>,
    %add3A_586 = arith.addf %add3A_573, %select_n3A_582 : vector<104x512xbf16>
    %slice3A_587 = vector.extract_strided_slice %convert_element_type3A_5 {offsets = [45, 0], sizes = [1, 512], strides = [1, 1]} : vector<100x512xbf16> to vector<1x512xbf16>
    %broadcast_in_dim3A_588 = vector.shape_cast %slice3A_587 : vector<1x512xbf16> to vector<1x512xbf16>
    %broadcast_in_dim3A_589 = vector.broadcast %broadcast_in_dim3A_588 : vector<1x512xbf16> to vector<104x512xbf16>
    %eq3A_590 = arith.cmpf oeq, %broadcast_in_dim3A_589, %convert_element_type3A_2 : vector<104x512xbf16>
    %jit3A_591 = arith.constant 1.000000e+00 : bf16
    %jit3A_592 = arith.constant 0.000000e+00 : bf16
    %broadcast_in_dim3A_593 = vector.broadcast %jit3A_591 : bf16 to vector<104x512xbf16>
    %broadcast_in_dim3A_594 = vector.broadcast %jit3A_592 : bf16 to vector<104x512xbf16>
    %select_n3A_595 = arith.select %eq3A_590, %broadcast_in_dim3A_593, %broadcast_in_dim3A_594 : vector<104x512xi1>, vector<104x512xbf16>
    %swap3A_596 = arith.constant 4680 : index
    %swap3A_597 = arith.constant 0 : index
    %swap3A_598 = vector.load %arg15[%swap3A_596, %swap3A_597] : memref<10400x512xbf16, #tpu.memory_space<vmem>>, vector<104x512xbf16>
    tpu.vector_store %arg15[%swap3A_596, %swap3A_597], %select_n3A_595 {strides = array<i32>} : memref<10400x512xbf16, #tpu.memory_space<vmem>>, vector<104x512xbf16>,
    %add3A_599 = arith.addf %add3A_586, %select_n3A_595 : vector<104x512xbf16>
    %slice3A_600 = vector.extract_strided_slice %convert_element_type3A_5 {offsets = [46, 0], sizes = [1, 512], strides = [1, 1]} : vector<100x512xbf16> to vector<1x512xbf16>
    %broadcast_in_dim3A_601 = vector.shape_cast %slice3A_600 : vector<1x512xbf16> to vector<1x512xbf16>
    %broadcast_in_dim3A_602 = vector.broadcast %broadcast_in_dim3A_601 : vector<1x512xbf16> to vector<104x512xbf16>
    %eq3A_603 = arith.cmpf oeq, %broadcast_in_dim3A_602, %convert_element_type3A_2 : vector<104x512xbf16>
    %jit3A_604 = arith.constant 1.000000e+00 : bf16
    %jit3A_605 = arith.constant 0.000000e+00 : bf16
    %broadcast_in_dim3A_606 = vector.broadcast %jit3A_604 : bf16 to vector<104x512xbf16>
    %broadcast_in_dim3A_607 = vector.broadcast %jit3A_605 : bf16 to vector<104x512xbf16>
    %select_n3A_608 = arith.select %eq3A_603, %broadcast_in_dim3A_606, %broadcast_in_dim3A_607 : vector<104x512xi1>, vector<104x512xbf16>
    %swap3A_609 = arith.constant 4784 : index
    %swap3A_610 = arith.constant 0 : index
    %swap3A_611 = vector.load %arg15[%swap3A_609, %swap3A_610] : memref<10400x512xbf16, #tpu.memory_space<vmem>>, vector<104x512xbf16>
    tpu.vector_store %arg15[%swap3A_609, %swap3A_610], %select_n3A_608 {strides = array<i32>} : memref<10400x512xbf16, #tpu.memory_space<vmem>>, vector<104x512xbf16>,
    %add3A_612 = arith.addf %add3A_599, %select_n3A_608 : vector<104x512xbf16>
    %slice3A_613 = vector.extract_strided_slice %convert_element_type3A_5 {offsets = [47, 0], sizes = [1, 512], strides = [1, 1]} : vector<100x512xbf16> to vector<1x512xbf16>
    %broadcast_in_dim3A_614 = vector.shape_cast %slice3A_613 : vector<1x512xbf16> to vector<1x512xbf16>
    %broadcast_in_dim3A_615 = vector.broadcast %broadcast_in_dim3A_614 : vector<1x512xbf16> to vector<104x512xbf16>
    %eq3A_616 = arith.cmpf oeq, %broadcast_in_dim3A_615, %convert_element_type3A_2 : vector<104x512xbf16>
    %jit3A_617 = arith.constant 1.000000e+00 : bf16
    %jit3A_618 = arith.constant 0.000000e+00 : bf16
    %broadcast_in_dim3A_619 = vector.broadcast %jit3A_617 : bf16 to vector<104x512xbf16>
    %broadcast_in_dim3A_620 = vector.broadcast %jit3A_618 : bf16 to vector<104x512xbf16>
    %select_n3A_621 = arith.select %eq3A_616, %broadcast_in_dim3A_619, %broadcast_in_dim3A_620 : vector<104x512xi1>, vector<104x512xbf16>
    %swap3A_622 = arith.constant 4888 : index
    %swap3A_623 = arith.constant 0 : index
    %swap3A_624 = vector.load %arg15[%swap3A_622, %swap3A_623] : memref<10400x512xbf16, #tpu.memory_space<vmem>>, vector<104x512xbf16>
    tpu.vector_store %arg15[%swap3A_622, %swap3A_623], %select_n3A_621 {strides = array<i32>} : memref<10400x512xbf16, #tpu.memory_space<vmem>>, vector<104x512xbf16>,
    %add3A_625 = arith.addf %add3A_612, %select_n3A_621 : vector<104x512xbf16>
    %slice3A_626 = vector.extract_strided_slice %convert_element_type3A_5 {offsets = [48, 0], sizes = [1, 512], strides = [1, 1]} : vector<100x512xbf16> to vector<1x512xbf16>
    %broadcast_in_dim3A_627 = vector.shape_cast %slice3A_626 : vector<1x512xbf16> to vector<1x512xbf16>
    %broadcast_in_dim3A_628 = vector.broadcast %broadcast_in_dim3A_627 : vector<1x512xbf16> to vector<104x512xbf16>
    %eq3A_629 = arith.cmpf oeq, %broadcast_in_dim3A_628, %convert_element_type3A_2 : vector<104x512xbf16>
    %jit3A_630 = arith.constant 1.000000e+00 : bf16
    %jit3A_631 = arith.constant 0.000000e+00 : bf16
    %broadcast_in_dim3A_632 = vector.broadcast %jit3A_630 : bf16 to vector<104x512xbf16>
    %broadcast_in_dim3A_633 = vector.broadcast %jit3A_631 : bf16 to vector<104x512xbf16>
    %select_n3A_634 = arith.select %eq3A_629, %broadcast_in_dim3A_632, %broadcast_in_dim3A_633 : vector<104x512xi1>, vector<104x512xbf16>
    %swap3A_635 = arith.constant 4992 : index
    %swap3A_636 = arith.constant 0 : index
    %swap3A_637 = vector.load %arg15[%swap3A_635, %swap3A_636] : memref<10400x512xbf16, #tpu.memory_space<vmem>>, vector<104x512xbf16>
    tpu.vector_store %arg15[%swap3A_635, %swap3A_636], %select_n3A_634 {strides = array<i32>} : memref<10400x512xbf16, #tpu.memory_space<vmem>>, vector<104x512xbf16>,
    %add3A_638 = arith.addf %add3A_625, %select_n3A_634 : vector<104x512xbf16>
    %slice3A_639 = vector.extract_strided_slice %convert_element_type3A_5 {offsets = [49, 0], sizes = [1, 512], strides = [1, 1]} : vector<100x512xbf16> to vector<1x512xbf16>
    %broadcast_in_dim3A_640 = vector.shape_cast %slice3A_639 : vector<1x512xbf16> to vector<1x512xbf16>
    %broadcast_in_dim3A_641 = vector.broadcast %broadcast_in_dim3A_640 : vector<1x512xbf16> to vector<104x512xbf16>
    %eq3A_642 = arith.cmpf oeq, %broadcast_in_dim3A_641, %convert_element_type3A_2 : vector<104x512xbf16>
    %jit3A_643 = arith.constant 1.000000e+00 : bf16
    %jit3A_644 = arith.constant 0.000000e+00 : bf16
    %broadcast_in_dim3A_645 = vector.broadcast %jit3A_643 : bf16 to vector<104x512xbf16>
    %broadcast_in_dim3A_646 = vector.broadcast %jit3A_644 : bf16 to vector<104x512xbf16>
    %select_n3A_647 = arith.select %eq3A_642, %broadcast_in_dim3A_645, %broadcast_in_dim3A_646 : vector<104x512xi1>, vector<104x512xbf16>
    %swap3A_648 = arith.constant 5096 : index
    %swap3A_649 = arith.constant 0 : index
    %swap3A_650 = vector.load %arg15[%swap3A_648, %swap3A_649] : memref<10400x512xbf16, #tpu.memory_space<vmem>>, vector<104x512xbf16>
    tpu.vector_store %arg15[%swap3A_648, %swap3A_649], %select_n3A_647 {strides = array<i32>} : memref<10400x512xbf16, #tpu.memory_space<vmem>>, vector<104x512xbf16>,
    %add3A_651 = arith.addf %add3A_638, %select_n3A_647 : vector<104x512xbf16>
    %slice3A_652 = vector.extract_strided_slice %convert_element_type3A_5 {offsets = [50, 0], sizes = [1, 512], strides = [1, 1]} : vector<100x512xbf16> to vector<1x512xbf16>
    %broadcast_in_dim3A_653 = vector.shape_cast %slice3A_652 : vector<1x512xbf16> to vector<1x512xbf16>
    %broadcast_in_dim3A_654 = vector.broadcast %broadcast_in_dim3A_653 : vector<1x512xbf16> to vector<104x512xbf16>
    %eq3A_655 = arith.cmpf oeq, %broadcast_in_dim3A_654, %convert_element_type3A_2 : vector<104x512xbf16>
    %jit3A_656 = arith.constant 1.000000e+00 : bf16
    %jit3A_657 = arith.constant 0.000000e+00 : bf16
    %broadcast_in_dim3A_658 = vector.broadcast %jit3A_656 : bf16 to vector<104x512xbf16>
    %broadcast_in_dim3A_659 = vector.broadcast %jit3A_657 : bf16 to vector<104x512xbf16>
    %select_n3A_660 = arith.select %eq3A_655, %broadcast_in_dim3A_658, %broadcast_in_dim3A_659 : vector<104x512xi1>, vector<104x512xbf16>
    %swap3A_661 = arith.constant 5200 : index
    %swap3A_662 = arith.constant 0 : index
    %swap3A_663 = vector.load %arg15[%swap3A_661, %swap3A_662] : memref<10400x512xbf16, #tpu.memory_space<vmem>>, vector<104x512xbf16>
    tpu.vector_store %arg15[%swap3A_661, %swap3A_662], %select_n3A_660 {strides = array<i32>} : memref<10400x512xbf16, #tpu.memory_space<vmem>>, vector<104x512xbf16>,
    %add3A_664 = arith.addf %add3A_651, %select_n3A_660 : vector<104x512xbf16>
    %slice3A_665 = vector.extract_strided_slice %convert_element_type3A_5 {offsets = [51, 0], sizes = [1, 512], strides = [1, 1]} : vector<100x512xbf16> to vector<1x512xbf16>
    %broadcast_in_dim3A_666 = vector.shape_cast %slice3A_665 : vector<1x512xbf16> to vector<1x512xbf16>
    %broadcast_in_dim3A_667 = vector.broadcast %broadcast_in_dim3A_666 : vector<1x512xbf16> to vector<104x512xbf16>
    %eq3A_668 = arith.cmpf oeq, %broadcast_in_dim3A_667, %convert_element_type3A_2 : vector<104x512xbf16>
    %jit3A_669 = arith.constant 1.000000e+00 : bf16
    %jit3A_670 = arith.constant 0.000000e+00 : bf16
    %broadcast_in_dim3A_671 = vector.broadcast %jit3A_669 : bf16 to vector<104x512xbf16>
    %broadcast_in_dim3A_672 = vector.broadcast %jit3A_670 : bf16 to vector<104x512xbf16>
    %select_n3A_673 = arith.select %eq3A_668, %broadcast_in_dim3A_671, %broadcast_in_dim3A_672 : vector<104x512xi1>, vector<104x512xbf16>
    %swap3A_674 = arith.constant 5304 : index
    %swap3A_675 = arith.constant 0 : index
    %swap3A_676 = vector.load %arg15[%swap3A_674, %swap3A_675] : memref<10400x512xbf16, #tpu.memory_space<vmem>>, vector<104x512xbf16>
    tpu.vector_store %arg15[%swap3A_674, %swap3A_675], %select_n3A_673 {strides = array<i32>} : memref<10400x512xbf16, #tpu.memory_space<vmem>>, vector<104x512xbf16>,
    %add3A_677 = arith.addf %add3A_664, %select_n3A_673 : vector<104x512xbf16>
    %slice3A_678 = vector.extract_strided_slice %convert_element_type3A_5 {offsets = [52, 0], sizes = [1, 512], strides = [1, 1]} : vector<100x512xbf16> to vector<1x512xbf16>
    %broadcast_in_dim3A_679 = vector.shape_cast %slice3A_678 : vector<1x512xbf16> to vector<1x512xbf16>
    %broadcast_in_dim3A_680 = vector.broadcast %broadcast_in_dim3A_679 : vector<1x512xbf16> to vector<104x512xbf16>
    %eq3A_681 = arith.cmpf oeq, %broadcast_in_dim3A_680, %convert_element_type3A_2 : vector<104x512xbf16>
    %jit3A_682 = arith.constant 1.000000e+00 : bf16
    %jit3A_683 = arith.constant 0.000000e+00 : bf16
    %broadcast_in_dim3A_684 = vector.broadcast %jit3A_682 : bf16 to vector<104x512xbf16>
    %broadcast_in_dim3A_685 = vector.broadcast %jit3A_683 : bf16 to vector<104x512xbf16>
    %select_n3A_686 = arith.select %eq3A_681, %broadcast_in_dim3A_684, %broadcast_in_dim3A_685 : vector<104x512xi1>, vector<104x512xbf16>
    %swap3A_687 = arith.constant 5408 : index
    %swap3A_688 = arith.constant 0 : index
    %swap3A_689 = vector.load %arg15[%swap3A_687, %swap3A_688] : memref<10400x512xbf16, #tpu.memory_space<vmem>>, vector<104x512xbf16>
    tpu.vector_store %arg15[%swap3A_687, %swap3A_688], %select_n3A_686 {strides = array<i32>} : memref<10400x512xbf16, #tpu.memory_space<vmem>>, vector<104x512xbf16>,
    %add3A_690 = arith.addf %add3A_677, %select_n3A_686 : vector<104x512xbf16>
    %slice3A_691 = vector.extract_strided_slice %convert_element_type3A_5 {offsets = [53, 0], sizes = [1, 512], strides = [1, 1]} : vector<100x512xbf16> to vector<1x512xbf16>
    %broadcast_in_dim3A_692 = vector.shape_cast %slice3A_691 : vector<1x512xbf16> to vector<1x512xbf16>
    %broadcast_in_dim3A_693 = vector.broadcast %broadcast_in_dim3A_692 : vector<1x512xbf16> to vector<104x512xbf16>
    %eq3A_694 = arith.cmpf oeq, %broadcast_in_dim3A_693, %convert_element_type3A_2 : vector<104x512xbf16>
    %jit3A_695 = arith.constant 1.000000e+00 : bf16
    %jit3A_696 = arith.constant 0.000000e+00 : bf16
    %broadcast_in_dim3A_697 = vector.broadcast %jit3A_695 : bf16 to vector<104x512xbf16>
    %broadcast_in_dim3A_698 = vector.broadcast %jit3A_696 : bf16 to vector<104x512xbf16>
    %select_n3A_699 = arith.select %eq3A_694, %broadcast_in_dim3A_697, %broadcast_in_dim3A_698 : vector<104x512xi1>, vector<104x512xbf16>
    %swap3A_700 = arith.constant 5512 : index
    %swap3A_701 = arith.constant 0 : index
    %swap3A_702 = vector.load %arg15[%swap3A_700, %swap3A_701] : memref<10400x512xbf16, #tpu.memory_space<vmem>>, vector<104x512xbf16>
    tpu.vector_store %arg15[%swap3A_700, %swap3A_701], %select_n3A_699 {strides = array<i32>} : memref<10400x512xbf16, #tpu.memory_space<vmem>>, vector<104x512xbf16>,
    %add3A_703 = arith.addf %add3A_690, %select_n3A_699 : vector<104x512xbf16>
    %slice3A_704 = vector.extract_strided_slice %convert_element_type3A_5 {offsets = [54, 0], sizes = [1, 512], strides = [1, 1]} : vector<100x512xbf16> to vector<1x512xbf16>
    %broadcast_in_dim3A_705 = vector.shape_cast %slice3A_704 : vector<1x512xbf16> to vector<1x512xbf16>
    %broadcast_in_dim3A_706 = vector.broadcast %broadcast_in_dim3A_705 : vector<1x512xbf16> to vector<104x512xbf16>
    %eq3A_707 = arith.cmpf oeq, %broadcast_in_dim3A_706, %convert_element_type3A_2 : vector<104x512xbf16>
    %jit3A_708 = arith.constant 1.000000e+00 : bf16
    %jit3A_709 = arith.constant 0.000000e+00 : bf16
    %broadcast_in_dim3A_710 = vector.broadcast %jit3A_708 : bf16 to vector<104x512xbf16>
    %broadcast_in_dim3A_711 = vector.broadcast %jit3A_709 : bf16 to vector<104x512xbf16>
    %select_n3A_712 = arith.select %eq3A_707, %broadcast_in_dim3A_710, %broadcast_in_dim3A_711 : vector<104x512xi1>, vector<104x512xbf16>
    %swap3A_713 = arith.constant 5616 : index
    %swap3A_714 = arith.constant 0 : index
    %swap3A_715 = vector.load %arg15[%swap3A_713, %swap3A_714] : memref<10400x512xbf16, #tpu.memory_space<vmem>>, vector<104x512xbf16>
    tpu.vector_store %arg15[%swap3A_713, %swap3A_714], %select_n3A_712 {strides = array<i32>} : memref<10400x512xbf16, #tpu.memory_space<vmem>>, vector<104x512xbf16>,
    %add3A_716 = arith.addf %add3A_703, %select_n3A_712 : vector<104x512xbf16>
    %slice3A_717 = vector.extract_strided_slice %convert_element_type3A_5 {offsets = [55, 0], sizes = [1, 512], strides = [1, 1]} : vector<100x512xbf16> to vector<1x512xbf16>
    %broadcast_in_dim3A_718 = vector.shape_cast %slice3A_717 : vector<1x512xbf16> to vector<1x512xbf16>
    %broadcast_in_dim3A_719 = vector.broadcast %broadcast_in_dim3A_718 : vector<1x512xbf16> to vector<104x512xbf16>
    %eq3A_720 = arith.cmpf oeq, %broadcast_in_dim3A_719, %convert_element_type3A_2 : vector<104x512xbf16>
    %jit3A_721 = arith.constant 1.000000e+00 : bf16
    %jit3A_722 = arith.constant 0.000000e+00 : bf16
    %broadcast_in_dim3A_723 = vector.broadcast %jit3A_721 : bf16 to vector<104x512xbf16>
    %broadcast_in_dim3A_724 = vector.broadcast %jit3A_722 : bf16 to vector<104x512xbf16>
    %select_n3A_725 = arith.select %eq3A_720, %broadcast_in_dim3A_723, %broadcast_in_dim3A_724 : vector<104x512xi1>, vector<104x512xbf16>
    %swap3A_726 = arith.constant 5720 : index
    %swap3A_727 = arith.constant 0 : index
    %swap3A_728 = vector.load %arg15[%swap3A_726, %swap3A_727] : memref<10400x512xbf16, #tpu.memory_space<vmem>>, vector<104x512xbf16>
    tpu.vector_store %arg15[%swap3A_726, %swap3A_727], %select_n3A_725 {strides = array<i32>} : memref<10400x512xbf16, #tpu.memory_space<vmem>>, vector<104x512xbf16>,
    %add3A_729 = arith.addf %add3A_716, %select_n3A_725 : vector<104x512xbf16>
    %slice3A_730 = vector.extract_strided_slice %convert_element_type3A_5 {offsets = [56, 0], sizes = [1, 512], strides = [1, 1]} : vector<100x512xbf16> to vector<1x512xbf16>
    %broadcast_in_dim3A_731 = vector.shape_cast %slice3A_730 : vector<1x512xbf16> to vector<1x512xbf16>
    %broadcast_in_dim3A_732 = vector.broadcast %broadcast_in_dim3A_731 : vector<1x512xbf16> to vector<104x512xbf16>
    %eq3A_733 = arith.cmpf oeq, %broadcast_in_dim3A_732, %convert_element_type3A_2 : vector<104x512xbf16>
    %jit3A_734 = arith.constant 1.000000e+00 : bf16
    %jit3A_735 = arith.constant 0.000000e+00 : bf16
    %broadcast_in_dim3A_736 = vector.broadcast %jit3A_734 : bf16 to vector<104x512xbf16>
    %broadcast_in_dim3A_737 = vector.broadcast %jit3A_735 : bf16 to vector<104x512xbf16>
    %select_n3A_738 = arith.select %eq3A_733, %broadcast_in_dim3A_736, %broadcast_in_dim3A_737 : vector<104x512xi1>, vector<104x512xbf16>
    %swap3A_739 = arith.constant 5824 : index
    %swap3A_740 = arith.constant 0 : index
    %swap3A_741 = vector.load %arg15[%swap3A_739, %swap3A_740] : memref<10400x512xbf16, #tpu.memory_space<vmem>>, vector<104x512xbf16>
    tpu.vector_store %arg15[%swap3A_739, %swap3A_740], %select_n3A_738 {strides = array<i32>} : memref<10400x512xbf16, #tpu.memory_space<vmem>>, vector<104x512xbf16>,
    %add3A_742 = arith.addf %add3A_729, %select_n3A_738 : vector<104x512xbf16>
    %slice3A_743 = vector.extract_strided_slice %convert_element_type3A_5 {offsets = [57, 0], sizes = [1, 512], strides = [1, 1]} : vector<100x512xbf16> to vector<1x512xbf16>
    %broadcast_in_dim3A_744 = vector.shape_cast %slice3A_743 : vector<1x512xbf16> to vector<1x512xbf16>
    %broadcast_in_dim3A_745 = vector.broadcast %broadcast_in_dim3A_744 : vector<1x512xbf16> to vector<104x512xbf16>
    %eq3A_746 = arith.cmpf oeq, %broadcast_in_dim3A_745, %convert_element_type3A_2 : vector<104x512xbf16>
    %jit3A_747 = arith.constant 1.000000e+00 : bf16
    %jit3A_748 = arith.constant 0.000000e+00 : bf16
    %broadcast_in_dim3A_749 = vector.broadcast %jit3A_747 : bf16 to vector<104x512xbf16>
    %broadcast_in_dim3A_750 = vector.broadcast %jit3A_748 : bf16 to vector<104x512xbf16>
    %select_n3A_751 = arith.select %eq3A_746, %broadcast_in_dim3A_749, %broadcast_in_dim3A_750 : vector<104x512xi1>, vector<104x512xbf16>
    %swap3A_752 = arith.constant 5928 : index
    %swap3A_753 = arith.constant 0 : index
    %swap3A_754 = vector.load %arg15[%swap3A_752, %swap3A_753] : memref<10400x512xbf16, #tpu.memory_space<vmem>>, vector<104x512xbf16>
    tpu.vector_store %arg15[%swap3A_752, %swap3A_753], %select_n3A_751 {strides = array<i32>} : memref<10400x512xbf16, #tpu.memory_space<vmem>>, vector<104x512xbf16>,
    %add3A_755 = arith.addf %add3A_742, %select_n3A_751 : vector<104x512xbf16>
    %slice3A_756 = vector.extract_strided_slice %convert_element_type3A_5 {offsets = [58, 0], sizes = [1, 512], strides = [1, 1]} : vector<100x512xbf16> to vector<1x512xbf16>
    %broadcast_in_dim3A_757 = vector.shape_cast %slice3A_756 : vector<1x512xbf16> to vector<1x512xbf16>
    %broadcast_in_dim3A_758 = vector.broadcast %broadcast_in_dim3A_757 : vector<1x512xbf16> to vector<104x512xbf16>
    %eq3A_759 = arith.cmpf oeq, %broadcast_in_dim3A_758, %convert_element_type3A_2 : vector<104x512xbf16>
    %jit3A_760 = arith.constant 1.000000e+00 : bf16
    %jit3A_761 = arith.constant 0.000000e+00 : bf16
    %broadcast_in_dim3A_762 = vector.broadcast %jit3A_760 : bf16 to vector<104x512xbf16>
    %broadcast_in_dim3A_763 = vector.broadcast %jit3A_761 : bf16 to vector<104x512xbf16>
    %select_n3A_764 = arith.select %eq3A_759, %broadcast_in_dim3A_762, %broadcast_in_dim3A_763 : vector<104x512xi1>, vector<104x512xbf16>
    %swap3A_765 = arith.constant 6032 : index
    %swap3A_766 = arith.constant 0 : index
    %swap3A_767 = vector.load %arg15[%swap3A_765, %swap3A_766] : memref<10400x512xbf16, #tpu.memory_space<vmem>>, vector<104x512xbf16>
    tpu.vector_store %arg15[%swap3A_765, %swap3A_766], %select_n3A_764 {strides = array<i32>} : memref<10400x512xbf16, #tpu.memory_space<vmem>>, vector<104x512xbf16>,
    %add3A_768 = arith.addf %add3A_755, %select_n3A_764 : vector<104x512xbf16>
    %slice3A_769 = vector.extract_strided_slice %convert_element_type3A_5 {offsets = [59, 0], sizes = [1, 512], strides = [1, 1]} : vector<100x512xbf16> to vector<1x512xbf16>
    %broadcast_in_dim3A_770 = vector.shape_cast %slice3A_769 : vector<1x512xbf16> to vector<1x512xbf16>
    %broadcast_in_dim3A_771 = vector.broadcast %broadcast_in_dim3A_770 : vector<1x512xbf16> to vector<104x512xbf16>
    %eq3A_772 = arith.cmpf oeq, %broadcast_in_dim3A_771, %convert_element_type3A_2 : vector<104x512xbf16>
    %jit3A_773 = arith.constant 1.000000e+00 : bf16
    %jit3A_774 = arith.constant 0.000000e+00 : bf16
    %broadcast_in_dim3A_775 = vector.broadcast %jit3A_773 : bf16 to vector<104x512xbf16>
    %broadcast_in_dim3A_776 = vector.broadcast %jit3A_774 : bf16 to vector<104x512xbf16>
    %select_n3A_777 = arith.select %eq3A_772, %broadcast_in_dim3A_775, %broadcast_in_dim3A_776 : vector<104x512xi1>, vector<104x512xbf16>
    %swap3A_778 = arith.constant 6136 : index
    %swap3A_779 = arith.constant 0 : index
    %swap3A_780 = vector.load %arg15[%swap3A_778, %swap3A_779] : memref<10400x512xbf16, #tpu.memory_space<vmem>>, vector<104x512xbf16>
    tpu.vector_store %arg15[%swap3A_778, %swap3A_779], %select_n3A_777 {strides = array<i32>} : memref<10400x512xbf16, #tpu.memory_space<vmem>>, vector<104x512xbf16>,
    %add3A_781 = arith.addf %add3A_768, %select_n3A_777 : vector<104x512xbf16>
    %slice3A_782 = vector.extract_strided_slice %convert_element_type3A_5 {offsets = [60, 0], sizes = [1, 512], strides = [1, 1]} : vector<100x512xbf16> to vector<1x512xbf16>
    %broadcast_in_dim3A_783 = vector.shape_cast %slice3A_782 : vector<1x512xbf16> to vector<1x512xbf16>
    %broadcast_in_dim3A_784 = vector.broadcast %broadcast_in_dim3A_783 : vector<1x512xbf16> to vector<104x512xbf16>
    %eq3A_785 = arith.cmpf oeq, %broadcast_in_dim3A_784, %convert_element_type3A_2 : vector<104x512xbf16>
    %jit3A_786 = arith.constant 1.000000e+00 : bf16
    %jit3A_787 = arith.constant 0.000000e+00 : bf16
    %broadcast_in_dim3A_788 = vector.broadcast %jit3A_786 : bf16 to vector<104x512xbf16>
    %broadcast_in_dim3A_789 = vector.broadcast %jit3A_787 : bf16 to vector<104x512xbf16>
    %select_n3A_790 = arith.select %eq3A_785, %broadcast_in_dim3A_788, %broadcast_in_dim3A_789 : vector<104x512xi1>, vector<104x512xbf16>
    %swap3A_791 = arith.constant 6240 : index
    %swap3A_792 = arith.constant 0 : index
    %swap3A_793 = vector.load %arg15[%swap3A_791, %swap3A_792] : memref<10400x512xbf16, #tpu.memory_space<vmem>>, vector<104x512xbf16>
    tpu.vector_store %arg15[%swap3A_791, %swap3A_792], %select_n3A_790 {strides = array<i32>} : memref<10400x512xbf16, #tpu.memory_space<vmem>>, vector<104x512xbf16>,
    %add3A_794 = arith.addf %add3A_781, %select_n3A_790 : vector<104x512xbf16>
    %slice3A_795 = vector.extract_strided_slice %convert_element_type3A_5 {offsets = [61, 0], sizes = [1, 512], strides = [1, 1]} : vector<100x512xbf16> to vector<1x512xbf16>
    %broadcast_in_dim3A_796 = vector.shape_cast %slice3A_795 : vector<1x512xbf16> to vector<1x512xbf16>
    %broadcast_in_dim3A_797 = vector.broadcast %broadcast_in_dim3A_796 : vector<1x512xbf16> to vector<104x512xbf16>
    %eq3A_798 = arith.cmpf oeq, %broadcast_in_dim3A_797, %convert_element_type3A_2 : vector<104x512xbf16>
    %jit3A_799 = arith.constant 1.000000e+00 : bf16
    %jit3A_800 = arith.constant 0.000000e+00 : bf16
    %broadcast_in_dim3A_801 = vector.broadcast %jit3A_799 : bf16 to vector<104x512xbf16>
    %broadcast_in_dim3A_802 = vector.broadcast %jit3A_800 : bf16 to vector<104x512xbf16>
    %select_n3A_803 = arith.select %eq3A_798, %broadcast_in_dim3A_801, %broadcast_in_dim3A_802 : vector<104x512xi1>, vector<104x512xbf16>
    %swap3A_804 = arith.constant 6344 : index
    %swap3A_805 = arith.constant 0 : index
    %swap3A_806 = vector.load %arg15[%swap3A_804, %swap3A_805] : memref<10400x512xbf16, #tpu.memory_space<vmem>>, vector<104x512xbf16>
    tpu.vector_store %arg15[%swap3A_804, %swap3A_805], %select_n3A_803 {strides = array<i32>} : memref<10400x512xbf16, #tpu.memory_space<vmem>>, vector<104x512xbf16>,
    %add3A_807 = arith.addf %add3A_794, %select_n3A_803 : vector<104x512xbf16>
    %slice3A_808 = vector.extract_strided_slice %convert_element_type3A_5 {offsets = [62, 0], sizes = [1, 512], strides = [1, 1]} : vector<100x512xbf16> to vector<1x512xbf16>
    %broadcast_in_dim3A_809 = vector.shape_cast %slice3A_808 : vector<1x512xbf16> to vector<1x512xbf16>
    %broadcast_in_dim3A_810 = vector.broadcast %broadcast_in_dim3A_809 : vector<1x512xbf16> to vector<104x512xbf16>
    %eq3A_811 = arith.cmpf oeq, %broadcast_in_dim3A_810, %convert_element_type3A_2 : vector<104x512xbf16>
    %jit3A_812 = arith.constant 1.000000e+00 : bf16
    %jit3A_813 = arith.constant 0.000000e+00 : bf16
    %broadcast_in_dim3A_814 = vector.broadcast %jit3A_812 : bf16 to vector<104x512xbf16>
    %broadcast_in_dim3A_815 = vector.broadcast %jit3A_813 : bf16 to vector<104x512xbf16>
    %select_n3A_816 = arith.select %eq3A_811, %broadcast_in_dim3A_814, %broadcast_in_dim3A_815 : vector<104x512xi1>, vector<104x512xbf16>
    %swap3A_817 = arith.constant 6448 : index
    %swap3A_818 = arith.constant 0 : index
    %swap3A_819 = vector.load %arg15[%swap3A_817, %swap3A_818] : memref<10400x512xbf16, #tpu.memory_space<vmem>>, vector<104x512xbf16>
    tpu.vector_store %arg15[%swap3A_817, %swap3A_818], %select_n3A_816 {strides = array<i32>} : memref<10400x512xbf16, #tpu.memory_space<vmem>>, vector<104x512xbf16>,
    %add3A_820 = arith.addf %add3A_807, %select_n3A_816 : vector<104x512xbf16>
    %slice3A_821 = vector.extract_strided_slice %convert_element_type3A_5 {offsets = [63, 0], sizes = [1, 512], strides = [1, 1]} : vector<100x512xbf16> to vector<1x512xbf16>
    %broadcast_in_dim3A_822 = vector.shape_cast %slice3A_821 : vector<1x512xbf16> to vector<1x512xbf16>
    %broadcast_in_dim3A_823 = vector.broadcast %broadcast_in_dim3A_822 : vector<1x512xbf16> to vector<104x512xbf16>
    %eq3A_824 = arith.cmpf oeq, %broadcast_in_dim3A_823, %convert_element_type3A_2 : vector<104x512xbf16>
    %jit3A_825 = arith.constant 1.000000e+00 : bf16
    %jit3A_826 = arith.constant 0.000000e+00 : bf16
    %broadcast_in_dim3A_827 = vector.broadcast %jit3A_825 : bf16 to vector<104x512xbf16>
    %broadcast_in_dim3A_828 = vector.broadcast %jit3A_826 : bf16 to vector<104x512xbf16>
    %select_n3A_829 = arith.select %eq3A_824, %broadcast_in_dim3A_827, %broadcast_in_dim3A_828 : vector<104x512xi1>, vector<104x512xbf16>
    %swap3A_830 = arith.constant 6552 : index
    %swap3A_831 = arith.constant 0 : index
    %swap3A_832 = vector.load %arg15[%swap3A_830, %swap3A_831] : memref<10400x512xbf16, #tpu.memory_space<vmem>>, vector<104x512xbf16>
    tpu.vector_store %arg15[%swap3A_830, %swap3A_831], %select_n3A_829 {strides = array<i32>} : memref<10400x512xbf16, #tpu.memory_space<vmem>>, vector<104x512xbf16>,
    %add3A_833 = arith.addf %add3A_820, %select_n3A_829 : vector<104x512xbf16>
    %slice3A_834 = vector.extract_strided_slice %convert_element_type3A_5 {offsets = [64, 0], sizes = [1, 512], strides = [1, 1]} : vector<100x512xbf16> to vector<1x512xbf16>
    %broadcast_in_dim3A_835 = vector.shape_cast %slice3A_834 : vector<1x512xbf16> to vector<1x512xbf16>
    %broadcast_in_dim3A_836 = vector.broadcast %broadcast_in_dim3A_835 : vector<1x512xbf16> to vector<104x512xbf16>
    %eq3A_837 = arith.cmpf oeq, %broadcast_in_dim3A_836, %convert_element_type3A_2 : vector<104x512xbf16>
    %jit3A_838 = arith.constant 1.000000e+00 : bf16
    %jit3A_839 = arith.constant 0.000000e+00 : bf16
    %broadcast_in_dim3A_840 = vector.broadcast %jit3A_838 : bf16 to vector<104x512xbf16>
    %broadcast_in_dim3A_841 = vector.broadcast %jit3A_839 : bf16 to vector<104x512xbf16>
    %select_n3A_842 = arith.select %eq3A_837, %broadcast_in_dim3A_840, %broadcast_in_dim3A_841 : vector<104x512xi1>, vector<104x512xbf16>
    %swap3A_843 = arith.constant 6656 : index
    %swap3A_844 = arith.constant 0 : index
    %swap3A_845 = vector.load %arg15[%swap3A_843, %swap3A_844] : memref<10400x512xbf16, #tpu.memory_space<vmem>>, vector<104x512xbf16>
    tpu.vector_store %arg15[%swap3A_843, %swap3A_844], %select_n3A_842 {strides = array<i32>} : memref<10400x512xbf16, #tpu.memory_space<vmem>>, vector<104x512xbf16>,
    %add3A_846 = arith.addf %add3A_833, %select_n3A_842 : vector<104x512xbf16>
    %slice3A_847 = vector.extract_strided_slice %convert_element_type3A_5 {offsets = [65, 0], sizes = [1, 512], strides = [1, 1]} : vector<100x512xbf16> to vector<1x512xbf16>
    %broadcast_in_dim3A_848 = vector.shape_cast %slice3A_847 : vector<1x512xbf16> to vector<1x512xbf16>
    %broadcast_in_dim3A_849 = vector.broadcast %broadcast_in_dim3A_848 : vector<1x512xbf16> to vector<104x512xbf16>
    %eq3A_850 = arith.cmpf oeq, %broadcast_in_dim3A_849, %convert_element_type3A_2 : vector<104x512xbf16>
    %jit3A_851 = arith.constant 1.000000e+00 : bf16
    %jit3A_852 = arith.constant 0.000000e+00 : bf16
    %broadcast_in_dim3A_853 = vector.broadcast %jit3A_851 : bf16 to vector<104x512xbf16>
    %broadcast_in_dim3A_854 = vector.broadcast %jit3A_852 : bf16 to vector<104x512xbf16>
    %select_n3A_855 = arith.select %eq3A_850, %broadcast_in_dim3A_853, %broadcast_in_dim3A_854 : vector<104x512xi1>, vector<104x512xbf16>
    %swap3A_856 = arith.constant 6760 : index
    %swap3A_857 = arith.constant 0 : index
    %swap3A_858 = vector.load %arg15[%swap3A_856, %swap3A_857] : memref<10400x512xbf16, #tpu.memory_space<vmem>>, vector<104x512xbf16>
    tpu.vector_store %arg15[%swap3A_856, %swap3A_857], %select_n3A_855 {strides = array<i32>} : memref<10400x512xbf16, #tpu.memory_space<vmem>>, vector<104x512xbf16>,
    %add3A_859 = arith.addf %add3A_846, %select_n3A_855 : vector<104x512xbf16>
    %slice3A_860 = vector.extract_strided_slice %convert_element_type3A_5 {offsets = [66, 0], sizes = [1, 512], strides = [1, 1]} : vector<100x512xbf16> to vector<1x512xbf16>
    %broadcast_in_dim3A_861 = vector.shape_cast %slice3A_860 : vector<1x512xbf16> to vector<1x512xbf16>
    %broadcast_in_dim3A_862 = vector.broadcast %broadcast_in_dim3A_861 : vector<1x512xbf16> to vector<104x512xbf16>
    %eq3A_863 = arith.cmpf oeq, %broadcast_in_dim3A_862, %convert_element_type3A_2 : vector<104x512xbf16>
    %jit3A_864 = arith.constant 1.000000e+00 : bf16
    %jit3A_865 = arith.constant 0.000000e+00 : bf16
    %broadcast_in_dim3A_866 = vector.broadcast %jit3A_864 : bf16 to vector<104x512xbf16>
    %broadcast_in_dim3A_867 = vector.broadcast %jit3A_865 : bf16 to vector<104x512xbf16>
    %select_n3A_868 = arith.select %eq3A_863, %broadcast_in_dim3A_866, %broadcast_in_dim3A_867 : vector<104x512xi1>, vector<104x512xbf16>
    %swap3A_869 = arith.constant 6864 : index
    %swap3A_870 = arith.constant 0 : index
    %swap3A_871 = vector.load %arg15[%swap3A_869, %swap3A_870] : memref<10400x512xbf16, #tpu.memory_space<vmem>>, vector<104x512xbf16>
    tpu.vector_store %arg15[%swap3A_869, %swap3A_870], %select_n3A_868 {strides = array<i32>} : memref<10400x512xbf16, #tpu.memory_space<vmem>>, vector<104x512xbf16>,
    %add3A_872 = arith.addf %add3A_859, %select_n3A_868 : vector<104x512xbf16>
    %slice3A_873 = vector.extract_strided_slice %convert_element_type3A_5 {offsets = [67, 0], sizes = [1, 512], strides = [1, 1]} : vector<100x512xbf16> to vector<1x512xbf16>
    %broadcast_in_dim3A_874 = vector.shape_cast %slice3A_873 : vector<1x512xbf16> to vector<1x512xbf16>
    %broadcast_in_dim3A_875 = vector.broadcast %broadcast_in_dim3A_874 : vector<1x512xbf16> to vector<104x512xbf16>
    %eq3A_876 = arith.cmpf oeq, %broadcast_in_dim3A_875, %convert_element_type3A_2 : vector<104x512xbf16>
    %jit3A_877 = arith.constant 1.000000e+00 : bf16
    %jit3A_878 = arith.constant 0.000000e+00 : bf16
    %broadcast_in_dim3A_879 = vector.broadcast %jit3A_877 : bf16 to vector<104x512xbf16>
    %broadcast_in_dim3A_880 = vector.broadcast %jit3A_878 : bf16 to vector<104x512xbf16>
    %select_n3A_881 = arith.select %eq3A_876, %broadcast_in_dim3A_879, %broadcast_in_dim3A_880 : vector<104x512xi1>, vector<104x512xbf16>
    %swap3A_882 = arith.constant 6968 : index
    %swap3A_883 = arith.constant 0 : index
    %swap3A_884 = vector.load %arg15[%swap3A_882, %swap3A_883] : memref<10400x512xbf16, #tpu.memory_space<vmem>>, vector<104x512xbf16>
    tpu.vector_store %arg15[%swap3A_882, %swap3A_883], %select_n3A_881 {strides = array<i32>} : memref<10400x512xbf16, #tpu.memory_space<vmem>>, vector<104x512xbf16>,
    %add3A_885 = arith.addf %add3A_872, %select_n3A_881 : vector<104x512xbf16>
    %slice3A_886 = vector.extract_strided_slice %convert_element_type3A_5 {offsets = [68, 0], sizes = [1, 512], strides = [1, 1]} : vector<100x512xbf16> to vector<1x512xbf16>
    %broadcast_in_dim3A_887 = vector.shape_cast %slice3A_886 : vector<1x512xbf16> to vector<1x512xbf16>
    %broadcast_in_dim3A_888 = vector.broadcast %broadcast_in_dim3A_887 : vector<1x512xbf16> to vector<104x512xbf16>
    %eq3A_889 = arith.cmpf oeq, %broadcast_in_dim3A_888, %convert_element_type3A_2 : vector<104x512xbf16>
    %jit3A_890 = arith.constant 1.000000e+00 : bf16
    %jit3A_891 = arith.constant 0.000000e+00 : bf16
    %broadcast_in_dim3A_892 = vector.broadcast %jit3A_890 : bf16 to vector<104x512xbf16>
    %broadcast_in_dim3A_893 = vector.broadcast %jit3A_891 : bf16 to vector<104x512xbf16>
    %select_n3A_894 = arith.select %eq3A_889, %broadcast_in_dim3A_892, %broadcast_in_dim3A_893 : vector<104x512xi1>, vector<104x512xbf16>
    %swap3A_895 = arith.constant 7072 : index
    %swap3A_896 = arith.constant 0 : index
    %swap3A_897 = vector.load %arg15[%swap3A_895, %swap3A_896] : memref<10400x512xbf16, #tpu.memory_space<vmem>>, vector<104x512xbf16>
    tpu.vector_store %arg15[%swap3A_895, %swap3A_896], %select_n3A_894 {strides = array<i32>} : memref<10400x512xbf16, #tpu.memory_space<vmem>>, vector<104x512xbf16>,
    %add3A_898 = arith.addf %add3A_885, %select_n3A_894 : vector<104x512xbf16>
    %slice3A_899 = vector.extract_strided_slice %convert_element_type3A_5 {offsets = [69, 0], sizes = [1, 512], strides = [1, 1]} : vector<100x512xbf16> to vector<1x512xbf16>
    %broadcast_in_dim3A_900 = vector.shape_cast %slice3A_899 : vector<1x512xbf16> to vector<1x512xbf16>
    %broadcast_in_dim3A_901 = vector.broadcast %broadcast_in_dim3A_900 : vector<1x512xbf16> to vector<104x512xbf16>
    %eq3A_902 = arith.cmpf oeq, %broadcast_in_dim3A_901, %convert_element_type3A_2 : vector<104x512xbf16>
    %jit3A_903 = arith.constant 1.000000e+00 : bf16
    %jit3A_904 = arith.constant 0.000000e+00 : bf16
    %broadcast_in_dim3A_905 = vector.broadcast %jit3A_903 : bf16 to vector<104x512xbf16>
    %broadcast_in_dim3A_906 = vector.broadcast %jit3A_904 : bf16 to vector<104x512xbf16>
    %select_n3A_907 = arith.select %eq3A_902, %broadcast_in_dim3A_905, %broadcast_in_dim3A_906 : vector<104x512xi1>, vector<104x512xbf16>
    %swap3A_908 = arith.constant 7176 : index
    %swap3A_909 = arith.constant 0 : index
    %swap3A_910 = vector.load %arg15[%swap3A_908, %swap3A_909] : memref<10400x512xbf16, #tpu.memory_space<vmem>>, vector<104x512xbf16>
    tpu.vector_store %arg15[%swap3A_908, %swap3A_909], %select_n3A_907 {strides = array<i32>} : memref<10400x512xbf16, #tpu.memory_space<vmem>>, vector<104x512xbf16>,
    %add3A_911 = arith.addf %add3A_898, %select_n3A_907 : vector<104x512xbf16>
    %slice3A_912 = vector.extract_strided_slice %convert_element_type3A_5 {offsets = [70, 0], sizes = [1, 512], strides = [1, 1]} : vector<100x512xbf16> to vector<1x512xbf16>
    %broadcast_in_dim3A_913 = vector.shape_cast %slice3A_912 : vector<1x512xbf16> to vector<1x512xbf16>
    %broadcast_in_dim3A_914 = vector.broadcast %broadcast_in_dim3A_913 : vector<1x512xbf16> to vector<104x512xbf16>
    %eq3A_915 = arith.cmpf oeq, %broadcast_in_dim3A_914, %convert_element_type3A_2 : vector<104x512xbf16>
    %jit3A_916 = arith.constant 1.000000e+00 : bf16
    %jit3A_917 = arith.constant 0.000000e+00 : bf16
    %broadcast_in_dim3A_918 = vector.broadcast %jit3A_916 : bf16 to vector<104x512xbf16>
    %broadcast_in_dim3A_919 = vector.broadcast %jit3A_917 : bf16 to vector<104x512xbf16>
    %select_n3A_920 = arith.select %eq3A_915, %broadcast_in_dim3A_918, %broadcast_in_dim3A_919 : vector<104x512xi1>, vector<104x512xbf16>
    %swap3A_921 = arith.constant 7280 : index
    %swap3A_922 = arith.constant 0 : index
    %swap3A_923 = vector.load %arg15[%swap3A_921, %swap3A_922] : memref<10400x512xbf16, #tpu.memory_space<vmem>>, vector<104x512xbf16>
    tpu.vector_store %arg15[%swap3A_921, %swap3A_922], %select_n3A_920 {strides = array<i32>} : memref<10400x512xbf16, #tpu.memory_space<vmem>>, vector<104x512xbf16>,
    %add3A_924 = arith.addf %add3A_911, %select_n3A_920 : vector<104x512xbf16>
    %slice3A_925 = vector.extract_strided_slice %convert_element_type3A_5 {offsets = [71, 0], sizes = [1, 512], strides = [1, 1]} : vector<100x512xbf16> to vector<1x512xbf16>
    %broadcast_in_dim3A_926 = vector.shape_cast %slice3A_925 : vector<1x512xbf16> to vector<1x512xbf16>
    %broadcast_in_dim3A_927 = vector.broadcast %broadcast_in_dim3A_926 : vector<1x512xbf16> to vector<104x512xbf16>
    %eq3A_928 = arith.cmpf oeq, %broadcast_in_dim3A_927, %convert_element_type3A_2 : vector<104x512xbf16>
    %jit3A_929 = arith.constant 1.000000e+00 : bf16
    %jit3A_930 = arith.constant 0.000000e+00 : bf16
    %broadcast_in_dim3A_931 = vector.broadcast %jit3A_929 : bf16 to vector<104x512xbf16>
    %broadcast_in_dim3A_932 = vector.broadcast %jit3A_930 : bf16 to vector<104x512xbf16>
    %select_n3A_933 = arith.select %eq3A_928, %broadcast_in_dim3A_931, %broadcast_in_dim3A_932 : vector<104x512xi1>, vector<104x512xbf16>
    %swap3A_934 = arith.constant 7384 : index
    %swap3A_935 = arith.constant 0 : index
    %swap3A_936 = vector.load %arg15[%swap3A_934, %swap3A_935] : memref<10400x512xbf16, #tpu.memory_space<vmem>>, vector<104x512xbf16>
    tpu.vector_store %arg15[%swap3A_934, %swap3A_935], %select_n3A_933 {strides = array<i32>} : memref<10400x512xbf16, #tpu.memory_space<vmem>>, vector<104x512xbf16>,
    %add3A_937 = arith.addf %add3A_924, %select_n3A_933 : vector<104x512xbf16>
    %slice3A_938 = vector.extract_strided_slice %convert_element_type3A_5 {offsets = [72, 0], sizes = [1, 512], strides = [1, 1]} : vector<100x512xbf16> to vector<1x512xbf16>
    %broadcast_in_dim3A_939 = vector.shape_cast %slice3A_938 : vector<1x512xbf16> to vector<1x512xbf16>
    %broadcast_in_dim3A_940 = vector.broadcast %broadcast_in_dim3A_939 : vector<1x512xbf16> to vector<104x512xbf16>
    %eq3A_941 = arith.cmpf oeq, %broadcast_in_dim3A_940, %convert_element_type3A_2 : vector<104x512xbf16>
    %jit3A_942 = arith.constant 1.000000e+00 : bf16
    %jit3A_943 = arith.constant 0.000000e+00 : bf16
    %broadcast_in_dim3A_944 = vector.broadcast %jit3A_942 : bf16 to vector<104x512xbf16>
    %broadcast_in_dim3A_945 = vector.broadcast %jit3A_943 : bf16 to vector<104x512xbf16>
    %select_n3A_946 = arith.select %eq3A_941, %broadcast_in_dim3A_944, %broadcast_in_dim3A_945 : vector<104x512xi1>, vector<104x512xbf16>
    %swap3A_947 = arith.constant 7488 : index
    %swap3A_948 = arith.constant 0 : index
    %swap3A_949 = vector.load %arg15[%swap3A_947, %swap3A_948] : memref<10400x512xbf16, #tpu.memory_space<vmem>>, vector<104x512xbf16>
    tpu.vector_store %arg15[%swap3A_947, %swap3A_948], %select_n3A_946 {strides = array<i32>} : memref<10400x512xbf16, #tpu.memory_space<vmem>>, vector<104x512xbf16>,
    %add3A_950 = arith.addf %add3A_937, %select_n3A_946 : vector<104x512xbf16>
    %slice3A_951 = vector.extract_strided_slice %convert_element_type3A_5 {offsets = [73, 0], sizes = [1, 512], strides = [1, 1]} : vector<100x512xbf16> to vector<1x512xbf16>
    %broadcast_in_dim3A_952 = vector.shape_cast %slice3A_951 : vector<1x512xbf16> to vector<1x512xbf16>
    %broadcast_in_dim3A_953 = vector.broadcast %broadcast_in_dim3A_952 : vector<1x512xbf16> to vector<104x512xbf16>
    %eq3A_954 = arith.cmpf oeq, %broadcast_in_dim3A_953, %convert_element_type3A_2 : vector<104x512xbf16>
    %jit3A_955 = arith.constant 1.000000e+00 : bf16
    %jit3A_956 = arith.constant 0.000000e+00 : bf16
    %broadcast_in_dim3A_957 = vector.broadcast %jit3A_955 : bf16 to vector<104x512xbf16>
    %broadcast_in_dim3A_958 = vector.broadcast %jit3A_956 : bf16 to vector<104x512xbf16>
    %select_n3A_959 = arith.select %eq3A_954, %broadcast_in_dim3A_957, %broadcast_in_dim3A_958 : vector<104x512xi1>, vector<104x512xbf16>
    %swap3A_960 = arith.constant 7592 : index
    %swap3A_961 = arith.constant 0 : index
    %swap3A_962 = vector.load %arg15[%swap3A_960, %swap3A_961] : memref<10400x512xbf16, #tpu.memory_space<vmem>>, vector<104x512xbf16>
    tpu.vector_store %arg15[%swap3A_960, %swap3A_961], %select_n3A_959 {strides = array<i32>} : memref<10400x512xbf16, #tpu.memory_space<vmem>>, vector<104x512xbf16>,
    %add3A_963 = arith.addf %add3A_950, %select_n3A_959 : vector<104x512xbf16>
    %slice3A_964 = vector.extract_strided_slice %convert_element_type3A_5 {offsets = [74, 0], sizes = [1, 512], strides = [1, 1]} : vector<100x512xbf16> to vector<1x512xbf16>
    %broadcast_in_dim3A_965 = vector.shape_cast %slice3A_964 : vector<1x512xbf16> to vector<1x512xbf16>
    %broadcast_in_dim3A_966 = vector.broadcast %broadcast_in_dim3A_965 : vector<1x512xbf16> to vector<104x512xbf16>
    %eq3A_967 = arith.cmpf oeq, %broadcast_in_dim3A_966, %convert_element_type3A_2 : vector<104x512xbf16>
    %jit3A_968 = arith.constant 1.000000e+00 : bf16
    %jit3A_969 = arith.constant 0.000000e+00 : bf16
    %broadcast_in_dim3A_970 = vector.broadcast %jit3A_968 : bf16 to vector<104x512xbf16>
    %broadcast_in_dim3A_971 = vector.broadcast %jit3A_969 : bf16 to vector<104x512xbf16>
    %select_n3A_972 = arith.select %eq3A_967, %broadcast_in_dim3A_970, %broadcast_in_dim3A_971 : vector<104x512xi1>, vector<104x512xbf16>
    %swap3A_973 = arith.constant 7696 : index
    %swap3A_974 = arith.constant 0 : index
    %swap3A_975 = vector.load %arg15[%swap3A_973, %swap3A_974] : memref<10400x512xbf16, #tpu.memory_space<vmem>>, vector<104x512xbf16>
    tpu.vector_store %arg15[%swap3A_973, %swap3A_974], %select_n3A_972 {strides = array<i32>} : memref<10400x512xbf16, #tpu.memory_space<vmem>>, vector<104x512xbf16>,
    %add3A_976 = arith.addf %add3A_963, %select_n3A_972 : vector<104x512xbf16>
    %slice3A_977 = vector.extract_strided_slice %convert_element_type3A_5 {offsets = [75, 0], sizes = [1, 512], strides = [1, 1]} : vector<100x512xbf16> to vector<1x512xbf16>
    %broadcast_in_dim3A_978 = vector.shape_cast %slice3A_977 : vector<1x512xbf16> to vector<1x512xbf16>
    %broadcast_in_dim3A_979 = vector.broadcast %broadcast_in_dim3A_978 : vector<1x512xbf16> to vector<104x512xbf16>
    %eq3A_980 = arith.cmpf oeq, %broadcast_in_dim3A_979, %convert_element_type3A_2 : vector<104x512xbf16>
    %jit3A_981 = arith.constant 1.000000e+00 : bf16
    %jit3A_982 = arith.constant 0.000000e+00 : bf16
    %broadcast_in_dim3A_983 = vector.broadcast %jit3A_981 : bf16 to vector<104x512xbf16>
    %broadcast_in_dim3A_984 = vector.broadcast %jit3A_982 : bf16 to vector<104x512xbf16>
    %select_n3A_985 = arith.select %eq3A_980, %broadcast_in_dim3A_983, %broadcast_in_dim3A_984 : vector<104x512xi1>, vector<104x512xbf16>
    %swap3A_986 = arith.constant 7800 : index
    %swap3A_987 = arith.constant 0 : index
    %swap3A_988 = vector.load %arg15[%swap3A_986, %swap3A_987] : memref<10400x512xbf16, #tpu.memory_space<vmem>>, vector<104x512xbf16>
    tpu.vector_store %arg15[%swap3A_986, %swap3A_987], %select_n3A_985 {strides = array<i32>} : memref<10400x512xbf16, #tpu.memory_space<vmem>>, vector<104x512xbf16>,
    %add3A_989 = arith.addf %add3A_976, %select_n3A_985 : vector<104x512xbf16>
    %slice3A_990 = vector.extract_strided_slice %convert_element_type3A_5 {offsets = [76, 0], sizes = [1, 512], strides = [1, 1]} : vector<100x512xbf16> to vector<1x512xbf16>
    %broadcast_in_dim3A_991 = vector.shape_cast %slice3A_990 : vector<1x512xbf16> to vector<1x512xbf16>
    %broadcast_in_dim3A_992 = vector.broadcast %broadcast_in_dim3A_991 : vector<1x512xbf16> to vector<104x512xbf16>
    %eq3A_993 = arith.cmpf oeq, %broadcast_in_dim3A_992, %convert_element_type3A_2 : vector<104x512xbf16>
    %jit3A_994 = arith.constant 1.000000e+00 : bf16
    %jit3A_995 = arith.constant 0.000000e+00 : bf16
    %broadcast_in_dim3A_996 = vector.broadcast %jit3A_994 : bf16 to vector<104x512xbf16>
    %broadcast_in_dim3A_997 = vector.broadcast %jit3A_995 : bf16 to vector<104x512xbf16>
    %select_n3A_998 = arith.select %eq3A_993, %broadcast_in_dim3A_996, %broadcast_in_dim3A_997 : vector<104x512xi1>, vector<104x512xbf16>
    %swap3A_999 = arith.constant 7904 : index
    %swap3A_1000 = arith.constant 0 : index
    %swap3A_1001 = vector.load %arg15[%swap3A_999, %swap3A_1000] : memref<10400x512xbf16, #tpu.memory_space<vmem>>, vector<104x512xbf16>
    tpu.vector_store %arg15[%swap3A_999, %swap3A_1000], %select_n3A_998 {strides = array<i32>} : memref<10400x512xbf16, #tpu.memory_space<vmem>>, vector<104x512xbf16>,
    %add3A_1002 = arith.addf %add3A_989, %select_n3A_998 : vector<104x512xbf16>
    %slice3A_1003 = vector.extract_strided_slice %convert_element_type3A_5 {offsets = [77, 0], sizes = [1, 512], strides = [1, 1]} : vector<100x512xbf16> to vector<1x512xbf16>
    %broadcast_in_dim3A_1004 = vector.shape_cast %slice3A_1003 : vector<1x512xbf16> to vector<1x512xbf16>
    %broadcast_in_dim3A_1005 = vector.broadcast %broadcast_in_dim3A_1004 : vector<1x512xbf16> to vector<104x512xbf16>
    %eq3A_1006 = arith.cmpf oeq, %broadcast_in_dim3A_1005, %convert_element_type3A_2 : vector<104x512xbf16>
    %jit3A_1007 = arith.constant 1.000000e+00 : bf16
    %jit3A_1008 = arith.constant 0.000000e+00 : bf16
    %broadcast_in_dim3A_1009 = vector.broadcast %jit3A_1007 : bf16 to vector<104x512xbf16>
    %broadcast_in_dim3A_1010 = vector.broadcast %jit3A_1008 : bf16 to vector<104x512xbf16>
    %select_n3A_1011 = arith.select %eq3A_1006, %broadcast_in_dim3A_1009, %broadcast_in_dim3A_1010 : vector<104x512xi1>, vector<104x512xbf16>
    %swap3A_1012 = arith.constant 8008 : index
    %swap3A_1013 = arith.constant 0 : index
    %swap3A_1014 = vector.load %arg15[%swap3A_1012, %swap3A_1013] : memref<10400x512xbf16, #tpu.memory_space<vmem>>, vector<104x512xbf16>
    tpu.vector_store %arg15[%swap3A_1012, %swap3A_1013], %select_n3A_1011 {strides = array<i32>} : memref<10400x512xbf16, #tpu.memory_space<vmem>>, vector<104x512xbf16>,
    %add3A_1015 = arith.addf %add3A_1002, %select_n3A_1011 : vector<104x512xbf16>
    %slice3A_1016 = vector.extract_strided_slice %convert_element_type3A_5 {offsets = [78, 0], sizes = [1, 512], strides = [1, 1]} : vector<100x512xbf16> to vector<1x512xbf16>
    %broadcast_in_dim3A_1017 = vector.shape_cast %slice3A_1016 : vector<1x512xbf16> to vector<1x512xbf16>
    %broadcast_in_dim3A_1018 = vector.broadcast %broadcast_in_dim3A_1017 : vector<1x512xbf16> to vector<104x512xbf16>
    %eq3A_1019 = arith.cmpf oeq, %broadcast_in_dim3A_1018, %convert_element_type3A_2 : vector<104x512xbf16>
    %jit3A_1020 = arith.constant 1.000000e+00 : bf16
    %jit3A_1021 = arith.constant 0.000000e+00 : bf16
    %broadcast_in_dim3A_1022 = vector.broadcast %jit3A_1020 : bf16 to vector<104x512xbf16>
    %broadcast_in_dim3A_1023 = vector.broadcast %jit3A_1021 : bf16 to vector<104x512xbf16>
    %select_n3A_1024 = arith.select %eq3A_1019, %broadcast_in_dim3A_1022, %broadcast_in_dim3A_1023 : vector<104x512xi1>, vector<104x512xbf16>
    %swap3A_1025 = arith.constant 8112 : index
    %swap3A_1026 = arith.constant 0 : index
    %swap3A_1027 = vector.load %arg15[%swap3A_1025, %swap3A_1026] : memref<10400x512xbf16, #tpu.memory_space<vmem>>, vector<104x512xbf16>
    tpu.vector_store %arg15[%swap3A_1025, %swap3A_1026], %select_n3A_1024 {strides = array<i32>} : memref<10400x512xbf16, #tpu.memory_space<vmem>>, vector<104x512xbf16>,
    %add3A_1028 = arith.addf %add3A_1015, %select_n3A_1024 : vector<104x512xbf16>
    %slice3A_1029 = vector.extract_strided_slice %convert_element_type3A_5 {offsets = [79, 0], sizes = [1, 512], strides = [1, 1]} : vector<100x512xbf16> to vector<1x512xbf16>
    %broadcast_in_dim3A_1030 = vector.shape_cast %slice3A_1029 : vector<1x512xbf16> to vector<1x512xbf16>
    %broadcast_in_dim3A_1031 = vector.broadcast %broadcast_in_dim3A_1030 : vector<1x512xbf16> to vector<104x512xbf16>
    %eq3A_1032 = arith.cmpf oeq, %broadcast_in_dim3A_1031, %convert_element_type3A_2 : vector<104x512xbf16>
    %jit3A_1033 = arith.constant 1.000000e+00 : bf16
    %jit3A_1034 = arith.constant 0.000000e+00 : bf16
    %broadcast_in_dim3A_1035 = vector.broadcast %jit3A_1033 : bf16 to vector<104x512xbf16>
    %broadcast_in_dim3A_1036 = vector.broadcast %jit3A_1034 : bf16 to vector<104x512xbf16>
    %select_n3A_1037 = arith.select %eq3A_1032, %broadcast_in_dim3A_1035, %broadcast_in_dim3A_1036 : vector<104x512xi1>, vector<104x512xbf16>
    %swap3A_1038 = arith.constant 8216 : index
    %swap3A_1039 = arith.constant 0 : index
    %swap3A_1040 = vector.load %arg15[%swap3A_1038, %swap3A_1039] : memref<10400x512xbf16, #tpu.memory_space<vmem>>, vector<104x512xbf16>
    tpu.vector_store %arg15[%swap3A_1038, %swap3A_1039], %select_n3A_1037 {strides = array<i32>} : memref<10400x512xbf16, #tpu.memory_space<vmem>>, vector<104x512xbf16>,
    %add3A_1041 = arith.addf %add3A_1028, %select_n3A_1037 : vector<104x512xbf16>
    %slice3A_1042 = vector.extract_strided_slice %convert_element_type3A_5 {offsets = [80, 0], sizes = [1, 512], strides = [1, 1]} : vector<100x512xbf16> to vector<1x512xbf16>
    %broadcast_in_dim3A_1043 = vector.shape_cast %slice3A_1042 : vector<1x512xbf16> to vector<1x512xbf16>
    %broadcast_in_dim3A_1044 = vector.broadcast %broadcast_in_dim3A_1043 : vector<1x512xbf16> to vector<104x512xbf16>
    %eq3A_1045 = arith.cmpf oeq, %broadcast_in_dim3A_1044, %convert_element_type3A_2 : vector<104x512xbf16>
    %jit3A_1046 = arith.constant 1.000000e+00 : bf16
    %jit3A_1047 = arith.constant 0.000000e+00 : bf16
    %broadcast_in_dim3A_1048 = vector.broadcast %jit3A_1046 : bf16 to vector<104x512xbf16>
    %broadcast_in_dim3A_1049 = vector.broadcast %jit3A_1047 : bf16 to vector<104x512xbf16>
    %select_n3A_1050 = arith.select %eq3A_1045, %broadcast_in_dim3A_1048, %broadcast_in_dim3A_1049 : vector<104x512xi1>, vector<104x512xbf16>
    %swap3A_1051 = arith.constant 8320 : index
    %swap3A_1052 = arith.constant 0 : index
    %swap3A_1053 = vector.load %arg15[%swap3A_1051, %swap3A_1052] : memref<10400x512xbf16, #tpu.memory_space<vmem>>, vector<104x512xbf16>
    tpu.vector_store %arg15[%swap3A_1051, %swap3A_1052], %select_n3A_1050 {strides = array<i32>} : memref<10400x512xbf16, #tpu.memory_space<vmem>>, vector<104x512xbf16>,
    %add3A_1054 = arith.addf %add3A_1041, %select_n3A_1050 : vector<104x512xbf16>
    %slice3A_1055 = vector.extract_strided_slice %convert_element_type3A_5 {offsets = [81, 0], sizes = [1, 512], strides = [1, 1]} : vector<100x512xbf16> to vector<1x512xbf16>
    %broadcast_in_dim3A_1056 = vector.shape_cast %slice3A_1055 : vector<1x512xbf16> to vector<1x512xbf16>
    %broadcast_in_dim3A_1057 = vector.broadcast %broadcast_in_dim3A_1056 : vector<1x512xbf16> to vector<104x512xbf16>
    %eq3A_1058 = arith.cmpf oeq, %broadcast_in_dim3A_1057, %convert_element_type3A_2 : vector<104x512xbf16>
    %jit3A_1059 = arith.constant 1.000000e+00 : bf16
    %jit3A_1060 = arith.constant 0.000000e+00 : bf16
    %broadcast_in_dim3A_1061 = vector.broadcast %jit3A_1059 : bf16 to vector<104x512xbf16>
    %broadcast_in_dim3A_1062 = vector.broadcast %jit3A_1060 : bf16 to vector<104x512xbf16>
    %select_n3A_1063 = arith.select %eq3A_1058, %broadcast_in_dim3A_1061, %broadcast_in_dim3A_1062 : vector<104x512xi1>, vector<104x512xbf16>
    %swap3A_1064 = arith.constant 8424 : index
    %swap3A_1065 = arith.constant 0 : index
    %swap3A_1066 = vector.load %arg15[%swap3A_1064, %swap3A_1065] : memref<10400x512xbf16, #tpu.memory_space<vmem>>, vector<104x512xbf16>
    tpu.vector_store %arg15[%swap3A_1064, %swap3A_1065], %select_n3A_1063 {strides = array<i32>} : memref<10400x512xbf16, #tpu.memory_space<vmem>>, vector<104x512xbf16>,
    %add3A_1067 = arith.addf %add3A_1054, %select_n3A_1063 : vector<104x512xbf16>
    %slice3A_1068 = vector.extract_strided_slice %convert_element_type3A_5 {offsets = [82, 0], sizes = [1, 512], strides = [1, 1]} : vector<100x512xbf16> to vector<1x512xbf16>
    %broadcast_in_dim3A_1069 = vector.shape_cast %slice3A_1068 : vector<1x512xbf16> to vector<1x512xbf16>
    %broadcast_in_dim3A_1070 = vector.broadcast %broadcast_in_dim3A_1069 : vector<1x512xbf16> to vector<104x512xbf16>
    %eq3A_1071 = arith.cmpf oeq, %broadcast_in_dim3A_1070, %convert_element_type3A_2 : vector<104x512xbf16>
    %jit3A_1072 = arith.constant 1.000000e+00 : bf16
    %jit3A_1073 = arith.constant 0.000000e+00 : bf16
    %broadcast_in_dim3A_1074 = vector.broadcast %jit3A_1072 : bf16 to vector<104x512xbf16>
    %broadcast_in_dim3A_1075 = vector.broadcast %jit3A_1073 : bf16 to vector<104x512xbf16>
    %select_n3A_1076 = arith.select %eq3A_1071, %broadcast_in_dim3A_1074, %broadcast_in_dim3A_1075 : vector<104x512xi1>, vector<104x512xbf16>
    %swap3A_1077 = arith.constant 8528 : index
    %swap3A_1078 = arith.constant 0 : index
    %swap3A_1079 = vector.load %arg15[%swap3A_1077, %swap3A_1078] : memref<10400x512xbf16, #tpu.memory_space<vmem>>, vector<104x512xbf16>
    tpu.vector_store %arg15[%swap3A_1077, %swap3A_1078], %select_n3A_1076 {strides = array<i32>} : memref<10400x512xbf16, #tpu.memory_space<vmem>>, vector<104x512xbf16>,
    %add3A_1080 = arith.addf %add3A_1067, %select_n3A_1076 : vector<104x512xbf16>
    %slice3A_1081 = vector.extract_strided_slice %convert_element_type3A_5 {offsets = [83, 0], sizes = [1, 512], strides = [1, 1]} : vector<100x512xbf16> to vector<1x512xbf16>
    %broadcast_in_dim3A_1082 = vector.shape_cast %slice3A_1081 : vector<1x512xbf16> to vector<1x512xbf16>
    %broadcast_in_dim3A_1083 = vector.broadcast %broadcast_in_dim3A_1082 : vector<1x512xbf16> to vector<104x512xbf16>
    %eq3A_1084 = arith.cmpf oeq, %broadcast_in_dim3A_1083, %convert_element_type3A_2 : vector<104x512xbf16>
    %jit3A_1085 = arith.constant 1.000000e+00 : bf16
    %jit3A_1086 = arith.constant 0.000000e+00 : bf16
    %broadcast_in_dim3A_1087 = vector.broadcast %jit3A_1085 : bf16 to vector<104x512xbf16>
    %broadcast_in_dim3A_1088 = vector.broadcast %jit3A_1086 : bf16 to vector<104x512xbf16>
    %select_n3A_1089 = arith.select %eq3A_1084, %broadcast_in_dim3A_1087, %broadcast_in_dim3A_1088 : vector<104x512xi1>, vector<104x512xbf16>
    %swap3A_1090 = arith.constant 8632 : index
    %swap3A_1091 = arith.constant 0 : index
    %swap3A_1092 = vector.load %arg15[%swap3A_1090, %swap3A_1091] : memref<10400x512xbf16, #tpu.memory_space<vmem>>, vector<104x512xbf16>
    tpu.vector_store %arg15[%swap3A_1090, %swap3A_1091], %select_n3A_1089 {strides = array<i32>} : memref<10400x512xbf16, #tpu.memory_space<vmem>>, vector<104x512xbf16>,
    %add3A_1093 = arith.addf %add3A_1080, %select_n3A_1089 : vector<104x512xbf16>
    %slice3A_1094 = vector.extract_strided_slice %convert_element_type3A_5 {offsets = [84, 0], sizes = [1, 512], strides = [1, 1]} : vector<100x512xbf16> to vector<1x512xbf16>
    %broadcast_in_dim3A_1095 = vector.shape_cast %slice3A_1094 : vector<1x512xbf16> to vector<1x512xbf16>
    %broadcast_in_dim3A_1096 = vector.broadcast %broadcast_in_dim3A_1095 : vector<1x512xbf16> to vector<104x512xbf16>
    %eq3A_1097 = arith.cmpf oeq, %broadcast_in_dim3A_1096, %convert_element_type3A_2 : vector<104x512xbf16>
    %jit3A_1098 = arith.constant 1.000000e+00 : bf16
    %jit3A_1099 = arith.constant 0.000000e+00 : bf16
    %broadcast_in_dim3A_1100 = vector.broadcast %jit3A_1098 : bf16 to vector<104x512xbf16>
    %broadcast_in_dim3A_1101 = vector.broadcast %jit3A_1099 : bf16 to vector<104x512xbf16>
    %select_n3A_1102 = arith.select %eq3A_1097, %broadcast_in_dim3A_1100, %broadcast_in_dim3A_1101 : vector<104x512xi1>, vector<104x512xbf16>
    %swap3A_1103 = arith.constant 8736 : index
    %swap3A_1104 = arith.constant 0 : index
    %swap3A_1105 = vector.load %arg15[%swap3A_1103, %swap3A_1104] : memref<10400x512xbf16, #tpu.memory_space<vmem>>, vector<104x512xbf16>
    tpu.vector_store %arg15[%swap3A_1103, %swap3A_1104], %select_n3A_1102 {strides = array<i32>} : memref<10400x512xbf16, #tpu.memory_space<vmem>>, vector<104x512xbf16>,
    %add3A_1106 = arith.addf %add3A_1093, %select_n3A_1102 : vector<104x512xbf16>
    %slice3A_1107 = vector.extract_strided_slice %convert_element_type3A_5 {offsets = [85, 0], sizes = [1, 512], strides = [1, 1]} : vector<100x512xbf16> to vector<1x512xbf16>
    %broadcast_in_dim3A_1108 = vector.shape_cast %slice3A_1107 : vector<1x512xbf16> to vector<1x512xbf16>
    %broadcast_in_dim3A_1109 = vector.broadcast %broadcast_in_dim3A_1108 : vector<1x512xbf16> to vector<104x512xbf16>
    %eq3A_1110 = arith.cmpf oeq, %broadcast_in_dim3A_1109, %convert_element_type3A_2 : vector<104x512xbf16>
    %jit3A_1111 = arith.constant 1.000000e+00 : bf16
    %jit3A_1112 = arith.constant 0.000000e+00 : bf16
    %broadcast_in_dim3A_1113 = vector.broadcast %jit3A_1111 : bf16 to vector<104x512xbf16>
    %broadcast_in_dim3A_1114 = vector.broadcast %jit3A_1112 : bf16 to vector<104x512xbf16>
    %select_n3A_1115 = arith.select %eq3A_1110, %broadcast_in_dim3A_1113, %broadcast_in_dim3A_1114 : vector<104x512xi1>, vector<104x512xbf16>
    %swap3A_1116 = arith.constant 8840 : index
    %swap3A_1117 = arith.constant 0 : index
    %swap3A_1118 = vector.load %arg15[%swap3A_1116, %swap3A_1117] : memref<10400x512xbf16, #tpu.memory_space<vmem>>, vector<104x512xbf16>
    tpu.vector_store %arg15[%swap3A_1116, %swap3A_1117], %select_n3A_1115 {strides = array<i32>} : memref<10400x512xbf16, #tpu.memory_space<vmem>>, vector<104x512xbf16>,
    %add3A_1119 = arith.addf %add3A_1106, %select_n3A_1115 : vector<104x512xbf16>
    %slice3A_1120 = vector.extract_strided_slice %convert_element_type3A_5 {offsets = [86, 0], sizes = [1, 512], strides = [1, 1]} : vector<100x512xbf16> to vector<1x512xbf16>
    %broadcast_in_dim3A_1121 = vector.shape_cast %slice3A_1120 : vector<1x512xbf16> to vector<1x512xbf16>
    %broadcast_in_dim3A_1122 = vector.broadcast %broadcast_in_dim3A_1121 : vector<1x512xbf16> to vector<104x512xbf16>
    %eq3A_1123 = arith.cmpf oeq, %broadcast_in_dim3A_1122, %convert_element_type3A_2 : vector<104x512xbf16>
    %jit3A_1124 = arith.constant 1.000000e+00 : bf16
    %jit3A_1125 = arith.constant 0.000000e+00 : bf16
    %broadcast_in_dim3A_1126 = vector.broadcast %jit3A_1124 : bf16 to vector<104x512xbf16>
    %broadcast_in_dim3A_1127 = vector.broadcast %jit3A_1125 : bf16 to vector<104x512xbf16>
    %select_n3A_1128 = arith.select %eq3A_1123, %broadcast_in_dim3A_1126, %broadcast_in_dim3A_1127 : vector<104x512xi1>, vector<104x512xbf16>
    %swap3A_1129 = arith.constant 8944 : index
    %swap3A_1130 = arith.constant 0 : index
    %swap3A_1131 = vector.load %arg15[%swap3A_1129, %swap3A_1130] : memref<10400x512xbf16, #tpu.memory_space<vmem>>, vector<104x512xbf16>
    tpu.vector_store %arg15[%swap3A_1129, %swap3A_1130], %select_n3A_1128 {strides = array<i32>} : memref<10400x512xbf16, #tpu.memory_space<vmem>>, vector<104x512xbf16>,
    %add3A_1132 = arith.addf %add3A_1119, %select_n3A_1128 : vector<104x512xbf16>
    %slice3A_1133 = vector.extract_strided_slice %convert_element_type3A_5 {offsets = [87, 0], sizes = [1, 512], strides = [1, 1]} : vector<100x512xbf16> to vector<1x512xbf16>
    %broadcast_in_dim3A_1134 = vector.shape_cast %slice3A_1133 : vector<1x512xbf16> to vector<1x512xbf16>
    %broadcast_in_dim3A_1135 = vector.broadcast %broadcast_in_dim3A_1134 : vector<1x512xbf16> to vector<104x512xbf16>
    %eq3A_1136 = arith.cmpf oeq, %broadcast_in_dim3A_1135, %convert_element_type3A_2 : vector<104x512xbf16>
    %jit3A_1137 = arith.constant 1.000000e+00 : bf16
    %jit3A_1138 = arith.constant 0.000000e+00 : bf16
    %broadcast_in_dim3A_1139 = vector.broadcast %jit3A_1137 : bf16 to vector<104x512xbf16>
    %broadcast_in_dim3A_1140 = vector.broadcast %jit3A_1138 : bf16 to vector<104x512xbf16>
    %select_n3A_1141 = arith.select %eq3A_1136, %broadcast_in_dim3A_1139, %broadcast_in_dim3A_1140 : vector<104x512xi1>, vector<104x512xbf16>
    %swap3A_1142 = arith.constant 9048 : index
    %swap3A_1143 = arith.constant 0 : index
    %swap3A_1144 = vector.load %arg15[%swap3A_1142, %swap3A_1143] : memref<10400x512xbf16, #tpu.memory_space<vmem>>, vector<104x512xbf16>
    tpu.vector_store %arg15[%swap3A_1142, %swap3A_1143], %select_n3A_1141 {strides = array<i32>} : memref<10400x512xbf16, #tpu.memory_space<vmem>>, vector<104x512xbf16>,
    %add3A_1145 = arith.addf %add3A_1132, %select_n3A_1141 : vector<104x512xbf16>
    %slice3A_1146 = vector.extract_strided_slice %convert_element_type3A_5 {offsets = [88, 0], sizes = [1, 512], strides = [1, 1]} : vector<100x512xbf16> to vector<1x512xbf16>
    %broadcast_in_dim3A_1147 = vector.shape_cast %slice3A_1146 : vector<1x512xbf16> to vector<1x512xbf16>
    %broadcast_in_dim3A_1148 = vector.broadcast %broadcast_in_dim3A_1147 : vector<1x512xbf16> to vector<104x512xbf16>
    %eq3A_1149 = arith.cmpf oeq, %broadcast_in_dim3A_1148, %convert_element_type3A_2 : vector<104x512xbf16>
    %jit3A_1150 = arith.constant 1.000000e+00 : bf16
    %jit3A_1151 = arith.constant 0.000000e+00 : bf16
    %broadcast_in_dim3A_1152 = vector.broadcast %jit3A_1150 : bf16 to vector<104x512xbf16>
    %broadcast_in_dim3A_1153 = vector.broadcast %jit3A_1151 : bf16 to vector<104x512xbf16>
    %select_n3A_1154 = arith.select %eq3A_1149, %broadcast_in_dim3A_1152, %broadcast_in_dim3A_1153 : vector<104x512xi1>, vector<104x512xbf16>
    %swap3A_1155 = arith.constant 9152 : index
    %swap3A_1156 = arith.constant 0 : index
    %swap3A_1157 = vector.load %arg15[%swap3A_1155, %swap3A_1156] : memref<10400x512xbf16, #tpu.memory_space<vmem>>, vector<104x512xbf16>
    tpu.vector_store %arg15[%swap3A_1155, %swap3A_1156], %select_n3A_1154 {strides = array<i32>} : memref<10400x512xbf16, #tpu.memory_space<vmem>>, vector<104x512xbf16>,
    %add3A_1158 = arith.addf %add3A_1145, %select_n3A_1154 : vector<104x512xbf16>
    %slice3A_1159 = vector.extract_strided_slice %convert_element_type3A_5 {offsets = [89, 0], sizes = [1, 512], strides = [1, 1]} : vector<100x512xbf16> to vector<1x512xbf16>
    %broadcast_in_dim3A_1160 = vector.shape_cast %slice3A_1159 : vector<1x512xbf16> to vector<1x512xbf16>
    %broadcast_in_dim3A_1161 = vector.broadcast %broadcast_in_dim3A_1160 : vector<1x512xbf16> to vector<104x512xbf16>
    %eq3A_1162 = arith.cmpf oeq, %broadcast_in_dim3A_1161, %convert_element_type3A_2 : vector<104x512xbf16>
    %jit3A_1163 = arith.constant 1.000000e+00 : bf16
    %jit3A_1164 = arith.constant 0.000000e+00 : bf16
    %broadcast_in_dim3A_1165 = vector.broadcast %jit3A_1163 : bf16 to vector<104x512xbf16>
    %broadcast_in_dim3A_1166 = vector.broadcast %jit3A_1164 : bf16 to vector<104x512xbf16>
    %select_n3A_1167 = arith.select %eq3A_1162, %broadcast_in_dim3A_1165, %broadcast_in_dim3A_1166 : vector<104x512xi1>, vector<104x512xbf16>
    %swap3A_1168 = arith.constant 9256 : index
    %swap3A_1169 = arith.constant 0 : index
    %swap3A_1170 = vector.load %arg15[%swap3A_1168, %swap3A_1169] : memref<10400x512xbf16, #tpu.memory_space<vmem>>, vector<104x512xbf16>
    tpu.vector_store %arg15[%swap3A_1168, %swap3A_1169], %select_n3A_1167 {strides = array<i32>} : memref<10400x512xbf16, #tpu.memory_space<vmem>>, vector<104x512xbf16>,
    %add3A_1171 = arith.addf %add3A_1158, %select_n3A_1167 : vector<104x512xbf16>
    %slice3A_1172 = vector.extract_strided_slice %convert_element_type3A_5 {offsets = [90, 0], sizes = [1, 512], strides = [1, 1]} : vector<100x512xbf16> to vector<1x512xbf16>
    %broadcast_in_dim3A_1173 = vector.shape_cast %slice3A_1172 : vector<1x512xbf16> to vector<1x512xbf16>
    %broadcast_in_dim3A_1174 = vector.broadcast %broadcast_in_dim3A_1173 : vector<1x512xbf16> to vector<104x512xbf16>
    %eq3A_1175 = arith.cmpf oeq, %broadcast_in_dim3A_1174, %convert_element_type3A_2 : vector<104x512xbf16>
    %jit3A_1176 = arith.constant 1.000000e+00 : bf16
    %jit3A_1177 = arith.constant 0.000000e+00 : bf16
    %broadcast_in_dim3A_1178 = vector.broadcast %jit3A_1176 : bf16 to vector<104x512xbf16>
    %broadcast_in_dim3A_1179 = vector.broadcast %jit3A_1177 : bf16 to vector<104x512xbf16>
    %select_n3A_1180 = arith.select %eq3A_1175, %broadcast_in_dim3A_1178, %broadcast_in_dim3A_1179 : vector<104x512xi1>, vector<104x512xbf16>
    %swap3A_1181 = arith.constant 9360 : index
    %swap3A_1182 = arith.constant 0 : index
    %swap3A_1183 = vector.load %arg15[%swap3A_1181, %swap3A_1182] : memref<10400x512xbf16, #tpu.memory_space<vmem>>, vector<104x512xbf16>
    tpu.vector_store %arg15[%swap3A_1181, %swap3A_1182], %select_n3A_1180 {strides = array<i32>} : memref<10400x512xbf16, #tpu.memory_space<vmem>>, vector<104x512xbf16>,
    %add3A_1184 = arith.addf %add3A_1171, %select_n3A_1180 : vector<104x512xbf16>
    %slice3A_1185 = vector.extract_strided_slice %convert_element_type3A_5 {offsets = [91, 0], sizes = [1, 512], strides = [1, 1]} : vector<100x512xbf16> to vector<1x512xbf16>
    %broadcast_in_dim3A_1186 = vector.shape_cast %slice3A_1185 : vector<1x512xbf16> to vector<1x512xbf16>
    %broadcast_in_dim3A_1187 = vector.broadcast %broadcast_in_dim3A_1186 : vector<1x512xbf16> to vector<104x512xbf16>
    %eq3A_1188 = arith.cmpf oeq, %broadcast_in_dim3A_1187, %convert_element_type3A_2 : vector<104x512xbf16>
    %jit3A_1189 = arith.constant 1.000000e+00 : bf16
    %jit3A_1190 = arith.constant 0.000000e+00 : bf16
    %broadcast_in_dim3A_1191 = vector.broadcast %jit3A_1189 : bf16 to vector<104x512xbf16>
    %broadcast_in_dim3A_1192 = vector.broadcast %jit3A_1190 : bf16 to vector<104x512xbf16>
    %select_n3A_1193 = arith.select %eq3A_1188, %broadcast_in_dim3A_1191, %broadcast_in_dim3A_1192 : vector<104x512xi1>, vector<104x512xbf16>
    %swap3A_1194 = arith.constant 9464 : index
    %swap3A_1195 = arith.constant 0 : index
    %swap3A_1196 = vector.load %arg15[%swap3A_1194, %swap3A_1195] : memref<10400x512xbf16, #tpu.memory_space<vmem>>, vector<104x512xbf16>
    tpu.vector_store %arg15[%swap3A_1194, %swap3A_1195], %select_n3A_1193 {strides = array<i32>} : memref<10400x512xbf16, #tpu.memory_space<vmem>>, vector<104x512xbf16>,
    %add3A_1197 = arith.addf %add3A_1184, %select_n3A_1193 : vector<104x512xbf16>
    %slice3A_1198 = vector.extract_strided_slice %convert_element_type3A_5 {offsets = [92, 0], sizes = [1, 512], strides = [1, 1]} : vector<100x512xbf16> to vector<1x512xbf16>
    %broadcast_in_dim3A_1199 = vector.shape_cast %slice3A_1198 : vector<1x512xbf16> to vector<1x512xbf16>
    %broadcast_in_dim3A_1200 = vector.broadcast %broadcast_in_dim3A_1199 : vector<1x512xbf16> to vector<104x512xbf16>
    %eq3A_1201 = arith.cmpf oeq, %broadcast_in_dim3A_1200, %convert_element_type3A_2 : vector<104x512xbf16>
    %jit3A_1202 = arith.constant 1.000000e+00 : bf16
    %jit3A_1203 = arith.constant 0.000000e+00 : bf16
    %broadcast_in_dim3A_1204 = vector.broadcast %jit3A_1202 : bf16 to vector<104x512xbf16>
    %broadcast_in_dim3A_1205 = vector.broadcast %jit3A_1203 : bf16 to vector<104x512xbf16>
    %select_n3A_1206 = arith.select %eq3A_1201, %broadcast_in_dim3A_1204, %broadcast_in_dim3A_1205 : vector<104x512xi1>, vector<104x512xbf16>
    %swap3A_1207 = arith.constant 9568 : index
    %swap3A_1208 = arith.constant 0 : index
    %swap3A_1209 = vector.load %arg15[%swap3A_1207, %swap3A_1208] : memref<10400x512xbf16, #tpu.memory_space<vmem>>, vector<104x512xbf16>
    tpu.vector_store %arg15[%swap3A_1207, %swap3A_1208], %select_n3A_1206 {strides = array<i32>} : memref<10400x512xbf16, #tpu.memory_space<vmem>>, vector<104x512xbf16>,
    %add3A_1210 = arith.addf %add3A_1197, %select_n3A_1206 : vector<104x512xbf16>
    %slice3A_1211 = vector.extract_strided_slice %convert_element_type3A_5 {offsets = [93, 0], sizes = [1, 512], strides = [1, 1]} : vector<100x512xbf16> to vector<1x512xbf16>
    %broadcast_in_dim3A_1212 = vector.shape_cast %slice3A_1211 : vector<1x512xbf16> to vector<1x512xbf16>
    %broadcast_in_dim3A_1213 = vector.broadcast %broadcast_in_dim3A_1212 : vector<1x512xbf16> to vector<104x512xbf16>
    %eq3A_1214 = arith.cmpf oeq, %broadcast_in_dim3A_1213, %convert_element_type3A_2 : vector<104x512xbf16>
    %jit3A_1215 = arith.constant 1.000000e+00 : bf16
    %jit3A_1216 = arith.constant 0.000000e+00 : bf16
    %broadcast_in_dim3A_1217 = vector.broadcast %jit3A_1215 : bf16 to vector<104x512xbf16>
    %broadcast_in_dim3A_1218 = vector.broadcast %jit3A_1216 : bf16 to vector<104x512xbf16>
    %select_n3A_1219 = arith.select %eq3A_1214, %broadcast_in_dim3A_1217, %broadcast_in_dim3A_1218 : vector<104x512xi1>, vector<104x512xbf16>
    %swap3A_1220 = arith.constant 9672 : index
    %swap3A_1221 = arith.constant 0 : index
    %swap3A_1222 = vector.load %arg15[%swap3A_1220, %swap3A_1221] : memref<10400x512xbf16, #tpu.memory_space<vmem>>, vector<104x512xbf16>
    tpu.vector_store %arg15[%swap3A_1220, %swap3A_1221], %select_n3A_1219 {strides = array<i32>} : memref<10400x512xbf16, #tpu.memory_space<vmem>>, vector<104x512xbf16>,
    %add3A_1223 = arith.addf %add3A_1210, %select_n3A_1219 : vector<104x512xbf16>
    %slice3A_1224 = vector.extract_strided_slice %convert_element_type3A_5 {offsets = [94, 0], sizes = [1, 512], strides = [1, 1]} : vector<100x512xbf16> to vector<1x512xbf16>
    %broadcast_in_dim3A_1225 = vector.shape_cast %slice3A_1224 : vector<1x512xbf16> to vector<1x512xbf16>
    %broadcast_in_dim3A_1226 = vector.broadcast %broadcast_in_dim3A_1225 : vector<1x512xbf16> to vector<104x512xbf16>
    %eq3A_1227 = arith.cmpf oeq, %broadcast_in_dim3A_1226, %convert_element_type3A_2 : vector<104x512xbf16>
    %jit3A_1228 = arith.constant 1.000000e+00 : bf16
    %jit3A_1229 = arith.constant 0.000000e+00 : bf16
    %broadcast_in_dim3A_1230 = vector.broadcast %jit3A_1228 : bf16 to vector<104x512xbf16>
    %broadcast_in_dim3A_1231 = vector.broadcast %jit3A_1229 : bf16 to vector<104x512xbf16>
    %select_n3A_1232 = arith.select %eq3A_1227, %broadcast_in_dim3A_1230, %broadcast_in_dim3A_1231 : vector<104x512xi1>, vector<104x512xbf16>
    %swap3A_1233 = arith.constant 9776 : index
    %swap3A_1234 = arith.constant 0 : index
    %swap3A_1235 = vector.load %arg15[%swap3A_1233, %swap3A_1234] : memref<10400x512xbf16, #tpu.memory_space<vmem>>, vector<104x512xbf16>
    tpu.vector_store %arg15[%swap3A_1233, %swap3A_1234], %select_n3A_1232 {strides = array<i32>} : memref<10400x512xbf16, #tpu.memory_space<vmem>>, vector<104x512xbf16>,
    %add3A_1236 = arith.addf %add3A_1223, %select_n3A_1232 : vector<104x512xbf16>
    %slice3A_1237 = vector.extract_strided_slice %convert_element_type3A_5 {offsets = [95, 0], sizes = [1, 512], strides = [1, 1]} : vector<100x512xbf16> to vector<1x512xbf16>
    %broadcast_in_dim3A_1238 = vector.shape_cast %slice3A_1237 : vector<1x512xbf16> to vector<1x512xbf16>
    %broadcast_in_dim3A_1239 = vector.broadcast %broadcast_in_dim3A_1238 : vector<1x512xbf16> to vector<104x512xbf16>
    %eq3A_1240 = arith.cmpf oeq, %broadcast_in_dim3A_1239, %convert_element_type3A_2 : vector<104x512xbf16>
    %jit3A_1241 = arith.constant 1.000000e+00 : bf16
    %jit3A_1242 = arith.constant 0.000000e+00 : bf16
    %broadcast_in_dim3A_1243 = vector.broadcast %jit3A_1241 : bf16 to vector<104x512xbf16>
    %broadcast_in_dim3A_1244 = vector.broadcast %jit3A_1242 : bf16 to vector<104x512xbf16>
    %select_n3A_1245 = arith.select %eq3A_1240, %broadcast_in_dim3A_1243, %broadcast_in_dim3A_1244 : vector<104x512xi1>, vector<104x512xbf16>
    %swap3A_1246 = arith.constant 9880 : index
    %swap3A_1247 = arith.constant 0 : index
    %swap3A_1248 = vector.load %arg15[%swap3A_1246, %swap3A_1247] : memref<10400x512xbf16, #tpu.memory_space<vmem>>, vector<104x512xbf16>
    tpu.vector_store %arg15[%swap3A_1246, %swap3A_1247], %select_n3A_1245 {strides = array<i32>} : memref<10400x512xbf16, #tpu.memory_space<vmem>>, vector<104x512xbf16>,
    %add3A_1249 = arith.addf %add3A_1236, %select_n3A_1245 : vector<104x512xbf16>
    %slice3A_1250 = vector.extract_strided_slice %convert_element_type3A_5 {offsets = [96, 0], sizes = [1, 512], strides = [1, 1]} : vector<100x512xbf16> to vector<1x512xbf16>
    %broadcast_in_dim3A_1251 = vector.shape_cast %slice3A_1250 : vector<1x512xbf16> to vector<1x512xbf16>
    %broadcast_in_dim3A_1252 = vector.broadcast %broadcast_in_dim3A_1251 : vector<1x512xbf16> to vector<104x512xbf16>
    %eq3A_1253 = arith.cmpf oeq, %broadcast_in_dim3A_1252, %convert_element_type3A_2 : vector<104x512xbf16>
    %jit3A_1254 = arith.constant 1.000000e+00 : bf16
    %jit3A_1255 = arith.constant 0.000000e+00 : bf16
    %broadcast_in_dim3A_1256 = vector.broadcast %jit3A_1254 : bf16 to vector<104x512xbf16>
    %broadcast_in_dim3A_1257 = vector.broadcast %jit3A_1255 : bf16 to vector<104x512xbf16>
    %select_n3A_1258 = arith.select %eq3A_1253, %broadcast_in_dim3A_1256, %broadcast_in_dim3A_1257 : vector<104x512xi1>, vector<104x512xbf16>
    %swap3A_1259 = arith.constant 9984 : index
    %swap3A_1260 = arith.constant 0 : index
    %swap3A_1261 = vector.load %arg15[%swap3A_1259, %swap3A_1260] : memref<10400x512xbf16, #tpu.memory_space<vmem>>, vector<104x512xbf16>
    tpu.vector_store %arg15[%swap3A_1259, %swap3A_1260], %select_n3A_1258 {strides = array<i32>} : memref<10400x512xbf16, #tpu.memory_space<vmem>>, vector<104x512xbf16>,
    %add3A_1262 = arith.addf %add3A_1249, %select_n3A_1258 : vector<104x512xbf16>
    %slice3A_1263 = vector.extract_strided_slice %convert_element_type3A_5 {offsets = [97, 0], sizes = [1, 512], strides = [1, 1]} : vector<100x512xbf16> to vector<1x512xbf16>
    %broadcast_in_dim3A_1264 = vector.shape_cast %slice3A_1263 : vector<1x512xbf16> to vector<1x512xbf16>
    %broadcast_in_dim3A_1265 = vector.broadcast %broadcast_in_dim3A_1264 : vector<1x512xbf16> to vector<104x512xbf16>
    %eq3A_1266 = arith.cmpf oeq, %broadcast_in_dim3A_1265, %convert_element_type3A_2 : vector<104x512xbf16>
    %jit3A_1267 = arith.constant 1.000000e+00 : bf16
    %jit3A_1268 = arith.constant 0.000000e+00 : bf16
    %broadcast_in_dim3A_1269 = vector.broadcast %jit3A_1267 : bf16 to vector<104x512xbf16>
    %broadcast_in_dim3A_1270 = vector.broadcast %jit3A_1268 : bf16 to vector<104x512xbf16>
    %select_n3A_1271 = arith.select %eq3A_1266, %broadcast_in_dim3A_1269, %broadcast_in_dim3A_1270 : vector<104x512xi1>, vector<104x512xbf16>
    %swap3A_1272 = arith.constant 10088 : index
    %swap3A_1273 = arith.constant 0 : index
    %swap3A_1274 = vector.load %arg15[%swap3A_1272, %swap3A_1273] : memref<10400x512xbf16, #tpu.memory_space<vmem>>, vector<104x512xbf16>
    tpu.vector_store %arg15[%swap3A_1272, %swap3A_1273], %select_n3A_1271 {strides = array<i32>} : memref<10400x512xbf16, #tpu.memory_space<vmem>>, vector<104x512xbf16>,
    %add3A_1275 = arith.addf %add3A_1262, %select_n3A_1271 : vector<104x512xbf16>
    %slice3A_1276 = vector.extract_strided_slice %convert_element_type3A_5 {offsets = [98, 0], sizes = [1, 512], strides = [1, 1]} : vector<100x512xbf16> to vector<1x512xbf16>
    %broadcast_in_dim3A_1277 = vector.shape_cast %slice3A_1276 : vector<1x512xbf16> to vector<1x512xbf16>
    %broadcast_in_dim3A_1278 = vector.broadcast %broadcast_in_dim3A_1277 : vector<1x512xbf16> to vector<104x512xbf16>
    %eq3A_1279 = arith.cmpf oeq, %broadcast_in_dim3A_1278, %convert_element_type3A_2 : vector<104x512xbf16>
    %jit3A_1280 = arith.constant 1.000000e+00 : bf16
    %jit3A_1281 = arith.constant 0.000000e+00 : bf16
    %broadcast_in_dim3A_1282 = vector.broadcast %jit3A_1280 : bf16 to vector<104x512xbf16>
    %broadcast_in_dim3A_1283 = vector.broadcast %jit3A_1281 : bf16 to vector<104x512xbf16>
    %select_n3A_1284 = arith.select %eq3A_1279, %broadcast_in_dim3A_1282, %broadcast_in_dim3A_1283 : vector<104x512xi1>, vector<104x512xbf16>
    %swap3A_1285 = arith.constant 10192 : index
    %swap3A_1286 = arith.constant 0 : index
    %swap3A_1287 = vector.load %arg15[%swap3A_1285, %swap3A_1286] : memref<10400x512xbf16, #tpu.memory_space<vmem>>, vector<104x512xbf16>
    tpu.vector_store %arg15[%swap3A_1285, %swap3A_1286], %select_n3A_1284 {strides = array<i32>} : memref<10400x512xbf16, #tpu.memory_space<vmem>>, vector<104x512xbf16>,
    %add3A_1288 = arith.addf %add3A_1275, %select_n3A_1284 : vector<104x512xbf16>
    %slice3A_1289 = vector.extract_strided_slice %convert_element_type3A_5 {offsets = [99, 0], sizes = [1, 512], strides = [1, 1]} : vector<100x512xbf16> to vector<1x512xbf16>
    %broadcast_in_dim3A_1290 = vector.shape_cast %slice3A_1289 : vector<1x512xbf16> to vector<1x512xbf16>
    %broadcast_in_dim3A_1291 = vector.broadcast %broadcast_in_dim3A_1290 : vector<1x512xbf16> to vector<104x512xbf16>
    %eq3A_1292 = arith.cmpf oeq, %broadcast_in_dim3A_1291, %convert_element_type3A_2 : vector<104x512xbf16>
    %jit3A_1293 = arith.constant 1.000000e+00 : bf16
    %jit3A_1294 = arith.constant 0.000000e+00 : bf16
    %broadcast_in_dim3A_1295 = vector.broadcast %jit3A_1293 : bf16 to vector<104x512xbf16>
    %broadcast_in_dim3A_1296 = vector.broadcast %jit3A_1294 : bf16 to vector<104x512xbf16>
    %select_n3A_1297 = arith.select %eq3A_1292, %broadcast_in_dim3A_1295, %broadcast_in_dim3A_1296 : vector<104x512xi1>, vector<104x512xbf16>
    %swap3A_1298 = arith.constant 10296 : index
    %swap3A_1299 = arith.constant 0 : index
    %swap3A_1300 = vector.load %arg15[%swap3A_1298, %swap3A_1299] : memref<10400x512xbf16, #tpu.memory_space<vmem>>, vector<104x512xbf16>
    tpu.vector_store %arg15[%swap3A_1298, %swap3A_1299], %select_n3A_1297 {strides = array<i32>} : memref<10400x512xbf16, #tpu.memory_space<vmem>>, vector<104x512xbf16>,
    %add3A_1301 = arith.addf %add3A_1288, %select_n3A_1297 : vector<104x512xbf16>
    %get3A_1302 = arith.constant 0 : index
    %get3A_1303 = arith.constant 0 : index
    %get3A_1304 = vector.load %arg15[%get3A_1302, %get3A_1303] : memref<10400x512xbf16, #tpu.memory_space<vmem>>, vector<10400x512xbf16>
    %get3A_1305 = arith.constant 0 : index
    %get3A_1306 = arith.constant 0 : index
    %get3A_1307 = vector.load %arg16[%get3A_1305, %get3A_1306] : memref<10400x512xbf16, #tpu.memory_space<vmem>>, vector<10400x512xbf16>
    %dot_general3A = arith.constant dense<0.000000e+00> : vector<512x512xf32>
    %dot_general3A_1308 = tpu.matmul %get3A_1304, %get3A_1307, %dot_general3A {dimension_numbers = #tpu.dot_dimension_numbers<[0], [0], [1], [1], [0, 1, 1, 1], [], []>, transpose_lhs_hint = false} : vector<10400x512xbf16>, vector<10400x512xbf16>, vector<512x512xf32> -> vector<512x512xf32>
    %get3A_1309 = arith.constant 0 : index
    %get3A_1310 = arith.constant 0 : index
    %get3A_1311 = vector.load %arg7[%get3A_1309, %get3A_1310] : memref<1x512xf32, #tpu.memory_space<vmem>>, vector<1x512xf32>
    %add3A_1312 = vector.broadcast %get3A_1311 : vector<1x512xf32> to vector<512x512xf32>
    %add3A_1313 = arith.addf %dot_general3A_1308, %add3A_1312 : vector<512x512xf32>
    %max3A = arith.constant 0.000000e+00 : f32
    %max3A_1314 = vector.broadcast %max3A : f32 to vector<512x512xf32>
    %max3A_1315 = arith.maximumf %add3A_1313, %max3A_1314 : vector<512x512xf32>
    %get3A_1316 = arith.constant 0 : index
    %get3A_1317 = arith.constant 0 : index
    %get3A_1318 = vector.load %arg8[%get3A_1316, %get3A_1317] : memref<1x512xf32, #tpu.memory_space<vmem>>, vector<1x512xf32>
    %mul3A = vector.broadcast %get3A_1318 : vector<1x512xf32> to vector<512x512xf32>
    %mul3A_1319 = arith.mulf %max3A_1315, %mul3A : vector<512x512xf32>
    %get3A_1320 = arith.constant 0 : index
    %get3A_1321 = arith.constant 0 : index
    %get3A_1322 = vector.load %arg9[%get3A_1320, %get3A_1321] : memref<1x512xf32, #tpu.memory_space<vmem>>, vector<1x512xf32>
    %add3A_1323 = vector.broadcast %get3A_1322 : vector<1x512xf32> to vector<512x512xf32>
    %add3A_1324 = arith.addf %mul3A_1319, %add3A_1323 : vector<512x512xf32>
    %convert_element_type3A_1325 = arith.truncf %add3A_1324 : vector<512x512xf32> to vector<512x512xbf16>
    %get3A_1326 = arith.constant 0 : index
    %get3A_1327 = arith.constant 0 : index
    %get3A_1328 = vector.load %arg5[%get3A_1326, %get3A_1327] : memref<512x256xbf16, #tpu.memory_space<vmem>>, vector<512x256xbf16>
    %dot_general3A_1329 = arith.constant dense<0.000000e+00> : vector<512x256xf32>
    %dot_general3A_1330 = tpu.matmul %convert_element_type3A_1325, %get3A_1328, %dot_general3A_1329 {dimension_numbers = #tpu.dot_dimension_numbers<[1], [0], [0], [1], [0, 0, 1, 1], [], []>, transpose_lhs_hint = false} : vector<512x512xbf16>, vector<512x256xbf16>, vector<512x256xf32> -> vector<512x256xf32>
    %get3A_1331 = arith.constant 0 : index
    %get3A_1332 = arith.constant 0 : index
    %get3A_1333 = vector.load %arg10[%get3A_1331, %get3A_1332] : memref<1x256xf32, #tpu.memory_space<vmem>>, vector<1x256xf32>
    %add3A_1334 = vector.broadcast %get3A_1333 : vector<1x256xf32> to vector<512x256xf32>
    %add3A_1335 = arith.addf %dot_general3A_1330, %add3A_1334 : vector<512x256xf32>
    %max3A_1336 = arith.constant 0.000000e+00 : f32
    %max3A_1337 = vector.broadcast %max3A_1336 : f32 to vector<512x256xf32>
    %max3A_1338 = arith.maximumf %add3A_1335, %max3A_1337 : vector<512x256xf32>
    %get3A_1339 = arith.constant 0 : index
    %get3A_1340 = arith.constant 0 : index
    %get3A_1341 = vector.load %arg11[%get3A_1339, %get3A_1340] : memref<1x256xf32, #tpu.memory_space<vmem>>, vector<1x256xf32>
    %mul3A_1342 = vector.broadcast %get3A_1341 : vector<1x256xf32> to vector<512x256xf32>
    %mul3A_1343 = arith.mulf %max3A_1338, %mul3A_1342 : vector<512x256xf32>
    %get3A_1344 = arith.constant 0 : index
    %get3A_1345 = arith.constant 0 : index
    %get3A_1346 = vector.load %arg12[%get3A_1344, %get3A_1345] : memref<1x256xf32, #tpu.memory_space<vmem>>, vector<1x256xf32>
    %add3A_1347 = vector.broadcast %get3A_1346 : vector<1x256xf32> to vector<512x256xf32>
    %add3A_1348 = arith.addf %mul3A_1343, %add3A_1347 : vector<512x256xf32>
    %get3A_1349 = arith.constant 0 : index
    %get3A_1350 = arith.constant 0 : index
    %get3A_1351 = vector.load %arg6[%get3A_1349, %get3A_1350] : memref<1x256xf32, #tpu.memory_space<vmem>>, vector<1x256xf32>
    %mul3A_1352 = vector.broadcast %get3A_1351 : vector<1x256xf32> to vector<512x256xf32>
    %mul3A_1353 = arith.mulf %add3A_1348, %mul3A_1352 : vector<512x256xf32>
    %reduce_sum3A = arith.constant dense<0.000000e+00> : vector<512xf32>
    %reduce_sum3A_1354 = vector.multi_reduction <add>, %mul3A_1353, %reduce_sum3A [1] : vector<512x256xf32> to vector<512xf32>
    %broadcast_in_dim3A_1355 = vector.shape_cast %reduce_sum3A_1354 : vector<512xf32> to vector<512x1xf32>
    %get3A_1356 = arith.constant 0 : index
    %get3A_1357 = arith.constant 0 : index
    %get3A_1358 = vector.load %arg13[%get3A_1356, %get3A_1357] : memref<1x1xf32, #tpu.memory_space<vmem>>, vector<1x1xf32>
    %add3A_1359 = vector.broadcast %get3A_1358 : vector<1x1xf32> to vector<512x1xf32>
    %add3A_1360 = arith.addf %broadcast_in_dim3A_1355, %add3A_1359 : vector<512x1xf32>
    %convert_element_type3A_1361 = arith.extf %add3A_1301 : vector<104x512xbf16> to vector<104x512xf32>
    %get3A_1362 = arith.constant 0 : index
    %get3A_1363 = arith.constant 0 : index
    %get3A_1364 = vector.load %arg2[%get3A_1362, %get3A_1363] : memref<104x128xf32, #tpu.memory_space<vmem>>, vector<104x128xf32>
    %dot_general3A_1365 = arith.constant dense<0.000000e+00> : vector<512x128xf32>
    %dot_general3A_1366 = tpu.matmul %convert_element_type3A_1361, %get3A_1364, %dot_general3A_1365 {dimension_numbers = #tpu.dot_dimension_numbers<[0], [0], [1], [1], [0, 1, 1, 1], [], []>, transpose_lhs_hint = false} : vector<104x512xf32>, vector<104x128xf32>, vector<512x128xf32> -> vector<512x128xf32>
    %iota3A_1367 = tpu.iota {dimensions = array<i32: 1>} : vector<512x128xi32>
    %lt3A = arith.constant 64 : i32
    %lt3A_1368 = vector.broadcast %lt3A : i32 to vector<512x128xi32>
    %lt3A_1369 = arith.cmpi slt, %iota3A_1367, %lt3A_1368 : vector<512x128xi32>
    %mul3A_1370 = arith.mulf %dot_general3A_1366, %dot_general3A_1366 : vector<512x128xf32>
    %jit3A_1371 = arith.constant 0.000000e+00 : f32
    %broadcast_in_dim3A_1372 = vector.broadcast %jit3A_1371 : f32 to vector<512x128xf32>
    %select_n3A_1373 = arith.select %lt3A_1369, %mul3A_1370, %broadcast_in_dim3A_1372 : vector<512x128xi1>, vector<512x128xf32>
    %reduce_sum3A_1374 = arith.constant dense<0.000000e+00> : vector<512xf32>
    %reduce_sum3A_1375 = vector.multi_reduction <add>, %select_n3A_1373, %reduce_sum3A_1374 [1] : vector<512x128xf32> to vector<512xf32>
    %broadcast_in_dim3A_1376 = vector.shape_cast %reduce_sum3A_1375 : vector<512xf32> to vector<512x1xf32>
    %slice3A_1377 = vector.extract_strided_slice %dot_general3A_1366 {offsets = [0, 65], sizes = [512, 1], strides = [1, 1]} : vector<512x128xf32> to vector<512x1xf32>
    %sub3A = arith.subf %broadcast_in_dim3A_1376, %slice3A_1377 : vector<512x1xf32>
    %mul3A_1378 = arith.constant 5.000000e-01 : f32
    %mul3A_1379 = vector.broadcast %mul3A_1378 : f32 to vector<512x1xf32>
    %mul3A_1380 = arith.mulf %mul3A_1379, %sub3A : vector<512x1xf32>
    %add3A_1381 = arith.addf %mul3A_1380, %add3A_1360 : vector<512x1xf32>
    %reshape3A = vector.shape_cast %add3A_1381 : vector<512x1xf32> to vector<1x4x128xf32>
    %swap3A_1382 = arith.constant 0 : index
    %swap3A_1383 = arith.constant 0 : index
    %swap3A_1384 = arith.constant 0 : index
    %swap3A_1385 = vector.load %arg14[%swap3A_1382, %swap3A_1383, %swap3A_1384] : memref<1x4x128xf32, #tpu.memory_space<vmem>>, vector<1x4x128xf32>
    tpu.vector_store %arg14[%swap3A_1382, %swap3A_1383, %swap3A_1384], %reshape3A {strides = array<i32>} : memref<1x4x128xf32, #tpu.memory_space<vmem>>, vector<1x4x128xf32>,
    return
  }
  func.func @transform_0(%arg0: i32) -> (i32, i32) {
    %c0_i32 = arith.constant 0 : i32
    %c0_i32_0 = arith.constant 0 : i32
    return %c0_i32, %arg0 : i32, i32
  }
  func.func @transform_1(%arg0: i32) -> (i32, i32) {
    %c0_i32 = arith.constant 0 : i32
    %c0_i32_0 = arith.constant 0 : i32
    %c0_i32_1 = arith.constant 0 : i32
    return %c0_i32, %c0_i32_0 : i32, i32
  }
  func.func @transform_2(%arg0: i32) -> (i32, i32) {
    %c0_i32 = arith.constant 0 : i32
    %c0_i32_0 = arith.constant 0 : i32
    %c0_i32_1 = arith.constant 0 : i32
    return %c0_i32, %c0_i32_0 : i32, i32
  }
  func.func @transform_3(%arg0: i32) -> (i32, i32) {
    %c0_i32 = arith.constant 0 : i32
    %c0_i32_0 = arith.constant 0 : i32
    %c0_i32_1 = arith.constant 0 : i32
    return %c0_i32, %c0_i32_0 : i32, i32
  }
  func.func @transform_4(%arg0: i32) -> (i32, i32) {
    %c0_i32 = arith.constant 0 : i32
    %c0_i32_0 = arith.constant 0 : i32
    %c0_i32_1 = arith.constant 0 : i32
    return %c0_i32, %c0_i32_0 : i32, i32
  }
  func.func @transform_5(%arg0: i32) -> (i32, i32) {
    %c0_i32 = arith.constant 0 : i32
    %c0_i32_0 = arith.constant 0 : i32
    %c0_i32_1 = arith.constant 0 : i32
    return %c0_i32, %c0_i32_0 : i32, i32
  }
  func.func @transform_6(%arg0: i32) -> (i32, i32) {
    %c0_i32 = arith.constant 0 : i32
    %c0_i32_0 = arith.constant 0 : i32
    %c0_i32_1 = arith.constant 0 : i32
    return %c0_i32, %c0_i32_0 : i32, i32
  }
  func.func @transform_7(%arg0: i32) -> (i32, i32) {
    %c0_i32 = arith.constant 0 : i32
    %c0_i32_0 = arith.constant 0 : i32
    %c0_i32_1 = arith.constant 0 : i32
    return %c0_i32, %c0_i32_0 : i32, i32
  }
  func.func @transform_8(%arg0: i32) -> (i32, i32) {
    %c0_i32 = arith.constant 0 : i32
    %c0_i32_0 = arith.constant 0 : i32
    %c0_i32_1 = arith.constant 0 : i32
    return %c0_i32, %c0_i32_0 : i32, i32
  }
  func.func @transform_9(%arg0: i32) -> (i32, i32) {
    %c0_i32 = arith.constant 0 : i32
    %c0_i32_0 = arith.constant 0 : i32
    %c0_i32_1 = arith.constant 0 : i32
    return %c0_i32, %c0_i32_0 : i32, i32
  }
  func.func @transform_10(%arg0: i32) -> (i32, i32) {
    %c0_i32 = arith.constant 0 : i32
    %c0_i32_0 = arith.constant 0 : i32
    %c0_i32_1 = arith.constant 0 : i32
    return %c0_i32, %c0_i32_0 : i32, i32
  }
  func.func @transform_11(%arg0: i32) -> (i32, i32) {
    %c0_i32 = arith.constant 0 : i32
    %c0_i32_0 = arith.constant 0 : i32
    %c0_i32_1 = arith.constant 0 : i32
    return %c0_i32, %c0_i32_0 : i32, i32
  }
  func.func @transform_12(%arg0: i32) -> (i32, i32) {
    %c0_i32 = arith.constant 0 : i32
    %c0_i32_0 = arith.constant 0 : i32
    %c0_i32_1 = arith.constant 0 : i32
    return %c0_i32, %c0_i32_0 : i32, i32
  }
  func.func @transform_13(%arg0: i32) -> (i32, i32, i32) {
    %c0_i32 = arith.constant 0 : i32
    %c0_i32_0 = arith.constant 0 : i32
    %c0_i32_1 = arith.constant 0 : i32
    return %arg0, %c0_i32, %c0_i32_0 : i32, i32, i32
  }
}

</mosaic_0001>

<sc_bundles>
// kernel: kernel.5.cloned.1.call-start
scs
__scs_entry_jumppad:
0x0: {  	(pc) =	sbr.rel $0x88, $3  }
0x1: {  	(tag) =	ssettag $0x0;
	lr =	simm.s32 $0x1  }
0x2: {  	[smem:$0x3F93] =	sst lr;
	_ =	strace $0xD0000000  }
0x3: {  	_ = 	snop  }
0x4: {  	_ = 	snop  }
0x5: {  	_ = 	snop  }
0x6: {  	_ = 	snop  }
0x7: {  	_ = 	snop  }
__scs_overlays_trampoline_lowered:
0x8: {  	[smem:$0x3FA2] =	sst s0  }
0x9: {  	[smem:$0x3FA3] =	sst s1  }
0xa: {  	[smem:$0x3FA4] =	sst s2  }
0xb: {  	[smem:$0x3FA5] =	sst s3  }
0xc: {  	[smem:$0x3FA6] =	sst s4  }
0xd: {  	[smem:$0x3FA7] =	sst s5  }
0xe: {  	[smem:$0x3FA8] =	sst s6  }
0xf: {  	[smem:$0x3FA9] =	sst s7  }
0x10: {  	[smem:$0x3FAA] =	sst s8  }
0x11: {  	[smem:$0x3FAB] =	sst s9;
	s0 =	simm.s32 @!p0 $0x0  }
0x12: {  	s1 =	sld [smem:$0x3F91];
	s0 =	simm.s32 @p0 $0x1  }
0x13: {  	[smem:$0x3FAC] =	sst s0;
	s0 =	simm.s32 @!p1 $0x0  }
0x14: {  	s2 =	sld [smem:$0x3F90];
	s0 =	simm.s32 @p1 $0x1  }
0x15: {  	[smem:$0x3FAD] =	sst s0;
	s0 =	simm.s32 @!p2 $0x0  }
0x16: {  	s3 =	sld [smem:$0x3FDB];
	s0 =	simm.s32 @p2 $0x1  }
0x17: {  	s4 =	simm.s32 $0x1BF5;
	[smem:$0x3FAF] =	sst s0  }
0x18: {  	s0 =	sld [smem:$0x3F92];
	_ =	swait.ge [sflag:s4], $0x0  }
0x19: {  	s7 =	sld [smem:$0x3F93]  }
0x1a: {  	s8 =	sadd.s32 $0xFFFFE003, lr  }
0x1b: {  	s9 =	sadd.s32 $0xFFFFFEF7, lr;
	s5 =	simm.s32 $0xFFFFFFFF;
	p2 =	slt.u32 s8, $0xFFFFF086  }
0x1c: {  	p1 =	slt.u32 s9, $0xF7A;
	s5 =	simm.s32 @!p2 $0x0  }
0x1d: {  	s5 =	simm.s32 @p1 $0x1;
	p0 =	seq.s32 s7, s2  }
0x1e: {  	s7 =	smul.u32 @!p0 $0xF7A, s2;
	p2 =	seq.s32 @!p0 s5, $0x0  }
0x1f: {  	s9 =	smul.u32 $0xF7A, s1;
	s8 =	simm.s32 @!p0 $0x1BF5;
	p2 =	por !p2, p0  }
0x20: {  	[sflag:s8] =	ssyncset.s32 @!p0 $0xFFFFF086;
	s6 =	sadd.s32 @!p0 s3, s7;
	s7 =	simm.s32 @!p0 $0x108  }
0x21: {  	s3 =	sadd.s32 s3, s9;
	s6 =	sadd.s32 @!p0 $0x88, s6;
	s7 =	simm.s32 @p2 $0x1082  }
0x22: {  	[simem:s7], [sflag:s8] =	dma.local @!p0 [hbm:s6], $0xF7A  }
0x23: {  	s9 =	sor.u32 $0xD0000000, s2;
	s6 =	simm.s32 $0x108;
	_ =	swait.ge @!p0 [sflag:s8], $0x0  }
0x24: {  	s3 =	sadd.s32 $0x88, s3;
	s6 =	simm.s32 @!p1 $0x1082;
	[sflag:s4] =	ssyncset.s32 $0xFFFFF086  }
0x25: {  	[simem:s6], [sflag:s4] =	dma.local [hbm:s3], $0xF7A  }
0x26: {  	[smem:$0x3F93] =	sst s1;
	(tag) =	ssettag s2;
	_ =	strace s9  }
0x27: {  	s1 =	sld [smem:$0x3FA3]  }
0x28: {  	s2 =	sld [smem:$0x3FA4]  }
0x29: {  	s4 =	sld [smem:$0x3FA6]  }
0x2a: {  	p0 =	seq.s32 s5, $0x0;
	s5 =	sld [smem:$0x3FA7]  }
0x2b: {  	s6 =	sld [smem:$0x3FA8]  }
0x2c: {  	s7 =	sld [smem:$0x3FA9]  }
0x2d: {  	s3 =	simm.s32 $0x108;
	s8 =	sld [smem:$0x3FAA]  }
0x2e: {  	s3 =	simm.s32 @!p0 $0x1082;
	s9 =	sld [smem:$0x3FAB]  }
0x2f: {  	lr =	sadd.s32 s0, s3;
	s0 =	sld [smem:$0x3FA2]  }
0x30: {  	s3 =	sld [smem:$0x3FA5]  }
0x31: {  	[smem:$0x3FAE] =	sst s10  }
0x32: {  	s10 =	sld [smem:$0x3FAC];
	_ =	sdelay $0x3  }
0x33: {  	p0 =	seq.s32 s10, $0x1;
	s10 =	sld [smem:$0x3FAE];
	_ =	sdelay $0x3  }
0x34: {  	[smem:$0x3FAE] =	sst s10  }
0x35: {  	s10 =	sld [smem:$0x3FAD];
	_ =	sdelay $0x3  }
0x36: {  	p1 =	seq.s32 s10, $0x1;
	s10 =	sld [smem:$0x3FAE];
	_ =	sdelay $0x3  }
0x37: {  	[smem:$0x3FAE] =	sst s10  }
0x38: {  	s10 =	sld [smem:$0x3FAF]  }
0x39: {  	_ = 	snop;
	(pc) =	sbr.ind lr, $3  }
0x3a: {  	_ = 	snop  }
0x3b: {  	_ = 	snop  }
0x3c: {  	p2 =	seq.s32 s10, $0x1;
	s10 =	sld [smem:$0x3FAE]  }
0x3d: {  	_ =	shalt  }
0x3e: {  	_ =	shalt  }
0x3f: {  	_ =	shalt  }
0x40: {  	_ =	shalt  }
0x41: {  	_ =	shalt  }
0x42: {  	_ =	shalt  }
0x43: {  	_ =	shalt  }
0x44: {  	_ =	shalt  }
0x45: {  	_ =	shalt  }
0x46: {  	_ =	shalt  }
0x47: {  	_ =	shalt  }
0x48: {  	_ =	shalt  }
0x49: {  	_ =	shalt  }
0x4a: {  	_ =	shalt  }
0x4b: {  	_ =	shalt  }
0x4c: {  	_ =	shalt  }
0x4d: {  	_ =	shalt  }
0x4e: {  	_ =	shalt  }
0x4f: {  	_ =	shalt  }
0x50: {  	_ =	shalt  }
0x51: {  	_ =	shalt  }
0x52: {  	_ =	shalt  }
0x53: {  	_ =	shalt  }
0x54: {  	_ =	shalt  }
0x55: {  	_ =	shalt  }
0x56: {  	_ =	shalt  }
0x57: {  	_ =	shalt  }
0x58: {  	_ =	shalt  }
0x59: {  	_ =	shalt  }
0x5a: {  	_ =	shalt  }
0x5b: {  	_ =	shalt  }
0x5c: {  	_ =	shalt  }
0x5d: {  	_ =	shalt  }
0x5e: {  	_ =	shalt  }
0x5f: {  	_ =	shalt  }
0x60: {  	_ =	shalt  }
0x61: {  	_ =	shalt  }
0x62: {  	_ =	shalt  }
0x63: {  	_ =	shalt  }
0x64: {  	_ =	shalt  }
0x65: {  	_ =	shalt  }
0x66: {  	_ =	shalt  }
0x67: {  	_ =	shalt  }
0x68: {  	_ =	shalt  }
0x69: {  	_ =	shalt  }
0x6a: {  	_ =	shalt  }
0x6b: {  	_ =	shalt  }
0x6c: {  	_ =	shalt  }
0x6d: {  	_ =	shalt  }
0x6e: {  	_ =	shalt  }
0x6f: {  	_ =	shalt  }
0x70: {  	_ =	shalt  }
0x71: {  	_ =	shalt  }
0x72: {  	_ =	shalt  }
0x73: {  	_ =	shalt  }
0x74: {  	_ =	shalt  }
0x75: {  	_ =	shalt  }
0x76: {  	_ =	shalt  }
0x77: {  	_ =	shalt  }
0x78: {  	_ =	shalt  }
0x79: {  	_ =	shalt  }
0x7a: {  	_ =	shalt  }
0x7b: {  	_ =	shalt  }
0x7c: {  	_ =	shalt  }
0x7d: {  	_ =	shalt  }
0x7e: {  	_ =	shalt  }
0x7f: {  	_ =	shalt  }
0x80: {  	_ =	shalt  }
0x81: {  	_ =	shalt  }
0x82: {  	_ =	shalt  }
0x83: {  	_ =	shalt  }
0x84: {  	_ =	shalt  }
0x85: {  	_ =	shalt  }
0x86: {  	_ =	shalt  }
0x87: {  	_ =	shalt  }
.Lfunc_end0:
.L_simem_size_0:
called_computation_lowered:
.L_overlay_start_0:
0x88: {  	s2 =	sld [smem:$0x3FD9]  }
0x89: {  	s3 =	sld [smem:$0x3FFE];
	_ =	sdelay $0x1  }
0x8a: {  	s1 =	srdreg.scid  }
0x8b: {  	s0 =	sand.u32 $0x1, s1  }
0x8c: {  	s17 =	sshll.u32 s0, $0xA;
	s2 =	sadd.s32 s3, s2  }
0x8d: {  	s2 =	sadd.s32 s2, s17  }
0x8e: {  	[smem:$0x3FBA] =	sst s2  }
0x8f: {  	_ = 	snop  }
0x90: {  	s2 =	sld [smem:$0x3FC9]  }
0x91: {  	s18 =	sld [smem:$0x3FC8]  }
0x92: {  	s4 =	sld [smem:$0x3FD0];
	(tm) =	ssettm $0x1  }
0x93: {  	s5 =	sld [smem:$0x3FFB];
	_ =	sdelay $0x3  }
0x94: {  	_ =	strace s5  }
0x95: {  	s5 =	sld [smem:$0x3FFC];
	_ =	sdelay $0x3  }
0x96: {  	_ =	strace s5  }
0x97: {  	s5 =	sld [smem:$0x3FFD];
	_ =	sdelay $0x3  }
0x98: {  	_ =	strace s5  }
0x99: {  	_ =	strace $0x8FFFFFFF  }
0x9a: {  	s19 =	sld [smem:$0x3FDB];
	_ =	sdelay $0x1  }
0x9b: {  	s6 =	simm.s32 $_scs_section_size  }
0x9c: {  	s7 =	simm.s32 $_size__tile_overlayer_lowered;
	s8 =	simm.s32 $_tile_overlayer_lowered  }
0x9d: {  	s22 =	simm.s32 $0x1BFF;
	s21 =	sshll.u32 s8, $0x1;
	s5 =	sadd.s32 s6, s19  }
0x9e: {  	s9 =	simm.s32 $0x0;
	s20 =	sshll.u32 s7, $0x1;
	s7 =	sadd.s32 s21, s5  }
0x9f: {  	[timem:s9], [sflag:s22] =	dma.local [hbm:s7], s20  }
0xa0: {  	_ =	swait.ge [sflag:s22], s20  }
0xa1: {  	s6 =	ssub.s32 $0x0, s20;
	[sflag:s22] =	ssyncset.done $0x0  }
0xa2: {  	[sflag:s22] =	ssyncadd.s32 s6;
	_ =	sdelay $0x1  }
0xa3: {  	s23 =	simm.s32 $0x1B8B  }
0xa4: {  	_ =	swait.ge [sflag:s23], $0x1  }
0xa5: {  	[sflag:s23] =	ssyncset.done $0x0  }
0xa6: {  	s25 =	simm.s32 $0x1B8E;
	s24 =	sld [smem:$0x3FFE];
	[sflag:s23] =	ssyncadd.s32 $0xFFFFFFFF  }
0xa7: {  	s26 =	simm.s32 $execute0_lowered;
	[smem:$0x3FD2] =	sst s25  }
0xa8: {  	s7 =	sshll.u32 s26, $0x1;
	_ =	strace $0x80000046;
	[dreg:$0x1] =	wrdreg $0xFFFFFFFF  }
0xa9: {  	s28 =	simm.s32 $_size_execute0_lowered;
	s5 =	sadd.s32 s5, s7;
	[dreg:$0x0] =	wrdreg $0x0  }
0xaa: {  	s7 =	sshll.u32 s28, $0x1;
	[dreg:$0x2] =	wrdreg s5  }
0xab: {  	[dreg:$0x3] =	wrdreg s7  }
0xac: {  	[dreg:$0x4] =	wrdreg $0xC0  }
0xad: {  	_ =	task [dreg:s9], $0x5FFFF  }
0xae: {  	[dreg:$0x1] =	wrdreg $0xFFFFFFFF  }
0xaf: {  	[dreg:$0x0] =	wrdreg $0x60  }
0xb0: {  	[dreg:$0x2] =	wrdreg s2  }
0xb1: {  	[dreg:$0x3] =	wrdreg s18  }
0xb2: {  	[dreg:$0x4] =	wrdreg s24  }
0xb3: {  	[dreg:$0x5] =	wrdreg s4  }
0xb4: {  	[dreg:$0x6] =	wrdreg $0x9  }
0xb5: {  	_ =	task.clear_ibuf [dreg:s9], $0x7FFFF;
	_ =	strace $0x90000046  }
0xb6: {  	s29 =	simm.s32 $0x9;
	_ =	strace $0x80000048  }
0xb7: {  	_ =	swait.ge [sflag:s29], $0x1  }
0xb8: {  	[sflag:s29] =	ssyncadd.s32 $0xFFFFFFFF  }
0xb9: {  	_ =	strace $0x90000048  }
0xba: {  	_ =	sfence  }
0xbb: {  	s30 =	sld [smem:$0x0];
	_ =	sdelay $0x2  }
0xbc: {  	s31 =	sshll.u32 s1, $0xD;
	s1 =	sshrl.u32 s1, $0x2  }
0xbd: {  	s3 =	sand.u32 $0x4000, s31;
	s1 =	sadd.s32 s1, s30  }
0xbe: {  	s0 =	sor.u32 s3, s0;
	s1 =	sshll.u32 s1, $0x11  }
0xbf: {  	s0 =	sor.u32 s1, s0  }
0xc0: {  	s0 =	sadd.s32 $0x8F2B, s0  }
0xc1: {  	[sflag:s0] =	ssyncadd.remote.s32 $0x1  }
0xc2: {  	_ =	sfence.sel $0xFFFF  }
0xc3: {  	[dreg:$0x0] =	wrdreg $0xFFFFFFFF;
	(pc) =	sbr.abs _section_cstart, $3  }
0xc4: {  	[dreg:$0x1] =	wrdreg $0xFFFFFFFF  }
0xc5: {  	_ =	task.clear_ibuf [dreg:s9], $0x2FFFF;
	_ =	strace $0x9FFFFFFF  }
0xc6: {  	(tm) =	ssettm $0x7FFFFFFF  }
0xc7: {  	_ =	shalt  }
tec
execute0_lowered:
.L_overlay_start_1:
0x0: {  	(tag) =	ssettag $0x1  }
0x1: {  	s4 =	rddreg [dreg:$0x0]  }
0x2: {  	s5 =	rddreg [dreg:$0x1]  }
0x3: {  	s3 =	rddreg [dreg:$0x2]  }
0x4: {  	s6 =	rddreg [dreg:$0x3]  }
0x5: {  	s0 =	rddreg [dreg:$0x4];
	s1 =	simm.s32 $0x0  }
0x6: {  	s2 =	srdreg.scid;
	s11 =	simm.s32 $0x20000;
	s12 =	simm.s32 $0xD000  }
0x7: {  	s13 =	simm.s32 $0x1A000;
	s14 =	simm.s32 $0x0;
	[smem:$0x7FF] =	sst s1  }
0x8: {  	s7 =	sand.u32 $0x1, s2;
	s2 =	stileid.u32;
	s3 =	sadd.s32 $0x2C00, s3  }
0x9: {  	s8 =	ssub.s32 $0x2, s7;
	s10 =	sshll.u32 s2, $0xA;
	s7 =	sshll.u32 s7, $0x9  }
0xa: {  	_ =	strace $0x80000047;
	s9 =	sshrl.u32 s8, $0x1;
	s7 =	sor.u32 s7, s10  }
0xb: {  	s10 =	simm.s32 $0x1000;
	s8 =	ssub.s32 s8, s9;
	s4 =	sadd.s32 s4, s7  }
0xc: {  	s5 =	sadd.s32 s5, s7;
	s7 =	sshrl.u32 s7, $0x3;
	s9 =	simm.s32 $0x1  }
0xd: {  	v0 =	vimm.f32 $0.0e+00;
	s6 =	sadd.s32 s6, s7;
	s7 =	smax.u32 s8, $0x1;
	s8 =	simm.s32 $0x1A200  }
.LBB2_1:
0xe: {  	[tilespmem:s8], [sflag:$0x1] =	stream.linear.gather [hbm4b:s3+s1], $0x80, $0x38;
	[tilespmem:$0x1A280] =	vst v63  }
0xf: {  	_ =	swait.ge [sflag:s9], $0x80  }
0x10: {  	[sflag:s9] =	ssyncset.done $0x0  }
0x11: {  	[sflag:s9] =	ssyncadd.s32 $0xFFFFFF80  }
0x12: {  	[tilespmem:s1], [sflag:$0x1] =	stream.strided.gather [hbm4b:s4+s10], $0xD000, s11, s10, $0x38;
	[tilespmem:$0x1A280] =	vst v63  }
0x13: {  	_ =	swait.ge [sflag:s9], $0xD000  }
0x14: {  	[sflag:s9] =	ssyncset.done $0x0  }
0x15: {  	[sflag:s9] =	ssyncadd.s32 $0xFFFF3000  }
0x16: {  	[tilespmem:s12], [sflag:$0x1] =	stream.strided.gather [hbm4b:s5+s10], $0xD000, s11, s10, $0x38;
	[tilespmem:$0x1A280] =	vst v63  }
0x17: {  	_ =	swait.ge [sflag:s9], $0xD000  }
0x18: {  	[sflag:s9] =	ssyncset.done $0x0  }
0x19: {  	[sflag:s9] =	ssyncadd.s32 $0xFFFF3000  }
0x1a: {  	[tilespmem:$0x1A000] =	vst v0  }
0x1b: {  	[tilespmem:$0x1A010] =	vst v0  }
0x1c: {  	[tilespmem:$0x1A020] =	vst v0  }
0x1d: {  	[tilespmem:$0x1A030] =	vst v0  }
0x1e: {  	[tilespmem:$0x1A040] =	vst v0  }
0x1f: {  	[tilespmem:$0x1A050] =	vst v0  }
0x20: {  	[tilespmem:$0x1A060] =	vst v0  }
0x21: {  	[tilespmem:$0x1A070] =	vst v0  }
0x22: {  	[tilespmem:$0x1A080] =	vst v0  }
0x23: {  	[tilespmem:$0x1A090] =	vst v0  }
0x24: {  	[tilespmem:$0x1A0A0] =	vst v0  }
0x25: {  	[tilespmem:$0x1A0B0] =	vst v0  }
0x26: {  	[tilespmem:$0x1A0C0] =	vst v0  }
0x27: {  	[tilespmem:$0x1A0D0] =	vst v0  }
0x28: {  	[tilespmem:$0x1A0E0] =	vst v0  }
0x29: {  	[tilespmem:$0x1A0F0] =	vst v0  }
0x2a: {  	[tilespmem:$0x1A100] =	vst v0  }
0x2b: {  	[tilespmem:$0x1A110] =	vst v0  }
0x2c: {  	[tilespmem:$0x1A120] =	vst v0  }
0x2d: {  	[tilespmem:$0x1A130] =	vst v0  }
0x2e: {  	[tilespmem:$0x1A140] =	vst v0  }
0x2f: {  	[tilespmem:$0x1A150] =	vst v0  }
0x30: {  	[tilespmem:$0x1A160] =	vst v0  }
0x31: {  	[tilespmem:$0x1A170] =	vst v0  }
0x32: {  	[tilespmem:$0x1A180] =	vst v0  }
0x33: {  	[tilespmem:$0x1A190] =	vst v0  }
0x34: {  	[tilespmem:$0x1A1A0] =	vst v0  }
0x35: {  	[tilespmem:$0x1A1B0] =	vst v0  }
0x36: {  	[tilespmem:$0x1A1C0] =	vst v0  }
0x37: {  	[tilespmem:$0x1A1D0] =	vst v0  }
0x38: {  	[tilespmem:$0x1A1E0] =	vst v0  }
0x39: {  	s15 =	simm.s32 $0x0;
	s16 =	simm.s32 $0x0;
	[tilespmem:$0x1A1F0] =	vst v0  }
.LBB2_2:
0x3a: {  	s17 =	sand.u32 $0xF000, s16;
	s18 =	sand.u32 $0x380, s15  }
0x3b: {  	s17 =	sor.u32 s18, s17  }
0x3c: {  	v1 =	vld [tilespmem:s17+$0x0];
	_ =	sdelay $0x6  }
0x3d: {  	v2 =	vld [tilespmem:s17+$0xD000]  }
0x3e: {  	v1 =	vld.idx.msk [tilespmem:v1+s8+$0x0], $0xffff;
	_ =	sdelay $0x1  }
0x3f: {  	v3 =	vld [tilespmem:$0x1A000];
	_ =	sdelay $0x2  }
0x40: {  	v1 =	vmul.f32 v2, v1;
	_ =	sdelay $0x1  }
0x41: {  	v1 =	vadd.f32 v1, v3;
	_ =	sdelay $0x1  }
0x42: {  	[tilespmem:$0x1A000] =	vst v1  }
0x43: {  	v1 =	vld [tilespmem:s17+$0x10];
	_ =	sdelay $0x6  }
0x44: {  	v2 =	vld [tilespmem:s17+$0xD010]  }
0x45: {  	v1 =	vld.idx.msk [tilespmem:v1+s8+$0x0], $0xffff;
	_ =	sdelay $0x1  }
0x46: {  	v3 =	vld [tilespmem:$0x1A010];
	_ =	sdelay $0x2  }
0x47: {  	v1 =	vmul.f32 v2, v1;
	_ =	sdelay $0x1  }
0x48: {  	v1 =	vadd.f32 v1, v3;
	_ =	sdelay $0x1  }
0x49: {  	[tilespmem:$0x1A010] =	vst v1  }
0x4a: {  	v1 =	vld [tilespmem:s17+$0x20];
	_ =	sdelay $0x6  }
0x4b: {  	v2 =	vld [tilespmem:s17+$0xD020]  }
0x4c: {  	v1 =	vld.idx.msk [tilespmem:v1+s8+$0x0], $0xffff;
	_ =	sdelay $0x1  }
0x4d: {  	v3 =	vld [tilespmem:$0x1A020];
	_ =	sdelay $0x2  }
0x4e: {  	v1 =	vmul.f32 v2, v1;
	_ =	sdelay $0x1  }
0x4f: {  	v1 =	vadd.f32 v1, v3;
	_ =	sdelay $0x1  }
0x50: {  	[tilespmem:$0x1A020] =	vst v1  }
0x51: {  	v1 =	vld [tilespmem:s17+$0x30];
	_ =	sdelay $0x6  }
0x52: {  	v2 =	vld [tilespmem:s17+$0xD030]  }
0x53: {  	v1 =	vld.idx.msk [tilespmem:v1+s8+$0x0], $0xffff;
	_ =	sdelay $0x1  }
0x54: {  	v3 =	vld [tilespmem:$0x1A030];
	_ =	sdelay $0x2  }
0x55: {  	v1 =	vmul.f32 v2, v1;
	_ =	sdelay $0x1  }
0x56: {  	v1 =	vadd.f32 v1, v3;
	_ =	sdelay $0x1  }
0x57: {  	[tilespmem:$0x1A030] =	vst v1  }
0x58: {  	v1 =	vld [tilespmem:s17+$0x40];
	_ =	sdelay $0x6  }
0x59: {  	v2 =	vld [tilespmem:s17+$0xD040]  }
0x5a: {  	v1 =	vld.idx.msk [tilespmem:v1+s8+$0x0], $0xffff;
	_ =	sdelay $0x1  }
0x5b: {  	v3 =	vld [tilespmem:$0x1A040];
	_ =	sdelay $0x2  }
0x5c: {  	v1 =	vmul.f32 v2, v1;
	_ =	sdelay $0x1  }
0x5d: {  	v1 =	vadd.f32 v1, v3;
	_ =	sdelay $0x1  }
0x5e: {  	[tilespmem:$0x1A040] =	vst v1  }
0x5f: {  	v1 =	vld [tilespmem:s17+$0x50];
	_ =	sdelay $0x6  }
0x60: {  	v2 =	vld [tilespmem:s17+$0xD050]  }
0x61: {  	v1 =	vld.idx.msk [tilespmem:v1+s8+$0x0], $0xffff;
	_ =	sdelay $0x1  }
0x62: {  	v3 =	vld [tilespmem:$0x1A050];
	_ =	sdelay $0x2  }
0x63: {  	v1 =	vmul.f32 v2, v1;
	_ =	sdelay $0x1  }
0x64: {  	v1 =	vadd.f32 v1, v3;
	_ =	sdelay $0x1  }
0x65: {  	[tilespmem:$0x1A050] =	vst v1  }
0x66: {  	v1 =	vld [tilespmem:s17+$0x60];
	_ =	sdelay $0x6  }
0x67: {  	v2 =	vld [tilespmem:s17+$0xD060]  }
0x68: {  	v1 =	vld.idx.msk [tilespmem:v1+s8+$0x0], $0xffff;
	_ =	sdelay $0x1  }
0x69: {  	v3 =	vld [tilespmem:$0x1A060];
	_ =	sdelay $0x2  }
0x6a: {  	v1 =	vmul.f32 v2, v1;
	_ =	sdelay $0x1  }
0x6b: {  	v1 =	vadd.f32 v1, v3;
	_ =	sdelay $0x1  }
0x6c: {  	[tilespmem:$0x1A060] =	vst v1  }
0x6d: {  	v1 =	vld [tilespmem:s17+$0x70];
	_ =	sdelay $0x6  }
0x6e: {  	v2 =	vld [tilespmem:s17+$0xD070]  }
0x6f: {  	v1 =	vld.idx.msk [tilespmem:v1+s8+$0x0], $0xffff;
	_ =	sdelay $0x1  }
0x70: {  	v3 =	vld [tilespmem:$0x1A070];
	_ =	sdelay $0x2  }
0x71: {  	v1 =	vmul.f32 v2, v1;
	_ =	sdelay $0x1  }
0x72: {  	v1 =	vadd.f32 v1, v3;
	_ =	sdelay $0x1  }
0x73: {  	[tilespmem:$0x1A070] =	vst v1  }
0x74: {  	v1 =	vld [tilespmem:s17+$0x400];
	_ =	sdelay $0x6  }
0x75: {  	v2 =	vld [tilespmem:s17+$0xD400]  }
0x76: {  	v1 =	vld.idx.msk [tilespmem:v1+s8+$0x0], $0xffff;
	_ =	sdelay $0x1  }
0x77: {  	v3 =	vld [tilespmem:$0x1A080];
	_ =	sdelay $0x2  }
0x78: {  	v1 =	vmul.f32 v2, v1;
	_ =	sdelay $0x1  }
0x79: {  	v1 =	vadd.f32 v1, v3;
	_ =	sdelay $0x1  }
0x7a: {  	[tilespmem:$0x1A080] =	vst v1  }
0x7b: {  	v1 =	vld [tilespmem:s17+$0x410];
	_ =	sdelay $0x6  }
0x7c: {  	v2 =	vld [tilespmem:s17+$0xD410]  }
0x7d: {  	v1 =	vld.idx.msk [tilespmem:v1+s8+$0x0], $0xffff;
	_ =	sdelay $0x1  }
0x7e: {  	v3 =	vld [tilespmem:$0x1A090];
	_ =	sdelay $0x2  }
0x7f: {  	v1 =	vmul.f32 v2, v1;
	_ =	sdelay $0x1  }
0x80: {  	v1 =	vadd.f32 v1, v3;
	_ =	sdelay $0x1  }
0x81: {  	[tilespmem:$0x1A090] =	vst v1  }
0x82: {  	v1 =	vld [tilespmem:s17+$0x420];
	_ =	sdelay $0x6  }
0x83: {  	v2 =	vld [tilespmem:s17+$0xD420]  }
0x84: {  	v1 =	vld.idx.msk [tilespmem:v1+s8+$0x0], $0xffff;
	_ =	sdelay $0x1  }
0x85: {  	v3 =	vld [tilespmem:$0x1A0A0];
	_ =	sdelay $0x2  }
0x86: {  	v1 =	vmul.f32 v2, v1;
	_ =	sdelay $0x1  }
0x87: {  	v1 =	vadd.f32 v1, v3;
	_ =	sdelay $0x1  }
0x88: {  	[tilespmem:$0x1A0A0] =	vst v1  }
0x89: {  	v1 =	vld [tilespmem:s17+$0x430];
	_ =	sdelay $0x6  }
0x8a: {  	v2 =	vld [tilespmem:s17+$0xD430]  }
0x8b: {  	v1 =	vld.idx.msk [tilespmem:v1+s8+$0x0], $0xffff;
	_ =	sdelay $0x1  }
0x8c: {  	v3 =	vld [tilespmem:$0x1A0B0];
	_ =	sdelay $0x2  }
0x8d: {  	v1 =	vmul.f32 v2, v1;
	_ =	sdelay $0x1  }
0x8e: {  	v1 =	vadd.f32 v1, v3;
	_ =	sdelay $0x1  }
0x8f: {  	[tilespmem:$0x1A0B0] =	vst v1  }
0x90: {  	v1 =	vld [tilespmem:s17+$0x440];
	_ =	sdelay $0x6  }
0x91: {  	v2 =	vld [tilespmem:s17+$0xD440]  }
0x92: {  	v1 =	vld.idx.msk [tilespmem:v1+s8+$0x0], $0xffff;
	_ =	sdelay $0x1  }
0x93: {  	v3 =	vld [tilespmem:$0x1A0C0];
	_ =	sdelay $0x2  }
0x94: {  	v1 =	vmul.f32 v2, v1;
	_ =	sdelay $0x1  }
0x95: {  	v1 =	vadd.f32 v1, v3;
	_ =	sdelay $0x1  }
0x96: {  	[tilespmem:$0x1A0C0] =	vst v1  }
0x97: {  	v1 =	vld [tilespmem:s17+$0x450];
	_ =	sdelay $0x6  }
0x98: {  	v2 =	vld [tilespmem:s17+$0xD450]  }
0x99: {  	v1 =	vld.idx.msk [tilespmem:v1+s8+$0x0], $0xffff;
	_ =	sdelay $0x1  }
0x9a: {  	v3 =	vld [tilespmem:$0x1A0D0];
	_ =	sdelay $0x2  }
0x9b: {  	v1 =	vmul.f32 v2, v1;
	_ =	sdelay $0x1  }
0x9c: {  	v1 =	vadd.f32 v1, v3;
	_ =	sdelay $0x1  }
0x9d: {  	[tilespmem:$0x1A0D0] =	vst v1  }
0x9e: {  	v1 =	vld [tilespmem:s17+$0x460];
	_ =	sdelay $0x6  }
0x9f: {  	v2 =	vld [tilespmem:s17+$0xD460]  }
0xa0: {  	v1 =	vld.idx.msk [tilespmem:v1+s8+$0x0], $0xffff;
	_ =	sdelay $0x1  }
0xa1: {  	v3 =	vld [tilespmem:$0x1A0E0];
	_ =	sdelay $0x2  }
0xa2: {  	v1 =	vmul.f32 v2, v1;
	_ =	sdelay $0x1  }
0xa3: {  	v1 =	vadd.f32 v1, v3;
	_ =	sdelay $0x1  }
0xa4: {  	[tilespmem:$0x1A0E0] =	vst v1  }
0xa5: {  	v1 =	vld [tilespmem:s17+$0x470];
	_ =	sdelay $0x6  }
0xa6: {  	v2 =	vld [tilespmem:s17+$0xD470]  }
0xa7: {  	v1 =	vld.idx.msk [tilespmem:v1+s8+$0x0], $0xffff;
	_ =	sdelay $0x1  }
0xa8: {  	v3 =	vld [tilespmem:$0x1A0F0];
	_ =	sdelay $0x2  }
0xa9: {  	v1 =	vmul.f32 v2, v1;
	_ =	sdelay $0x1  }
0xaa: {  	v1 =	vadd.f32 v1, v3;
	_ =	sdelay $0x1  }
0xab: {  	[tilespmem:$0x1A0F0] =	vst v1  }
0xac: {  	v1 =	vld [tilespmem:s17+$0x800];
	_ =	sdelay $0x6  }
0xad: {  	v2 =	vld [tilespmem:s17+$0xD800]  }
0xae: {  	v1 =	vld.idx.msk [tilespmem:v1+s8+$0x0], $0xffff;
	_ =	sdelay $0x1  }
0xaf: {  	v3 =	vld [tilespmem:$0x1A100];
	_ =	sdelay $0x2  }
0xb0: {  	v1 =	vmul.f32 v2, v1;
	_ =	sdelay $0x1  }
0xb1: {  	v1 =	vadd.f32 v1, v3;
	_ =	sdelay $0x1  }
0xb2: {  	[tilespmem:$0x1A100] =	vst v1  }
0xb3: {  	v1 =	vld [tilespmem:s17+$0x810];
	_ =	sdelay $0x6  }
0xb4: {  	v2 =	vld [tilespmem:s17+$0xD810]  }
0xb5: {  	v1 =	vld.idx.msk [tilespmem:v1+s8+$0x0], $0xffff;
	_ =	sdelay $0x1  }
0xb6: {  	v3 =	vld [tilespmem:$0x1A110];
	_ =	sdelay $0x2  }
0xb7: {  	v1 =	vmul.f32 v2, v1;
	_ =	sdelay $0x1  }
0xb8: {  	v1 =	vadd.f32 v1, v3;
	_ =	sdelay $0x1  }
0xb9: {  	[tilespmem:$0x1A110] =	vst v1  }
0xba: {  	v1 =	vld [tilespmem:s17+$0x820];
	_ =	sdelay $0x6  }
0xbb: {  	v2 =	vld [tilespmem:s17+$0xD820]  }
0xbc: {  	v1 =	vld.idx.msk [tilespmem:v1+s8+$0x0], $0xffff;
	_ =	sdelay $0x1  }
0xbd: {  	v3 =	vld [tilespmem:$0x1A120];
	_ =	sdelay $0x2  }
0xbe: {  	v1 =	vmul.f32 v2, v1;
	_ =	sdelay $0x1  }
0xbf: {  	v1 =	vadd.f32 v1, v3;
	_ =	sdelay $0x1  }
0xc0: {  	[tilespmem:$0x1A120] =	vst v1  }
0xc1: {  	v1 =	vld [tilespmem:s17+$0x830];
	_ =	sdelay $0x6  }
0xc2: {  	v2 =	vld [tilespmem:s17+$0xD830]  }
0xc3: {  	v1 =	vld.idx.msk [tilespmem:v1+s8+$0x0], $0xffff;
	_ =	sdelay $0x1  }
0xc4: {  	v3 =	vld [tilespmem:$0x1A130];
	_ =	sdelay $0x2  }
0xc5: {  	v1 =	vmul.f32 v2, v1;
	_ =	sdelay $0x1  }
0xc6: {  	v1 =	vadd.f32 v1, v3;
	_ =	sdelay $0x1  }
0xc7: {  	[tilespmem:$0x1A130] =	vst v1  }
0xc8: {  	v1 =	vld [tilespmem:s17+$0x840];
	_ =	sdelay $0x6  }
0xc9: {  	v2 =	vld [tilespmem:s17+$0xD840]  }
0xca: {  	v1 =	vld.idx.msk [tilespmem:v1+s8+$0x0], $0xffff;
	_ =	sdelay $0x1  }
0xcb: {  	v3 =	vld [tilespmem:$0x1A140];
	_ =	sdelay $0x2  }
0xcc: {  	v1 =	vmul.f32 v2, v1;
	_ =	sdelay $0x1  }
0xcd: {  	v1 =	vadd.f32 v1, v3;
	_ =	sdelay $0x1  }
0xce: {  	[tilespmem:$0x1A140] =	vst v1  }
0xcf: {  	v1 =	vld [tilespmem:s17+$0x850];
	_ =	sdelay $0x6  }
0xd0: {  	v2 =	vld [tilespmem:s17+$0xD850]  }
0xd1: {  	v1 =	vld.idx.msk [tilespmem:v1+s8+$0x0], $0xffff;
	_ =	sdelay $0x1  }
0xd2: {  	v3 =	vld [tilespmem:$0x1A150];
	_ =	sdelay $0x2  }
0xd3: {  	v1 =	vmul.f32 v2, v1;
	_ =	sdelay $0x1  }
0xd4: {  	v1 =	vadd.f32 v1, v3;
	_ =	sdelay $0x1  }
0xd5: {  	[tilespmem:$0x1A150] =	vst v1  }
0xd6: {  	v1 =	vld [tilespmem:s17+$0x860];
	_ =	sdelay $0x6  }
0xd7: {  	v2 =	vld [tilespmem:s17+$0xD860]  }
0xd8: {  	v1 =	vld.idx.msk [tilespmem:v1+s8+$0x0], $0xffff;
	_ =	sdelay $0x1  }
0xd9: {  	v3 =	vld [tilespmem:$0x1A160];
	_ =	sdelay $0x2  }
0xda: {  	v1 =	vmul.f32 v2, v1;
	_ =	sdelay $0x1  }
0xdb: {  	v1 =	vadd.f32 v1, v3;
	_ =	sdelay $0x1  }
0xdc: {  	[tilespmem:$0x1A160] =	vst v1  }
0xdd: {  	v1 =	vld [tilespmem:s17+$0x870];
	_ =	sdelay $0x6  }
0xde: {  	v2 =	vld [tilespmem:s17+$0xD870]  }
0xdf: {  	v1 =	vld.idx.msk [tilespmem:v1+s8+$0x0], $0xffff;
	_ =	sdelay $0x1  }
0xe0: {  	v3 =	vld [tilespmem:$0x1A170];
	_ =	sdelay $0x2  }
0xe1: {  	v1 =	vmul.f32 v2, v1;
	_ =	sdelay $0x1  }
0xe2: {  	v1 =	vadd.f32 v1, v3;
	_ =	sdelay $0x1  }
0xe3: {  	[tilespmem:$0x1A170] =	vst v1  }
0xe4: {  	v1 =	vld [tilespmem:s17+$0xC00];
	_ =	sdelay $0x6  }
0xe5: {  	v2 =	vld [tilespmem:s17+$0xDC00]  }
0xe6: {  	v1 =	vld.idx.msk [tilespmem:v1+s8+$0x0], $0xffff;
	_ =	sdelay $0x1  }
0xe7: {  	v3 =	vld [tilespmem:$0x1A180];
	_ =	sdelay $0x2  }
0xe8: {  	v1 =	vmul.f32 v2, v1;
	_ =	sdelay $0x1  }
0xe9: {  	v1 =	vadd.f32 v1, v3;
	_ =	sdelay $0x1  }
0xea: {  	[tilespmem:$0x1A180] =	vst v1  }
0xeb: {  	v1 =	vld [tilespmem:s17+$0xC10];
	_ =	sdelay $0x6  }
0xec: {  	v2 =	vld [tilespmem:s17+$0xDC10]  }
0xed: {  	v1 =	vld.idx.msk [tilespmem:v1+s8+$0x0], $0xffff;
	_ =	sdelay $0x1  }
0xee: {  	v3 =	vld [tilespmem:$0x1A190];
	_ =	sdelay $0x2  }
0xef: {  	v1 =	vmul.f32 v2, v1;
	_ =	sdelay $0x1  }
0xf0: {  	v1 =	vadd.f32 v1, v3;
	_ =	sdelay $0x1  }
0xf1: {  	[tilespmem:$0x1A190] =	vst v1  }
0xf2: {  	v1 =	vld [tilespmem:s17+$0xC20];
	_ =	sdelay $0x6  }
0xf3: {  	v2 =	vld [tilespmem:s17+$0xDC20]  }
0xf4: {  	v1 =	vld.idx.msk [tilespmem:v1+s8+$0x0], $0xffff;
	_ =	sdelay $0x1  }
0xf5: {  	v3 =	vld [tilespmem:$0x1A1A0];
	_ =	sdelay $0x2  }
0xf6: {  	v1 =	vmul.f32 v2, v1;
	_ =	sdelay $0x1  }
0xf7: {  	v1 =	vadd.f32 v1, v3;
	_ =	sdelay $0x1  }
0xf8: {  	[tilespmem:$0x1A1A0] =	vst v1  }
0xf9: {  	v1 =	vld [tilespmem:s17+$0xC30];
	_ =	sdelay $0x6  }
0xfa: {  	v2 =	vld [tilespmem:s17+$0xDC30]  }
0xfb: {  	v1 =	vld.idx.msk [tilespmem:v1+s8+$0x0], $0xffff;
	_ =	sdelay $0x1  }
0xfc: {  	v3 =	vld [tilespmem:$0x1A1B0];
	_ =	sdelay $0x2  }
0xfd: {  	v1 =	vmul.f32 v2, v1;
	_ =	sdelay $0x1  }
0xfe: {  	v1 =	vadd.f32 v1, v3;
	_ =	sdelay $0x1  }
0xff: {  	[tilespmem:$0x1A1B0] =	vst v1  }
0x100: {  	v1 =	vld [tilespmem:s17+$0xC40];
	_ =	sdelay $0x6  }
0x101: {  	v2 =	vld [tilespmem:s17+$0xDC40]  }
0x102: {  	v1 =	vld.idx.msk [tilespmem:v1+s8+$0x0], $0xffff;
	_ =	sdelay $0x1  }
0x103: {  	v3 =	vld [tilespmem:$0x1A1C0];
	_ =	sdelay $0x2  }
0x104: {  	v1 =	vmul.f32 v2, v1;
	_ =	sdelay $0x1  }
0x105: {  	v1 =	vadd.f32 v1, v3;
	_ =	sdelay $0x1  }
0x106: {  	[tilespmem:$0x1A1C0] =	vst v1  }
0x107: {  	v1 =	vld [tilespmem:s17+$0xC50];
	_ =	sdelay $0x6  }
0x108: {  	v2 =	vld [tilespmem:s17+$0xDC50]  }
0x109: {  	v1 =	vld.idx.msk [tilespmem:v1+s8+$0x0], $0xffff;
	_ =	sdelay $0x1  }
0x10a: {  	v3 =	vld [tilespmem:$0x1A1D0];
	_ =	sdelay $0x2  }
0x10b: {  	v1 =	vmul.f32 v2, v1;
	_ =	sdelay $0x1  }
0x10c: {  	v1 =	vadd.f32 v1, v3;
	_ =	sdelay $0x1  }
0x10d: {  	[tilespmem:$0x1A1D0] =	vst v1  }
0x10e: {  	v1 =	vld [tilespmem:s17+$0xC60];
	_ =	sdelay $0x6  }
0x10f: {  	v2 =	vld [tilespmem:s17+$0xDC60]  }
0x110: {  	v1 =	vld.idx.msk [tilespmem:v1+s8+$0x0], $0xffff;
	_ =	sdelay $0x1  }
0x111: {  	v3 =	vld [tilespmem:$0x1A1E0];
	_ =	sdelay $0x2  }
0x112: {  	v1 =	vmul.f32 v2, v1;
	_ =	sdelay $0x1  }
0x113: {  	v1 =	vadd.f32 v1, v3;
	_ =	sdelay $0x1  }
0x114: {  	[tilespmem:$0x1A1E0] =	vst v1  }
0x115: {  	v1 =	vld [tilespmem:s17+$0xC70];
	_ =	sdelay $0x6  }
0x116: {  	v2 =	vld [tilespmem:s17+$0xDC70]  }
0x117: {  	v1 =	vld.idx.msk [tilespmem:v1+s8+$0x0], $0xffff;
	_ =	sdelay $0x1  }
0x118: {  	v3 =	vld [tilespmem:$0x1A1F0];
	_ =	sdelay $0x1  }
0x119: {  	p0 =	sne.s32 s16, $0xC600  }
.Ltmp0:
0x11a: {  	v1 =	vmul.f32 v2, v1;
	(pc) =	sbr.rel @p0 .LBB2_2-.Ltmp0, $3  }
0x11b: {  	_ = 	snop  }
0x11c: {  	v1 =	vadd.f32 v1, v3;
	_ =	sdelay $0x1  }
0x11d: {  	s15 =	sadd.s32 $0x80, s15;
	s16 =	sadd.s32 $0x200, s16;
	[tilespmem:$0x1A1F0] =	vst v1  }
0x11e: {  	s14 =	sadd.s32 $0x1, s14  }
0x11f: {  	p0 =	sne.s32 s14, s7  }
.Ltmp1:
0x120: {  	_ = 	snop;
	(pc) =	sbr.rel @p0 .LBB2_1-.Ltmp1, $4  }
0x121: {  	[hbm4b:s6+s1] =	stream.linear.scatter [tilespmem:s13], [sflag:$0x1], $0x200, $0x38;
	[tilespmem:$0x1A280] =	vst v63  }
0x122: {  	_ =	swait.ge [sflag:s9], $0x200  }
0x123: {  	[sflag:s9] =	ssyncset.done $0x0  }
0x124: {  	[sflag:s9] =	ssyncadd.s32 $0xFFFFFE00  }
0x125: {  	_ =	sfence.sel $0x180000  }
0x126: {  	[bflag:$0x0] =	sbarrier.arrive $0xFFFF  }
0x127: {  	p0 =	sne.s32 s2, $0x0;
	_ =	strace $0x90000047  }
0x128: {  	s0 =	sadd.s32 @!p0 $0x100000, s0;
	[bflag:$0x2] =	sbarrier.arrive $0xFFFF  }
0x129: {  	[sflag:s0] =	ssyncadd.tile.s32 @!p0 $0x1;
	_ =	shalt  }
.Lfunc_end2:
_tile_overlayer_lowered:
.L_overlay_start_2:
0x12a: {  	(tag) =	ssettag $0x2  }
0x12b: {  	s0 =	rddreg [dreg:$0x0];
	s2 =	stileid.u32  }
0x12c: {  	s1 =	rddreg [dreg:$0x1];
	p0 =	sne.s32 s2, $0x0  }
0x12d: {  	s3 =	rddreg [dreg:$0x2];
	[bflag:$0x3] =	sbarrier.arrive $0xFFFF;
	s2 =	simm.s32 @!p0 $0x1C01  }
0x12e: {  	[timem:s3], [sflag:s2] =	dma.local @!p0 [hbm:s0], s1  }
0x12f: {  	s0 =	simm.s32 @!p0 $0x1  }
0x130: {  	_ =	swait.ge @!p0 [sflag:s0], s1  }
0x131: {  	s1 =	ssub.s32 @!p0 $0x0, s1;
	[sflag:s0] =	ssyncset.done @!p0 $0x0  }
0x132: {  	[sflag:s0] =	ssyncadd.s32 @!p0 s1  }
0x133: {  	[bflag:$0x3] =	sbarrier.arrive $0xFFFF  }
0x134: {  	_ =	shalt  }

</sc_bundles>
